<compile_context>
chip_gen: v7x
topology: tpu7x:2x2x1
jax: 0.10.2.dev20260603
libtpu: 0.0.44.dev20260713+nightly
codegen_flags: <defaults>
</compile_context>

<pallas_src>
import functools

import jax
import jax.numpy as jnp
from jax import lax
from jax.experimental import pallas as pl
from jax.experimental.pallas import tpu as pltpu
from jax.experimental.pallas import tpu_sc as plsc

_NI = 16384
_NJ = 200
_D = 4
_NW = 32
_TB = 4
_NU = _NJ * _TB
_UPW = _NU // _NW

_mesh = plsc.VectorSubcoreMesh(core_axis_name="c", subcore_axis_name="s")


@functools.partial(
    pl.kernel,
    mesh=_mesh,
    out_type=jax.ShapeDtypeStruct((_NJ, 512, 128), jnp.float32),
    scratch_types=[
        pltpu.VMEM((_D, 16), jnp.float32),
        pltpu.VMEM((3, 32, 128), jnp.int32),
        pltpu.VMEM((3, 128, 128), jnp.float32),
        pltpu.SemaphoreType.DMA,
        pltpu.SemaphoreType.DMA,
        pltpu.SemaphoreType.DMA,
        pltpu.SemaphoreType.DMA,
        pltpu.SemaphoreType.DMA,
        pltpu.SemaphoreType.DMA,
    ],
    compiler_params=pltpu.CompilerParams(needs_layout_passes=False),
)
def _sc_lookup(idx_hbm, tab_hbm, out_hbm, tab_v, ib, ob,
               si0, si1, si2, so0, so1, so2):
    wid = lax.axis_index("s") * 2 + lax.axis_index("c")
    pltpu.sync_copy(tab_hbm, tab_v)
    u0 = wid * _UPW
    sin = (si0, si1, si2)
    sout = (so0, so1, so2)

    def idx_src(k):
        u = u0 + k
        j = u // _TB
        return idx_hbm.at[j // 8, pl.ds((u % _TB) * 32, 32), j % 8]

    def out_dst(k):
        u = u0 + k
        j = u // _TB
        return out_hbm.at[j, pl.ds((u % _TB) * 128, 128)]

    tcs = tuple(tab_v[c] for c in range(_D))

    def compute(b):
        def t_body(t2):
            for h in range(8):
                idxv = ib[b, t2, pl.ds(h * 16, 16)]
                for c in range(_D):
                    ob[b, t2 * 4 + c, pl.ds(h * 16, 16)] = (
                        jnp.take_along_axis(tcs[c], idxv, axis=0,
                                            mode="promise_in_bounds"))

        plsc.parallel_loop(0, 32, unroll=8)(t_body)

    pltpu.async_copy(idx_src(0), ib.at[0], sin[0])
    pltpu.async_copy(idx_src(1), ib.at[1], sin[1])

    def triple_body(p, carry):
        for b in (0, 1, 2):
            k = 3 * p + b
            nb = (b + 2) % 3
            pltpu.make_async_copy(idx_src(k), ib.at[b], sin[b]).wait()

            @pl.when(k + 2 < _UPW)
            def _prefetch():
                pltpu.async_copy(idx_src(k + 2), ib.at[nb], sin[nb])

            @pl.when(p >= 1)
            def _wait_out():
                pltpu.make_async_copy(ob.at[b], out_dst(k - 3), sout[b]).wait()

            compute(b)
            pltpu.async_copy(ob.at[b], out_dst(k), sout[b])
        return carry

    lax.fori_loop(0, _UPW // 3, triple_body, 0)
    kt = _UPW - 1
    bt = kt % 3
    pltpu.make_async_copy(idx_src(kt), ib.at[bt], sin[bt]).wait()
    pltpu.make_async_copy(ob.at[bt], out_dst(kt - 3), sout[bt]).wait()
    compute(bt)
    pltpu.async_copy(ob.at[bt], out_dst(kt), sout[bt])
    for kk in (kt - 2, kt - 1, kt):
        bb = kk % 3
        pltpu.make_async_copy(ob.at[bb], out_dst(kk), sout[bb]).wait()


def kernel(input_ids, embed_table):
    idx = input_ids.astype(jnp.int32)
    idx_phys = idx.reshape(128, 128, 25, 8).transpose(2, 0, 3, 1)
    tab = (jnp.zeros((_D, 16), jnp.float32)
           .at[:, :8].set(embed_table.T.astype(jnp.float32)))
    out = _sc_lookup(idx_phys, tab)
    a = out.reshape(_NJ, 128, _D, 128)
    return a.transpose(1, 3, 0, 2).reshape(_NI, _NJ, _D)

# --- scband reference (transcript-rebuilt; emitter-appended) ---
"""Pipeline reference for scband-legacy-causal-83176336654670 (READ-ONLY COPY).

The authoritative reference and input builder live on the scoring server;
editing this copy changes nothing except your own understanding.
"""

import jax, jax.numpy as jnp
import numpy as np


def setup_inputs(seed: int = 0) -> dict:
    key = jax.random.key(seed)
    k_idx, k_emb = jax.random.split(key)
    input_ids = jax.random.randint(k_idx, (16384, 200), 0, 8, dtype=jnp.int64 if jax.config.read('jax_enable_x64') else jnp.int32)
    embed_table = jax.random.normal(k_emb, (8, 4), dtype=jnp.float32)
    return {"input_ids": input_ids, "embed_table": embed_table}


def reference(input_ids, embed_table):
    # nn.Embedding forward: gather rows of the table by index
    return jnp.take(embed_table, input_ids, axis=0)

if __name__ == "__main__":
    import jax
    _d = setup_inputs()
    print(jax.jit(kernel)(*tuple(_d.values())))

</pallas_src>

<mosaic_0001>
#map = affine_map<(d0, d1) -> (0, 0, 0, 0)>
#map1 = affine_map<(d0, d1) -> (0, 0)>
#map2 = affine_map<(d0, d1) -> (0, 0, 0)>
module attributes {stable_mosaic.version = 14 : i64} {
  func.func @_sc_lookup(%arg0: i32, %arg1: i32, %arg2: memref<25x128x8x128xi32, #tpu.memory_space<hbm>>, %arg3: memref<4x16xf32, #tpu.memory_space<hbm>>, %arg4: memref<200x512x128xf32, #tpu.memory_space<hbm>>, %arg5: memref<4x16xf32, #tpu.memory_space<vmem>>, %arg6: memref<3x32x128xi32, #tpu.memory_space<vmem>>, %arg7: memref<3x128x128xf32, #tpu.memory_space<vmem>>, %arg8: memref<!tpu.dma_semaphore, #tpu.memory_space<semaphore_mem>>, %arg9: memref<!tpu.dma_semaphore, #tpu.memory_space<semaphore_mem>>, %arg10: memref<!tpu.dma_semaphore, #tpu.memory_space<semaphore_mem>>, %arg11: memref<!tpu.dma_semaphore, #tpu.memory_space<semaphore_mem>>, %arg12: memref<!tpu.dma_semaphore, #tpu.memory_space<semaphore_mem>>, %arg13: memref<!tpu.dma_semaphore, #tpu.memory_space<semaphore_mem>>) attributes {dimension_semantics = [#tpu.dimension_semantics<core_parallel>, #tpu.dimension_semantics<subcore_parallel>], iteration_bounds = array<i64: 2, 16>, scalar_prefetch = 0 : i64, scratch_operands = 9 : i64, tpu.core_type = #tpu.core_type<sc_vector_subcore>, window_params = [{transform_indices = #map}, {transform_indices = #map1}, {transform_indices = #map2}]} {
    %mul3A = arith.constant 2 : i32
    %mul3A_0 = arith.muli %arg1, %mul3A : i32
    %add3A = arith.addi %mul3A_0, %arg0 : i32
    "tpu.region"() ({
      %run_scoped3A = tpu.sem_alloc : memref<!tpu.dma_semaphore, #tpu.memory_space<semaphore_mem>>
      tpu.enqueue_dma source(%arg3 : memref<4x16xf32, #tpu.memory_space<hbm>>) target(%arg5 : memref<4x16xf32, #tpu.memory_space<vmem>>) target_semaphore(%run_scoped3A : memref<!tpu.dma_semaphore, #tpu.memory_space<semaphore_mem>>)
      tpu.wait_dma2 semaphore(%run_scoped3A : memref<!tpu.dma_semaphore, #tpu.memory_space<semaphore_mem>>) src(%arg3 : memref<4x16xf32, #tpu.memory_space<hbm>>) dst(%arg5 : memref<4x16xf32, #tpu.memory_space<vmem>>)
      tpu.yield
    }) : () -> ()
    %mul3A_1 = arith.constant 25 : i32
    %mul3A_2 = arith.muli %add3A, %mul3A_1 : i32
    %get3A = arith.constant 0 : i32
    %get3A_3 = arith.index_cast %get3A : i32 to index
    %get3A_4 = arith.constant 0 : index
    %get3A_5 = tpu.vector_load %arg5[%get3A_3, %get3A_4] {strides = array<i32>} : memref<4x16xf32, #tpu.memory_space<vmem>>, vector<16xf32>,
    %get3A_6 = arith.constant 1 : i32
    %get3A_7 = arith.index_cast %get3A_6 : i32 to index
    %get3A_8 = arith.constant 0 : index
    %get3A_9 = tpu.vector_load %arg5[%get3A_7, %get3A_8] {strides = array<i32>} : memref<4x16xf32, #tpu.memory_space<vmem>>, vector<16xf32>,
    %get3A_10 = arith.constant 2 : i32
    %get3A_11 = arith.index_cast %get3A_10 : i32 to index
    %get3A_12 = arith.constant 0 : index
    %get3A_13 = tpu.vector_load %arg5[%get3A_11, %get3A_12] {strides = array<i32>} : memref<4x16xf32, #tpu.memory_space<vmem>>, vector<16xf32>,
    %get3A_14 = arith.constant 3 : i32
    %get3A_15 = arith.index_cast %get3A_14 : i32 to index
    %get3A_16 = arith.constant 0 : index
    %get3A_17 = tpu.vector_load %arg5[%get3A_15, %get3A_16] {strides = array<i32>} : memref<4x16xf32, #tpu.memory_space<vmem>>, vector<16xf32>,
    %add3A_18 = arith.constant 0 : i32
    %add3A_19 = arith.addi %mul3A_2, %add3A_18 : i32
    %jit3A = arith.constant 4 : i32
    %div3A = arith.divsi %add3A_19, %jit3A : i32
    %sign3A = arith.constant 0 : i32
    %sign3A_20 = arith.cmpi sgt, %add3A_19, %sign3A : i32
    %sign3A_21 = arith.extui %sign3A_20 : i1 to i32
    %sign3A_22 = arith.constant 0 : i32
    %sign3A_23 = arith.cmpi slt, %add3A_19, %sign3A_22 : i32
    %sign3A_24 = arith.extui %sign3A_23 : i1 to i32
    %sign3A_25 = arith.subi %sign3A_21, %sign3A_24 : i32
    %sign3A_26 = arith.constant 0 : i32
    %sign3A_27 = arith.cmpi sgt, %jit3A, %sign3A_26 : i32
    %sign3A_28 = arith.extui %sign3A_27 : i1 to i32
    %sign3A_29 = arith.constant 0 : i32
    %sign3A_30 = arith.cmpi slt, %jit3A, %sign3A_29 : i32
    %sign3A_31 = arith.extui %sign3A_30 : i1 to i32
    %sign3A_32 = arith.subi %sign3A_28, %sign3A_31 : i32
    %ne3A = arith.cmpi ne, %sign3A_25, %sign3A_32 : i32
    %rem3A = arith.remsi %add3A_19, %jit3A : i32
    %ne3A_33 = arith.constant 0 : i32
    %ne3A_34 = arith.cmpi ne, %rem3A, %ne3A_33 : i32
    %and3A = arith.andi %ne3A, %ne3A_34 : i1
    %sub3A = arith.constant 1 : i32
    %sub3A_35 = arith.subi %div3A, %sub3A : i32
    %select_n3A = arith.select %and3A, %sub3A_35, %div3A : i32
    %jit3A_36 = arith.constant 8 : i32
    %div3A_37 = arith.divsi %select_n3A, %jit3A_36 : i32
    %sign3A_38 = arith.constant 0 : i32
    %sign3A_39 = arith.cmpi sgt, %select_n3A, %sign3A_38 : i32
    %sign3A_40 = arith.extui %sign3A_39 : i1 to i32
    %sign3A_41 = arith.constant 0 : i32
    %sign3A_42 = arith.cmpi slt, %select_n3A, %sign3A_41 : i32
    %sign3A_43 = arith.extui %sign3A_42 : i1 to i32
    %sign3A_44 = arith.subi %sign3A_40, %sign3A_43 : i32
    %sign3A_45 = arith.constant 0 : i32
    %sign3A_46 = arith.cmpi sgt, %jit3A_36, %sign3A_45 : i32
    %sign3A_47 = arith.extui %sign3A_46 : i1 to i32
    %sign3A_48 = arith.constant 0 : i32
    %sign3A_49 = arith.cmpi slt, %jit3A_36, %sign3A_48 : i32
    %sign3A_50 = arith.extui %sign3A_49 : i1 to i32
    %sign3A_51 = arith.subi %sign3A_47, %sign3A_50 : i32
    %ne3A_52 = arith.cmpi ne, %sign3A_44, %sign3A_51 : i32
    %rem3A_53 = arith.remsi %select_n3A, %jit3A_36 : i32
    %ne3A_54 = arith.constant 0 : i32
    %ne3A_55 = arith.cmpi ne, %rem3A_53, %ne3A_54 : i32
    %and3A_56 = arith.andi %ne3A_52, %ne3A_55 : i1
    %sub3A_57 = arith.constant 1 : i32
    %sub3A_58 = arith.subi %div3A_37, %sub3A_57 : i32
    %select_n3A_59 = arith.select %and3A_56, %sub3A_58, %div3A_37 : i32
    %jit3A_60 = arith.constant 4 : i32
    %eq3A = arith.constant 0 : i32
    %eq3A_61 = arith.cmpi eq, %jit3A_60, %eq3A : i32
    %jit3A_62 = arith.constant 1 : i32
    %select_n3A_63 = arith.select %eq3A_61, %jit3A_62, %jit3A_60 : i32
    %rem3A_64 = arith.remsi %add3A_19, %select_n3A_63 : i32
    %ne3A_65 = arith.constant 0 : i32
    %ne3A_66 = arith.cmpi ne, %rem3A_64, %ne3A_65 : i32
    %lt3A = arith.constant 0 : i32
    %lt3A_67 = arith.cmpi slt, %rem3A_64, %lt3A : i32
    %lt3A_68 = arith.constant 0 : i32
    %lt3A_69 = arith.cmpi slt, %select_n3A_63, %lt3A_68 : i32
    %ne3A_70 = arith.xori %lt3A_67, %lt3A_69 : i1
    %and3A_71 = arith.andi %ne3A_70, %ne3A_66 : i1
    %add3A_72 = arith.addi %rem3A_64, %select_n3A_63 : i32
    %select_n3A_73 = arith.select %and3A_71, %add3A_72, %rem3A_64 : i32
    %mul3A_74 = arith.constant 32 : i32
    %mul3A_75 = arith.muli %select_n3A_73, %mul3A_74 : i32
    %jit3A_76 = arith.constant 8 : i32
    %eq3A_77 = arith.constant 0 : i32
    %eq3A_78 = arith.cmpi eq, %jit3A_76, %eq3A_77 : i32
    %jit3A_79 = arith.constant 1 : i32
    %select_n3A_80 = arith.select %eq3A_78, %jit3A_79, %jit3A_76 : i32
    %rem3A_81 = arith.remsi %select_n3A, %select_n3A_80 : i32
    %ne3A_82 = arith.constant 0 : i32
    %ne3A_83 = arith.cmpi ne, %rem3A_81, %ne3A_82 : i32
    %lt3A_84 = arith.constant 0 : i32
    %lt3A_85 = arith.cmpi slt, %rem3A_81, %lt3A_84 : i32
    %lt3A_86 = arith.constant 0 : i32
    %lt3A_87 = arith.cmpi slt, %select_n3A_80, %lt3A_86 : i32
    %ne3A_88 = arith.xori %lt3A_85, %lt3A_87 : i1
    %and3A_89 = arith.andi %ne3A_88, %ne3A_83 : i1
    %add3A_90 = arith.addi %rem3A_81, %select_n3A_80 : i32
    %select_n3A_91 = arith.select %and3A_89, %add3A_90, %rem3A_81 : i32
    %dma_start3A = arith.constant 0 : i32
    %dma_start3A_92 = arith.constant 0 : i32
    %dma_start3A_93 = arith.constant 0 : i32
    %dma_start3A_94 = tpu.memref_slice %arg6[%dma_start3A, %dma_start3A_92, %dma_start3A_93] : memref<3x32x128xi32, #tpu.memory_space<vmem>> -> memref<1x32x128xi32, #tpu.memory_space<vmem>>
    %dma_start3A_95 = tpu.memref_squeeze %dma_start3A_94 : memref<1x32x128xi32, #tpu.memory_space<vmem>> -> memref<32x128xi32, #tpu.memory_space<vmem>>
    %dma_start3A_96 = arith.constant 0 : i32
    %dma_start3A_97 = tpu.memref_slice %arg2[%select_n3A_59, %mul3A_75, %select_n3A_91, %dma_start3A_96] : memref<25x128x8x128xi32, #tpu.memory_space<hbm>> -> memref<1x32x1x128xi32, #tpu.memory_space<hbm>>
    %dma_start3A_98 = tpu.memref_squeeze %dma_start3A_97 : memref<1x32x1x128xi32, #tpu.memory_space<hbm>> -> memref<32x128xi32, #tpu.memory_space<hbm>>
    %dma_start3A_99 = arith.constant 0 : i32
    %dma_start3A_100 = arith.constant 0 : i32
    %dma_start3A_101 = tpu.memref_slice %arg6[%dma_start3A, %dma_start3A_99, %dma_start3A_100] : memref<3x32x128xi32, #tpu.memory_space<vmem>> -> memref<1x32x128xi32, #tpu.memory_space<vmem>>
    %dma_start3A_102 = tpu.memref_squeeze %dma_start3A_101 : memref<1x32x128xi32, #tpu.memory_space<vmem>> -> memref<32x128xi32, #tpu.memory_space<vmem>>
    %dma_start3A_103 = arith.constant 0 : i32
    %dma_start3A_104 = tpu.memref_slice %arg2[%select_n3A_59, %mul3A_75, %select_n3A_91, %dma_start3A_103] : memref<25x128x8x128xi32, #tpu.memory_space<hbm>> -> memref<1x32x1x128xi32, #tpu.memory_space<hbm>>
    %dma_start3A_105 = tpu.memref_squeeze %dma_start3A_104 : memref<1x32x1x128xi32, #tpu.memory_space<hbm>> -> memref<32x128xi32, #tpu.memory_space<hbm>>
    tpu.enqueue_dma source(%dma_start3A_105 : memref<32x128xi32, #tpu.memory_space<hbm>>) target(%dma_start3A_102 : memref<32x128xi32, #tpu.memory_space<vmem>>) target_semaphore(%arg8 : memref<!tpu.dma_semaphore, #tpu.memory_space<semaphore_mem>>)
    %add3A_106 = arith.constant 1 : i32
    %add3A_107 = arith.addi %mul3A_2, %add3A_106 : i32
    %jit3A_108 = arith.constant 4 : i32
    %div3A_109 = arith.divsi %add3A_107, %jit3A_108 : i32
    %sign3A_110 = arith.constant 0 : i32
    %sign3A_111 = arith.cmpi sgt, %add3A_107, %sign3A_110 : i32
    %sign3A_112 = arith.extui %sign3A_111 : i1 to i32
    %sign3A_113 = arith.constant 0 : i32
    %sign3A_114 = arith.cmpi slt, %add3A_107, %sign3A_113 : i32
    %sign3A_115 = arith.extui %sign3A_114 : i1 to i32
    %sign3A_116 = arith.subi %sign3A_112, %sign3A_115 : i32
    %sign3A_117 = arith.constant 0 : i32
    %sign3A_118 = arith.cmpi sgt, %jit3A_108, %sign3A_117 : i32
    %sign3A_119 = arith.extui %sign3A_118 : i1 to i32
    %sign3A_120 = arith.constant 0 : i32
    %sign3A_121 = arith.cmpi slt, %jit3A_108, %sign3A_120 : i32
    %sign3A_122 = arith.extui %sign3A_121 : i1 to i32
    %sign3A_123 = arith.subi %sign3A_119, %sign3A_122 : i32
    %ne3A_124 = arith.cmpi ne, %sign3A_116, %sign3A_123 : i32
    %rem3A_125 = arith.remsi %add3A_107, %jit3A_108 : i32
    %ne3A_126 = arith.constant 0 : i32
    %ne3A_127 = arith.cmpi ne, %rem3A_125, %ne3A_126 : i32
    %and3A_128 = arith.andi %ne3A_124, %ne3A_127 : i1
    %sub3A_129 = arith.constant 1 : i32
    %sub3A_130 = arith.subi %div3A_109, %sub3A_129 : i32
    %select_n3A_131 = arith.select %and3A_128, %sub3A_130, %div3A_109 : i32
    %jit3A_132 = arith.constant 8 : i32
    %div3A_133 = arith.divsi %select_n3A_131, %jit3A_132 : i32
    %sign3A_134 = arith.constant 0 : i32
    %sign3A_135 = arith.cmpi sgt, %select_n3A_131, %sign3A_134 : i32
    %sign3A_136 = arith.extui %sign3A_135 : i1 to i32
    %sign3A_137 = arith.constant 0 : i32
    %sign3A_138 = arith.cmpi slt, %select_n3A_131, %sign3A_137 : i32
    %sign3A_139 = arith.extui %sign3A_138 : i1 to i32
    %sign3A_140 = arith.subi %sign3A_136, %sign3A_139 : i32
    %sign3A_141 = arith.constant 0 : i32
    %sign3A_142 = arith.cmpi sgt, %jit3A_132, %sign3A_141 : i32
    %sign3A_143 = arith.extui %sign3A_142 : i1 to i32
    %sign3A_144 = arith.constant 0 : i32
    %sign3A_145 = arith.cmpi slt, %jit3A_132, %sign3A_144 : i32
    %sign3A_146 = arith.extui %sign3A_145 : i1 to i32
    %sign3A_147 = arith.subi %sign3A_143, %sign3A_146 : i32
    %ne3A_148 = arith.cmpi ne, %sign3A_140, %sign3A_147 : i32
    %rem3A_149 = arith.remsi %select_n3A_131, %jit3A_132 : i32
    %ne3A_150 = arith.constant 0 : i32
    %ne3A_151 = arith.cmpi ne, %rem3A_149, %ne3A_150 : i32
    %and3A_152 = arith.andi %ne3A_148, %ne3A_151 : i1
    %sub3A_153 = arith.constant 1 : i32
    %sub3A_154 = arith.subi %div3A_133, %sub3A_153 : i32
    %select_n3A_155 = arith.select %and3A_152, %sub3A_154, %div3A_133 : i32
    %jit3A_156 = arith.constant 4 : i32
    %eq3A_157 = arith.constant 0 : i32
    %eq3A_158 = arith.cmpi eq, %jit3A_156, %eq3A_157 : i32
    %jit3A_159 = arith.constant 1 : i32
    %select_n3A_160 = arith.select %eq3A_158, %jit3A_159, %jit3A_156 : i32
    %rem3A_161 = arith.remsi %add3A_107, %select_n3A_160 : i32
    %ne3A_162 = arith.constant 0 : i32
    %ne3A_163 = arith.cmpi ne, %rem3A_161, %ne3A_162 : i32
    %lt3A_164 = arith.constant 0 : i32
    %lt3A_165 = arith.cmpi slt, %rem3A_161, %lt3A_164 : i32
    %lt3A_166 = arith.constant 0 : i32
    %lt3A_167 = arith.cmpi slt, %select_n3A_160, %lt3A_166 : i32
    %ne3A_168 = arith.xori %lt3A_165, %lt3A_167 : i1
    %and3A_169 = arith.andi %ne3A_168, %ne3A_163 : i1
    %add3A_170 = arith.addi %rem3A_161, %select_n3A_160 : i32
    %select_n3A_171 = arith.select %and3A_169, %add3A_170, %rem3A_161 : i32
    %mul3A_172 = arith.constant 32 : i32
    %mul3A_173 = arith.muli %select_n3A_171, %mul3A_172 : i32
    %jit3A_174 = arith.constant 8 : i32
    %eq3A_175 = arith.constant 0 : i32
    %eq3A_176 = arith.cmpi eq, %jit3A_174, %eq3A_175 : i32
    %jit3A_177 = arith.constant 1 : i32
    %select_n3A_178 = arith.select %eq3A_176, %jit3A_177, %jit3A_174 : i32
    %rem3A_179 = arith.remsi %select_n3A_131, %select_n3A_178 : i32
    %ne3A_180 = arith.constant 0 : i32
    %ne3A_181 = arith.cmpi ne, %rem3A_179, %ne3A_180 : i32
    %lt3A_182 = arith.constant 0 : i32
    %lt3A_183 = arith.cmpi slt, %rem3A_179, %lt3A_182 : i32
    %lt3A_184 = arith.constant 0 : i32
    %lt3A_185 = arith.cmpi slt, %select_n3A_178, %lt3A_184 : i32
    %ne3A_186 = arith.xori %lt3A_183, %lt3A_185 : i1
    %and3A_187 = arith.andi %ne3A_186, %ne3A_181 : i1
    %add3A_188 = arith.addi %rem3A_179, %select_n3A_178 : i32
    %select_n3A_189 = arith.select %and3A_187, %add3A_188, %rem3A_179 : i32
    %dma_start3A_190 = arith.constant 1 : i32
    %dma_start3A_191 = arith.constant 0 : i32
    %dma_start3A_192 = arith.constant 0 : i32
    %dma_start3A_193 = tpu.memref_slice %arg6[%dma_start3A_190, %dma_start3A_191, %dma_start3A_192] : memref<3x32x128xi32, #tpu.memory_space<vmem>> -> memref<1x32x128xi32, #tpu.memory_space<vmem>>
    %dma_start3A_194 = tpu.memref_squeeze %dma_start3A_193 : memref<1x32x128xi32, #tpu.memory_space<vmem>> -> memref<32x128xi32, #tpu.memory_space<vmem>>
    %dma_start3A_195 = arith.constant 0 : i32
    %dma_start3A_196 = tpu.memref_slice %arg2[%select_n3A_155, %mul3A_173, %select_n3A_189, %dma_start3A_195] : memref<25x128x8x128xi32, #tpu.memory_space<hbm>> -> memref<1x32x1x128xi32, #tpu.memory_space<hbm>>
    %dma_start3A_197 = tpu.memref_squeeze %dma_start3A_196 : memref<1x32x1x128xi32, #tpu.memory_space<hbm>> -> memref<32x128xi32, #tpu.memory_space<hbm>>
    %dma_start3A_198 = arith.constant 0 : i32
    %dma_start3A_199 = arith.constant 0 : i32
    %dma_start3A_200 = tpu.memref_slice %arg6[%dma_start3A_190, %dma_start3A_198, %dma_start3A_199] : memref<3x32x128xi32, #tpu.memory_space<vmem>> -> memref<1x32x128xi32, #tpu.memory_space<vmem>>
    %dma_start3A_201 = tpu.memref_squeeze %dma_start3A_200 : memref<1x32x128xi32, #tpu.memory_space<vmem>> -> memref<32x128xi32, #tpu.memory_space<vmem>>
    %dma_start3A_202 = arith.constant 0 : i32
    %dma_start3A_203 = tpu.memref_slice %arg2[%select_n3A_155, %mul3A_173, %select_n3A_189, %dma_start3A_202] : memref<25x128x8x128xi32, #tpu.memory_space<hbm>> -> memref<1x32x1x128xi32, #tpu.memory_space<hbm>>
    %dma_start3A_204 = tpu.memref_squeeze %dma_start3A_203 : memref<1x32x1x128xi32, #tpu.memory_space<hbm>> -> memref<32x128xi32, #tpu.memory_space<hbm>>
    tpu.enqueue_dma source(%dma_start3A_204 : memref<32x128xi32, #tpu.memory_space<hbm>>) target(%dma_start3A_201 : memref<32x128xi32, #tpu.memory_space<vmem>>) target_semaphore(%arg9 : memref<!tpu.dma_semaphore, #tpu.memory_space<semaphore_mem>>)
    %scan3A = arith.constant 0 : i32
    %scan3A_205 = arith.constant 0 : i32
    %scan3A_206 = arith.constant 8 : i32
    %scan3A_207 = arith.addi %scan3A_205, %scan3A_206 : i32
    %scan3A_208 = arith.constant 1 : i32
    scf.for %scan3A_605 = %scan3A_205 to %scan3A_207 step %scan3A_208  : i32 {
      %mul3A_606 = arith.constant 3 : i32
      %mul3A_607 = arith.muli %mul3A_606, %scan3A_605 : i32
      %add3A_608 = arith.constant 0 : i32
      %add3A_609 = arith.addi %mul3A_607, %add3A_608 : i32
      %add3A_610 = arith.addi %mul3A_2, %add3A_609 : i32
      %jit3A_611 = arith.constant 4 : i32
      %div3A_612 = arith.divsi %add3A_610, %jit3A_611 : i32
      %sign3A_613 = arith.constant 0 : i32
      %sign3A_614 = arith.cmpi sgt, %add3A_610, %sign3A_613 : i32
      %sign3A_615 = arith.extui %sign3A_614 : i1 to i32
      %sign3A_616 = arith.constant 0 : i32
      %sign3A_617 = arith.cmpi slt, %add3A_610, %sign3A_616 : i32
      %sign3A_618 = arith.extui %sign3A_617 : i1 to i32
      %sign3A_619 = arith.subi %sign3A_615, %sign3A_618 : i32
      %sign3A_620 = arith.constant 0 : i32
      %sign3A_621 = arith.cmpi sgt, %jit3A_611, %sign3A_620 : i32
      %sign3A_622 = arith.extui %sign3A_621 : i1 to i32
      %sign3A_623 = arith.constant 0 : i32
      %sign3A_624 = arith.cmpi slt, %jit3A_611, %sign3A_623 : i32
      %sign3A_625 = arith.extui %sign3A_624 : i1 to i32
      %sign3A_626 = arith.subi %sign3A_622, %sign3A_625 : i32
      %ne3A_627 = arith.cmpi ne, %sign3A_619, %sign3A_626 : i32
      %rem3A_628 = arith.remsi %add3A_610, %jit3A_611 : i32
      %ne3A_629 = arith.constant 0 : i32
      %ne3A_630 = arith.cmpi ne, %rem3A_628, %ne3A_629 : i32
      %and3A_631 = arith.andi %ne3A_627, %ne3A_630 : i1
      %sub3A_632 = arith.constant 1 : i32
      %sub3A_633 = arith.subi %div3A_612, %sub3A_632 : i32
      %select_n3A_634 = arith.select %and3A_631, %sub3A_633, %div3A_612 : i32
      %jit3A_635 = arith.constant 8 : i32
      %div3A_636 = arith.divsi %select_n3A_634, %jit3A_635 : i32
      %sign3A_637 = arith.constant 0 : i32
      %sign3A_638 = arith.cmpi sgt, %select_n3A_634, %sign3A_637 : i32
      %sign3A_639 = arith.extui %sign3A_638 : i1 to i32
      %sign3A_640 = arith.constant 0 : i32
      %sign3A_641 = arith.cmpi slt, %select_n3A_634, %sign3A_640 : i32
      %sign3A_642 = arith.extui %sign3A_641 : i1 to i32
      %sign3A_643 = arith.subi %sign3A_639, %sign3A_642 : i32
      %sign3A_644 = arith.constant 0 : i32
      %sign3A_645 = arith.cmpi sgt, %jit3A_635, %sign3A_644 : i32
      %sign3A_646 = arith.extui %sign3A_645 : i1 to i32
      %sign3A_647 = arith.constant 0 : i32
      %sign3A_648 = arith.cmpi slt, %jit3A_635, %sign3A_647 : i32
      %sign3A_649 = arith.extui %sign3A_648 : i1 to i32
      %sign3A_650 = arith.subi %sign3A_646, %sign3A_649 : i32
      %ne3A_651 = arith.cmpi ne, %sign3A_643, %sign3A_650 : i32
      %rem3A_652 = arith.remsi %select_n3A_634, %jit3A_635 : i32
      %ne3A_653 = arith.constant 0 : i32
      %ne3A_654 = arith.cmpi ne, %rem3A_652, %ne3A_653 : i32
      %and3A_655 = arith.andi %ne3A_651, %ne3A_654 : i1
      %sub3A_656 = arith.constant 1 : i32
      %sub3A_657 = arith.subi %div3A_636, %sub3A_656 : i32
      %select_n3A_658 = arith.select %and3A_655, %sub3A_657, %div3A_636 : i32
      %jit3A_659 = arith.constant 4 : i32
      %eq3A_660 = arith.constant 0 : i32
      %eq3A_661 = arith.cmpi eq, %jit3A_659, %eq3A_660 : i32
      %jit3A_662 = arith.constant 1 : i32
      %select_n3A_663 = arith.select %eq3A_661, %jit3A_662, %jit3A_659 : i32
      %rem3A_664 = arith.remsi %add3A_610, %select_n3A_663 : i32
      %ne3A_665 = arith.constant 0 : i32
      %ne3A_666 = arith.cmpi ne, %rem3A_664, %ne3A_665 : i32
      %lt3A_667 = arith.constant 0 : i32
      %lt3A_668 = arith.cmpi slt, %rem3A_664, %lt3A_667 : i32
      %lt3A_669 = arith.constant 0 : i32
      %lt3A_670 = arith.cmpi slt, %select_n3A_663, %lt3A_669 : i32
      %ne3A_671 = arith.xori %lt3A_668, %lt3A_670 : i1
      %and3A_672 = arith.andi %ne3A_671, %ne3A_666 : i1
      %add3A_673 = arith.addi %rem3A_664, %select_n3A_663 : i32
      %select_n3A_674 = arith.select %and3A_672, %add3A_673, %rem3A_664 : i32
      %mul3A_675 = arith.constant 32 : i32
      %mul3A_676 = arith.muli %select_n3A_674, %mul3A_675 : i32
      %jit3A_677 = arith.constant 8 : i32
      %eq3A_678 = arith.constant 0 : i32
      %eq3A_679 = arith.cmpi eq, %jit3A_677, %eq3A_678 : i32
      %jit3A_680 = arith.constant 1 : i32
      %select_n3A_681 = arith.select %eq3A_679, %jit3A_680, %jit3A_677 : i32
      %rem3A_682 = arith.remsi %select_n3A_634, %select_n3A_681 : i32
      %ne3A_683 = arith.constant 0 : i32
      %ne3A_684 = arith.cmpi ne, %rem3A_682, %ne3A_683 : i32
      %lt3A_685 = arith.constant 0 : i32
      %lt3A_686 = arith.cmpi slt, %rem3A_682, %lt3A_685 : i32
      %lt3A_687 = arith.constant 0 : i32
      %lt3A_688 = arith.cmpi slt, %select_n3A_681, %lt3A_687 : i32
      %ne3A_689 = arith.xori %lt3A_686, %lt3A_688 : i1
      %and3A_690 = arith.andi %ne3A_689, %ne3A_684 : i1
      %add3A_691 = arith.addi %rem3A_682, %select_n3A_681 : i32
      %select_n3A_692 = arith.select %and3A_690, %add3A_691, %rem3A_682 : i32
      %dma_wait3A_693 = arith.constant 0 : i32
      %dma_wait3A_694 = arith.constant 0 : i32
      %dma_wait3A_695 = arith.constant 0 : i32
      %dma_wait3A_696 = tpu.memref_slice %arg6[%dma_wait3A_693, %dma_wait3A_694, %dma_wait3A_695] : memref<3x32x128xi32, #tpu.memory_space<vmem>> -> memref<1x32x128xi32, #tpu.memory_space<vmem>>
      %dma_wait3A_697 = tpu.memref_squeeze %dma_wait3A_696 : memref<1x32x128xi32, #tpu.memory_space<vmem>> -> memref<32x128xi32, #tpu.memory_space<vmem>>
      %dma_wait3A_698 = arith.constant 0 : i32
      %dma_wait3A_699 = tpu.memref_slice %arg2[%select_n3A_658, %mul3A_676, %select_n3A_692, %dma_wait3A_698] : memref<25x128x8x128xi32, #tpu.memory_space<hbm>> -> memref<1x32x1x128xi32, #tpu.memory_space<hbm>>
      %dma_wait3A_700 = tpu.memref_squeeze %dma_wait3A_699 : memref<1x32x1x128xi32, #tpu.memory_space<hbm>> -> memref<32x128xi32, #tpu.memory_space<hbm>>
      %dma_wait3A_701 = arith.constant 0 : i32
      %dma_wait3A_702 = arith.constant 0 : i32
      %dma_wait3A_703 = tpu.memref_slice %arg6[%dma_wait3A_693, %dma_wait3A_701, %dma_wait3A_702] : memref<3x32x128xi32, #tpu.memory_space<vmem>> -> memref<1x32x128xi32, #tpu.memory_space<vmem>>
      %dma_wait3A_704 = tpu.memref_squeeze %dma_wait3A_703 : memref<1x32x128xi32, #tpu.memory_space<vmem>> -> memref<32x128xi32, #tpu.memory_space<vmem>>
      %dma_wait3A_705 = arith.constant 0 : i32
      %dma_wait3A_706 = tpu.memref_slice %arg2[%select_n3A_658, %mul3A_676, %select_n3A_692, %dma_wait3A_705] : memref<25x128x8x128xi32, #tpu.memory_space<hbm>> -> memref<1x32x1x128xi32, #tpu.memory_space<hbm>>
      %dma_wait3A_707 = tpu.memref_squeeze %dma_wait3A_706 : memref<1x32x1x128xi32, #tpu.memory_space<hbm>> -> memref<32x128xi32, #tpu.memory_space<hbm>>
      tpu.wait_dma2 semaphore(%arg8 : memref<!tpu.dma_semaphore, #tpu.memory_space<semaphore_mem>>) src(%dma_wait3A_707 : memref<32x128xi32, #tpu.memory_space<hbm>>) dst(%dma_wait3A_704 : memref<32x128xi32, #tpu.memory_space<vmem>>)
      %add3A_708 = arith.constant 2 : i32
      %add3A_709 = arith.addi %add3A_609, %add3A_708 : i32
      %lt3A_710 = arith.constant 25 : i32
      %lt3A_711 = arith.cmpi slt, %add3A_709, %lt3A_710 : i32
      %convert_element_type3A = arith.extui %lt3A_711 : i1 to i32
      %cond3A = arith.constant 0 : i32
      %cond3A_712 = arith.cmpi ne, %convert_element_type3A, %cond3A : i32
      scf.if %cond3A_712 {
        %add3A_1128 = arith.constant 2 : i32
        %add3A_1129 = arith.addi %add3A_609, %add3A_1128 : i32
        %add3A_1130 = arith.addi %mul3A_2, %add3A_1129 : i32
        %jit3A_1131 = arith.constant 4 : i32
        %div3A_1132 = arith.divsi %add3A_1130, %jit3A_1131 : i32
        %sign3A_1133 = arith.constant 0 : i32
        %sign3A_1134 = arith.cmpi sgt, %add3A_1130, %sign3A_1133 : i32
        %sign3A_1135 = arith.extui %sign3A_1134 : i1 to i32
        %sign3A_1136 = arith.constant 0 : i32
        %sign3A_1137 = arith.cmpi slt, %add3A_1130, %sign3A_1136 : i32
        %sign3A_1138 = arith.extui %sign3A_1137 : i1 to i32
        %sign3A_1139 = arith.subi %sign3A_1135, %sign3A_1138 : i32
        %sign3A_1140 = arith.constant 0 : i32
        %sign3A_1141 = arith.cmpi sgt, %jit3A_1131, %sign3A_1140 : i32
        %sign3A_1142 = arith.extui %sign3A_1141 : i1 to i32
        %sign3A_1143 = arith.constant 0 : i32
        %sign3A_1144 = arith.cmpi slt, %jit3A_1131, %sign3A_1143 : i32
        %sign3A_1145 = arith.extui %sign3A_1144 : i1 to i32
        %sign3A_1146 = arith.subi %sign3A_1142, %sign3A_1145 : i32
        %ne3A_1147 = arith.cmpi ne, %sign3A_1139, %sign3A_1146 : i32
        %rem3A_1148 = arith.remsi %add3A_1130, %jit3A_1131 : i32
        %ne3A_1149 = arith.constant 0 : i32
        %ne3A_1150 = arith.cmpi ne, %rem3A_1148, %ne3A_1149 : i32
        %and3A_1151 = arith.andi %ne3A_1147, %ne3A_1150 : i1
        %sub3A_1152 = arith.constant 1 : i32
        %sub3A_1153 = arith.subi %div3A_1132, %sub3A_1152 : i32
        %select_n3A_1154 = arith.select %and3A_1151, %sub3A_1153, %div3A_1132 : i32
        %jit3A_1155 = arith.constant 8 : i32
        %div3A_1156 = arith.divsi %select_n3A_1154, %jit3A_1155 : i32
        %sign3A_1157 = arith.constant 0 : i32
        %sign3A_1158 = arith.cmpi sgt, %select_n3A_1154, %sign3A_1157 : i32
        %sign3A_1159 = arith.extui %sign3A_1158 : i1 to i32
        %sign3A_1160 = arith.constant 0 : i32
        %sign3A_1161 = arith.cmpi slt, %select_n3A_1154, %sign3A_1160 : i32
        %sign3A_1162 = arith.extui %sign3A_1161 : i1 to i32
        %sign3A_1163 = arith.subi %sign3A_1159, %sign3A_1162 : i32
        %sign3A_1164 = arith.constant 0 : i32
        %sign3A_1165 = arith.cmpi sgt, %jit3A_1155, %sign3A_1164 : i32
        %sign3A_1166 = arith.extui %sign3A_1165 : i1 to i32
        %sign3A_1167 = arith.constant 0 : i32
        %sign3A_1168 = arith.cmpi slt, %jit3A_1155, %sign3A_1167 : i32
        %sign3A_1169 = arith.extui %sign3A_1168 : i1 to i32
        %sign3A_1170 = arith.subi %sign3A_1166, %sign3A_1169 : i32
        %ne3A_1171 = arith.cmpi ne, %sign3A_1163, %sign3A_1170 : i32
        %rem3A_1172 = arith.remsi %select_n3A_1154, %jit3A_1155 : i32
        %ne3A_1173 = arith.constant 0 : i32
        %ne3A_1174 = arith.cmpi ne, %rem3A_1172, %ne3A_1173 : i32
        %and3A_1175 = arith.andi %ne3A_1171, %ne3A_1174 : i1
        %sub3A_1176 = arith.constant 1 : i32
        %sub3A_1177 = arith.subi %div3A_1156, %sub3A_1176 : i32
        %select_n3A_1178 = arith.select %and3A_1175, %sub3A_1177, %div3A_1156 : i32
        %jit3A_1179 = arith.constant 4 : i32
        %eq3A_1180 = arith.constant 0 : i32
        %eq3A_1181 = arith.cmpi eq, %jit3A_1179, %eq3A_1180 : i32
        %jit3A_1182 = arith.constant 1 : i32
        %select_n3A_1183 = arith.select %eq3A_1181, %jit3A_1182, %jit3A_1179 : i32
        %rem3A_1184 = arith.remsi %add3A_1130, %select_n3A_1183 : i32
        %ne3A_1185 = arith.constant 0 : i32
        %ne3A_1186 = arith.cmpi ne, %rem3A_1184, %ne3A_1185 : i32
        %lt3A_1187 = arith.constant 0 : i32
        %lt3A_1188 = arith.cmpi slt, %rem3A_1184, %lt3A_1187 : i32
        %lt3A_1189 = arith.constant 0 : i32
        %lt3A_1190 = arith.cmpi slt, %select_n3A_1183, %lt3A_1189 : i32
        %ne3A_1191 = arith.xori %lt3A_1188, %lt3A_1190 : i1
        %and3A_1192 = arith.andi %ne3A_1191, %ne3A_1186 : i1
        %add3A_1193 = arith.addi %rem3A_1184, %select_n3A_1183 : i32
        %select_n3A_1194 = arith.select %and3A_1192, %add3A_1193, %rem3A_1184 : i32
        %mul3A_1195 = arith.constant 32 : i32
        %mul3A_1196 = arith.muli %select_n3A_1194, %mul3A_1195 : i32
        %jit3A_1197 = arith.constant 8 : i32
        %eq3A_1198 = arith.constant 0 : i32
        %eq3A_1199 = arith.cmpi eq, %jit3A_1197, %eq3A_1198 : i32
        %jit3A_1200 = arith.constant 1 : i32
        %select_n3A_1201 = arith.select %eq3A_1199, %jit3A_1200, %jit3A_1197 : i32
        %rem3A_1202 = arith.remsi %select_n3A_1154, %select_n3A_1201 : i32
        %ne3A_1203 = arith.constant 0 : i32
        %ne3A_1204 = arith.cmpi ne, %rem3A_1202, %ne3A_1203 : i32
        %lt3A_1205 = arith.constant 0 : i32
        %lt3A_1206 = arith.cmpi slt, %rem3A_1202, %lt3A_1205 : i32
        %lt3A_1207 = arith.constant 0 : i32
        %lt3A_1208 = arith.cmpi slt, %select_n3A_1201, %lt3A_1207 : i32
        %ne3A_1209 = arith.xori %lt3A_1206, %lt3A_1208 : i1
        %and3A_1210 = arith.andi %ne3A_1209, %ne3A_1204 : i1
        %add3A_1211 = arith.addi %rem3A_1202, %select_n3A_1201 : i32
        %select_n3A_1212 = arith.select %and3A_1210, %add3A_1211, %rem3A_1202 : i32
        %dma_start3A_1213 = arith.constant 2 : i32
        %dma_start3A_1214 = arith.constant 0 : i32
        %dma_start3A_1215 = arith.constant 0 : i32
        %dma_start3A_1216 = tpu.memref_slice %arg6[%dma_start3A_1213, %dma_start3A_1214, %dma_start3A_1215] : memref<3x32x128xi32, #tpu.memory_space<vmem>> -> memref<1x32x128xi32, #tpu.memory_space<vmem>>
        %dma_start3A_1217 = tpu.memref_squeeze %dma_start3A_1216 : memref<1x32x128xi32, #tpu.memory_space<vmem>> -> memref<32x128xi32, #tpu.memory_space<vmem>>
        %dma_start3A_1218 = arith.constant 0 : i32
        %dma_start3A_1219 = tpu.memref_slice %arg2[%select_n3A_1178, %mul3A_1196, %select_n3A_1212, %dma_start3A_1218] : memref<25x128x8x128xi32, #tpu.memory_space<hbm>> -> memref<1x32x1x128xi32, #tpu.memory_space<hbm>>
        %dma_start3A_1220 = tpu.memref_squeeze %dma_start3A_1219 : memref<1x32x1x128xi32, #tpu.memory_space<hbm>> -> memref<32x128xi32, #tpu.memory_space<hbm>>
        %dma_start3A_1221 = arith.constant 0 : i32
        %dma_start3A_1222 = arith.constant 0 : i32
        %dma_start3A_1223 = tpu.memref_slice %arg6[%dma_start3A_1213, %dma_start3A_1221, %dma_start3A_1222] : memref<3x32x128xi32, #tpu.memory_space<vmem>> -> memref<1x32x128xi32, #tpu.memory_space<vmem>>
        %dma_start3A_1224 = tpu.memref_squeeze %dma_start3A_1223 : memref<1x32x128xi32, #tpu.memory_space<vmem>> -> memref<32x128xi32, #tpu.memory_space<vmem>>
        %dma_start3A_1225 = arith.constant 0 : i32
        %dma_start3A_1226 = tpu.memref_slice %arg2[%select_n3A_1178, %mul3A_1196, %select_n3A_1212, %dma_start3A_1225] : memref<25x128x8x128xi32, #tpu.memory_space<hbm>> -> memref<1x32x1x128xi32, #tpu.memory_space<hbm>>
        %dma_start3A_1227 = tpu.memref_squeeze %dma_start3A_1226 : memref<1x32x1x128xi32, #tpu.memory_space<hbm>> -> memref<32x128xi32, #tpu.memory_space<hbm>>
        tpu.enqueue_dma source(%dma_start3A_1227 : memref<32x128xi32, #tpu.memory_space<hbm>>) target(%dma_start3A_1224 : memref<32x128xi32, #tpu.memory_space<vmem>>) target_semaphore(%arg10 : memref<!tpu.dma_semaphore, #tpu.memory_space<semaphore_mem>>)
      } else {
      }
      %ge3A = arith.constant 1 : i32
      %ge3A_713 = arith.cmpi sge, %scan3A_605, %ge3A : i32
      %convert_element_type3A_714 = arith.extui %ge3A_713 : i1 to i32
      %cond3A_715 = arith.constant 0 : i32
      %cond3A_716 = arith.cmpi ne, %convert_element_type3A_714, %cond3A_715 : i32
      scf.if %cond3A_716 {
        %sub3A_1128 = arith.constant 3 : i32
        %sub3A_1129 = arith.subi %add3A_609, %sub3A_1128 : i32
        %add3A_1130 = arith.addi %mul3A_2, %sub3A_1129 : i32
        %jit3A_1131 = arith.constant 4 : i32
        %div3A_1132 = arith.divsi %add3A_1130, %jit3A_1131 : i32
        %sign3A_1133 = arith.constant 0 : i32
        %sign3A_1134 = arith.cmpi sgt, %add3A_1130, %sign3A_1133 : i32
        %sign3A_1135 = arith.extui %sign3A_1134 : i1 to i32
        %sign3A_1136 = arith.constant 0 : i32
        %sign3A_1137 = arith.cmpi slt, %add3A_1130, %sign3A_1136 : i32
        %sign3A_1138 = arith.extui %sign3A_1137 : i1 to i32
        %sign3A_1139 = arith.subi %sign3A_1135, %sign3A_1138 : i32
        %sign3A_1140 = arith.constant 0 : i32
        %sign3A_1141 = arith.cmpi sgt, %jit3A_1131, %sign3A_1140 : i32
        %sign3A_1142 = arith.extui %sign3A_1141 : i1 to i32
        %sign3A_1143 = arith.constant 0 : i32
        %sign3A_1144 = arith.cmpi slt, %jit3A_1131, %sign3A_1143 : i32
        %sign3A_1145 = arith.extui %sign3A_1144 : i1 to i32
        %sign3A_1146 = arith.subi %sign3A_1142, %sign3A_1145 : i32
        %ne3A_1147 = arith.cmpi ne, %sign3A_1139, %sign3A_1146 : i32
        %rem3A_1148 = arith.remsi %add3A_1130, %jit3A_1131 : i32
        %ne3A_1149 = arith.constant 0 : i32
        %ne3A_1150 = arith.cmpi ne, %rem3A_1148, %ne3A_1149 : i32
        %and3A_1151 = arith.andi %ne3A_1147, %ne3A_1150 : i1
        %sub3A_1152 = arith.constant 1 : i32
        %sub3A_1153 = arith.subi %div3A_1132, %sub3A_1152 : i32
        %select_n3A_1154 = arith.select %and3A_1151, %sub3A_1153, %div3A_1132 : i32
        %jit3A_1155 = arith.constant 4 : i32
        %eq3A_1156 = arith.constant 0 : i32
        %eq3A_1157 = arith.cmpi eq, %jit3A_1155, %eq3A_1156 : i32
        %jit3A_1158 = arith.constant 1 : i32
        %select_n3A_1159 = arith.select %eq3A_1157, %jit3A_1158, %jit3A_1155 : i32
        %rem3A_1160 = arith.remsi %add3A_1130, %select_n3A_1159 : i32
        %ne3A_1161 = arith.constant 0 : i32
        %ne3A_1162 = arith.cmpi ne, %rem3A_1160, %ne3A_1161 : i32
        %lt3A_1163 = arith.constant 0 : i32
        %lt3A_1164 = arith.cmpi slt, %rem3A_1160, %lt3A_1163 : i32
        %lt3A_1165 = arith.constant 0 : i32
        %lt3A_1166 = arith.cmpi slt, %select_n3A_1159, %lt3A_1165 : i32
        %ne3A_1167 = arith.xori %lt3A_1164, %lt3A_1166 : i1
        %and3A_1168 = arith.andi %ne3A_1167, %ne3A_1162 : i1
        %add3A_1169 = arith.addi %rem3A_1160, %select_n3A_1159 : i32
        %select_n3A_1170 = arith.select %and3A_1168, %add3A_1169, %rem3A_1160 : i32
        %mul3A_1171 = arith.constant 128 : i32
        %mul3A_1172 = arith.muli %select_n3A_1170, %mul3A_1171 : i32
        %dma_wait3A_1173 = arith.constant 0 : i32
        %dma_wait3A_1174 = arith.constant 0 : i32
        %dma_wait3A_1175 = arith.constant 0 : i32
        %dma_wait3A_1176 = tpu.memref_slice %arg7[%dma_wait3A_1173, %dma_wait3A_1174, %dma_wait3A_1175] : memref<3x128x128xf32, #tpu.memory_space<vmem>> -> memref<1x128x128xf32, #tpu.memory_space<vmem>>
        %dma_wait3A_1177 = tpu.memref_squeeze %dma_wait3A_1176 : memref<1x128x128xf32, #tpu.memory_space<vmem>> -> memref<128x128xf32, #tpu.memory_space<vmem>>
        %dma_wait3A_1178 = arith.constant 0 : i32
        %dma_wait3A_1179 = tpu.memref_slice %arg4[%select_n3A_1154, %mul3A_1172, %dma_wait3A_1178] : memref<200x512x128xf32, #tpu.memory_space<hbm>> -> memref<1x128x128xf32, #tpu.memory_space<hbm>>
        %dma_wait3A_1180 = tpu.memref_squeeze %dma_wait3A_1179 : memref<1x128x128xf32, #tpu.memory_space<hbm>> -> memref<128x128xf32, #tpu.memory_space<hbm>>
        %dma_wait3A_1181 = arith.constant 0 : i32
        %dma_wait3A_1182 = tpu.memref_slice %arg4[%select_n3A_1154, %mul3A_1172, %dma_wait3A_1181] : memref<200x512x128xf32, #tpu.memory_space<hbm>> -> memref<1x128x128xf32, #tpu.memory_space<hbm>>
        %dma_wait3A_1183 = tpu.memref_squeeze %dma_wait3A_1182 : memref<1x128x128xf32, #tpu.memory_space<hbm>> -> memref<128x128xf32, #tpu.memory_space<hbm>>
        %dma_wait3A_1184 = arith.constant 0 : i32
        %dma_wait3A_1185 = arith.constant 0 : i32
        %dma_wait3A_1186 = tpu.memref_slice %arg7[%dma_wait3A_1173, %dma_wait3A_1184, %dma_wait3A_1185] : memref<3x128x128xf32, #tpu.memory_space<vmem>> -> memref<1x128x128xf32, #tpu.memory_space<vmem>>
        %dma_wait3A_1187 = tpu.memref_squeeze %dma_wait3A_1186 : memref<1x128x128xf32, #tpu.memory_space<vmem>> -> memref<128x128xf32, #tpu.memory_space<vmem>>
        tpu.wait_dma2 semaphore(%arg11 : memref<!tpu.dma_semaphore, #tpu.memory_space<semaphore_mem>>) src(%dma_wait3A_1187 : memref<128x128xf32, #tpu.memory_space<vmem>>) dst(%dma_wait3A_1183 : memref<128x128xf32, #tpu.memory_space<hbm>>)
      } else {
      }
      %parallel_loop3A_717 = arith.constant 0 : i32
      %parallel_loop3A_718 = arith.constant 32 : i32
      %parallel_loop3A_719 = arith.constant 1 : i32
      scf.for %parallel_loop3A_1128 = %parallel_loop3A_717 to %parallel_loop3A_718 step %parallel_loop3A_719  : i32 {
        %parallel_loop3A_1129 = arith.constant 0 : i32
        %parallel_loop3A_1130 = arith.index_cast %parallel_loop3A_1129 : i32 to index
        %parallel_loop3A_1131 = arith.index_cast %parallel_loop3A_1128 : i32 to index
        %parallel_loop3A_1132 = arith.constant 0 : index
        %parallel_loop3A_1133 = tpu.vector_load %arg6[%parallel_loop3A_1130, %parallel_loop3A_1131, %parallel_loop3A_1132] {strides = array<i32>} : memref<3x32x128xi32, #tpu.memory_space<vmem>>, vector<16xi32>,
        %parallel_loop3A_1134 = vector.shape_cast %parallel_loop3A_1133 : vector<16xi32> to vector<16x1xi32>
        %parallel_loop3A_1135 = vector.shape_cast %parallel_loop3A_1134 : vector<16x1xi32> to vector<16xi32>
        %parallel_loop3A_1136 = tpu.dynamic_gather %get3A_5[%parallel_loop3A_1135] in [0] : vector<16xf32>, vector<16xi32> -> vector<16xf32>
        %parallel_loop3A_1137 = arith.constant 4 : i32
        %parallel_loop3A_1138 = arith.muli %parallel_loop3A_1128, %parallel_loop3A_1137 : i32
        %parallel_loop3A_1139 = arith.constant 0 : i32
        %parallel_loop3A_1140 = arith.addi %parallel_loop3A_1138, %parallel_loop3A_1139 : i32
        %parallel_loop3A_1141 = arith.constant 0 : i32
        %parallel_loop3A_1142 = arith.index_cast %parallel_loop3A_1141 : i32 to index
        %parallel_loop3A_1143 = arith.index_cast %parallel_loop3A_1140 : i32 to index
        %parallel_loop3A_1144 = arith.constant 0 : index
        %parallel_loop3A_1145 = tpu.vector_load %arg7[%parallel_loop3A_1142, %parallel_loop3A_1143, %parallel_loop3A_1144] {strides = array<i32>} : memref<3x128x128xf32, #tpu.memory_space<vmem>>, vector<16xf32>,
        tpu.vector_store %arg7[%parallel_loop3A_1142, %parallel_loop3A_1143, %parallel_loop3A_1144], %parallel_loop3A_1136 {strides = array<i32>} : memref<3x128x128xf32, #tpu.memory_space<vmem>>, vector<16xf32>,
        %parallel_loop3A_1146 = vector.shape_cast %parallel_loop3A_1133 : vector<16xi32> to vector<16x1xi32>
        %parallel_loop3A_1147 = vector.shape_cast %parallel_loop3A_1146 : vector<16x1xi32> to vector<16xi32>
        %parallel_loop3A_1148 = tpu.dynamic_gather %get3A_9[%parallel_loop3A_1147] in [0] : vector<16xf32>, vector<16xi32> -> vector<16xf32>
        %parallel_loop3A_1149 = arith.constant 4 : i32
        %parallel_loop3A_1150 = arith.muli %parallel_loop3A_1128, %parallel_loop3A_1149 : i32
        %parallel_loop3A_1151 = arith.constant 1 : i32
        %parallel_loop3A_1152 = arith.addi %parallel_loop3A_1150, %parallel_loop3A_1151 : i32
        %parallel_loop3A_1153 = arith.constant 0 : i32
        %parallel_loop3A_1154 = arith.index_cast %parallel_loop3A_1153 : i32 to index
        %parallel_loop3A_1155 = arith.index_cast %parallel_loop3A_1152 : i32 to index
        %parallel_loop3A_1156 = arith.constant 0 : index
        %parallel_loop3A_1157 = tpu.vector_load %arg7[%parallel_loop3A_1154, %parallel_loop3A_1155, %parallel_loop3A_1156] {strides = array<i32>} : memref<3x128x128xf32, #tpu.memory_space<vmem>>, vector<16xf32>,
        tpu.vector_store %arg7[%parallel_loop3A_1154, %parallel_loop3A_1155, %parallel_loop3A_1156], %parallel_loop3A_1148 {strides = array<i32>} : memref<3x128x128xf32, #tpu.memory_space<vmem>>, vector<16xf32>,
        %parallel_loop3A_1158 = vector.shape_cast %parallel_loop3A_1133 : vector<16xi32> to vector<16x1xi32>
        %parallel_loop3A_1159 = vector.shape_cast %parallel_loop3A_1158 : vector<16x1xi32> to vector<16xi32>
        %parallel_loop3A_1160 = tpu.dynamic_gather %get3A_13[%parallel_loop3A_1159] in [0] : vector<16xf32>, vector<16xi32> -> vector<16xf32>
        %parallel_loop3A_1161 = arith.constant 4 : i32
        %parallel_loop3A_1162 = arith.muli %parallel_loop3A_1128, %parallel_loop3A_1161 : i32
        %parallel_loop3A_1163 = arith.constant 2 : i32
        %parallel_loop3A_1164 = arith.addi %parallel_loop3A_1162, %parallel_loop3A_1163 : i32
        %parallel_loop3A_1165 = arith.constant 0 : i32
        %parallel_loop3A_1166 = arith.index_cast %parallel_loop3A_1165 : i32 to index
        %parallel_loop3A_1167 = arith.index_cast %parallel_loop3A_1164 : i32 to index
        %parallel_loop3A_1168 = arith.constant 0 : index
        %parallel_loop3A_1169 = tpu.vector_load %arg7[%parallel_loop3A_1166, %parallel_loop3A_1167, %parallel_loop3A_1168] {strides = array<i32>} : memref<3x128x128xf32, #tpu.memory_space<vmem>>, vector<16xf32>,
        tpu.vector_store %arg7[%parallel_loop3A_1166, %parallel_loop3A_1167, %parallel_loop3A_1168], %parallel_loop3A_1160 {strides = array<i32>} : memref<3x128x128xf32, #tpu.memory_space<vmem>>, vector<16xf32>,
        %parallel_loop3A_1170 = vector.shape_cast %parallel_loop3A_1133 : vector<16xi32> to vector<16x1xi32>
        %parallel_loop3A_1171 = vector.shape_cast %parallel_loop3A_1170 : vector<16x1xi32> to vector<16xi32>
        %parallel_loop3A_1172 = tpu.dynamic_gather %get3A_17[%parallel_loop3A_1171] in [0] : vector<16xf32>, vector<16xi32> -> vector<16xf32>
        %parallel_loop3A_1173 = arith.constant 4 : i32
        %parallel_loop3A_1174 = arith.muli %parallel_loop3A_1128, %parallel_loop3A_1173 : i32
        %parallel_loop3A_1175 = arith.constant 3 : i32
        %parallel_loop3A_1176 = arith.addi %parallel_loop3A_1174, %parallel_loop3A_1175 : i32
        %parallel_loop3A_1177 = arith.constant 0 : i32
        %parallel_loop3A_1178 = arith.index_cast %parallel_loop3A_1177 : i32 to index
        %parallel_loop3A_1179 = arith.index_cast %parallel_loop3A_1176 : i32 to index
        %parallel_loop3A_1180 = arith.constant 0 : index
        %parallel_loop3A_1181 = tpu.vector_load %arg7[%parallel_loop3A_1178, %parallel_loop3A_1179, %parallel_loop3A_1180] {strides = array<i32>} : memref<3x128x128xf32, #tpu.memory_space<vmem>>, vector<16xf32>,
        tpu.vector_store %arg7[%parallel_loop3A_1178, %parallel_loop3A_1179, %parallel_loop3A_1180], %parallel_loop3A_1172 {strides = array<i32>} : memref<3x128x128xf32, #tpu.memory_space<vmem>>, vector<16xf32>,
        %parallel_loop3A_1182 = arith.constant 0 : i32
        %parallel_loop3A_1183 = arith.index_cast %parallel_loop3A_1182 : i32 to index
        %parallel_loop3A_1184 = arith.index_cast %parallel_loop3A_1128 : i32 to index
        %parallel_loop3A_1185 = arith.constant 16 : index
        %parallel_loop3A_1186 = tpu.vector_load %arg6[%parallel_loop3A_1183, %parallel_loop3A_1184, %parallel_loop3A_1185] {strides = array<i32>} : memref<3x32x128xi32, #tpu.memory_space<vmem>>, vector<16xi32>,
        %parallel_loop3A_1187 = vector.shape_cast %parallel_loop3A_1186 : vector<16xi32> to vector<16x1xi32>
        %parallel_loop3A_1188 = vector.shape_cast %parallel_loop3A_1187 : vector<16x1xi32> to vector<16xi32>
        %parallel_loop3A_1189 = tpu.dynamic_gather %get3A_5[%parallel_loop3A_1188] in [0] : vector<16xf32>, vector<16xi32> -> vector<16xf32>
        %parallel_loop3A_1190 = arith.constant 4 : i32
        %parallel_loop3A_1191 = arith.muli %parallel_loop3A_1128, %parallel_loop3A_1190 : i32
        %parallel_loop3A_1192 = arith.constant 0 : i32
        %parallel_loop3A_1193 = arith.addi %parallel_loop3A_1191, %parallel_loop3A_1192 : i32
        %parallel_loop3A_1194 = arith.constant 0 : i32
        %parallel_loop3A_1195 = arith.index_cast %parallel_loop3A_1194 : i32 to index
        %parallel_loop3A_1196 = arith.index_cast %parallel_loop3A_1193 : i32 to index
        %parallel_loop3A_1197 = arith.constant 16 : index
        %parallel_loop3A_1198 = tpu.vector_load %arg7[%parallel_loop3A_1195, %parallel_loop3A_1196, %parallel_loop3A_1197] {strides = array<i32>} : memref<3x128x128xf32, #tpu.memory_space<vmem>>, vector<16xf32>,
        tpu.vector_store %arg7[%parallel_loop3A_1195, %parallel_loop3A_1196, %parallel_loop3A_1197], %parallel_loop3A_1189 {strides = array<i32>} : memref<3x128x128xf32, #tpu.memory_space<vmem>>, vector<16xf32>,
        %parallel_loop3A_1199 = vector.shape_cast %parallel_loop3A_1186 : vector<16xi32> to vector<16x1xi32>
        %parallel_loop3A_1200 = vector.shape_cast %parallel_loop3A_1199 : vector<16x1xi32> to vector<16xi32>
        %parallel_loop3A_1201 = tpu.dynamic_gather %get3A_9[%parallel_loop3A_1200] in [0] : vector<16xf32>, vector<16xi32> -> vector<16xf32>
        %parallel_loop3A_1202 = arith.constant 4 : i32
        %parallel_loop3A_1203 = arith.muli %parallel_loop3A_1128, %parallel_loop3A_1202 : i32
        %parallel_loop3A_1204 = arith.constant 1 : i32
        %parallel_loop3A_1205 = arith.addi %parallel_loop3A_1203, %parallel_loop3A_1204 : i32
        %parallel_loop3A_1206 = arith.constant 0 : i32
        %parallel_loop3A_1207 = arith.index_cast %parallel_loop3A_1206 : i32 to index
        %parallel_loop3A_1208 = arith.index_cast %parallel_loop3A_1205 : i32 to index
        %parallel_loop3A_1209 = arith.constant 16 : index
        %parallel_loop3A_1210 = tpu.vector_load %arg7[%parallel_loop3A_1207, %parallel_loop3A_1208, %parallel_loop3A_1209] {strides = array<i32>} : memref<3x128x128xf32, #tpu.memory_space<vmem>>, vector<16xf32>,
        tpu.vector_store %arg7[%parallel_loop3A_1207, %parallel_loop3A_1208, %parallel_loop3A_1209], %parallel_loop3A_1201 {strides = array<i32>} : memref<3x128x128xf32, #tpu.memory_space<vmem>>, vector<16xf32>,
        %parallel_loop3A_1211 = vector.shape_cast %parallel_loop3A_1186 : vector<16xi32> to vector<16x1xi32>
        %parallel_loop3A_1212 = vector.shape_cast %parallel_loop3A_1211 : vector<16x1xi32> to vector<16xi32>
        %parallel_loop3A_1213 = tpu.dynamic_gather %get3A_13[%parallel_loop3A_1212] in [0] : vector<16xf32>, vector<16xi32> -> vector<16xf32>
        %parallel_loop3A_1214 = arith.constant 4 : i32
        %parallel_loop3A_1215 = arith.muli %parallel_loop3A_1128, %parallel_loop3A_1214 : i32
        %parallel_loop3A_1216 = arith.constant 2 : i32
        %parallel_loop3A_1217 = arith.addi %parallel_loop3A_1215, %parallel_loop3A_1216 : i32
        %parallel_loop3A_1218 = arith.constant 0 : i32
        %parallel_loop3A_1219 = arith.index_cast %parallel_loop3A_1218 : i32 to index
        %parallel_loop3A_1220 = arith.index_cast %parallel_loop3A_1217 : i32 to index
        %parallel_loop3A_1221 = arith.constant 16 : index
        %parallel_loop3A_1222 = tpu.vector_load %arg7[%parallel_loop3A_1219, %parallel_loop3A_1220, %parallel_loop3A_1221] {strides = array<i32>} : memref<3x128x128xf32, #tpu.memory_space<vmem>>, vector<16xf32>,
        tpu.vector_store %arg7[%parallel_loop3A_1219, %parallel_loop3A_1220, %parallel_loop3A_1221], %parallel_loop3A_1213 {strides = array<i32>} : memref<3x128x128xf32, #tpu.memory_space<vmem>>, vector<16xf32>,
        %parallel_loop3A_1223 = vector.shape_cast %parallel_loop3A_1186 : vector<16xi32> to vector<16x1xi32>
        %parallel_loop3A_1224 = vector.shape_cast %parallel_loop3A_1223 : vector<16x1xi32> to vector<16xi32>
        %parallel_loop3A_1225 = tpu.dynamic_gather %get3A_17[%parallel_loop3A_1224] in [0] : vector<16xf32>, vector<16xi32> -> vector<16xf32>
        %parallel_loop3A_1226 = arith.constant 4 : i32
        %parallel_loop3A_1227 = arith.muli %parallel_loop3A_1128, %parallel_loop3A_1226 : i32
        %parallel_loop3A_1228 = arith.constant 3 : i32
        %parallel_loop3A_1229 = arith.addi %parallel_loop3A_1227, %parallel_loop3A_1228 : i32
        %parallel_loop3A_1230 = arith.constant 0 : i32
        %parallel_loop3A_1231 = arith.index_cast %parallel_loop3A_1230 : i32 to index
        %parallel_loop3A_1232 = arith.index_cast %parallel_loop3A_1229 : i32 to index
        %parallel_loop3A_1233 = arith.constant 16 : index
        %parallel_loop3A_1234 = tpu.vector_load %arg7[%parallel_loop3A_1231, %parallel_loop3A_1232, %parallel_loop3A_1233] {strides = array<i32>} : memref<3x128x128xf32, #tpu.memory_space<vmem>>, vector<16xf32>,
        tpu.vector_store %arg7[%parallel_loop3A_1231, %parallel_loop3A_1232, %parallel_loop3A_1233], %parallel_loop3A_1225 {strides = array<i32>} : memref<3x128x128xf32, #tpu.memory_space<vmem>>, vector<16xf32>,
        %parallel_loop3A_1235 = arith.constant 0 : i32
        %parallel_loop3A_1236 = arith.index_cast %parallel_loop3A_1235 : i32 to index
        %parallel_loop3A_1237 = arith.index_cast %parallel_loop3A_1128 : i32 to index
        %parallel_loop3A_1238 = arith.constant 32 : index
        %parallel_loop3A_1239 = tpu.vector_load %arg6[%parallel_loop3A_1236, %parallel_loop3A_1237, %parallel_loop3A_1238] {strides = array<i32>} : memref<3x32x128xi32, #tpu.memory_space<vmem>>, vector<16xi32>,
        %parallel_loop3A_1240 = vector.shape_cast %parallel_loop3A_1239 : vector<16xi32> to vector<16x1xi32>
        %parallel_loop3A_1241 = vector.shape_cast %parallel_loop3A_1240 : vector<16x1xi32> to vector<16xi32>
        %parallel_loop3A_1242 = tpu.dynamic_gather %get3A_5[%parallel_loop3A_1241] in [0] : vector<16xf32>, vector<16xi32> -> vector<16xf32>
        %parallel_loop3A_1243 = arith.constant 4 : i32
        %parallel_loop3A_1244 = arith.muli %parallel_loop3A_1128, %parallel_loop3A_1243 : i32
        %parallel_loop3A_1245 = arith.constant 0 : i32
        %parallel_loop3A_1246 = arith.addi %parallel_loop3A_1244, %parallel_loop3A_1245 : i32
        %parallel_loop3A_1247 = arith.constant 0 : i32
        %parallel_loop3A_1248 = arith.index_cast %parallel_loop3A_1247 : i32 to index
        %parallel_loop3A_1249 = arith.index_cast %parallel_loop3A_1246 : i32 to index
        %parallel_loop3A_1250 = arith.constant 32 : index
        %parallel_loop3A_1251 = tpu.vector_load %arg7[%parallel_loop3A_1248, %parallel_loop3A_1249, %parallel_loop3A_1250] {strides = array<i32>} : memref<3x128x128xf32, #tpu.memory_space<vmem>>, vector<16xf32>,
        tpu.vector_store %arg7[%parallel_loop3A_1248, %parallel_loop3A_1249, %parallel_loop3A_1250], %parallel_loop3A_1242 {strides = array<i32>} : memref<3x128x128xf32, #tpu.memory_space<vmem>>, vector<16xf32>,
        %parallel_loop3A_1252 = vector.shape_cast %parallel_loop3A_1239 : vector<16xi32> to vector<16x1xi32>
        %parallel_loop3A_1253 = vector.shape_cast %parallel_loop3A_1252 : vector<16x1xi32> to vector<16xi32>
        %parallel_loop3A_1254 = tpu.dynamic_gather %get3A_9[%parallel_loop3A_1253] in [0] : vector<16xf32>, vector<16xi32> -> vector<16xf32>
        %parallel_loop3A_1255 = arith.constant 4 : i32
        %parallel_loop3A_1256 = arith.muli %parallel_loop3A_1128, %parallel_loop3A_1255 : i32
        %parallel_loop3A_1257 = arith.constant 1 : i32
        %parallel_loop3A_1258 = arith.addi %parallel_loop3A_1256, %parallel_loop3A_1257 : i32
        %parallel_loop3A_1259 = arith.constant 0 : i32
        %parallel_loop3A_1260 = arith.index_cast %parallel_loop3A_1259 : i32 to index
        %parallel_loop3A_1261 = arith.index_cast %parallel_loop3A_1258 : i32 to index
        %parallel_loop3A_1262 = arith.constant 32 : index
        %parallel_loop3A_1263 = tpu.vector_load %arg7[%parallel_loop3A_1260, %parallel_loop3A_1261, %parallel_loop3A_1262] {strides = array<i32>} : memref<3x128x128xf32, #tpu.memory_space<vmem>>, vector<16xf32>,
        tpu.vector_store %arg7[%parallel_loop3A_1260, %parallel_loop3A_1261, %parallel_loop3A_1262], %parallel_loop3A_1254 {strides = array<i32>} : memref<3x128x128xf32, #tpu.memory_space<vmem>>, vector<16xf32>,
        %parallel_loop3A_1264 = vector.shape_cast %parallel_loop3A_1239 : vector<16xi32> to vector<16x1xi32>
        %parallel_loop3A_1265 = vector.shape_cast %parallel_loop3A_1264 : vector<16x1xi32> to vector<16xi32>
        %parallel_loop3A_1266 = tpu.dynamic_gather %get3A_13[%parallel_loop3A_1265] in [0] : vector<16xf32>, vector<16xi32> -> vector<16xf32>
        %parallel_loop3A_1267 = arith.constant 4 : i32
        %parallel_loop3A_1268 = arith.muli %parallel_loop3A_1128, %parallel_loop3A_1267 : i32
        %parallel_loop3A_1269 = arith.constant 2 : i32
        %parallel_loop3A_1270 = arith.addi %parallel_loop3A_1268, %parallel_loop3A_1269 : i32
        %parallel_loop3A_1271 = arith.constant 0 : i32
        %parallel_loop3A_1272 = arith.index_cast %parallel_loop3A_1271 : i32 to index
        %parallel_loop3A_1273 = arith.index_cast %parallel_loop3A_1270 : i32 to index
        %parallel_loop3A_1274 = arith.constant 32 : index
        %parallel_loop3A_1275 = tpu.vector_load %arg7[%parallel_loop3A_1272, %parallel_loop3A_1273, %parallel_loop3A_1274] {strides = array<i32>} : memref<3x128x128xf32, #tpu.memory_space<vmem>>, vector<16xf32>,
        tpu.vector_store %arg7[%parallel_loop3A_1272, %parallel_loop3A_1273, %parallel_loop3A_1274], %parallel_loop3A_1266 {strides = array<i32>} : memref<3x128x128xf32, #tpu.memory_space<vmem>>, vector<16xf32>,
        %parallel_loop3A_1276 = vector.shape_cast %parallel_loop3A_1239 : vector<16xi32> to vector<16x1xi32>
        %parallel_loop3A_1277 = vector.shape_cast %parallel_loop3A_1276 : vector<16x1xi32> to vector<16xi32>
        %parallel_loop3A_1278 = tpu.dynamic_gather %get3A_17[%parallel_loop3A_1277] in [0] : vector<16xf32>, vector<16xi32> -> vector<16xf32>
        %parallel_loop3A_1279 = arith.constant 4 : i32
        %parallel_loop3A_1280 = arith.muli %parallel_loop3A_1128, %parallel_loop3A_1279 : i32
        %parallel_loop3A_1281 = arith.constant 3 : i32
        %parallel_loop3A_1282 = arith.addi %parallel_loop3A_1280, %parallel_loop3A_1281 : i32
        %parallel_loop3A_1283 = arith.constant 0 : i32
        %parallel_loop3A_1284 = arith.index_cast %parallel_loop3A_1283 : i32 to index
        %parallel_loop3A_1285 = arith.index_cast %parallel_loop3A_1282 : i32 to index
        %parallel_loop3A_1286 = arith.constant 32 : index
        %parallel_loop3A_1287 = tpu.vector_load %arg7[%parallel_loop3A_1284, %parallel_loop3A_1285, %parallel_loop3A_1286] {strides = array<i32>} : memref<3x128x128xf32, #tpu.memory_space<vmem>>, vector<16xf32>,
        tpu.vector_store %arg7[%parallel_loop3A_1284, %parallel_loop3A_1285, %parallel_loop3A_1286], %parallel_loop3A_1278 {strides = array<i32>} : memref<3x128x128xf32, #tpu.memory_space<vmem>>, vector<16xf32>,
        %parallel_loop3A_1288 = arith.constant 0 : i32
        %parallel_loop3A_1289 = arith.index_cast %parallel_loop3A_1288 : i32 to index
        %parallel_loop3A_1290 = arith.index_cast %parallel_loop3A_1128 : i32 to index
        %parallel_loop3A_1291 = arith.constant 48 : index
        %parallel_loop3A_1292 = tpu.vector_load %arg6[%parallel_loop3A_1289, %parallel_loop3A_1290, %parallel_loop3A_1291] {strides = array<i32>} : memref<3x32x128xi32, #tpu.memory_space<vmem>>, vector<16xi32>,
        %parallel_loop3A_1293 = vector.shape_cast %parallel_loop3A_1292 : vector<16xi32> to vector<16x1xi32>
        %parallel_loop3A_1294 = vector.shape_cast %parallel_loop3A_1293 : vector<16x1xi32> to vector<16xi32>
        %parallel_loop3A_1295 = tpu.dynamic_gather %get3A_5[%parallel_loop3A_1294] in [0] : vector<16xf32>, vector<16xi32> -> vector<16xf32>
        %parallel_loop3A_1296 = arith.constant 4 : i32
        %parallel_loop3A_1297 = arith.muli %parallel_loop3A_1128, %parallel_loop3A_1296 : i32
        %parallel_loop3A_1298 = arith.constant 0 : i32
        %parallel_loop3A_1299 = arith.addi %parallel_loop3A_1297, %parallel_loop3A_1298 : i32
        %parallel_loop3A_1300 = arith.constant 0 : i32
        %parallel_loop3A_1301 = arith.index_cast %parallel_loop3A_1300 : i32 to index
        %parallel_loop3A_1302 = arith.index_cast %parallel_loop3A_1299 : i32 to index
        %parallel_loop3A_1303 = arith.constant 48 : index
        %parallel_loop3A_1304 = tpu.vector_load %arg7[%parallel_loop3A_1301, %parallel_loop3A_1302, %parallel_loop3A_1303] {strides = array<i32>} : memref<3x128x128xf32, #tpu.memory_space<vmem>>, vector<16xf32>,
        tpu.vector_store %arg7[%parallel_loop3A_1301, %parallel_loop3A_1302, %parallel_loop3A_1303], %parallel_loop3A_1295 {strides = array<i32>} : memref<3x128x128xf32, #tpu.memory_space<vmem>>, vector<16xf32>,
        %parallel_loop3A_1305 = vector.shape_cast %parallel_loop3A_1292 : vector<16xi32> to vector<16x1xi32>
        %parallel_loop3A_1306 = vector.shape_cast %parallel_loop3A_1305 : vector<16x1xi32> to vector<16xi32>
        %parallel_loop3A_1307 = tpu.dynamic_gather %get3A_9[%parallel_loop3A_1306] in [0] : vector<16xf32>, vector<16xi32> -> vector<16xf32>
        %parallel_loop3A_1308 = arith.constant 4 : i32
        %parallel_loop3A_1309 = arith.muli %parallel_loop3A_1128, %parallel_loop3A_1308 : i32
        %parallel_loop3A_1310 = arith.constant 1 : i32
        %parallel_loop3A_1311 = arith.addi %parallel_loop3A_1309, %parallel_loop3A_1310 : i32
        %parallel_loop3A_1312 = arith.constant 0 : i32
        %parallel_loop3A_1313 = arith.index_cast %parallel_loop3A_1312 : i32 to index
        %parallel_loop3A_1314 = arith.index_cast %parallel_loop3A_1311 : i32 to index
        %parallel_loop3A_1315 = arith.constant 48 : index
        %parallel_loop3A_1316 = tpu.vector_load %arg7[%parallel_loop3A_1313, %parallel_loop3A_1314, %parallel_loop3A_1315] {strides = array<i32>} : memref<3x128x128xf32, #tpu.memory_space<vmem>>, vector<16xf32>,
        tpu.vector_store %arg7[%parallel_loop3A_1313, %parallel_loop3A_1314, %parallel_loop3A_1315], %parallel_loop3A_1307 {strides = array<i32>} : memref<3x128x128xf32, #tpu.memory_space<vmem>>, vector<16xf32>,
        %parallel_loop3A_1317 = vector.shape_cast %parallel_loop3A_1292 : vector<16xi32> to vector<16x1xi32>
        %parallel_loop3A_1318 = vector.shape_cast %parallel_loop3A_1317 : vector<16x1xi32> to vector<16xi32>
        %parallel_loop3A_1319 = tpu.dynamic_gather %get3A_13[%parallel_loop3A_1318] in [0] : vector<16xf32>, vector<16xi32> -> vector<16xf32>
        %parallel_loop3A_1320 = arith.constant 4 : i32
        %parallel_loop3A_1321 = arith.muli %parallel_loop3A_1128, %parallel_loop3A_1320 : i32
        %parallel_loop3A_1322 = arith.constant 2 : i32
        %parallel_loop3A_1323 = arith.addi %parallel_loop3A_1321, %parallel_loop3A_1322 : i32
        %parallel_loop3A_1324 = arith.constant 0 : i32
        %parallel_loop3A_1325 = arith.index_cast %parallel_loop3A_1324 : i32 to index
        %parallel_loop3A_1326 = arith.index_cast %parallel_loop3A_1323 : i32 to index
        %parallel_loop3A_1327 = arith.constant 48 : index
        %parallel_loop3A_1328 = tpu.vector_load %arg7[%parallel_loop3A_1325, %parallel_loop3A_1326, %parallel_loop3A_1327] {strides = array<i32>} : memref<3x128x128xf32, #tpu.memory_space<vmem>>, vector<16xf32>,
        tpu.vector_store %arg7[%parallel_loop3A_1325, %parallel_loop3A_1326, %parallel_loop3A_1327], %parallel_loop3A_1319 {strides = array<i32>} : memref<3x128x128xf32, #tpu.memory_space<vmem>>, vector<16xf32>,
        %parallel_loop3A_1329 = vector.shape_cast %parallel_loop3A_1292 : vector<16xi32> to vector<16x1xi32>
        %parallel_loop3A_1330 = vector.shape_cast %parallel_loop3A_1329 : vector<16x1xi32> to vector<16xi32>
        %parallel_loop3A_1331 = tpu.dynamic_gather %get3A_17[%parallel_loop3A_1330] in [0] : vector<16xf32>, vector<16xi32> -> vector<16xf32>
        %parallel_loop3A_1332 = arith.constant 4 : i32
        %parallel_loop3A_1333 = arith.muli %parallel_loop3A_1128, %parallel_loop3A_1332 : i32
        %parallel_loop3A_1334 = arith.constant 3 : i32
        %parallel_loop3A_1335 = arith.addi %parallel_loop3A_1333, %parallel_loop3A_1334 : i32
        %parallel_loop3A_1336 = arith.constant 0 : i32
        %parallel_loop3A_1337 = arith.index_cast %parallel_loop3A_1336 : i32 to index
        %parallel_loop3A_1338 = arith.index_cast %parallel_loop3A_1335 : i32 to index
        %parallel_loop3A_1339 = arith.constant 48 : index
        %parallel_loop3A_1340 = tpu.vector_load %arg7[%parallel_loop3A_1337, %parallel_loop3A_1338, %parallel_loop3A_1339] {strides = array<i32>} : memref<3x128x128xf32, #tpu.memory_space<vmem>>, vector<16xf32>,
        tpu.vector_store %arg7[%parallel_loop3A_1337, %parallel_loop3A_1338, %parallel_loop3A_1339], %parallel_loop3A_1331 {strides = array<i32>} : memref<3x128x128xf32, #tpu.memory_space<vmem>>, vector<16xf32>,
        %parallel_loop3A_1341 = arith.constant 0 : i32
        %parallel_loop3A_1342 = arith.index_cast %parallel_loop3A_1341 : i32 to index
        %parallel_loop3A_1343 = arith.index_cast %parallel_loop3A_1128 : i32 to index
        %parallel_loop3A_1344 = arith.constant 64 : index
        %parallel_loop3A_1345 = tpu.vector_load %arg6[%parallel_loop3A_1342, %parallel_loop3A_1343, %parallel_loop3A_1344] {strides = array<i32>} : memref<3x32x128xi32, #tpu.memory_space<vmem>>, vector<16xi32>,
        %parallel_loop3A_1346 = vector.shape_cast %parallel_loop3A_1345 : vector<16xi32> to vector<16x1xi32>
        %parallel_loop3A_1347 = vector.shape_cast %parallel_loop3A_1346 : vector<16x1xi32> to vector<16xi32>
        %parallel_loop3A_1348 = tpu.dynamic_gather %get3A_5[%parallel_loop3A_1347] in [0] : vector<16xf32>, vector<16xi32> -> vector<16xf32>
        %parallel_loop3A_1349 = arith.constant 4 : i32
        %parallel_loop3A_1350 = arith.muli %parallel_loop3A_1128, %parallel_loop3A_1349 : i32
        %parallel_loop3A_1351 = arith.constant 0 : i32
        %parallel_loop3A_1352 = arith.addi %parallel_loop3A_1350, %parallel_loop3A_1351 : i32
        %parallel_loop3A_1353 = arith.constant 0 : i32
        %parallel_loop3A_1354 = arith.index_cast %parallel_loop3A_1353 : i32 to index
        %parallel_loop3A_1355 = arith.index_cast %parallel_loop3A_1352 : i32 to index
        %parallel_loop3A_1356 = arith.constant 64 : index
        %parallel_loop3A_1357 = tpu.vector_load %arg7[%parallel_loop3A_1354, %parallel_loop3A_1355, %parallel_loop3A_1356] {strides = array<i32>} : memref<3x128x128xf32, #tpu.memory_space<vmem>>, vector<16xf32>,
        tpu.vector_store %arg7[%parallel_loop3A_1354, %parallel_loop3A_1355, %parallel_loop3A_1356], %parallel_loop3A_1348 {strides = array<i32>} : memref<3x128x128xf32, #tpu.memory_space<vmem>>, vector<16xf32>,
        %parallel_loop3A_1358 = vector.shape_cast %parallel_loop3A_1345 : vector<16xi32> to vector<16x1xi32>
        %parallel_loop3A_1359 = vector.shape_cast %parallel_loop3A_1358 : vector<16x1xi32> to vector<16xi32>
        %parallel_loop3A_1360 = tpu.dynamic_gather %get3A_9[%parallel_loop3A_1359] in [0] : vector<16xf32>, vector<16xi32> -> vector<16xf32>
        %parallel_loop3A_1361 = arith.constant 4 : i32
        %parallel_loop3A_1362 = arith.muli %parallel_loop3A_1128, %parallel_loop3A_1361 : i32
        %parallel_loop3A_1363 = arith.constant 1 : i32
        %parallel_loop3A_1364 = arith.addi %parallel_loop3A_1362, %parallel_loop3A_1363 : i32
        %parallel_loop3A_1365 = arith.constant 0 : i32
        %parallel_loop3A_1366 = arith.index_cast %parallel_loop3A_1365 : i32 to index
        %parallel_loop3A_1367 = arith.index_cast %parallel_loop3A_1364 : i32 to index
        %parallel_loop3A_1368 = arith.constant 64 : index
        %parallel_loop3A_1369 = tpu.vector_load %arg7[%parallel_loop3A_1366, %parallel_loop3A_1367, %parallel_loop3A_1368] {strides = array<i32>} : memref<3x128x128xf32, #tpu.memory_space<vmem>>, vector<16xf32>,
        tpu.vector_store %arg7[%parallel_loop3A_1366, %parallel_loop3A_1367, %parallel_loop3A_1368], %parallel_loop3A_1360 {strides = array<i32>} : memref<3x128x128xf32, #tpu.memory_space<vmem>>, vector<16xf32>,
        %parallel_loop3A_1370 = vector.shape_cast %parallel_loop3A_1345 : vector<16xi32> to vector<16x1xi32>
        %parallel_loop3A_1371 = vector.shape_cast %parallel_loop3A_1370 : vector<16x1xi32> to vector<16xi32>
        %parallel_loop3A_1372 = tpu.dynamic_gather %get3A_13[%parallel_loop3A_1371] in [0] : vector<16xf32>, vector<16xi32> -> vector<16xf32>
        %parallel_loop3A_1373 = arith.constant 4 : i32
        %parallel_loop3A_1374 = arith.muli %parallel_loop3A_1128, %parallel_loop3A_1373 : i32
        %parallel_loop3A_1375 = arith.constant 2 : i32
        %parallel_loop3A_1376 = arith.addi %parallel_loop3A_1374, %parallel_loop3A_1375 : i32
        %parallel_loop3A_1377 = arith.constant 0 : i32
        %parallel_loop3A_1378 = arith.index_cast %parallel_loop3A_1377 : i32 to index
        %parallel_loop3A_1379 = arith.index_cast %parallel_loop3A_1376 : i32 to index
        %parallel_loop3A_1380 = arith.constant 64 : index
        %parallel_loop3A_1381 = tpu.vector_load %arg7[%parallel_loop3A_1378, %parallel_loop3A_1379, %parallel_loop3A_1380] {strides = array<i32>} : memref<3x128x128xf32, #tpu.memory_space<vmem>>, vector<16xf32>,
        tpu.vector_store %arg7[%parallel_loop3A_1378, %parallel_loop3A_1379, %parallel_loop3A_1380], %parallel_loop3A_1372 {strides = array<i32>} : memref<3x128x128xf32, #tpu.memory_space<vmem>>, vector<16xf32>,
        %parallel_loop3A_1382 = vector.shape_cast %parallel_loop3A_1345 : vector<16xi32> to vector<16x1xi32>
        %parallel_loop3A_1383 = vector.shape_cast %parallel_loop3A_1382 : vector<16x1xi32> to vector<16xi32>
        %parallel_loop3A_1384 = tpu.dynamic_gather %get3A_17[%parallel_loop3A_1383] in [0] : vector<16xf32>, vector<16xi32> -> vector<16xf32>
        %parallel_loop3A_1385 = arith.constant 4 : i32
        %parallel_loop3A_1386 = arith.muli %parallel_loop3A_1128, %parallel_loop3A_1385 : i32
        %parallel_loop3A_1387 = arith.constant 3 : i32
        %parallel_loop3A_1388 = arith.addi %parallel_loop3A_1386, %parallel_loop3A_1387 : i32
        %parallel_loop3A_1389 = arith.constant 0 : i32
        %parallel_loop3A_1390 = arith.index_cast %parallel_loop3A_1389 : i32 to index
        %parallel_loop3A_1391 = arith.index_cast %parallel_loop3A_1388 : i32 to index
        %parallel_loop3A_1392 = arith.constant 64 : index
        %parallel_loop3A_1393 = tpu.vector_load %arg7[%parallel_loop3A_1390, %parallel_loop3A_1391, %parallel_loop3A_1392] {strides = array<i32>} : memref<3x128x128xf32, #tpu.memory_space<vmem>>, vector<16xf32>,
        tpu.vector_store %arg7[%parallel_loop3A_1390, %parallel_loop3A_1391, %parallel_loop3A_1392], %parallel_loop3A_1384 {strides = array<i32>} : memref<3x128x128xf32, #tpu.memory_space<vmem>>, vector<16xf32>,
        %parallel_loop3A_1394 = arith.constant 0 : i32
        %parallel_loop3A_1395 = arith.index_cast %parallel_loop3A_1394 : i32 to index
        %parallel_loop3A_1396 = arith.index_cast %parallel_loop3A_1128 : i32 to index
        %parallel_loop3A_1397 = arith.constant 80 : index
        %parallel_loop3A_1398 = tpu.vector_load %arg6[%parallel_loop3A_1395, %parallel_loop3A_1396, %parallel_loop3A_1397] {strides = array<i32>} : memref<3x32x128xi32, #tpu.memory_space<vmem>>, vector<16xi32>,
        %parallel_loop3A_1399 = vector.shape_cast %parallel_loop3A_1398 : vector<16xi32> to vector<16x1xi32>
        %parallel_loop3A_1400 = vector.shape_cast %parallel_loop3A_1399 : vector<16x1xi32> to vector<16xi32>
        %parallel_loop3A_1401 = tpu.dynamic_gather %get3A_5[%parallel_loop3A_1400] in [0] : vector<16xf32>, vector<16xi32> -> vector<16xf32>
        %parallel_loop3A_1402 = arith.constant 4 : i32
        %parallel_loop3A_1403 = arith.muli %parallel_loop3A_1128, %parallel_loop3A_1402 : i32
        %parallel_loop3A_1404 = arith.constant 0 : i32
        %parallel_loop3A_1405 = arith.addi %parallel_loop3A_1403, %parallel_loop3A_1404 : i32
        %parallel_loop3A_1406 = arith.constant 0 : i32
        %parallel_loop3A_1407 = arith.index_cast %parallel_loop3A_1406 : i32 to index
        %parallel_loop3A_1408 = arith.index_cast %parallel_loop3A_1405 : i32 to index
        %parallel_loop3A_1409 = arith.constant 80 : index
        %parallel_loop3A_1410 = tpu.vector_load %arg7[%parallel_loop3A_1407, %parallel_loop3A_1408, %parallel_loop3A_1409] {strides = array<i32>} : memref<3x128x128xf32, #tpu.memory_space<vmem>>, vector<16xf32>,
        tpu.vector_store %arg7[%parallel_loop3A_1407, %parallel_loop3A_1408, %parallel_loop3A_1409], %parallel_loop3A_1401 {strides = array<i32>} : memref<3x128x128xf32, #tpu.memory_space<vmem>>, vector<16xf32>,
        %parallel_loop3A_1411 = vector.shape_cast %parallel_loop3A_1398 : vector<16xi32> to vector<16x1xi32>
        %parallel_loop3A_1412 = vector.shape_cast %parallel_loop3A_1411 : vector<16x1xi32> to vector<16xi32>
        %parallel_loop3A_1413 = tpu.dynamic_gather %get3A_9[%parallel_loop3A_1412] in [0] : vector<16xf32>, vector<16xi32> -> vector<16xf32>
        %parallel_loop3A_1414 = arith.constant 4 : i32
        %parallel_loop3A_1415 = arith.muli %parallel_loop3A_1128, %parallel_loop3A_1414 : i32
        %parallel_loop3A_1416 = arith.constant 1 : i32
        %parallel_loop3A_1417 = arith.addi %parallel_loop3A_1415, %parallel_loop3A_1416 : i32
        %parallel_loop3A_1418 = arith.constant 0 : i32
        %parallel_loop3A_1419 = arith.index_cast %parallel_loop3A_1418 : i32 to index
        %parallel_loop3A_1420 = arith.index_cast %parallel_loop3A_1417 : i32 to index
        %parallel_loop3A_1421 = arith.constant 80 : index
        %parallel_loop3A_1422 = tpu.vector_load %arg7[%parallel_loop3A_1419, %parallel_loop3A_1420, %parallel_loop3A_1421] {strides = array<i32>} : memref<3x128x128xf32, #tpu.memory_space<vmem>>, vector<16xf32>,
        tpu.vector_store %arg7[%parallel_loop3A_1419, %parallel_loop3A_1420, %parallel_loop3A_1421], %parallel_loop3A_1413 {strides = array<i32>} : memref<3x128x128xf32, #tpu.memory_space<vmem>>, vector<16xf32>,
        %parallel_loop3A_1423 = vector.shape_cast %parallel_loop3A_1398 : vector<16xi32> to vector<16x1xi32>
        %parallel_loop3A_1424 = vector.shape_cast %parallel_loop3A_1423 : vector<16x1xi32> to vector<16xi32>
        %parallel_loop3A_1425 = tpu.dynamic_gather %get3A_13[%parallel_loop3A_1424] in [0] : vector<16xf32>, vector<16xi32> -> vector<16xf32>
        %parallel_loop3A_1426 = arith.constant 4 : i32
        %parallel_loop3A_1427 = arith.muli %parallel_loop3A_1128, %parallel_loop3A_1426 : i32
        %parallel_loop3A_1428 = arith.constant 2 : i32
        %parallel_loop3A_1429 = arith.addi %parallel_loop3A_1427, %parallel_loop3A_1428 : i32
        %parallel_loop3A_1430 = arith.constant 0 : i32
        %parallel_loop3A_1431 = arith.index_cast %parallel_loop3A_1430 : i32 to index
        %parallel_loop3A_1432 = arith.index_cast %parallel_loop3A_1429 : i32 to index
        %parallel_loop3A_1433 = arith.constant 80 : index
        %parallel_loop3A_1434 = tpu.vector_load %arg7[%parallel_loop3A_1431, %parallel_loop3A_1432, %parallel_loop3A_1433] {strides = array<i32>} : memref<3x128x128xf32, #tpu.memory_space<vmem>>, vector<16xf32>,
        tpu.vector_store %arg7[%parallel_loop3A_1431, %parallel_loop3A_1432, %parallel_loop3A_1433], %parallel_loop3A_1425 {strides = array<i32>} : memref<3x128x128xf32, #tpu.memory_space<vmem>>, vector<16xf32>,
        %parallel_loop3A_1435 = vector.shape_cast %parallel_loop3A_1398 : vector<16xi32> to vector<16x1xi32>
        %parallel_loop3A_1436 = vector.shape_cast %parallel_loop3A_1435 : vector<16x1xi32> to vector<16xi32>
        %parallel_loop3A_1437 = tpu.dynamic_gather %get3A_17[%parallel_loop3A_1436] in [0] : vector<16xf32>, vector<16xi32> -> vector<16xf32>
        %parallel_loop3A_1438 = arith.constant 4 : i32
        %parallel_loop3A_1439 = arith.muli %parallel_loop3A_1128, %parallel_loop3A_1438 : i32
        %parallel_loop3A_1440 = arith.constant 3 : i32
        %parallel_loop3A_1441 = arith.addi %parallel_loop3A_1439, %parallel_loop3A_1440 : i32
        %parallel_loop3A_1442 = arith.constant 0 : i32
        %parallel_loop3A_1443 = arith.index_cast %parallel_loop3A_1442 : i32 to index
        %parallel_loop3A_1444 = arith.index_cast %parallel_loop3A_1441 : i32 to index
        %parallel_loop3A_1445 = arith.constant 80 : index
        %parallel_loop3A_1446 = tpu.vector_load %arg7[%parallel_loop3A_1443, %parallel_loop3A_1444, %parallel_loop3A_1445] {strides = array<i32>} : memref<3x128x128xf32, #tpu.memory_space<vmem>>, vector<16xf32>,
        tpu.vector_store %arg7[%parallel_loop3A_1443, %parallel_loop3A_1444, %parallel_loop3A_1445], %parallel_loop3A_1437 {strides = array<i32>} : memref<3x128x128xf32, #tpu.memory_space<vmem>>, vector<16xf32>,
        %parallel_loop3A_1447 = arith.constant 0 : i32
        %parallel_loop3A_1448 = arith.index_cast %parallel_loop3A_1447 : i32 to index
        %parallel_loop3A_1449 = arith.index_cast %parallel_loop3A_1128 : i32 to index
        %parallel_loop3A_1450 = arith.constant 96 : index
        %parallel_loop3A_1451 = tpu.vector_load %arg6[%parallel_loop3A_1448, %parallel_loop3A_1449, %parallel_loop3A_1450] {strides = array<i32>} : memref<3x32x128xi32, #tpu.memory_space<vmem>>, vector<16xi32>,
        %parallel_loop3A_1452 = vector.shape_cast %parallel_loop3A_1451 : vector<16xi32> to vector<16x1xi32>
        %parallel_loop3A_1453 = vector.shape_cast %parallel_loop3A_1452 : vector<16x1xi32> to vector<16xi32>
        %parallel_loop3A_1454 = tpu.dynamic_gather %get3A_5[%parallel_loop3A_1453] in [0] : vector<16xf32>, vector<16xi32> -> vector<16xf32>
        %parallel_loop3A_1455 = arith.constant 4 : i32
        %parallel_loop3A_1456 = arith.muli %parallel_loop3A_1128, %parallel_loop3A_1455 : i32
        %parallel_loop3A_1457 = arith.constant 0 : i32
        %parallel_loop3A_1458 = arith.addi %parallel_loop3A_1456, %parallel_loop3A_1457 : i32
        %parallel_loop3A_1459 = arith.constant 0 : i32
        %parallel_loop3A_1460 = arith.index_cast %parallel_loop3A_1459 : i32 to index
        %parallel_loop3A_1461 = arith.index_cast %parallel_loop3A_1458 : i32 to index
        %parallel_loop3A_1462 = arith.constant 96 : index
        %parallel_loop3A_1463 = tpu.vector_load %arg7[%parallel_loop3A_1460, %parallel_loop3A_1461, %parallel_loop3A_1462] {strides = array<i32>} : memref<3x128x128xf32, #tpu.memory_space<vmem>>, vector<16xf32>,
        tpu.vector_store %arg7[%parallel_loop3A_1460, %parallel_loop3A_1461, %parallel_loop3A_1462], %parallel_loop3A_1454 {strides = array<i32>} : memref<3x128x128xf32, #tpu.memory_space<vmem>>, vector<16xf32>,
        %parallel_loop3A_1464 = vector.shape_cast %parallel_loop3A_1451 : vector<16xi32> to vector<16x1xi32>
        %parallel_loop3A_1465 = vector.shape_cast %parallel_loop3A_1464 : vector<16x1xi32> to vector<16xi32>
        %parallel_loop3A_1466 = tpu.dynamic_gather %get3A_9[%parallel_loop3A_1465] in [0] : vector<16xf32>, vector<16xi32> -> vector<16xf32>
        %parallel_loop3A_1467 = arith.constant 4 : i32
        %parallel_loop3A_1468 = arith.muli %parallel_loop3A_1128, %parallel_loop3A_1467 : i32
        %parallel_loop3A_1469 = arith.constant 1 : i32
        %parallel_loop3A_1470 = arith.addi %parallel_loop3A_1468, %parallel_loop3A_1469 : i32
        %parallel_loop3A_1471 = arith.constant 0 : i32
        %parallel_loop3A_1472 = arith.index_cast %parallel_loop3A_1471 : i32 to index
        %parallel_loop3A_1473 = arith.index_cast %parallel_loop3A_1470 : i32 to index
        %parallel_loop3A_1474 = arith.constant 96 : index
        %parallel_loop3A_1475 = tpu.vector_load %arg7[%parallel_loop3A_1472, %parallel_loop3A_1473, %parallel_loop3A_1474] {strides = array<i32>} : memref<3x128x128xf32, #tpu.memory_space<vmem>>, vector<16xf32>,
        tpu.vector_store %arg7[%parallel_loop3A_1472, %parallel_loop3A_1473, %parallel_loop3A_1474], %parallel_loop3A_1466 {strides = array<i32>} : memref<3x128x128xf32, #tpu.memory_space<vmem>>, vector<16xf32>,
        %parallel_loop3A_1476 = vector.shape_cast %parallel_loop3A_1451 : vector<16xi32> to vector<16x1xi32>
        %parallel_loop3A_1477 = vector.shape_cast %parallel_loop3A_1476 : vector<16x1xi32> to vector<16xi32>
        %parallel_loop3A_1478 = tpu.dynamic_gather %get3A_13[%parallel_loop3A_1477] in [0] : vector<16xf32>, vector<16xi32> -> vector<16xf32>
        %parallel_loop3A_1479 = arith.constant 4 : i32
        %parallel_loop3A_1480 = arith.muli %parallel_loop3A_1128, %parallel_loop3A_1479 : i32
        %parallel_loop3A_1481 = arith.constant 2 : i32
        %parallel_loop3A_1482 = arith.addi %parallel_loop3A_1480, %parallel_loop3A_1481 : i32
        %parallel_loop3A_1483 = arith.constant 0 : i32
        %parallel_loop3A_1484 = arith.index_cast %parallel_loop3A_1483 : i32 to index
        %parallel_loop3A_1485 = arith.index_cast %parallel_loop3A_1482 : i32 to index
        %parallel_loop3A_1486 = arith.constant 96 : index
        %parallel_loop3A_1487 = tpu.vector_load %arg7[%parallel_loop3A_1484, %parallel_loop3A_1485, %parallel_loop3A_1486] {strides = array<i32>} : memref<3x128x128xf32, #tpu.memory_space<vmem>>, vector<16xf32>,
        tpu.vector_store %arg7[%parallel_loop3A_1484, %parallel_loop3A_1485, %parallel_loop3A_1486], %parallel_loop3A_1478 {strides = array<i32>} : memref<3x128x128xf32, #tpu.memory_space<vmem>>, vector<16xf32>,
        %parallel_loop3A_1488 = vector.shape_cast %parallel_loop3A_1451 : vector<16xi32> to vector<16x1xi32>
        %parallel_loop3A_1489 = vector.shape_cast %parallel_loop3A_1488 : vector<16x1xi32> to vector<16xi32>
        %parallel_loop3A_1490 = tpu.dynamic_gather %get3A_17[%parallel_loop3A_1489] in [0] : vector<16xf32>, vector<16xi32> -> vector<16xf32>
        %parallel_loop3A_1491 = arith.constant 4 : i32
        %parallel_loop3A_1492 = arith.muli %parallel_loop3A_1128, %parallel_loop3A_1491 : i32
        %parallel_loop3A_1493 = arith.constant 3 : i32
        %parallel_loop3A_1494 = arith.addi %parallel_loop3A_1492, %parallel_loop3A_1493 : i32
        %parallel_loop3A_1495 = arith.constant 0 : i32
        %parallel_loop3A_1496 = arith.index_cast %parallel_loop3A_1495 : i32 to index
        %parallel_loop3A_1497 = arith.index_cast %parallel_loop3A_1494 : i32 to index
        %parallel_loop3A_1498 = arith.constant 96 : index
        %parallel_loop3A_1499 = tpu.vector_load %arg7[%parallel_loop3A_1496, %parallel_loop3A_1497, %parallel_loop3A_1498] {strides = array<i32>} : memref<3x128x128xf32, #tpu.memory_space<vmem>>, vector<16xf32>,
        tpu.vector_store %arg7[%parallel_loop3A_1496, %parallel_loop3A_1497, %parallel_loop3A_1498], %parallel_loop3A_1490 {strides = array<i32>} : memref<3x128x128xf32, #tpu.memory_space<vmem>>, vector<16xf32>,
        %parallel_loop3A_1500 = arith.constant 0 : i32
        %parallel_loop3A_1501 = arith.index_cast %parallel_loop3A_1500 : i32 to index
        %parallel_loop3A_1502 = arith.index_cast %parallel_loop3A_1128 : i32 to index
        %parallel_loop3A_1503 = arith.constant 112 : index
        %parallel_loop3A_1504 = tpu.vector_load %arg6[%parallel_loop3A_1501, %parallel_loop3A_1502, %parallel_loop3A_1503] {strides = array<i32>} : memref<3x32x128xi32, #tpu.memory_space<vmem>>, vector<16xi32>,
        %parallel_loop3A_1505 = vector.shape_cast %parallel_loop3A_1504 : vector<16xi32> to vector<16x1xi32>
        %parallel_loop3A_1506 = vector.shape_cast %parallel_loop3A_1505 : vector<16x1xi32> to vector<16xi32>
        %parallel_loop3A_1507 = tpu.dynamic_gather %get3A_5[%parallel_loop3A_1506] in [0] : vector<16xf32>, vector<16xi32> -> vector<16xf32>
        %parallel_loop3A_1508 = arith.constant 4 : i32
        %parallel_loop3A_1509 = arith.muli %parallel_loop3A_1128, %parallel_loop3A_1508 : i32
        %parallel_loop3A_1510 = arith.constant 0 : i32
        %parallel_loop3A_1511 = arith.addi %parallel_loop3A_1509, %parallel_loop3A_1510 : i32
        %parallel_loop3A_1512 = arith.constant 0 : i32
        %parallel_loop3A_1513 = arith.index_cast %parallel_loop3A_1512 : i32 to index
        %parallel_loop3A_1514 = arith.index_cast %parallel_loop3A_1511 : i32 to index
        %parallel_loop3A_1515 = arith.constant 112 : index
        %parallel_loop3A_1516 = tpu.vector_load %arg7[%parallel_loop3A_1513, %parallel_loop3A_1514, %parallel_loop3A_1515] {strides = array<i32>} : memref<3x128x128xf32, #tpu.memory_space<vmem>>, vector<16xf32>,
        tpu.vector_store %arg7[%parallel_loop3A_1513, %parallel_loop3A_1514, %parallel_loop3A_1515], %parallel_loop3A_1507 {strides = array<i32>} : memref<3x128x128xf32, #tpu.memory_space<vmem>>, vector<16xf32>,
        %parallel_loop3A_1517 = vector.shape_cast %parallel_loop3A_1504 : vector<16xi32> to vector<16x1xi32>
        %parallel_loop3A_1518 = vector.shape_cast %parallel_loop3A_1517 : vector<16x1xi32> to vector<16xi32>
        %parallel_loop3A_1519 = tpu.dynamic_gather %get3A_9[%parallel_loop3A_1518] in [0] : vector<16xf32>, vector<16xi32> -> vector<16xf32>
        %parallel_loop3A_1520 = arith.constant 4 : i32
        %parallel_loop3A_1521 = arith.muli %parallel_loop3A_1128, %parallel_loop3A_1520 : i32
        %parallel_loop3A_1522 = arith.constant 1 : i32
        %parallel_loop3A_1523 = arith.addi %parallel_loop3A_1521, %parallel_loop3A_1522 : i32
        %parallel_loop3A_1524 = arith.constant 0 : i32
        %parallel_loop3A_1525 = arith.index_cast %parallel_loop3A_1524 : i32 to index
        %parallel_loop3A_1526 = arith.index_cast %parallel_loop3A_1523 : i32 to index
        %parallel_loop3A_1527 = arith.constant 112 : index
        %parallel_loop3A_1528 = tpu.vector_load %arg7[%parallel_loop3A_1525, %parallel_loop3A_1526, %parallel_loop3A_1527] {strides = array<i32>} : memref<3x128x128xf32, #tpu.memory_space<vmem>>, vector<16xf32>,
        tpu.vector_store %arg7[%parallel_loop3A_1525, %parallel_loop3A_1526, %parallel_loop3A_1527], %parallel_loop3A_1519 {strides = array<i32>} : memref<3x128x128xf32, #tpu.memory_space<vmem>>, vector<16xf32>,
        %parallel_loop3A_1529 = vector.shape_cast %parallel_loop3A_1504 : vector<16xi32> to vector<16x1xi32>
        %parallel_loop3A_1530 = vector.shape_cast %parallel_loop3A_1529 : vector<16x1xi32> to vector<16xi32>
        %parallel_loop3A_1531 = tpu.dynamic_gather %get3A_13[%parallel_loop3A_1530] in [0] : vector<16xf32>, vector<16xi32> -> vector<16xf32>
        %parallel_loop3A_1532 = arith.constant 4 : i32
        %parallel_loop3A_1533 = arith.muli %parallel_loop3A_1128, %parallel_loop3A_1532 : i32
        %parallel_loop3A_1534 = arith.constant 2 : i32
        %parallel_loop3A_1535 = arith.addi %parallel_loop3A_1533, %parallel_loop3A_1534 : i32
        %parallel_loop3A_1536 = arith.constant 0 : i32
        %parallel_loop3A_1537 = arith.index_cast %parallel_loop3A_1536 : i32 to index
        %parallel_loop3A_1538 = arith.index_cast %parallel_loop3A_1535 : i32 to index
        %parallel_loop3A_1539 = arith.constant 112 : index
        %parallel_loop3A_1540 = tpu.vector_load %arg7[%parallel_loop3A_1537, %parallel_loop3A_1538, %parallel_loop3A_1539] {strides = array<i32>} : memref<3x128x128xf32, #tpu.memory_space<vmem>>, vector<16xf32>,
        tpu.vector_store %arg7[%parallel_loop3A_1537, %parallel_loop3A_1538, %parallel_loop3A_1539], %parallel_loop3A_1531 {strides = array<i32>} : memref<3x128x128xf32, #tpu.memory_space<vmem>>, vector<16xf32>,
        %parallel_loop3A_1541 = vector.shape_cast %parallel_loop3A_1504 : vector<16xi32> to vector<16x1xi32>
        %parallel_loop3A_1542 = vector.shape_cast %parallel_loop3A_1541 : vector<16x1xi32> to vector<16xi32>
        %parallel_loop3A_1543 = tpu.dynamic_gather %get3A_17[%parallel_loop3A_1542] in [0] : vector<16xf32>, vector<16xi32> -> vector<16xf32>
        %parallel_loop3A_1544 = arith.constant 4 : i32
        %parallel_loop3A_1545 = arith.muli %parallel_loop3A_1128, %parallel_loop3A_1544 : i32
        %parallel_loop3A_1546 = arith.constant 3 : i32
        %parallel_loop3A_1547 = arith.addi %parallel_loop3A_1545, %parallel_loop3A_1546 : i32
        %parallel_loop3A_1548 = arith.constant 0 : i32
        %parallel_loop3A_1549 = arith.index_cast %parallel_loop3A_1548 : i32 to index
        %parallel_loop3A_1550 = arith.index_cast %parallel_loop3A_1547 : i32 to index
        %parallel_loop3A_1551 = arith.constant 112 : index
        %parallel_loop3A_1552 = tpu.vector_load %arg7[%parallel_loop3A_1549, %parallel_loop3A_1550, %parallel_loop3A_1551] {strides = array<i32>} : memref<3x128x128xf32, #tpu.memory_space<vmem>>, vector<16xf32>,
        tpu.vector_store %arg7[%parallel_loop3A_1549, %parallel_loop3A_1550, %parallel_loop3A_1551], %parallel_loop3A_1543 {strides = array<i32>} : memref<3x128x128xf32, #tpu.memory_space<vmem>>, vector<16xf32>,
      } {sc.loop_unroll_factor = 8 : i64, sc.parallel_access}
      %add3A_720 = arith.addi %mul3A_2, %add3A_609 : i32
      %jit3A_721 = arith.constant 4 : i32
      %div3A_722 = arith.divsi %add3A_720, %jit3A_721 : i32
      %sign3A_723 = arith.constant 0 : i32
      %sign3A_724 = arith.cmpi sgt, %add3A_720, %sign3A_723 : i32
      %sign3A_725 = arith.extui %sign3A_724 : i1 to i32
      %sign3A_726 = arith.constant 0 : i32
      %sign3A_727 = arith.cmpi slt, %add3A_720, %sign3A_726 : i32
      %sign3A_728 = arith.extui %sign3A_727 : i1 to i32
      %sign3A_729 = arith.subi %sign3A_725, %sign3A_728 : i32
      %sign3A_730 = arith.constant 0 : i32
      %sign3A_731 = arith.cmpi sgt, %jit3A_721, %sign3A_730 : i32
      %sign3A_732 = arith.extui %sign3A_731 : i1 to i32
      %sign3A_733 = arith.constant 0 : i32
      %sign3A_734 = arith.cmpi slt, %jit3A_721, %sign3A_733 : i32
      %sign3A_735 = arith.extui %sign3A_734 : i1 to i32
      %sign3A_736 = arith.subi %sign3A_732, %sign3A_735 : i32
      %ne3A_737 = arith.cmpi ne, %sign3A_729, %sign3A_736 : i32
      %rem3A_738 = arith.remsi %add3A_720, %jit3A_721 : i32
      %ne3A_739 = arith.constant 0 : i32
      %ne3A_740 = arith.cmpi ne, %rem3A_738, %ne3A_739 : i32
      %and3A_741 = arith.andi %ne3A_737, %ne3A_740 : i1
      %sub3A_742 = arith.constant 1 : i32
      %sub3A_743 = arith.subi %div3A_722, %sub3A_742 : i32
      %select_n3A_744 = arith.select %and3A_741, %sub3A_743, %div3A_722 : i32
      %jit3A_745 = arith.constant 4 : i32
      %eq3A_746 = arith.constant 0 : i32
      %eq3A_747 = arith.cmpi eq, %jit3A_745, %eq3A_746 : i32
      %jit3A_748 = arith.constant 1 : i32
      %select_n3A_749 = arith.select %eq3A_747, %jit3A_748, %jit3A_745 : i32
      %rem3A_750 = arith.remsi %add3A_720, %select_n3A_749 : i32
      %ne3A_751 = arith.constant 0 : i32
      %ne3A_752 = arith.cmpi ne, %rem3A_750, %ne3A_751 : i32
      %lt3A_753 = arith.constant 0 : i32
      %lt3A_754 = arith.cmpi slt, %rem3A_750, %lt3A_753 : i32
      %lt3A_755 = arith.constant 0 : i32
      %lt3A_756 = arith.cmpi slt, %select_n3A_749, %lt3A_755 : i32
      %ne3A_757 = arith.xori %lt3A_754, %lt3A_756 : i1
      %and3A_758 = arith.andi %ne3A_757, %ne3A_752 : i1
      %add3A_759 = arith.addi %rem3A_750, %select_n3A_749 : i32
      %select_n3A_760 = arith.select %and3A_758, %add3A_759, %rem3A_750 : i32
      %mul3A_761 = arith.constant 128 : i32
      %mul3A_762 = arith.muli %select_n3A_760, %mul3A_761 : i32
      %dma_start3A_763 = arith.constant 0 : i32
      %dma_start3A_764 = arith.constant 0 : i32
      %dma_start3A_765 = arith.constant 0 : i32
      %dma_start3A_766 = tpu.memref_slice %arg7[%dma_start3A_763, %dma_start3A_764, %dma_start3A_765] : memref<3x128x128xf32, #tpu.memory_space<vmem>> -> memref<1x128x128xf32, #tpu.memory_space<vmem>>
      %dma_start3A_767 = tpu.memref_squeeze %dma_start3A_766 : memref<1x128x128xf32, #tpu.memory_space<vmem>> -> memref<128x128xf32, #tpu.memory_space<vmem>>
      %dma_start3A_768 = arith.constant 0 : i32
      %dma_start3A_769 = tpu.memref_slice %arg4[%select_n3A_744, %mul3A_762, %dma_start3A_768] : memref<200x512x128xf32, #tpu.memory_space<hbm>> -> memref<1x128x128xf32, #tpu.memory_space<hbm>>
      %dma_start3A_770 = tpu.memref_squeeze %dma_start3A_769 : memref<1x128x128xf32, #tpu.memory_space<hbm>> -> memref<128x128xf32, #tpu.memory_space<hbm>>
      %dma_start3A_771 = arith.constant 0 : i32
      %dma_start3A_772 = tpu.memref_slice %arg4[%select_n3A_744, %mul3A_762, %dma_start3A_771] : memref<200x512x128xf32, #tpu.memory_space<hbm>> -> memref<1x128x128xf32, #tpu.memory_space<hbm>>
      %dma_start3A_773 = tpu.memref_squeeze %dma_start3A_772 : memref<1x128x128xf32, #tpu.memory_space<hbm>> -> memref<128x128xf32, #tpu.memory_space<hbm>>
      %dma_start3A_774 = arith.constant 0 : i32
      %dma_start3A_775 = arith.constant 0 : i32
      %dma_start3A_776 = tpu.memref_slice %arg7[%dma_start3A_763, %dma_start3A_774, %dma_start3A_775] : memref<3x128x128xf32, #tpu.memory_space<vmem>> -> memref<1x128x128xf32, #tpu.memory_space<vmem>>
      %dma_start3A_777 = tpu.memref_squeeze %dma_start3A_776 : memref<1x128x128xf32, #tpu.memory_space<vmem>> -> memref<128x128xf32, #tpu.memory_space<vmem>>
      tpu.enqueue_dma source(%dma_start3A_777 : memref<128x128xf32, #tpu.memory_space<vmem>>) target(%dma_start3A_773 : memref<128x128xf32, #tpu.memory_space<hbm>>) target_semaphore(%arg11 : memref<!tpu.dma_semaphore, #tpu.memory_space<semaphore_mem>>)
      %mul3A_778 = arith.constant 3 : i32
      %mul3A_779 = arith.muli %mul3A_778, %scan3A_605 : i32
      %add3A_780 = arith.constant 1 : i32
      %add3A_781 = arith.addi %mul3A_779, %add3A_780 : i32
      %add3A_782 = arith.addi %mul3A_2, %add3A_781 : i32
      %jit3A_783 = arith.constant 4 : i32
      %div3A_784 = arith.divsi %add3A_782, %jit3A_783 : i32
      %sign3A_785 = arith.constant 0 : i32
      %sign3A_786 = arith.cmpi sgt, %add3A_782, %sign3A_785 : i32
      %sign3A_787 = arith.extui %sign3A_786 : i1 to i32
      %sign3A_788 = arith.constant 0 : i32
      %sign3A_789 = arith.cmpi slt, %add3A_782, %sign3A_788 : i32
      %sign3A_790 = arith.extui %sign3A_789 : i1 to i32
      %sign3A_791 = arith.subi %sign3A_787, %sign3A_790 : i32
      %sign3A_792 = arith.constant 0 : i32
      %sign3A_793 = arith.cmpi sgt, %jit3A_783, %sign3A_792 : i32
      %sign3A_794 = arith.extui %sign3A_793 : i1 to i32
      %sign3A_795 = arith.constant 0 : i32
      %sign3A_796 = arith.cmpi slt, %jit3A_783, %sign3A_795 : i32
      %sign3A_797 = arith.extui %sign3A_796 : i1 to i32
      %sign3A_798 = arith.subi %sign3A_794, %sign3A_797 : i32
      %ne3A_799 = arith.cmpi ne, %sign3A_791, %sign3A_798 : i32
      %rem3A_800 = arith.remsi %add3A_782, %jit3A_783 : i32
      %ne3A_801 = arith.constant 0 : i32
      %ne3A_802 = arith.cmpi ne, %rem3A_800, %ne3A_801 : i32
      %and3A_803 = arith.andi %ne3A_799, %ne3A_802 : i1
      %sub3A_804 = arith.constant 1 : i32
      %sub3A_805 = arith.subi %div3A_784, %sub3A_804 : i32
      %select_n3A_806 = arith.select %and3A_803, %sub3A_805, %div3A_784 : i32
      %jit3A_807 = arith.constant 8 : i32
      %div3A_808 = arith.divsi %select_n3A_806, %jit3A_807 : i32
      %sign3A_809 = arith.constant 0 : i32
      %sign3A_810 = arith.cmpi sgt, %select_n3A_806, %sign3A_809 : i32
      %sign3A_811 = arith.extui %sign3A_810 : i1 to i32
      %sign3A_812 = arith.constant 0 : i32
      %sign3A_813 = arith.cmpi slt, %select_n3A_806, %sign3A_812 : i32
      %sign3A_814 = arith.extui %sign3A_813 : i1 to i32
      %sign3A_815 = arith.subi %sign3A_811, %sign3A_814 : i32
      %sign3A_816 = arith.constant 0 : i32
      %sign3A_817 = arith.cmpi sgt, %jit3A_807, %sign3A_816 : i32
      %sign3A_818 = arith.extui %sign3A_817 : i1 to i32
      %sign3A_819 = arith.constant 0 : i32
      %sign3A_820 = arith.cmpi slt, %jit3A_807, %sign3A_819 : i32
      %sign3A_821 = arith.extui %sign3A_820 : i1 to i32
      %sign3A_822 = arith.subi %sign3A_818, %sign3A_821 : i32
      %ne3A_823 = arith.cmpi ne, %sign3A_815, %sign3A_822 : i32
      %rem3A_824 = arith.remsi %select_n3A_806, %jit3A_807 : i32
      %ne3A_825 = arith.constant 0 : i32
      %ne3A_826 = arith.cmpi ne, %rem3A_824, %ne3A_825 : i32
      %and3A_827 = arith.andi %ne3A_823, %ne3A_826 : i1
      %sub3A_828 = arith.constant 1 : i32
      %sub3A_829 = arith.subi %div3A_808, %sub3A_828 : i32
      %select_n3A_830 = arith.select %and3A_827, %sub3A_829, %div3A_808 : i32
      %jit3A_831 = arith.constant 4 : i32
      %eq3A_832 = arith.constant 0 : i32
      %eq3A_833 = arith.cmpi eq, %jit3A_831, %eq3A_832 : i32
      %jit3A_834 = arith.constant 1 : i32
      %select_n3A_835 = arith.select %eq3A_833, %jit3A_834, %jit3A_831 : i32
      %rem3A_836 = arith.remsi %add3A_782, %select_n3A_835 : i32
      %ne3A_837 = arith.constant 0 : i32
      %ne3A_838 = arith.cmpi ne, %rem3A_836, %ne3A_837 : i32
      %lt3A_839 = arith.constant 0 : i32
      %lt3A_840 = arith.cmpi slt, %rem3A_836, %lt3A_839 : i32
      %lt3A_841 = arith.constant 0 : i32
      %lt3A_842 = arith.cmpi slt, %select_n3A_835, %lt3A_841 : i32
      %ne3A_843 = arith.xori %lt3A_840, %lt3A_842 : i1
      %and3A_844 = arith.andi %ne3A_843, %ne3A_838 : i1
      %add3A_845 = arith.addi %rem3A_836, %select_n3A_835 : i32
      %select_n3A_846 = arith.select %and3A_844, %add3A_845, %rem3A_836 : i32
      %mul3A_847 = arith.constant 32 : i32
      %mul3A_848 = arith.muli %select_n3A_846, %mul3A_847 : i32
      %jit3A_849 = arith.constant 8 : i32
      %eq3A_850 = arith.constant 0 : i32
      %eq3A_851 = arith.cmpi eq, %jit3A_849, %eq3A_850 : i32
      %jit3A_852 = arith.constant 1 : i32
      %select_n3A_853 = arith.select %eq3A_851, %jit3A_852, %jit3A_849 : i32
      %rem3A_854 = arith.remsi %select_n3A_806, %select_n3A_853 : i32
      %ne3A_855 = arith.constant 0 : i32
      %ne3A_856 = arith.cmpi ne, %rem3A_854, %ne3A_855 : i32
      %lt3A_857 = arith.constant 0 : i32
      %lt3A_858 = arith.cmpi slt, %rem3A_854, %lt3A_857 : i32
      %lt3A_859 = arith.constant 0 : i32
      %lt3A_860 = arith.cmpi slt, %select_n3A_853, %lt3A_859 : i32
      %ne3A_861 = arith.xori %lt3A_858, %lt3A_860 : i1
      %and3A_862 = arith.andi %ne3A_861, %ne3A_856 : i1
      %add3A_863 = arith.addi %rem3A_854, %select_n3A_853 : i32
      %select_n3A_864 = arith.select %and3A_862, %add3A_863, %rem3A_854 : i32
      %dma_wait3A_865 = arith.constant 1 : i32
      %dma_wait3A_866 = arith.constant 0 : i32
      %dma_wait3A_867 = arith.constant 0 : i32
      %dma_wait3A_868 = tpu.memref_slice %arg6[%dma_wait3A_865, %dma_wait3A_866, %dma_wait3A_867] : memref<3x32x128xi32, #tpu.memory_space<vmem>> -> memref<1x32x128xi32, #tpu.memory_space<vmem>>
      %dma_wait3A_869 = tpu.memref_squeeze %dma_wait3A_868 : memref<1x32x128xi32, #tpu.memory_space<vmem>> -> memref<32x128xi32, #tpu.memory_space<vmem>>
      %dma_wait3A_870 = arith.constant 0 : i32
      %dma_wait3A_871 = tpu.memref_slice %arg2[%select_n3A_830, %mul3A_848, %select_n3A_864, %dma_wait3A_870] : memref<25x128x8x128xi32, #tpu.memory_space<hbm>> -> memref<1x32x1x128xi32, #tpu.memory_space<hbm>>
      %dma_wait3A_872 = tpu.memref_squeeze %dma_wait3A_871 : memref<1x32x1x128xi32, #tpu.memory_space<hbm>> -> memref<32x128xi32, #tpu.memory_space<hbm>>
      %dma_wait3A_873 = arith.constant 0 : i32
      %dma_wait3A_874 = arith.constant 0 : i32
      %dma_wait3A_875 = tpu.memref_slice %arg6[%dma_wait3A_865, %dma_wait3A_873, %dma_wait3A_874] : memref<3x32x128xi32, #tpu.memory_space<vmem>> -> memref<1x32x128xi32, #tpu.memory_space<vmem>>
      %dma_wait3A_876 = tpu.memref_squeeze %dma_wait3A_875 : memref<1x32x128xi32, #tpu.memory_space<vmem>> -> memref<32x128xi32, #tpu.memory_space<vmem>>
      %dma_wait3A_877 = arith.constant 0 : i32
      %dma_wait3A_878 = tpu.memref_slice %arg2[%select_n3A_830, %mul3A_848, %select_n3A_864, %dma_wait3A_877] : memref<25x128x8x128xi32, #tpu.memory_space<hbm>> -> memref<1x32x1x128xi32, #tpu.memory_space<hbm>>
      %dma_wait3A_879 = tpu.memref_squeeze %dma_wait3A_878 : memref<1x32x1x128xi32, #tpu.memory_space<hbm>> -> memref<32x128xi32, #tpu.memory_space<hbm>>
      tpu.wait_dma2 semaphore(%arg9 : memref<!tpu.dma_semaphore, #tpu.memory_space<semaphore_mem>>) src(%dma_wait3A_879 : memref<32x128xi32, #tpu.memory_space<hbm>>) dst(%dma_wait3A_876 : memref<32x128xi32, #tpu.memory_space<vmem>>)
      %add3A_880 = arith.constant 2 : i32
      %add3A_881 = arith.addi %add3A_781, %add3A_880 : i32
      %lt3A_882 = arith.constant 25 : i32
      %lt3A_883 = arith.cmpi slt, %add3A_881, %lt3A_882 : i32
      %convert_element_type3A_884 = arith.extui %lt3A_883 : i1 to i32
      %cond3A_885 = arith.constant 0 : i32
      %cond3A_886 = arith.cmpi ne, %convert_element_type3A_884, %cond3A_885 : i32
      scf.if %cond3A_886 {
        %add3A_1128 = arith.constant 2 : i32
        %add3A_1129 = arith.addi %add3A_781, %add3A_1128 : i32
        %add3A_1130 = arith.addi %mul3A_2, %add3A_1129 : i32
        %jit3A_1131 = arith.constant 4 : i32
        %div3A_1132 = arith.divsi %add3A_1130, %jit3A_1131 : i32
        %sign3A_1133 = arith.constant 0 : i32
        %sign3A_1134 = arith.cmpi sgt, %add3A_1130, %sign3A_1133 : i32
        %sign3A_1135 = arith.extui %sign3A_1134 : i1 to i32
        %sign3A_1136 = arith.constant 0 : i32
        %sign3A_1137 = arith.cmpi slt, %add3A_1130, %sign3A_1136 : i32
        %sign3A_1138 = arith.extui %sign3A_1137 : i1 to i32
        %sign3A_1139 = arith.subi %sign3A_1135, %sign3A_1138 : i32
        %sign3A_1140 = arith.constant 0 : i32
        %sign3A_1141 = arith.cmpi sgt, %jit3A_1131, %sign3A_1140 : i32
        %sign3A_1142 = arith.extui %sign3A_1141 : i1 to i32
        %sign3A_1143 = arith.constant 0 : i32
        %sign3A_1144 = arith.cmpi slt, %jit3A_1131, %sign3A_1143 : i32
        %sign3A_1145 = arith.extui %sign3A_1144 : i1 to i32
        %sign3A_1146 = arith.subi %sign3A_1142, %sign3A_1145 : i32
        %ne3A_1147 = arith.cmpi ne, %sign3A_1139, %sign3A_1146 : i32
        %rem3A_1148 = arith.remsi %add3A_1130, %jit3A_1131 : i32
        %ne3A_1149 = arith.constant 0 : i32
        %ne3A_1150 = arith.cmpi ne, %rem3A_1148, %ne3A_1149 : i32
        %and3A_1151 = arith.andi %ne3A_1147, %ne3A_1150 : i1
        %sub3A_1152 = arith.constant 1 : i32
        %sub3A_1153 = arith.subi %div3A_1132, %sub3A_1152 : i32
        %select_n3A_1154 = arith.select %and3A_1151, %sub3A_1153, %div3A_1132 : i32
        %jit3A_1155 = arith.constant 8 : i32
        %div3A_1156 = arith.divsi %select_n3A_1154, %jit3A_1155 : i32
        %sign3A_1157 = arith.constant 0 : i32
        %sign3A_1158 = arith.cmpi sgt, %select_n3A_1154, %sign3A_1157 : i32
        %sign3A_1159 = arith.extui %sign3A_1158 : i1 to i32
        %sign3A_1160 = arith.constant 0 : i32
        %sign3A_1161 = arith.cmpi slt, %select_n3A_1154, %sign3A_1160 : i32
        %sign3A_1162 = arith.extui %sign3A_1161 : i1 to i32
        %sign3A_1163 = arith.subi %sign3A_1159, %sign3A_1162 : i32
        %sign3A_1164 = arith.constant 0 : i32
        %sign3A_1165 = arith.cmpi sgt, %jit3A_1155, %sign3A_1164 : i32
        %sign3A_1166 = arith.extui %sign3A_1165 : i1 to i32
        %sign3A_1167 = arith.constant 0 : i32
        %sign3A_1168 = arith.cmpi slt, %jit3A_1155, %sign3A_1167 : i32
        %sign3A_1169 = arith.extui %sign3A_1168 : i1 to i32
        %sign3A_1170 = arith.subi %sign3A_1166, %sign3A_1169 : i32
        %ne3A_1171 = arith.cmpi ne, %sign3A_1163, %sign3A_1170 : i32
        %rem3A_1172 = arith.remsi %select_n3A_1154, %jit3A_1155 : i32
        %ne3A_1173 = arith.constant 0 : i32
        %ne3A_1174 = arith.cmpi ne, %rem3A_1172, %ne3A_1173 : i32
        %and3A_1175 = arith.andi %ne3A_1171, %ne3A_1174 : i1
        %sub3A_1176 = arith.constant 1 : i32
        %sub3A_1177 = arith.subi %div3A_1156, %sub3A_1176 : i32
        %select_n3A_1178 = arith.select %and3A_1175, %sub3A_1177, %div3A_1156 : i32
        %jit3A_1179 = arith.constant 4 : i32
        %eq3A_1180 = arith.constant 0 : i32
        %eq3A_1181 = arith.cmpi eq, %jit3A_1179, %eq3A_1180 : i32
        %jit3A_1182 = arith.constant 1 : i32
        %select_n3A_1183 = arith.select %eq3A_1181, %jit3A_1182, %jit3A_1179 : i32
        %rem3A_1184 = arith.remsi %add3A_1130, %select_n3A_1183 : i32
        %ne3A_1185 = arith.constant 0 : i32
        %ne3A_1186 = arith.cmpi ne, %rem3A_1184, %ne3A_1185 : i32
        %lt3A_1187 = arith.constant 0 : i32
        %lt3A_1188 = arith.cmpi slt, %rem3A_1184, %lt3A_1187 : i32
        %lt3A_1189 = arith.constant 0 : i32
        %lt3A_1190 = arith.cmpi slt, %select_n3A_1183, %lt3A_1189 : i32
        %ne3A_1191 = arith.xori %lt3A_1188, %lt3A_1190 : i1
        %and3A_1192 = arith.andi %ne3A_1191, %ne3A_1186 : i1
        %add3A_1193 = arith.addi %rem3A_1184, %select_n3A_1183 : i32
        %select_n3A_1194 = arith.select %and3A_1192, %add3A_1193, %rem3A_1184 : i32
        %mul3A_1195 = arith.constant 32 : i32
        %mul3A_1196 = arith.muli %select_n3A_1194, %mul3A_1195 : i32
        %jit3A_1197 = arith.constant 8 : i32
        %eq3A_1198 = arith.constant 0 : i32
        %eq3A_1199 = arith.cmpi eq, %jit3A_1197, %eq3A_1198 : i32
        %jit3A_1200 = arith.constant 1 : i32
        %select_n3A_1201 = arith.select %eq3A_1199, %jit3A_1200, %jit3A_1197 : i32
        %rem3A_1202 = arith.remsi %select_n3A_1154, %select_n3A_1201 : i32
        %ne3A_1203 = arith.constant 0 : i32
        %ne3A_1204 = arith.cmpi ne, %rem3A_1202, %ne3A_1203 : i32
        %lt3A_1205 = arith.constant 0 : i32
        %lt3A_1206 = arith.cmpi slt, %rem3A_1202, %lt3A_1205 : i32
        %lt3A_1207 = arith.constant 0 : i32
        %lt3A_1208 = arith.cmpi slt, %select_n3A_1201, %lt3A_1207 : i32
        %ne3A_1209 = arith.xori %lt3A_1206, %lt3A_1208 : i1
        %and3A_1210 = arith.andi %ne3A_1209, %ne3A_1204 : i1
        %add3A_1211 = arith.addi %rem3A_1202, %select_n3A_1201 : i32
        %select_n3A_1212 = arith.select %and3A_1210, %add3A_1211, %rem3A_1202 : i32
        %dma_start3A_1213 = arith.constant 0 : i32
        %dma_start3A_1214 = arith.constant 0 : i32
        %dma_start3A_1215 = arith.constant 0 : i32
        %dma_start3A_1216 = tpu.memref_slice %arg6[%dma_start3A_1213, %dma_start3A_1214, %dma_start3A_1215] : memref<3x32x128xi32, #tpu.memory_space<vmem>> -> memref<1x32x128xi32, #tpu.memory_space<vmem>>
        %dma_start3A_1217 = tpu.memref_squeeze %dma_start3A_1216 : memref<1x32x128xi32, #tpu.memory_space<vmem>> -> memref<32x128xi32, #tpu.memory_space<vmem>>
        %dma_start3A_1218 = arith.constant 0 : i32
        %dma_start3A_1219 = tpu.memref_slice %arg2[%select_n3A_1178, %mul3A_1196, %select_n3A_1212, %dma_start3A_1218] : memref<25x128x8x128xi32, #tpu.memory_space<hbm>> -> memref<1x32x1x128xi32, #tpu.memory_space<hbm>>
        %dma_start3A_1220 = tpu.memref_squeeze %dma_start3A_1219 : memref<1x32x1x128xi32, #tpu.memory_space<hbm>> -> memref<32x128xi32, #tpu.memory_space<hbm>>
        %dma_start3A_1221 = arith.constant 0 : i32
        %dma_start3A_1222 = arith.constant 0 : i32
        %dma_start3A_1223 = tpu.memref_slice %arg6[%dma_start3A_1213, %dma_start3A_1221, %dma_start3A_1222] : memref<3x32x128xi32, #tpu.memory_space<vmem>> -> memref<1x32x128xi32, #tpu.memory_space<vmem>>
        %dma_start3A_1224 = tpu.memref_squeeze %dma_start3A_1223 : memref<1x32x128xi32, #tpu.memory_space<vmem>> -> memref<32x128xi32, #tpu.memory_space<vmem>>
        %dma_start3A_1225 = arith.constant 0 : i32
        %dma_start3A_1226 = tpu.memref_slice %arg2[%select_n3A_1178, %mul3A_1196, %select_n3A_1212, %dma_start3A_1225] : memref<25x128x8x128xi32, #tpu.memory_space<hbm>> -> memref<1x32x1x128xi32, #tpu.memory_space<hbm>>
        %dma_start3A_1227 = tpu.memref_squeeze %dma_start3A_1226 : memref<1x32x1x128xi32, #tpu.memory_space<hbm>> -> memref<32x128xi32, #tpu.memory_space<hbm>>
        tpu.enqueue_dma source(%dma_start3A_1227 : memref<32x128xi32, #tpu.memory_space<hbm>>) target(%dma_start3A_1224 : memref<32x128xi32, #tpu.memory_space<vmem>>) target_semaphore(%arg8 : memref<!tpu.dma_semaphore, #tpu.memory_space<semaphore_mem>>)
      } else {
      }
      %ge3A_887 = arith.constant 1 : i32
      %ge3A_888 = arith.cmpi sge, %scan3A_605, %ge3A_887 : i32
      %convert_element_type3A_889 = arith.extui %ge3A_888 : i1 to i32
      %cond3A_890 = arith.constant 0 : i32
      %cond3A_891 = arith.cmpi ne, %convert_element_type3A_889, %cond3A_890 : i32
      scf.if %cond3A_891 {
        %sub3A_1128 = arith.constant 3 : i32
        %sub3A_1129 = arith.subi %add3A_781, %sub3A_1128 : i32
        %add3A_1130 = arith.addi %mul3A_2, %sub3A_1129 : i32
        %jit3A_1131 = arith.constant 4 : i32
        %div3A_1132 = arith.divsi %add3A_1130, %jit3A_1131 : i32
        %sign3A_1133 = arith.constant 0 : i32
        %sign3A_1134 = arith.cmpi sgt, %add3A_1130, %sign3A_1133 : i32
        %sign3A_1135 = arith.extui %sign3A_1134 : i1 to i32
        %sign3A_1136 = arith.constant 0 : i32
        %sign3A_1137 = arith.cmpi slt, %add3A_1130, %sign3A_1136 : i32
        %sign3A_1138 = arith.extui %sign3A_1137 : i1 to i32
        %sign3A_1139 = arith.subi %sign3A_1135, %sign3A_1138 : i32
        %sign3A_1140 = arith.constant 0 : i32
        %sign3A_1141 = arith.cmpi sgt, %jit3A_1131, %sign3A_1140 : i32
        %sign3A_1142 = arith.extui %sign3A_1141 : i1 to i32
        %sign3A_1143 = arith.constant 0 : i32
        %sign3A_1144 = arith.cmpi slt, %jit3A_1131, %sign3A_1143 : i32
        %sign3A_1145 = arith.extui %sign3A_1144 : i1 to i32
        %sign3A_1146 = arith.subi %sign3A_1142, %sign3A_1145 : i32
        %ne3A_1147 = arith.cmpi ne, %sign3A_1139, %sign3A_1146 : i32
        %rem3A_1148 = arith.remsi %add3A_1130, %jit3A_1131 : i32
        %ne3A_1149 = arith.constant 0 : i32
        %ne3A_1150 = arith.cmpi ne, %rem3A_1148, %ne3A_1149 : i32
        %and3A_1151 = arith.andi %ne3A_1147, %ne3A_1150 : i1
        %sub3A_1152 = arith.constant 1 : i32
        %sub3A_1153 = arith.subi %div3A_1132, %sub3A_1152 : i32
        %select_n3A_1154 = arith.select %and3A_1151, %sub3A_1153, %div3A_1132 : i32
        %jit3A_1155 = arith.constant 4 : i32
        %eq3A_1156 = arith.constant 0 : i32
        %eq3A_1157 = arith.cmpi eq, %jit3A_1155, %eq3A_1156 : i32
        %jit3A_1158 = arith.constant 1 : i32
        %select_n3A_1159 = arith.select %eq3A_1157, %jit3A_1158, %jit3A_1155 : i32
        %rem3A_1160 = arith.remsi %add3A_1130, %select_n3A_1159 : i32
        %ne3A_1161 = arith.constant 0 : i32
        %ne3A_1162 = arith.cmpi ne, %rem3A_1160, %ne3A_1161 : i32
        %lt3A_1163 = arith.constant 0 : i32
        %lt3A_1164 = arith.cmpi slt, %rem3A_1160, %lt3A_1163 : i32
        %lt3A_1165 = arith.constant 0 : i32
        %lt3A_1166 = arith.cmpi slt, %select_n3A_1159, %lt3A_1165 : i32
        %ne3A_1167 = arith.xori %lt3A_1164, %lt3A_1166 : i1
        %and3A_1168 = arith.andi %ne3A_1167, %ne3A_1162 : i1
        %add3A_1169 = arith.addi %rem3A_1160, %select_n3A_1159 : i32
        %select_n3A_1170 = arith.select %and3A_1168, %add3A_1169, %rem3A_1160 : i32
        %mul3A_1171 = arith.constant 128 : i32
        %mul3A_1172 = arith.muli %select_n3A_1170, %mul3A_1171 : i32
        %dma_wait3A_1173 = arith.constant 1 : i32
        %dma_wait3A_1174 = arith.constant 0 : i32
        %dma_wait3A_1175 = arith.constant 0 : i32
        %dma_wait3A_1176 = tpu.memref_slice %arg7[%dma_wait3A_1173, %dma_wait3A_1174, %dma_wait3A_1175] : memref<3x128x128xf32, #tpu.memory_space<vmem>> -> memref<1x128x128xf32, #tpu.memory_space<vmem>>
        %dma_wait3A_1177 = tpu.memref_squeeze %dma_wait3A_1176 : memref<1x128x128xf32, #tpu.memory_space<vmem>> -> memref<128x128xf32, #tpu.memory_space<vmem>>
        %dma_wait3A_1178 = arith.constant 0 : i32
        %dma_wait3A_1179 = tpu.memref_slice %arg4[%select_n3A_1154, %mul3A_1172, %dma_wait3A_1178] : memref<200x512x128xf32, #tpu.memory_space<hbm>> -> memref<1x128x128xf32, #tpu.memory_space<hbm>>
        %dma_wait3A_1180 = tpu.memref_squeeze %dma_wait3A_1179 : memref<1x128x128xf32, #tpu.memory_space<hbm>> -> memref<128x128xf32, #tpu.memory_space<hbm>>
        %dma_wait3A_1181 = arith.constant 0 : i32
        %dma_wait3A_1182 = tpu.memref_slice %arg4[%select_n3A_1154, %mul3A_1172, %dma_wait3A_1181] : memref<200x512x128xf32, #tpu.memory_space<hbm>> -> memref<1x128x128xf32, #tpu.memory_space<hbm>>
        %dma_wait3A_1183 = tpu.memref_squeeze %dma_wait3A_1182 : memref<1x128x128xf32, #tpu.memory_space<hbm>> -> memref<128x128xf32, #tpu.memory_space<hbm>>
        %dma_wait3A_1184 = arith.constant 0 : i32
        %dma_wait3A_1185 = arith.constant 0 : i32
        %dma_wait3A_1186 = tpu.memref_slice %arg7[%dma_wait3A_1173, %dma_wait3A_1184, %dma_wait3A_1185] : memref<3x128x128xf32, #tpu.memory_space<vmem>> -> memref<1x128x128xf32, #tpu.memory_space<vmem>>
        %dma_wait3A_1187 = tpu.memref_squeeze %dma_wait3A_1186 : memref<1x128x128xf32, #tpu.memory_space<vmem>> -> memref<128x128xf32, #tpu.memory_space<vmem>>
        tpu.wait_dma2 semaphore(%arg12 : memref<!tpu.dma_semaphore, #tpu.memory_space<semaphore_mem>>) src(%dma_wait3A_1187 : memref<128x128xf32, #tpu.memory_space<vmem>>) dst(%dma_wait3A_1183 : memref<128x128xf32, #tpu.memory_space<hbm>>)
      } else {
      }
      %parallel_loop3A_892 = arith.constant 0 : i32
      %parallel_loop3A_893 = arith.constant 32 : i32
      %parallel_loop3A_894 = arith.constant 1 : i32
      scf.for %parallel_loop3A_1128 = %parallel_loop3A_892 to %parallel_loop3A_893 step %parallel_loop3A_894  : i32 {
        %parallel_loop3A_1129 = arith.constant 1 : i32
        %parallel_loop3A_1130 = arith.index_cast %parallel_loop3A_1129 : i32 to index
        %parallel_loop3A_1131 = arith.index_cast %parallel_loop3A_1128 : i32 to index
        %parallel_loop3A_1132 = arith.constant 0 : index
        %parallel_loop3A_1133 = tpu.vector_load %arg6[%parallel_loop3A_1130, %parallel_loop3A_1131, %parallel_loop3A_1132] {strides = array<i32>} : memref<3x32x128xi32, #tpu.memory_space<vmem>>, vector<16xi32>,
        %parallel_loop3A_1134 = vector.shape_cast %parallel_loop3A_1133 : vector<16xi32> to vector<16x1xi32>
        %parallel_loop3A_1135 = vector.shape_cast %parallel_loop3A_1134 : vector<16x1xi32> to vector<16xi32>
        %parallel_loop3A_1136 = tpu.dynamic_gather %get3A_5[%parallel_loop3A_1135] in [0] : vector<16xf32>, vector<16xi32> -> vector<16xf32>
        %parallel_loop3A_1137 = arith.constant 4 : i32
        %parallel_loop3A_1138 = arith.muli %parallel_loop3A_1128, %parallel_loop3A_1137 : i32
        %parallel_loop3A_1139 = arith.constant 0 : i32
        %parallel_loop3A_1140 = arith.addi %parallel_loop3A_1138, %parallel_loop3A_1139 : i32
        %parallel_loop3A_1141 = arith.constant 1 : i32
        %parallel_loop3A_1142 = arith.index_cast %parallel_loop3A_1141 : i32 to index
        %parallel_loop3A_1143 = arith.index_cast %parallel_loop3A_1140 : i32 to index
        %parallel_loop3A_1144 = arith.constant 0 : index
        %parallel_loop3A_1145 = tpu.vector_load %arg7[%parallel_loop3A_1142, %parallel_loop3A_1143, %parallel_loop3A_1144] {strides = array<i32>} : memref<3x128x128xf32, #tpu.memory_space<vmem>>, vector<16xf32>,
        tpu.vector_store %arg7[%parallel_loop3A_1142, %parallel_loop3A_1143, %parallel_loop3A_1144], %parallel_loop3A_1136 {strides = array<i32>} : memref<3x128x128xf32, #tpu.memory_space<vmem>>, vector<16xf32>,
        %parallel_loop3A_1146 = vector.shape_cast %parallel_loop3A_1133 : vector<16xi32> to vector<16x1xi32>
        %parallel_loop3A_1147 = vector.shape_cast %parallel_loop3A_1146 : vector<16x1xi32> to vector<16xi32>
        %parallel_loop3A_1148 = tpu.dynamic_gather %get3A_9[%parallel_loop3A_1147] in [0] : vector<16xf32>, vector<16xi32> -> vector<16xf32>
        %parallel_loop3A_1149 = arith.constant 4 : i32
        %parallel_loop3A_1150 = arith.muli %parallel_loop3A_1128, %parallel_loop3A_1149 : i32
        %parallel_loop3A_1151 = arith.constant 1 : i32
        %parallel_loop3A_1152 = arith.addi %parallel_loop3A_1150, %parallel_loop3A_1151 : i32
        %parallel_loop3A_1153 = arith.constant 1 : i32
        %parallel_loop3A_1154 = arith.index_cast %parallel_loop3A_1153 : i32 to index
        %parallel_loop3A_1155 = arith.index_cast %parallel_loop3A_1152 : i32 to index
        %parallel_loop3A_1156 = arith.constant 0 : index
        %parallel_loop3A_1157 = tpu.vector_load %arg7[%parallel_loop3A_1154, %parallel_loop3A_1155, %parallel_loop3A_1156] {strides = array<i32>} : memref<3x128x128xf32, #tpu.memory_space<vmem>>, vector<16xf32>,
        tpu.vector_store %arg7[%parallel_loop3A_1154, %parallel_loop3A_1155, %parallel_loop3A_1156], %parallel_loop3A_1148 {strides = array<i32>} : memref<3x128x128xf32, #tpu.memory_space<vmem>>, vector<16xf32>,
        %parallel_loop3A_1158 = vector.shape_cast %parallel_loop3A_1133 : vector<16xi32> to vector<16x1xi32>
        %parallel_loop3A_1159 = vector.shape_cast %parallel_loop3A_1158 : vector<16x1xi32> to vector<16xi32>
        %parallel_loop3A_1160 = tpu.dynamic_gather %get3A_13[%parallel_loop3A_1159] in [0] : vector<16xf32>, vector<16xi32> -> vector<16xf32>
        %parallel_loop3A_1161 = arith.constant 4 : i32
        %parallel_loop3A_1162 = arith.muli %parallel_loop3A_1128, %parallel_loop3A_1161 : i32
        %parallel_loop3A_1163 = arith.constant 2 : i32
        %parallel_loop3A_1164 = arith.addi %parallel_loop3A_1162, %parallel_loop3A_1163 : i32
        %parallel_loop3A_1165 = arith.constant 1 : i32
        %parallel_loop3A_1166 = arith.index_cast %parallel_loop3A_1165 : i32 to index
        %parallel_loop3A_1167 = arith.index_cast %parallel_loop3A_1164 : i32 to index
        %parallel_loop3A_1168 = arith.constant 0 : index
        %parallel_loop3A_1169 = tpu.vector_load %arg7[%parallel_loop3A_1166, %parallel_loop3A_1167, %parallel_loop3A_1168] {strides = array<i32>} : memref<3x128x128xf32, #tpu.memory_space<vmem>>, vector<16xf32>,
        tpu.vector_store %arg7[%parallel_loop3A_1166, %parallel_loop3A_1167, %parallel_loop3A_1168], %parallel_loop3A_1160 {strides = array<i32>} : memref<3x128x128xf32, #tpu.memory_space<vmem>>, vector<16xf32>,
        %parallel_loop3A_1170 = vector.shape_cast %parallel_loop3A_1133 : vector<16xi32> to vector<16x1xi32>
        %parallel_loop3A_1171 = vector.shape_cast %parallel_loop3A_1170 : vector<16x1xi32> to vector<16xi32>
        %parallel_loop3A_1172 = tpu.dynamic_gather %get3A_17[%parallel_loop3A_1171] in [0] : vector<16xf32>, vector<16xi32> -> vector<16xf32>
        %parallel_loop3A_1173 = arith.constant 4 : i32
        %parallel_loop3A_1174 = arith.muli %parallel_loop3A_1128, %parallel_loop3A_1173 : i32
        %parallel_loop3A_1175 = arith.constant 3 : i32
        %parallel_loop3A_1176 = arith.addi %parallel_loop3A_1174, %parallel_loop3A_1175 : i32
        %parallel_loop3A_1177 = arith.constant 1 : i32
        %parallel_loop3A_1178 = arith.index_cast %parallel_loop3A_1177 : i32 to index
        %parallel_loop3A_1179 = arith.index_cast %parallel_loop3A_1176 : i32 to index
        %parallel_loop3A_1180 = arith.constant 0 : index
        %parallel_loop3A_1181 = tpu.vector_load %arg7[%parallel_loop3A_1178, %parallel_loop3A_1179, %parallel_loop3A_1180] {strides = array<i32>} : memref<3x128x128xf32, #tpu.memory_space<vmem>>, vector<16xf32>,
        tpu.vector_store %arg7[%parallel_loop3A_1178, %parallel_loop3A_1179, %parallel_loop3A_1180], %parallel_loop3A_1172 {strides = array<i32>} : memref<3x128x128xf32, #tpu.memory_space<vmem>>, vector<16xf32>,
        %parallel_loop3A_1182 = arith.constant 1 : i32
        %parallel_loop3A_1183 = arith.index_cast %parallel_loop3A_1182 : i32 to index
        %parallel_loop3A_1184 = arith.index_cast %parallel_loop3A_1128 : i32 to index
        %parallel_loop3A_1185 = arith.constant 16 : index
        %parallel_loop3A_1186 = tpu.vector_load %arg6[%parallel_loop3A_1183, %parallel_loop3A_1184, %parallel_loop3A_1185] {strides = array<i32>} : memref<3x32x128xi32, #tpu.memory_space<vmem>>, vector<16xi32>,
        %parallel_loop3A_1187 = vector.shape_cast %parallel_loop3A_1186 : vector<16xi32> to vector<16x1xi32>
        %parallel_loop3A_1188 = vector.shape_cast %parallel_loop3A_1187 : vector<16x1xi32> to vector<16xi32>
        %parallel_loop3A_1189 = tpu.dynamic_gather %get3A_5[%parallel_loop3A_1188] in [0] : vector<16xf32>, vector<16xi32> -> vector<16xf32>
        %parallel_loop3A_1190 = arith.constant 4 : i32
        %parallel_loop3A_1191 = arith.muli %parallel_loop3A_1128, %parallel_loop3A_1190 : i32
        %parallel_loop3A_1192 = arith.constant 0 : i32
        %parallel_loop3A_1193 = arith.addi %parallel_loop3A_1191, %parallel_loop3A_1192 : i32
        %parallel_loop3A_1194 = arith.constant 1 : i32
        %parallel_loop3A_1195 = arith.index_cast %parallel_loop3A_1194 : i32 to index
        %parallel_loop3A_1196 = arith.index_cast %parallel_loop3A_1193 : i32 to index
        %parallel_loop3A_1197 = arith.constant 16 : index
        %parallel_loop3A_1198 = tpu.vector_load %arg7[%parallel_loop3A_1195, %parallel_loop3A_1196, %parallel_loop3A_1197] {strides = array<i32>} : memref<3x128x128xf32, #tpu.memory_space<vmem>>, vector<16xf32>,
        tpu.vector_store %arg7[%parallel_loop3A_1195, %parallel_loop3A_1196, %parallel_loop3A_1197], %parallel_loop3A_1189 {strides = array<i32>} : memref<3x128x128xf32, #tpu.memory_space<vmem>>, vector<16xf32>,
        %parallel_loop3A_1199 = vector.shape_cast %parallel_loop3A_1186 : vector<16xi32> to vector<16x1xi32>
        %parallel_loop3A_1200 = vector.shape_cast %parallel_loop3A_1199 : vector<16x1xi32> to vector<16xi32>
        %parallel_loop3A_1201 = tpu.dynamic_gather %get3A_9[%parallel_loop3A_1200] in [0] : vector<16xf32>, vector<16xi32> -> vector<16xf32>
        %parallel_loop3A_1202 = arith.constant 4 : i32
        %parallel_loop3A_1203 = arith.muli %parallel_loop3A_1128, %parallel_loop3A_1202 : i32
        %parallel_loop3A_1204 = arith.constant 1 : i32
        %parallel_loop3A_1205 = arith.addi %parallel_loop3A_1203, %parallel_loop3A_1204 : i32
        %parallel_loop3A_1206 = arith.constant 1 : i32
        %parallel_loop3A_1207 = arith.index_cast %parallel_loop3A_1206 : i32 to index
        %parallel_loop3A_1208 = arith.index_cast %parallel_loop3A_1205 : i32 to index
        %parallel_loop3A_1209 = arith.constant 16 : index
        %parallel_loop3A_1210 = tpu.vector_load %arg7[%parallel_loop3A_1207, %parallel_loop3A_1208, %parallel_loop3A_1209] {strides = array<i32>} : memref<3x128x128xf32, #tpu.memory_space<vmem>>, vector<16xf32>,
        tpu.vector_store %arg7[%parallel_loop3A_1207, %parallel_loop3A_1208, %parallel_loop3A_1209], %parallel_loop3A_1201 {strides = array<i32>} : memref<3x128x128xf32, #tpu.memory_space<vmem>>, vector<16xf32>,
        %parallel_loop3A_1211 = vector.shape_cast %parallel_loop3A_1186 : vector<16xi32> to vector<16x1xi32>
        %parallel_loop3A_1212 = vector.shape_cast %parallel_loop3A_1211 : vector<16x1xi32> to vector<16xi32>
        %parallel_loop3A_1213 = tpu.dynamic_gather %get3A_13[%parallel_loop3A_1212] in [0] : vector<16xf32>, vector<16xi32> -> vector<16xf32>
        %parallel_loop3A_1214 = arith.constant 4 : i32
        %parallel_loop3A_1215 = arith.muli %parallel_loop3A_1128, %parallel_loop3A_1214 : i32
        %parallel_loop3A_1216 = arith.constant 2 : i32
        %parallel_loop3A_1217 = arith.addi %parallel_loop3A_1215, %parallel_loop3A_1216 : i32
        %parallel_loop3A_1218 = arith.constant 1 : i32
        %parallel_loop3A_1219 = arith.index_cast %parallel_loop3A_1218 : i32 to index
        %parallel_loop3A_1220 = arith.index_cast %parallel_loop3A_1217 : i32 to index
        %parallel_loop3A_1221 = arith.constant 16 : index
        %parallel_loop3A_1222 = tpu.vector_load %arg7[%parallel_loop3A_1219, %parallel_loop3A_1220, %parallel_loop3A_1221] {strides = array<i32>} : memref<3x128x128xf32, #tpu.memory_space<vmem>>, vector<16xf32>,
        tpu.vector_store %arg7[%parallel_loop3A_1219, %parallel_loop3A_1220, %parallel_loop3A_1221], %parallel_loop3A_1213 {strides = array<i32>} : memref<3x128x128xf32, #tpu.memory_space<vmem>>, vector<16xf32>,
        %parallel_loop3A_1223 = vector.shape_cast %parallel_loop3A_1186 : vector<16xi32> to vector<16x1xi32>
        %parallel_loop3A_1224 = vector.shape_cast %parallel_loop3A_1223 : vector<16x1xi32> to vector<16xi32>
        %parallel_loop3A_1225 = tpu.dynamic_gather %get3A_17[%parallel_loop3A_1224] in [0] : vector<16xf32>, vector<16xi32> -> vector<16xf32>
        %parallel_loop3A_1226 = arith.constant 4 : i32
        %parallel_loop3A_1227 = arith.muli %parallel_loop3A_1128, %parallel_loop3A_1226 : i32
        %parallel_loop3A_1228 = arith.constant 3 : i32
        %parallel_loop3A_1229 = arith.addi %parallel_loop3A_1227, %parallel_loop3A_1228 : i32
        %parallel_loop3A_1230 = arith.constant 1 : i32
        %parallel_loop3A_1231 = arith.index_cast %parallel_loop3A_1230 : i32 to index
        %parallel_loop3A_1232 = arith.index_cast %parallel_loop3A_1229 : i32 to index
        %parallel_loop3A_1233 = arith.constant 16 : index
        %parallel_loop3A_1234 = tpu.vector_load %arg7[%parallel_loop3A_1231, %parallel_loop3A_1232, %parallel_loop3A_1233] {strides = array<i32>} : memref<3x128x128xf32, #tpu.memory_space<vmem>>, vector<16xf32>,
        tpu.vector_store %arg7[%parallel_loop3A_1231, %parallel_loop3A_1232, %parallel_loop3A_1233], %parallel_loop3A_1225 {strides = array<i32>} : memref<3x128x128xf32, #tpu.memory_space<vmem>>, vector<16xf32>,
        %parallel_loop3A_1235 = arith.constant 1 : i32
        %parallel_loop3A_1236 = arith.index_cast %parallel_loop3A_1235 : i32 to index
        %parallel_loop3A_1237 = arith.index_cast %parallel_loop3A_1128 : i32 to index
        %parallel_loop3A_1238 = arith.constant 32 : index
        %parallel_loop3A_1239 = tpu.vector_load %arg6[%parallel_loop3A_1236, %parallel_loop3A_1237, %parallel_loop3A_1238] {strides = array<i32>} : memref<3x32x128xi32, #tpu.memory_space<vmem>>, vector<16xi32>,
        %parallel_loop3A_1240 = vector.shape_cast %parallel_loop3A_1239 : vector<16xi32> to vector<16x1xi32>
        %parallel_loop3A_1241 = vector.shape_cast %parallel_loop3A_1240 : vector<16x1xi32> to vector<16xi32>
        %parallel_loop3A_1242 = tpu.dynamic_gather %get3A_5[%parallel_loop3A_1241] in [0] : vector<16xf32>, vector<16xi32> -> vector<16xf32>
        %parallel_loop3A_1243 = arith.constant 4 : i32
        %parallel_loop3A_1244 = arith.muli %parallel_loop3A_1128, %parallel_loop3A_1243 : i32
        %parallel_loop3A_1245 = arith.constant 0 : i32
        %parallel_loop3A_1246 = arith.addi %parallel_loop3A_1244, %parallel_loop3A_1245 : i32
        %parallel_loop3A_1247 = arith.constant 1 : i32
        %parallel_loop3A_1248 = arith.index_cast %parallel_loop3A_1247 : i32 to index
        %parallel_loop3A_1249 = arith.index_cast %parallel_loop3A_1246 : i32 to index
        %parallel_loop3A_1250 = arith.constant 32 : index
        %parallel_loop3A_1251 = tpu.vector_load %arg7[%parallel_loop3A_1248, %parallel_loop3A_1249, %parallel_loop3A_1250] {strides = array<i32>} : memref<3x128x128xf32, #tpu.memory_space<vmem>>, vector<16xf32>,
        tpu.vector_store %arg7[%parallel_loop3A_1248, %parallel_loop3A_1249, %parallel_loop3A_1250], %parallel_loop3A_1242 {strides = array<i32>} : memref<3x128x128xf32, #tpu.memory_space<vmem>>, vector<16xf32>,
        %parallel_loop3A_1252 = vector.shape_cast %parallel_loop3A_1239 : vector<16xi32> to vector<16x1xi32>
        %parallel_loop3A_1253 = vector.shape_cast %parallel_loop3A_1252 : vector<16x1xi32> to vector<16xi32>
        %parallel_loop3A_1254 = tpu.dynamic_gather %get3A_9[%parallel_loop3A_1253] in [0] : vector<16xf32>, vector<16xi32> -> vector<16xf32>
        %parallel_loop3A_1255 = arith.constant 4 : i32
        %parallel_loop3A_1256 = arith.muli %parallel_loop3A_1128, %parallel_loop3A_1255 : i32
        %parallel_loop3A_1257 = arith.constant 1 : i32
        %parallel_loop3A_1258 = arith.addi %parallel_loop3A_1256, %parallel_loop3A_1257 : i32
        %parallel_loop3A_1259 = arith.constant 1 : i32
        %parallel_loop3A_1260 = arith.index_cast %parallel_loop3A_1259 : i32 to index
        %parallel_loop3A_1261 = arith.index_cast %parallel_loop3A_1258 : i32 to index
        %parallel_loop3A_1262 = arith.constant 32 : index
        %parallel_loop3A_1263 = tpu.vector_load %arg7[%parallel_loop3A_1260, %parallel_loop3A_1261, %parallel_loop3A_1262] {strides = array<i32>} : memref<3x128x128xf32, #tpu.memory_space<vmem>>, vector<16xf32>,
        tpu.vector_store %arg7[%parallel_loop3A_1260, %parallel_loop3A_1261, %parallel_loop3A_1262], %parallel_loop3A_1254 {strides = array<i32>} : memref<3x128x128xf32, #tpu.memory_space<vmem>>, vector<16xf32>,
        %parallel_loop3A_1264 = vector.shape_cast %parallel_loop3A_1239 : vector<16xi32> to vector<16x1xi32>
        %parallel_loop3A_1265 = vector.shape_cast %parallel_loop3A_1264 : vector<16x1xi32> to vector<16xi32>
        %parallel_loop3A_1266 = tpu.dynamic_gather %get3A_13[%parallel_loop3A_1265] in [0] : vector<16xf32>, vector<16xi32> -> vector<16xf32>
        %parallel_loop3A_1267 = arith.constant 4 : i32
        %parallel_loop3A_1268 = arith.muli %parallel_loop3A_1128, %parallel_loop3A_1267 : i32
        %parallel_loop3A_1269 = arith.constant 2 : i32
        %parallel_loop3A_1270 = arith.addi %parallel_loop3A_1268, %parallel_loop3A_1269 : i32
        %parallel_loop3A_1271 = arith.constant 1 : i32
        %parallel_loop3A_1272 = arith.index_cast %parallel_loop3A_1271 : i32 to index
        %parallel_loop3A_1273 = arith.index_cast %parallel_loop3A_1270 : i32 to index
        %parallel_loop3A_1274 = arith.constant 32 : index
        %parallel_loop3A_1275 = tpu.vector_load %arg7[%parallel_loop3A_1272, %parallel_loop3A_1273, %parallel_loop3A_1274] {strides = array<i32>} : memref<3x128x128xf32, #tpu.memory_space<vmem>>, vector<16xf32>,
        tpu.vector_store %arg7[%parallel_loop3A_1272, %parallel_loop3A_1273, %parallel_loop3A_1274], %parallel_loop3A_1266 {strides = array<i32>} : memref<3x128x128xf32, #tpu.memory_space<vmem>>, vector<16xf32>,
        %parallel_loop3A_1276 = vector.shape_cast %parallel_loop3A_1239 : vector<16xi32> to vector<16x1xi32>
        %parallel_loop3A_1277 = vector.shape_cast %parallel_loop3A_1276 : vector<16x1xi32> to vector<16xi32>
        %parallel_loop3A_1278 = tpu.dynamic_gather %get3A_17[%parallel_loop3A_1277] in [0] : vector<16xf32>, vector<16xi32> -> vector<16xf32>
        %parallel_loop3A_1279 = arith.constant 4 : i32
        %parallel_loop3A_1280 = arith.muli %parallel_loop3A_1128, %parallel_loop3A_1279 : i32
        %parallel_loop3A_1281 = arith.constant 3 : i32
        %parallel_loop3A_1282 = arith.addi %parallel_loop3A_1280, %parallel_loop3A_1281 : i32
        %parallel_loop3A_1283 = arith.constant 1 : i32
        %parallel_loop3A_1284 = arith.index_cast %parallel_loop3A_1283 : i32 to index
        %parallel_loop3A_1285 = arith.index_cast %parallel_loop3A_1282 : i32 to index
        %parallel_loop3A_1286 = arith.constant 32 : index
        %parallel_loop3A_1287 = tpu.vector_load %arg7[%parallel_loop3A_1284, %parallel_loop3A_1285, %parallel_loop3A_1286] {strides = array<i32>} : memref<3x128x128xf32, #tpu.memory_space<vmem>>, vector<16xf32>,
        tpu.vector_store %arg7[%parallel_loop3A_1284, %parallel_loop3A_1285, %parallel_loop3A_1286], %parallel_loop3A_1278 {strides = array<i32>} : memref<3x128x128xf32, #tpu.memory_space<vmem>>, vector<16xf32>,
        %parallel_loop3A_1288 = arith.constant 1 : i32
        %parallel_loop3A_1289 = arith.index_cast %parallel_loop3A_1288 : i32 to index
        %parallel_loop3A_1290 = arith.index_cast %parallel_loop3A_1128 : i32 to index
        %parallel_loop3A_1291 = arith.constant 48 : index
        %parallel_loop3A_1292 = tpu.vector_load %arg6[%parallel_loop3A_1289, %parallel_loop3A_1290, %parallel_loop3A_1291] {strides = array<i32>} : memref<3x32x128xi32, #tpu.memory_space<vmem>>, vector<16xi32>,
        %parallel_loop3A_1293 = vector.shape_cast %parallel_loop3A_1292 : vector<16xi32> to vector<16x1xi32>
        %parallel_loop3A_1294 = vector.shape_cast %parallel_loop3A_1293 : vector<16x1xi32> to vector<16xi32>
        %parallel_loop3A_1295 = tpu.dynamic_gather %get3A_5[%parallel_loop3A_1294] in [0] : vector<16xf32>, vector<16xi32> -> vector<16xf32>
        %parallel_loop3A_1296 = arith.constant 4 : i32
        %parallel_loop3A_1297 = arith.muli %parallel_loop3A_1128, %parallel_loop3A_1296 : i32
        %parallel_loop3A_1298 = arith.constant 0 : i32
        %parallel_loop3A_1299 = arith.addi %parallel_loop3A_1297, %parallel_loop3A_1298 : i32
        %parallel_loop3A_1300 = arith.constant 1 : i32
        %parallel_loop3A_1301 = arith.index_cast %parallel_loop3A_1300 : i32 to index
        %parallel_loop3A_1302 = arith.index_cast %parallel_loop3A_1299 : i32 to index
        %parallel_loop3A_1303 = arith.constant 48 : index
        %parallel_loop3A_1304 = tpu.vector_load %arg7[%parallel_loop3A_1301, %parallel_loop3A_1302, %parallel_loop3A_1303] {strides = array<i32>} : memref<3x128x128xf32, #tpu.memory_space<vmem>>, vector<16xf32>,
        tpu.vector_store %arg7[%parallel_loop3A_1301, %parallel_loop3A_1302, %parallel_loop3A_1303], %parallel_loop3A_1295 {strides = array<i32>} : memref<3x128x128xf32, #tpu.memory_space<vmem>>, vector<16xf32>,
        %parallel_loop3A_1305 = vector.shape_cast %parallel_loop3A_1292 : vector<16xi32> to vector<16x1xi32>
        %parallel_loop3A_1306 = vector.shape_cast %parallel_loop3A_1305 : vector<16x1xi32> to vector<16xi32>
        %parallel_loop3A_1307 = tpu.dynamic_gather %get3A_9[%parallel_loop3A_1306] in [0] : vector<16xf32>, vector<16xi32> -> vector<16xf32>
        %parallel_loop3A_1308 = arith.constant 4 : i32
        %parallel_loop3A_1309 = arith.muli %parallel_loop3A_1128, %parallel_loop3A_1308 : i32
        %parallel_loop3A_1310 = arith.constant 1 : i32
        %parallel_loop3A_1311 = arith.addi %parallel_loop3A_1309, %parallel_loop3A_1310 : i32
        %parallel_loop3A_1312 = arith.constant 1 : i32
        %parallel_loop3A_1313 = arith.index_cast %parallel_loop3A_1312 : i32 to index
        %parallel_loop3A_1314 = arith.index_cast %parallel_loop3A_1311 : i32 to index
        %parallel_loop3A_1315 = arith.constant 48 : index
        %parallel_loop3A_1316 = tpu.vector_load %arg7[%parallel_loop3A_1313, %parallel_loop3A_1314, %parallel_loop3A_1315] {strides = array<i32>} : memref<3x128x128xf32, #tpu.memory_space<vmem>>, vector<16xf32>,
        tpu.vector_store %arg7[%parallel_loop3A_1313, %parallel_loop3A_1314, %parallel_loop3A_1315], %parallel_loop3A_1307 {strides = array<i32>} : memref<3x128x128xf32, #tpu.memory_space<vmem>>, vector<16xf32>,
        %parallel_loop3A_1317 = vector.shape_cast %parallel_loop3A_1292 : vector<16xi32> to vector<16x1xi32>
        %parallel_loop3A_1318 = vector.shape_cast %parallel_loop3A_1317 : vector<16x1xi32> to vector<16xi32>
        %parallel_loop3A_1319 = tpu.dynamic_gather %get3A_13[%parallel_loop3A_1318] in [0] : vector<16xf32>, vector<16xi32> -> vector<16xf32>
        %parallel_loop3A_1320 = arith.constant 4 : i32
        %parallel_loop3A_1321 = arith.muli %parallel_loop3A_1128, %parallel_loop3A_1320 : i32
        %parallel_loop3A_1322 = arith.constant 2 : i32
        %parallel_loop3A_1323 = arith.addi %parallel_loop3A_1321, %parallel_loop3A_1322 : i32
        %parallel_loop3A_1324 = arith.constant 1 : i32
        %parallel_loop3A_1325 = arith.index_cast %parallel_loop3A_1324 : i32 to index
        %parallel_loop3A_1326 = arith.index_cast %parallel_loop3A_1323 : i32 to index
        %parallel_loop3A_1327 = arith.constant 48 : index
        %parallel_loop3A_1328 = tpu.vector_load %arg7[%parallel_loop3A_1325, %parallel_loop3A_1326, %parallel_loop3A_1327] {strides = array<i32>} : memref<3x128x128xf32, #tpu.memory_space<vmem>>, vector<16xf32>,
        tpu.vector_store %arg7[%parallel_loop3A_1325, %parallel_loop3A_1326, %parallel_loop3A_1327], %parallel_loop3A_1319 {strides = array<i32>} : memref<3x128x128xf32, #tpu.memory_space<vmem>>, vector<16xf32>,
        %parallel_loop3A_1329 = vector.shape_cast %parallel_loop3A_1292 : vector<16xi32> to vector<16x1xi32>
        %parallel_loop3A_1330 = vector.shape_cast %parallel_loop3A_1329 : vector<16x1xi32> to vector<16xi32>
        %parallel_loop3A_1331 = tpu.dynamic_gather %get3A_17[%parallel_loop3A_1330] in [0] : vector<16xf32>, vector<16xi32> -> vector<16xf32>
        %parallel_loop3A_1332 = arith.constant 4 : i32
        %parallel_loop3A_1333 = arith.muli %parallel_loop3A_1128, %parallel_loop3A_1332 : i32
        %parallel_loop3A_1334 = arith.constant 3 : i32
        %parallel_loop3A_1335 = arith.addi %parallel_loop3A_1333, %parallel_loop3A_1334 : i32
        %parallel_loop3A_1336 = arith.constant 1 : i32
        %parallel_loop3A_1337 = arith.index_cast %parallel_loop3A_1336 : i32 to index
        %parallel_loop3A_1338 = arith.index_cast %parallel_loop3A_1335 : i32 to index
        %parallel_loop3A_1339 = arith.constant 48 : index
        %parallel_loop3A_1340 = tpu.vector_load %arg7[%parallel_loop3A_1337, %parallel_loop3A_1338, %parallel_loop3A_1339] {strides = array<i32>} : memref<3x128x128xf32, #tpu.memory_space<vmem>>, vector<16xf32>,
        tpu.vector_store %arg7[%parallel_loop3A_1337, %parallel_loop3A_1338, %parallel_loop3A_1339], %parallel_loop3A_1331 {strides = array<i32>} : memref<3x128x128xf32, #tpu.memory_space<vmem>>, vector<16xf32>,
        %parallel_loop3A_1341 = arith.constant 1 : i32
        %parallel_loop3A_1342 = arith.index_cast %parallel_loop3A_1341 : i32 to index
        %parallel_loop3A_1343 = arith.index_cast %parallel_loop3A_1128 : i32 to index
        %parallel_loop3A_1344 = arith.constant 64 : index
        %parallel_loop3A_1345 = tpu.vector_load %arg6[%parallel_loop3A_1342, %parallel_loop3A_1343, %parallel_loop3A_1344] {strides = array<i32>} : memref<3x32x128xi32, #tpu.memory_space<vmem>>, vector<16xi32>,
        %parallel_loop3A_1346 = vector.shape_cast %parallel_loop3A_1345 : vector<16xi32> to vector<16x1xi32>
        %parallel_loop3A_1347 = vector.shape_cast %parallel_loop3A_1346 : vector<16x1xi32> to vector<16xi32>
        %parallel_loop3A_1348 = tpu.dynamic_gather %get3A_5[%parallel_loop3A_1347] in [0] : vector<16xf32>, vector<16xi32> -> vector<16xf32>
        %parallel_loop3A_1349 = arith.constant 4 : i32
        %parallel_loop3A_1350 = arith.muli %parallel_loop3A_1128, %parallel_loop3A_1349 : i32
        %parallel_loop3A_1351 = arith.constant 0 : i32
        %parallel_loop3A_1352 = arith.addi %parallel_loop3A_1350, %parallel_loop3A_1351 : i32
        %parallel_loop3A_1353 = arith.constant 1 : i32
        %parallel_loop3A_1354 = arith.index_cast %parallel_loop3A_1353 : i32 to index
        %parallel_loop3A_1355 = arith.index_cast %parallel_loop3A_1352 : i32 to index
        %parallel_loop3A_1356 = arith.constant 64 : index
        %parallel_loop3A_1357 = tpu.vector_load %arg7[%parallel_loop3A_1354, %parallel_loop3A_1355, %parallel_loop3A_1356] {strides = array<i32>} : memref<3x128x128xf32, #tpu.memory_space<vmem>>, vector<16xf32>,
        tpu.vector_store %arg7[%parallel_loop3A_1354, %parallel_loop3A_1355, %parallel_loop3A_1356], %parallel_loop3A_1348 {strides = array<i32>} : memref<3x128x128xf32, #tpu.memory_space<vmem>>, vector<16xf32>,
        %parallel_loop3A_1358 = vector.shape_cast %parallel_loop3A_1345 : vector<16xi32> to vector<16x1xi32>
        %parallel_loop3A_1359 = vector.shape_cast %parallel_loop3A_1358 : vector<16x1xi32> to vector<16xi32>
        %parallel_loop3A_1360 = tpu.dynamic_gather %get3A_9[%parallel_loop3A_1359] in [0] : vector<16xf32>, vector<16xi32> -> vector<16xf32>
        %parallel_loop3A_1361 = arith.constant 4 : i32
        %parallel_loop3A_1362 = arith.muli %parallel_loop3A_1128, %parallel_loop3A_1361 : i32
        %parallel_loop3A_1363 = arith.constant 1 : i32
        %parallel_loop3A_1364 = arith.addi %parallel_loop3A_1362, %parallel_loop3A_1363 : i32
        %parallel_loop3A_1365 = arith.constant 1 : i32
        %parallel_loop3A_1366 = arith.index_cast %parallel_loop3A_1365 : i32 to index
        %parallel_loop3A_1367 = arith.index_cast %parallel_loop3A_1364 : i32 to index
        %parallel_loop3A_1368 = arith.constant 64 : index
        %parallel_loop3A_1369 = tpu.vector_load %arg7[%parallel_loop3A_1366, %parallel_loop3A_1367, %parallel_loop3A_1368] {strides = array<i32>} : memref<3x128x128xf32, #tpu.memory_space<vmem>>, vector<16xf32>,
        tpu.vector_store %arg7[%parallel_loop3A_1366, %parallel_loop3A_1367, %parallel_loop3A_1368], %parallel_loop3A_1360 {strides = array<i32>} : memref<3x128x128xf32, #tpu.memory_space<vmem>>, vector<16xf32>,
        %parallel_loop3A_1370 = vector.shape_cast %parallel_loop3A_1345 : vector<16xi32> to vector<16x1xi32>
        %parallel_loop3A_1371 = vector.shape_cast %parallel_loop3A_1370 : vector<16x1xi32> to vector<16xi32>
        %parallel_loop3A_1372 = tpu.dynamic_gather %get3A_13[%parallel_loop3A_1371] in [0] : vector<16xf32>, vector<16xi32> -> vector<16xf32>
        %parallel_loop3A_1373 = arith.constant 4 : i32
        %parallel_loop3A_1374 = arith.muli %parallel_loop3A_1128, %parallel_loop3A_1373 : i32
        %parallel_loop3A_1375 = arith.constant 2 : i32
        %parallel_loop3A_1376 = arith.addi %parallel_loop3A_1374, %parallel_loop3A_1375 : i32
        %parallel_loop3A_1377 = arith.constant 1 : i32
        %parallel_loop3A_1378 = arith.index_cast %parallel_loop3A_1377 : i32 to index
        %parallel_loop3A_1379 = arith.index_cast %parallel_loop3A_1376 : i32 to index
        %parallel_loop3A_1380 = arith.constant 64 : index
        %parallel_loop3A_1381 = tpu.vector_load %arg7[%parallel_loop3A_1378, %parallel_loop3A_1379, %parallel_loop3A_1380] {strides = array<i32>} : memref<3x128x128xf32, #tpu.memory_space<vmem>>, vector<16xf32>,
        tpu.vector_store %arg7[%parallel_loop3A_1378, %parallel_loop3A_1379, %parallel_loop3A_1380], %parallel_loop3A_1372 {strides = array<i32>} : memref<3x128x128xf32, #tpu.memory_space<vmem>>, vector<16xf32>,
        %parallel_loop3A_1382 = vector.shape_cast %parallel_loop3A_1345 : vector<16xi32> to vector<16x1xi32>
        %parallel_loop3A_1383 = vector.shape_cast %parallel_loop3A_1382 : vector<16x1xi32> to vector<16xi32>
        %parallel_loop3A_1384 = tpu.dynamic_gather %get3A_17[%parallel_loop3A_1383] in [0] : vector<16xf32>, vector<16xi32> -> vector<16xf32>
        %parallel_loop3A_1385 = arith.constant 4 : i32
        %parallel_loop3A_1386 = arith.muli %parallel_loop3A_1128, %parallel_loop3A_1385 : i32
        %parallel_loop3A_1387 = arith.constant 3 : i32
        %parallel_loop3A_1388 = arith.addi %parallel_loop3A_1386, %parallel_loop3A_1387 : i32
        %parallel_loop3A_1389 = arith.constant 1 : i32
        %parallel_loop3A_1390 = arith.index_cast %parallel_loop3A_1389 : i32 to index
        %parallel_loop3A_1391 = arith.index_cast %parallel_loop3A_1388 : i32 to index
        %parallel_loop3A_1392 = arith.constant 64 : index
        %parallel_loop3A_1393 = tpu.vector_load %arg7[%parallel_loop3A_1390, %parallel_loop3A_1391, %parallel_loop3A_1392] {strides = array<i32>} : memref<3x128x128xf32, #tpu.memory_space<vmem>>, vector<16xf32>,
        tpu.vector_store %arg7[%parallel_loop3A_1390, %parallel_loop3A_1391, %parallel_loop3A_1392], %parallel_loop3A_1384 {strides = array<i32>} : memref<3x128x128xf32, #tpu.memory_space<vmem>>, vector<16xf32>,
        %parallel_loop3A_1394 = arith.constant 1 : i32
        %parallel_loop3A_1395 = arith.index_cast %parallel_loop3A_1394 : i32 to index
        %parallel_loop3A_1396 = arith.index_cast %parallel_loop3A_1128 : i32 to index
        %parallel_loop3A_1397 = arith.constant 80 : index
        %parallel_loop3A_1398 = tpu.vector_load %arg6[%parallel_loop3A_1395, %parallel_loop3A_1396, %parallel_loop3A_1397] {strides = array<i32>} : memref<3x32x128xi32, #tpu.memory_space<vmem>>, vector<16xi32>,
        %parallel_loop3A_1399 = vector.shape_cast %parallel_loop3A_1398 : vector<16xi32> to vector<16x1xi32>
        %parallel_loop3A_1400 = vector.shape_cast %parallel_loop3A_1399 : vector<16x1xi32> to vector<16xi32>
        %parallel_loop3A_1401 = tpu.dynamic_gather %get3A_5[%parallel_loop3A_1400] in [0] : vector<16xf32>, vector<16xi32> -> vector<16xf32>
        %parallel_loop3A_1402 = arith.constant 4 : i32
        %parallel_loop3A_1403 = arith.muli %parallel_loop3A_1128, %parallel_loop3A_1402 : i32
        %parallel_loop3A_1404 = arith.constant 0 : i32
        %parallel_loop3A_1405 = arith.addi %parallel_loop3A_1403, %parallel_loop3A_1404 : i32
        %parallel_loop3A_1406 = arith.constant 1 : i32
        %parallel_loop3A_1407 = arith.index_cast %parallel_loop3A_1406 : i32 to index
        %parallel_loop3A_1408 = arith.index_cast %parallel_loop3A_1405 : i32 to index
        %parallel_loop3A_1409 = arith.constant 80 : index
        %parallel_loop3A_1410 = tpu.vector_load %arg7[%parallel_loop3A_1407, %parallel_loop3A_1408, %parallel_loop3A_1409] {strides = array<i32>} : memref<3x128x128xf32, #tpu.memory_space<vmem>>, vector<16xf32>,
        tpu.vector_store %arg7[%parallel_loop3A_1407, %parallel_loop3A_1408, %parallel_loop3A_1409], %parallel_loop3A_1401 {strides = array<i32>} : memref<3x128x128xf32, #tpu.memory_space<vmem>>, vector<16xf32>,
        %parallel_loop3A_1411 = vector.shape_cast %parallel_loop3A_1398 : vector<16xi32> to vector<16x1xi32>
        %parallel_loop3A_1412 = vector.shape_cast %parallel_loop3A_1411 : vector<16x1xi32> to vector<16xi32>
        %parallel_loop3A_1413 = tpu.dynamic_gather %get3A_9[%parallel_loop3A_1412] in [0] : vector<16xf32>, vector<16xi32> -> vector<16xf32>
        %parallel_loop3A_1414 = arith.constant 4 : i32
        %parallel_loop3A_1415 = arith.muli %parallel_loop3A_1128, %parallel_loop3A_1414 : i32
        %parallel_loop3A_1416 = arith.constant 1 : i32
        %parallel_loop3A_1417 = arith.addi %parallel_loop3A_1415, %parallel_loop3A_1416 : i32
        %parallel_loop3A_1418 = arith.constant 1 : i32
        %parallel_loop3A_1419 = arith.index_cast %parallel_loop3A_1418 : i32 to index
        %parallel_loop3A_1420 = arith.index_cast %parallel_loop3A_1417 : i32 to index
        %parallel_loop3A_1421 = arith.constant 80 : index
        %parallel_loop3A_1422 = tpu.vector_load %arg7[%parallel_loop3A_1419, %parallel_loop3A_1420, %parallel_loop3A_1421] {strides = array<i32>} : memref<3x128x128xf32, #tpu.memory_space<vmem>>, vector<16xf32>,
        tpu.vector_store %arg7[%parallel_loop3A_1419, %parallel_loop3A_1420, %parallel_loop3A_1421], %parallel_loop3A_1413 {strides = array<i32>} : memref<3x128x128xf32, #tpu.memory_space<vmem>>, vector<16xf32>,
        %parallel_loop3A_1423 = vector.shape_cast %parallel_loop3A_1398 : vector<16xi32> to vector<16x1xi32>
        %parallel_loop3A_1424 = vector.shape_cast %parallel_loop3A_1423 : vector<16x1xi32> to vector<16xi32>
        %parallel_loop3A_1425 = tpu.dynamic_gather %get3A_13[%parallel_loop3A_1424] in [0] : vector<16xf32>, vector<16xi32> -> vector<16xf32>
        %parallel_loop3A_1426 = arith.constant 4 : i32
        %parallel_loop3A_1427 = arith.muli %parallel_loop3A_1128, %parallel_loop3A_1426 : i32
        %parallel_loop3A_1428 = arith.constant 2 : i32
        %parallel_loop3A_1429 = arith.addi %parallel_loop3A_1427, %parallel_loop3A_1428 : i32
        %parallel_loop3A_1430 = arith.constant 1 : i32
        %parallel_loop3A_1431 = arith.index_cast %parallel_loop3A_1430 : i32 to index
        %parallel_loop3A_1432 = arith.index_cast %parallel_loop3A_1429 : i32 to index
        %parallel_loop3A_1433 = arith.constant 80 : index
        %parallel_loop3A_1434 = tpu.vector_load %arg7[%parallel_loop3A_1431, %parallel_loop3A_1432, %parallel_loop3A_1433] {strides = array<i32>} : memref<3x128x128xf32, #tpu.memory_space<vmem>>, vector<16xf32>,
        tpu.vector_store %arg7[%parallel_loop3A_1431, %parallel_loop3A_1432, %parallel_loop3A_1433], %parallel_loop3A_1425 {strides = array<i32>} : memref<3x128x128xf32, #tpu.memory_space<vmem>>, vector<16xf32>,
        %parallel_loop3A_1435 = vector.shape_cast %parallel_loop3A_1398 : vector<16xi32> to vector<16x1xi32>
        %parallel_loop3A_1436 = vector.shape_cast %parallel_loop3A_1435 : vector<16x1xi32> to vector<16xi32>
        %parallel_loop3A_1437 = tpu.dynamic_gather %get3A_17[%parallel_loop3A_1436] in [0] : vector<16xf32>, vector<16xi32> -> vector<16xf32>
        %parallel_loop3A_1438 = arith.constant 4 : i32
        %parallel_loop3A_1439 = arith.muli %parallel_loop3A_1128, %parallel_loop3A_1438 : i32
        %parallel_loop3A_1440 = arith.constant 3 : i32
        %parallel_loop3A_1441 = arith.addi %parallel_loop3A_1439, %parallel_loop3A_1440 : i32
        %parallel_loop3A_1442 = arith.constant 1 : i32
        %parallel_loop3A_1443 = arith.index_cast %parallel_loop3A_1442 : i32 to index
        %parallel_loop3A_1444 = arith.index_cast %parallel_loop3A_1441 : i32 to index
        %parallel_loop3A_1445 = arith.constant 80 : index
        %parallel_loop3A_1446 = tpu.vector_load %arg7[%parallel_loop3A_1443, %parallel_loop3A_1444, %parallel_loop3A_1445] {strides = array<i32>} : memref<3x128x128xf32, #tpu.memory_space<vmem>>, vector<16xf32>,
        tpu.vector_store %arg7[%parallel_loop3A_1443, %parallel_loop3A_1444, %parallel_loop3A_1445], %parallel_loop3A_1437 {strides = array<i32>} : memref<3x128x128xf32, #tpu.memory_space<vmem>>, vector<16xf32>,
        %parallel_loop3A_1447 = arith.constant 1 : i32
        %parallel_loop3A_1448 = arith.index_cast %parallel_loop3A_1447 : i32 to index
        %parallel_loop3A_1449 = arith.index_cast %parallel_loop3A_1128 : i32 to index
        %parallel_loop3A_1450 = arith.constant 96 : index
        %parallel_loop3A_1451 = tpu.vector_load %arg6[%parallel_loop3A_1448, %parallel_loop3A_1449, %parallel_loop3A_1450] {strides = array<i32>} : memref<3x32x128xi32, #tpu.memory_space<vmem>>, vector<16xi32>,
        %parallel_loop3A_1452 = vector.shape_cast %parallel_loop3A_1451 : vector<16xi32> to vector<16x1xi32>
        %parallel_loop3A_1453 = vector.shape_cast %parallel_loop3A_1452 : vector<16x1xi32> to vector<16xi32>
        %parallel_loop3A_1454 = tpu.dynamic_gather %get3A_5[%parallel_loop3A_1453] in [0] : vector<16xf32>, vector<16xi32> -> vector<16xf32>
        %parallel_loop3A_1455 = arith.constant 4 : i32
        %parallel_loop3A_1456 = arith.muli %parallel_loop3A_1128, %parallel_loop3A_1455 : i32
        %parallel_loop3A_1457 = arith.constant 0 : i32
        %parallel_loop3A_1458 = arith.addi %parallel_loop3A_1456, %parallel_loop3A_1457 : i32
        %parallel_loop3A_1459 = arith.constant 1 : i32
        %parallel_loop3A_1460 = arith.index_cast %parallel_loop3A_1459 : i32 to index
        %parallel_loop3A_1461 = arith.index_cast %parallel_loop3A_1458 : i32 to index
        %parallel_loop3A_1462 = arith.constant 96 : index
        %parallel_loop3A_1463 = tpu.vector_load %arg7[%parallel_loop3A_1460, %parallel_loop3A_1461, %parallel_loop3A_1462] {strides = array<i32>} : memref<3x128x128xf32, #tpu.memory_space<vmem>>, vector<16xf32>,
        tpu.vector_store %arg7[%parallel_loop3A_1460, %parallel_loop3A_1461, %parallel_loop3A_1462], %parallel_loop3A_1454 {strides = array<i32>} : memref<3x128x128xf32, #tpu.memory_space<vmem>>, vector<16xf32>,
        %parallel_loop3A_1464 = vector.shape_cast %parallel_loop3A_1451 : vector<16xi32> to vector<16x1xi32>
        %parallel_loop3A_1465 = vector.shape_cast %parallel_loop3A_1464 : vector<16x1xi32> to vector<16xi32>
        %parallel_loop3A_1466 = tpu.dynamic_gather %get3A_9[%parallel_loop3A_1465] in [0] : vector<16xf32>, vector<16xi32> -> vector<16xf32>
        %parallel_loop3A_1467 = arith.constant 4 : i32
        %parallel_loop3A_1468 = arith.muli %parallel_loop3A_1128, %parallel_loop3A_1467 : i32
        %parallel_loop3A_1469 = arith.constant 1 : i32
        %parallel_loop3A_1470 = arith.addi %parallel_loop3A_1468, %parallel_loop3A_1469 : i32
        %parallel_loop3A_1471 = arith.constant 1 : i32
        %parallel_loop3A_1472 = arith.index_cast %parallel_loop3A_1471 : i32 to index
        %parallel_loop3A_1473 = arith.index_cast %parallel_loop3A_1470 : i32 to index
        %parallel_loop3A_1474 = arith.constant 96 : index
        %parallel_loop3A_1475 = tpu.vector_load %arg7[%parallel_loop3A_1472, %parallel_loop3A_1473, %parallel_loop3A_1474] {strides = array<i32>} : memref<3x128x128xf32, #tpu.memory_space<vmem>>, vector<16xf32>,
        tpu.vector_store %arg7[%parallel_loop3A_1472, %parallel_loop3A_1473, %parallel_loop3A_1474], %parallel_loop3A_1466 {strides = array<i32>} : memref<3x128x128xf32, #tpu.memory_space<vmem>>, vector<16xf32>,
        %parallel_loop3A_1476 = vector.shape_cast %parallel_loop3A_1451 : vector<16xi32> to vector<16x1xi32>
        %parallel_loop3A_1477 = vector.shape_cast %parallel_loop3A_1476 : vector<16x1xi32> to vector<16xi32>
        %parallel_loop3A_1478 = tpu.dynamic_gather %get3A_13[%parallel_loop3A_1477] in [0] : vector<16xf32>, vector<16xi32> -> vector<16xf32>
        %parallel_loop3A_1479 = arith.constant 4 : i32
        %parallel_loop3A_1480 = arith.muli %parallel_loop3A_1128, %parallel_loop3A_1479 : i32
        %parallel_loop3A_1481 = arith.constant 2 : i32
        %parallel_loop3A_1482 = arith.addi %parallel_loop3A_1480, %parallel_loop3A_1481 : i32
        %parallel_loop3A_1483 = arith.constant 1 : i32
        %parallel_loop3A_1484 = arith.index_cast %parallel_loop3A_1483 : i32 to index
        %parallel_loop3A_1485 = arith.index_cast %parallel_loop3A_1482 : i32 to index
        %parallel_loop3A_1486 = arith.constant 96 : index
        %parallel_loop3A_1487 = tpu.vector_load %arg7[%parallel_loop3A_1484, %parallel_loop3A_1485, %parallel_loop3A_1486] {strides = array<i32>} : memref<3x128x128xf32, #tpu.memory_space<vmem>>, vector<16xf32>,
        tpu.vector_store %arg7[%parallel_loop3A_1484, %parallel_loop3A_1485, %parallel_loop3A_1486], %parallel_loop3A_1478 {strides = array<i32>} : memref<3x128x128xf32, #tpu.memory_space<vmem>>, vector<16xf32>,
        %parallel_loop3A_1488 = vector.shape_cast %parallel_loop3A_1451 : vector<16xi32> to vector<16x1xi32>
        %parallel_loop3A_1489 = vector.shape_cast %parallel_loop3A_1488 : vector<16x1xi32> to vector<16xi32>
        %parallel_loop3A_1490 = tpu.dynamic_gather %get3A_17[%parallel_loop3A_1489] in [0] : vector<16xf32>, vector<16xi32> -> vector<16xf32>
        %parallel_loop3A_1491 = arith.constant 4 : i32
        %parallel_loop3A_1492 = arith.muli %parallel_loop3A_1128, %parallel_loop3A_1491 : i32
        %parallel_loop3A_1493 = arith.constant 3 : i32
        %parallel_loop3A_1494 = arith.addi %parallel_loop3A_1492, %parallel_loop3A_1493 : i32
        %parallel_loop3A_1495 = arith.constant 1 : i32
        %parallel_loop3A_1496 = arith.index_cast %parallel_loop3A_1495 : i32 to index
        %parallel_loop3A_1497 = arith.index_cast %parallel_loop3A_1494 : i32 to index
        %parallel_loop3A_1498 = arith.constant 96 : index
        %parallel_loop3A_1499 = tpu.vector_load %arg7[%parallel_loop3A_1496, %parallel_loop3A_1497, %parallel_loop3A_1498] {strides = array<i32>} : memref<3x128x128xf32, #tpu.memory_space<vmem>>, vector<16xf32>,
        tpu.vector_store %arg7[%parallel_loop3A_1496, %parallel_loop3A_1497, %parallel_loop3A_1498], %parallel_loop3A_1490 {strides = array<i32>} : memref<3x128x128xf32, #tpu.memory_space<vmem>>, vector<16xf32>,
        %parallel_loop3A_1500 = arith.constant 1 : i32
        %parallel_loop3A_1501 = arith.index_cast %parallel_loop3A_1500 : i32 to index
        %parallel_loop3A_1502 = arith.index_cast %parallel_loop3A_1128 : i32 to index
        %parallel_loop3A_1503 = arith.constant 112 : index
        %parallel_loop3A_1504 = tpu.vector_load %arg6[%parallel_loop3A_1501, %parallel_loop3A_1502, %parallel_loop3A_1503] {strides = array<i32>} : memref<3x32x128xi32, #tpu.memory_space<vmem>>, vector<16xi32>,
        %parallel_loop3A_1505 = vector.shape_cast %parallel_loop3A_1504 : vector<16xi32> to vector<16x1xi32>
        %parallel_loop3A_1506 = vector.shape_cast %parallel_loop3A_1505 : vector<16x1xi32> to vector<16xi32>
        %parallel_loop3A_1507 = tpu.dynamic_gather %get3A_5[%parallel_loop3A_1506] in [0] : vector<16xf32>, vector<16xi32> -> vector<16xf32>
        %parallel_loop3A_1508 = arith.constant 4 : i32
        %parallel_loop3A_1509 = arith.muli %parallel_loop3A_1128, %parallel_loop3A_1508 : i32
        %parallel_loop3A_1510 = arith.constant 0 : i32
        %parallel_loop3A_1511 = arith.addi %parallel_loop3A_1509, %parallel_loop3A_1510 : i32
        %parallel_loop3A_1512 = arith.constant 1 : i32
        %parallel_loop3A_1513 = arith.index_cast %parallel_loop3A_1512 : i32 to index
        %parallel_loop3A_1514 = arith.index_cast %parallel_loop3A_1511 : i32 to index
        %parallel_loop3A_1515 = arith.constant 112 : index
        %parallel_loop3A_1516 = tpu.vector_load %arg7[%parallel_loop3A_1513, %parallel_loop3A_1514, %parallel_loop3A_1515] {strides = array<i32>} : memref<3x128x128xf32, #tpu.memory_space<vmem>>, vector<16xf32>,
        tpu.vector_store %arg7[%parallel_loop3A_1513, %parallel_loop3A_1514, %parallel_loop3A_1515], %parallel_loop3A_1507 {strides = array<i32>} : memref<3x128x128xf32, #tpu.memory_space<vmem>>, vector<16xf32>,
        %parallel_loop3A_1517 = vector.shape_cast %parallel_loop3A_1504 : vector<16xi32> to vector<16x1xi32>
        %parallel_loop3A_1518 = vector.shape_cast %parallel_loop3A_1517 : vector<16x1xi32> to vector<16xi32>
        %parallel_loop3A_1519 = tpu.dynamic_gather %get3A_9[%parallel_loop3A_1518] in [0] : vector<16xf32>, vector<16xi32> -> vector<16xf32>
        %parallel_loop3A_1520 = arith.constant 4 : i32
        %parallel_loop3A_1521 = arith.muli %parallel_loop3A_1128, %parallel_loop3A_1520 : i32
        %parallel_loop3A_1522 = arith.constant 1 : i32
        %parallel_loop3A_1523 = arith.addi %parallel_loop3A_1521, %parallel_loop3A_1522 : i32
        %parallel_loop3A_1524 = arith.constant 1 : i32
        %parallel_loop3A_1525 = arith.index_cast %parallel_loop3A_1524 : i32 to index
        %parallel_loop3A_1526 = arith.index_cast %parallel_loop3A_1523 : i32 to index
        %parallel_loop3A_1527 = arith.constant 112 : index
        %parallel_loop3A_1528 = tpu.vector_load %arg7[%parallel_loop3A_1525, %parallel_loop3A_1526, %parallel_loop3A_1527] {strides = array<i32>} : memref<3x128x128xf32, #tpu.memory_space<vmem>>, vector<16xf32>,
        tpu.vector_store %arg7[%parallel_loop3A_1525, %parallel_loop3A_1526, %parallel_loop3A_1527], %parallel_loop3A_1519 {strides = array<i32>} : memref<3x128x128xf32, #tpu.memory_space<vmem>>, vector<16xf32>,
        %parallel_loop3A_1529 = vector.shape_cast %parallel_loop3A_1504 : vector<16xi32> to vector<16x1xi32>
        %parallel_loop3A_1530 = vector.shape_cast %parallel_loop3A_1529 : vector<16x1xi32> to vector<16xi32>
        %parallel_loop3A_1531 = tpu.dynamic_gather %get3A_13[%parallel_loop3A_1530] in [0] : vector<16xf32>, vector<16xi32> -> vector<16xf32>
        %parallel_loop3A_1532 = arith.constant 4 : i32
        %parallel_loop3A_1533 = arith.muli %parallel_loop3A_1128, %parallel_loop3A_1532 : i32
        %parallel_loop3A_1534 = arith.constant 2 : i32
        %parallel_loop3A_1535 = arith.addi %parallel_loop3A_1533, %parallel_loop3A_1534 : i32
        %parallel_loop3A_1536 = arith.constant 1 : i32
        %parallel_loop3A_1537 = arith.index_cast %parallel_loop3A_1536 : i32 to index
        %parallel_loop3A_1538 = arith.index_cast %parallel_loop3A_1535 : i32 to index
        %parallel_loop3A_1539 = arith.constant 112 : index
        %parallel_loop3A_1540 = tpu.vector_load %arg7[%parallel_loop3A_1537, %parallel_loop3A_1538, %parallel_loop3A_1539] {strides = array<i32>} : memref<3x128x128xf32, #tpu.memory_space<vmem>>, vector<16xf32>,
        tpu.vector_store %arg7[%parallel_loop3A_1537, %parallel_loop3A_1538, %parallel_loop3A_1539], %parallel_loop3A_1531 {strides = array<i32>} : memref<3x128x128xf32, #tpu.memory_space<vmem>>, vector<16xf32>,
        %parallel_loop3A_1541 = vector.shape_cast %parallel_loop3A_1504 : vector<16xi32> to vector<16x1xi32>
        %parallel_loop3A_1542 = vector.shape_cast %parallel_loop3A_1541 : vector<16x1xi32> to vector<16xi32>
        %parallel_loop3A_1543 = tpu.dynamic_gather %get3A_17[%parallel_loop3A_1542] in [0] : vector<16xf32>, vector<16xi32> -> vector<16xf32>
        %parallel_loop3A_1544 = arith.constant 4 : i32
        %parallel_loop3A_1545 = arith.muli %parallel_loop3A_1128, %parallel_loop3A_1544 : i32
        %parallel_loop3A_1546 = arith.constant 3 : i32
        %parallel_loop3A_1547 = arith.addi %parallel_loop3A_1545, %parallel_loop3A_1546 : i32
        %parallel_loop3A_1548 = arith.constant 1 : i32
        %parallel_loop3A_1549 = arith.index_cast %parallel_loop3A_1548 : i32 to index
        %parallel_loop3A_1550 = arith.index_cast %parallel_loop3A_1547 : i32 to index
        %parallel_loop3A_1551 = arith.constant 112 : index
        %parallel_loop3A_1552 = tpu.vector_load %arg7[%parallel_loop3A_1549, %parallel_loop3A_1550, %parallel_loop3A_1551] {strides = array<i32>} : memref<3x128x128xf32, #tpu.memory_space<vmem>>, vector<16xf32>,
        tpu.vector_store %arg7[%parallel_loop3A_1549, %parallel_loop3A_1550, %parallel_loop3A_1551], %parallel_loop3A_1543 {strides = array<i32>} : memref<3x128x128xf32, #tpu.memory_space<vmem>>, vector<16xf32>,
      } {sc.loop_unroll_factor = 8 : i64, sc.parallel_access}
      %add3A_895 = arith.addi %mul3A_2, %add3A_781 : i32
      %jit3A_896 = arith.constant 4 : i32
      %div3A_897 = arith.divsi %add3A_895, %jit3A_896 : i32
      %sign3A_898 = arith.constant 0 : i32
      %sign3A_899 = arith.cmpi sgt, %add3A_895, %sign3A_898 : i32
      %sign3A_900 = arith.extui %sign3A_899 : i1 to i32
      %sign3A_901 = arith.constant 0 : i32
      %sign3A_902 = arith.cmpi slt, %add3A_895, %sign3A_901 : i32
      %sign3A_903 = arith.extui %sign3A_902 : i1 to i32
      %sign3A_904 = arith.subi %sign3A_900, %sign3A_903 : i32
      %sign3A_905 = arith.constant 0 : i32
      %sign3A_906 = arith.cmpi sgt, %jit3A_896, %sign3A_905 : i32
      %sign3A_907 = arith.extui %sign3A_906 : i1 to i32
      %sign3A_908 = arith.constant 0 : i32
      %sign3A_909 = arith.cmpi slt, %jit3A_896, %sign3A_908 : i32
      %sign3A_910 = arith.extui %sign3A_909 : i1 to i32
      %sign3A_911 = arith.subi %sign3A_907, %sign3A_910 : i32
      %ne3A_912 = arith.cmpi ne, %sign3A_904, %sign3A_911 : i32
      %rem3A_913 = arith.remsi %add3A_895, %jit3A_896 : i32
      %ne3A_914 = arith.constant 0 : i32
      %ne3A_915 = arith.cmpi ne, %rem3A_913, %ne3A_914 : i32
      %and3A_916 = arith.andi %ne3A_912, %ne3A_915 : i1
      %sub3A_917 = arith.constant 1 : i32
      %sub3A_918 = arith.subi %div3A_897, %sub3A_917 : i32
      %select_n3A_919 = arith.select %and3A_916, %sub3A_918, %div3A_897 : i32
      %jit3A_920 = arith.constant 4 : i32
      %eq3A_921 = arith.constant 0 : i32
      %eq3A_922 = arith.cmpi eq, %jit3A_920, %eq3A_921 : i32
      %jit3A_923 = arith.constant 1 : i32
      %select_n3A_924 = arith.select %eq3A_922, %jit3A_923, %jit3A_920 : i32
      %rem3A_925 = arith.remsi %add3A_895, %select_n3A_924 : i32
      %ne3A_926 = arith.constant 0 : i32
      %ne3A_927 = arith.cmpi ne, %rem3A_925, %ne3A_926 : i32
      %lt3A_928 = arith.constant 0 : i32
      %lt3A_929 = arith.cmpi slt, %rem3A_925, %lt3A_928 : i32
      %lt3A_930 = arith.constant 0 : i32
      %lt3A_931 = arith.cmpi slt, %select_n3A_924, %lt3A_930 : i32
      %ne3A_932 = arith.xori %lt3A_929, %lt3A_931 : i1
      %and3A_933 = arith.andi %ne3A_932, %ne3A_927 : i1
      %add3A_934 = arith.addi %rem3A_925, %select_n3A_924 : i32
      %select_n3A_935 = arith.select %and3A_933, %add3A_934, %rem3A_925 : i32
      %mul3A_936 = arith.constant 128 : i32
      %mul3A_937 = arith.muli %select_n3A_935, %mul3A_936 : i32
      %dma_start3A_938 = arith.constant 1 : i32
      %dma_start3A_939 = arith.constant 0 : i32
      %dma_start3A_940 = arith.constant 0 : i32
      %dma_start3A_941 = tpu.memref_slice %arg7[%dma_start3A_938, %dma_start3A_939, %dma_start3A_940] : memref<3x128x128xf32, #tpu.memory_space<vmem>> -> memref<1x128x128xf32, #tpu.memory_space<vmem>>
      %dma_start3A_942 = tpu.memref_squeeze %dma_start3A_941 : memref<1x128x128xf32, #tpu.memory_space<vmem>> -> memref<128x128xf32, #tpu.memory_space<vmem>>
      %dma_start3A_943 = arith.constant 0 : i32
      %dma_start3A_944 = tpu.memref_slice %arg4[%select_n3A_919, %mul3A_937, %dma_start3A_943] : memref<200x512x128xf32, #tpu.memory_space<hbm>> -> memref<1x128x128xf32, #tpu.memory_space<hbm>>
      %dma_start3A_945 = tpu.memref_squeeze %dma_start3A_944 : memref<1x128x128xf32, #tpu.memory_space<hbm>> -> memref<128x128xf32, #tpu.memory_space<hbm>>
      %dma_start3A_946 = arith.constant 0 : i32
      %dma_start3A_947 = tpu.memref_slice %arg4[%select_n3A_919, %mul3A_937, %dma_start3A_946] : memref<200x512x128xf32, #tpu.memory_space<hbm>> -> memref<1x128x128xf32, #tpu.memory_space<hbm>>
      %dma_start3A_948 = tpu.memref_squeeze %dma_start3A_947 : memref<1x128x128xf32, #tpu.memory_space<hbm>> -> memref<128x128xf32, #tpu.memory_space<hbm>>
      %dma_start3A_949 = arith.constant 0 : i32
      %dma_start3A_950 = arith.constant 0 : i32
      %dma_start3A_951 = tpu.memref_slice %arg7[%dma_start3A_938, %dma_start3A_949, %dma_start3A_950] : memref<3x128x128xf32, #tpu.memory_space<vmem>> -> memref<1x128x128xf32, #tpu.memory_space<vmem>>
      %dma_start3A_952 = tpu.memref_squeeze %dma_start3A_951 : memref<1x128x128xf32, #tpu.memory_space<vmem>> -> memref<128x128xf32, #tpu.memory_space<vmem>>
      tpu.enqueue_dma source(%dma_start3A_952 : memref<128x128xf32, #tpu.memory_space<vmem>>) target(%dma_start3A_948 : memref<128x128xf32, #tpu.memory_space<hbm>>) target_semaphore(%arg12 : memref<!tpu.dma_semaphore, #tpu.memory_space<semaphore_mem>>)
      %mul3A_953 = arith.constant 3 : i32
      %mul3A_954 = arith.muli %mul3A_953, %scan3A_605 : i32
      %add3A_955 = arith.constant 2 : i32
      %add3A_956 = arith.addi %mul3A_954, %add3A_955 : i32
      %add3A_957 = arith.addi %mul3A_2, %add3A_956 : i32
      %jit3A_958 = arith.constant 4 : i32
      %div3A_959 = arith.divsi %add3A_957, %jit3A_958 : i32
      %sign3A_960 = arith.constant 0 : i32
      %sign3A_961 = arith.cmpi sgt, %add3A_957, %sign3A_960 : i32
      %sign3A_962 = arith.extui %sign3A_961 : i1 to i32
      %sign3A_963 = arith.constant 0 : i32
      %sign3A_964 = arith.cmpi slt, %add3A_957, %sign3A_963 : i32
      %sign3A_965 = arith.extui %sign3A_964 : i1 to i32
      %sign3A_966 = arith.subi %sign3A_962, %sign3A_965 : i32
      %sign3A_967 = arith.constant 0 : i32
      %sign3A_968 = arith.cmpi sgt, %jit3A_958, %sign3A_967 : i32
      %sign3A_969 = arith.extui %sign3A_968 : i1 to i32
      %sign3A_970 = arith.constant 0 : i32
      %sign3A_971 = arith.cmpi slt, %jit3A_958, %sign3A_970 : i32
      %sign3A_972 = arith.extui %sign3A_971 : i1 to i32
      %sign3A_973 = arith.subi %sign3A_969, %sign3A_972 : i32
      %ne3A_974 = arith.cmpi ne, %sign3A_966, %sign3A_973 : i32
      %rem3A_975 = arith.remsi %add3A_957, %jit3A_958 : i32
      %ne3A_976 = arith.constant 0 : i32
      %ne3A_977 = arith.cmpi ne, %rem3A_975, %ne3A_976 : i32
      %and3A_978 = arith.andi %ne3A_974, %ne3A_977 : i1
      %sub3A_979 = arith.constant 1 : i32
      %sub3A_980 = arith.subi %div3A_959, %sub3A_979 : i32
      %select_n3A_981 = arith.select %and3A_978, %sub3A_980, %div3A_959 : i32
      %jit3A_982 = arith.constant 8 : i32
      %div3A_983 = arith.divsi %select_n3A_981, %jit3A_982 : i32
      %sign3A_984 = arith.constant 0 : i32
      %sign3A_985 = arith.cmpi sgt, %select_n3A_981, %sign3A_984 : i32
      %sign3A_986 = arith.extui %sign3A_985 : i1 to i32
      %sign3A_987 = arith.constant 0 : i32
      %sign3A_988 = arith.cmpi slt, %select_n3A_981, %sign3A_987 : i32
      %sign3A_989 = arith.extui %sign3A_988 : i1 to i32
      %sign3A_990 = arith.subi %sign3A_986, %sign3A_989 : i32
      %sign3A_991 = arith.constant 0 : i32
      %sign3A_992 = arith.cmpi sgt, %jit3A_982, %sign3A_991 : i32
      %sign3A_993 = arith.extui %sign3A_992 : i1 to i32
      %sign3A_994 = arith.constant 0 : i32
      %sign3A_995 = arith.cmpi slt, %jit3A_982, %sign3A_994 : i32
      %sign3A_996 = arith.extui %sign3A_995 : i1 to i32
      %sign3A_997 = arith.subi %sign3A_993, %sign3A_996 : i32
      %ne3A_998 = arith.cmpi ne, %sign3A_990, %sign3A_997 : i32
      %rem3A_999 = arith.remsi %select_n3A_981, %jit3A_982 : i32
      %ne3A_1000 = arith.constant 0 : i32
      %ne3A_1001 = arith.cmpi ne, %rem3A_999, %ne3A_1000 : i32
      %and3A_1002 = arith.andi %ne3A_998, %ne3A_1001 : i1
      %sub3A_1003 = arith.constant 1 : i32
      %sub3A_1004 = arith.subi %div3A_983, %sub3A_1003 : i32
      %select_n3A_1005 = arith.select %and3A_1002, %sub3A_1004, %div3A_983 : i32
      %jit3A_1006 = arith.constant 4 : i32
      %eq3A_1007 = arith.constant 0 : i32
      %eq3A_1008 = arith.cmpi eq, %jit3A_1006, %eq3A_1007 : i32
      %jit3A_1009 = arith.constant 1 : i32
      %select_n3A_1010 = arith.select %eq3A_1008, %jit3A_1009, %jit3A_1006 : i32
      %rem3A_1011 = arith.remsi %add3A_957, %select_n3A_1010 : i32
      %ne3A_1012 = arith.constant 0 : i32
      %ne3A_1013 = arith.cmpi ne, %rem3A_1011, %ne3A_1012 : i32
      %lt3A_1014 = arith.constant 0 : i32
      %lt3A_1015 = arith.cmpi slt, %rem3A_1011, %lt3A_1014 : i32
      %lt3A_1016 = arith.constant 0 : i32
      %lt3A_1017 = arith.cmpi slt, %select_n3A_1010, %lt3A_1016 : i32
      %ne3A_1018 = arith.xori %lt3A_1015, %lt3A_1017 : i1
      %and3A_1019 = arith.andi %ne3A_1018, %ne3A_1013 : i1
      %add3A_1020 = arith.addi %rem3A_1011, %select_n3A_1010 : i32
      %select_n3A_1021 = arith.select %and3A_1019, %add3A_1020, %rem3A_1011 : i32
      %mul3A_1022 = arith.constant 32 : i32
      %mul3A_1023 = arith.muli %select_n3A_1021, %mul3A_1022 : i32
      %jit3A_1024 = arith.constant 8 : i32
      %eq3A_1025 = arith.constant 0 : i32
      %eq3A_1026 = arith.cmpi eq, %jit3A_1024, %eq3A_1025 : i32
      %jit3A_1027 = arith.constant 1 : i32
      %select_n3A_1028 = arith.select %eq3A_1026, %jit3A_1027, %jit3A_1024 : i32
      %rem3A_1029 = arith.remsi %select_n3A_981, %select_n3A_1028 : i32
      %ne3A_1030 = arith.constant 0 : i32
      %ne3A_1031 = arith.cmpi ne, %rem3A_1029, %ne3A_1030 : i32
      %lt3A_1032 = arith.constant 0 : i32
      %lt3A_1033 = arith.cmpi slt, %rem3A_1029, %lt3A_1032 : i32
      %lt3A_1034 = arith.constant 0 : i32
      %lt3A_1035 = arith.cmpi slt, %select_n3A_1028, %lt3A_1034 : i32
      %ne3A_1036 = arith.xori %lt3A_1033, %lt3A_1035 : i1
      %and3A_1037 = arith.andi %ne3A_1036, %ne3A_1031 : i1
      %add3A_1038 = arith.addi %rem3A_1029, %select_n3A_1028 : i32
      %select_n3A_1039 = arith.select %and3A_1037, %add3A_1038, %rem3A_1029 : i32
      %dma_wait3A_1040 = arith.constant 2 : i32
      %dma_wait3A_1041 = arith.constant 0 : i32
      %dma_wait3A_1042 = arith.constant 0 : i32
      %dma_wait3A_1043 = tpu.memref_slice %arg6[%dma_wait3A_1040, %dma_wait3A_1041, %dma_wait3A_1042] : memref<3x32x128xi32, #tpu.memory_space<vmem>> -> memref<1x32x128xi32, #tpu.memory_space<vmem>>
      %dma_wait3A_1044 = tpu.memref_squeeze %dma_wait3A_1043 : memref<1x32x128xi32, #tpu.memory_space<vmem>> -> memref<32x128xi32, #tpu.memory_space<vmem>>
      %dma_wait3A_1045 = arith.constant 0 : i32
      %dma_wait3A_1046 = tpu.memref_slice %arg2[%select_n3A_1005, %mul3A_1023, %select_n3A_1039, %dma_wait3A_1045] : memref<25x128x8x128xi32, #tpu.memory_space<hbm>> -> memref<1x32x1x128xi32, #tpu.memory_space<hbm>>
      %dma_wait3A_1047 = tpu.memref_squeeze %dma_wait3A_1046 : memref<1x32x1x128xi32, #tpu.memory_space<hbm>> -> memref<32x128xi32, #tpu.memory_space<hbm>>
      %dma_wait3A_1048 = arith.constant 0 : i32
      %dma_wait3A_1049 = arith.constant 0 : i32
      %dma_wait3A_1050 = tpu.memref_slice %arg6[%dma_wait3A_1040, %dma_wait3A_1048, %dma_wait3A_1049] : memref<3x32x128xi32, #tpu.memory_space<vmem>> -> memref<1x32x128xi32, #tpu.memory_space<vmem>>
      %dma_wait3A_1051 = tpu.memref_squeeze %dma_wait3A_1050 : memref<1x32x128xi32, #tpu.memory_space<vmem>> -> memref<32x128xi32, #tpu.memory_space<vmem>>
      %dma_wait3A_1052 = arith.constant 0 : i32
      %dma_wait3A_1053 = tpu.memref_slice %arg2[%select_n3A_1005, %mul3A_1023, %select_n3A_1039, %dma_wait3A_1052] : memref<25x128x8x128xi32, #tpu.memory_space<hbm>> -> memref<1x32x1x128xi32, #tpu.memory_space<hbm>>
      %dma_wait3A_1054 = tpu.memref_squeeze %dma_wait3A_1053 : memref<1x32x1x128xi32, #tpu.memory_space<hbm>> -> memref<32x128xi32, #tpu.memory_space<hbm>>
      tpu.wait_dma2 semaphore(%arg10 : memref<!tpu.dma_semaphore, #tpu.memory_space<semaphore_mem>>) src(%dma_wait3A_1054 : memref<32x128xi32, #tpu.memory_space<hbm>>) dst(%dma_wait3A_1051 : memref<32x128xi32, #tpu.memory_space<vmem>>)
      %add3A_1055 = arith.constant 2 : i32
      %add3A_1056 = arith.addi %add3A_956, %add3A_1055 : i32
      %lt3A_1057 = arith.constant 25 : i32
      %lt3A_1058 = arith.cmpi slt, %add3A_1056, %lt3A_1057 : i32
      %convert_element_type3A_1059 = arith.extui %lt3A_1058 : i1 to i32
      %cond3A_1060 = arith.constant 0 : i32
      %cond3A_1061 = arith.cmpi ne, %convert_element_type3A_1059, %cond3A_1060 : i32
      scf.if %cond3A_1061 {
        %add3A_1128 = arith.constant 2 : i32
        %add3A_1129 = arith.addi %add3A_956, %add3A_1128 : i32
        %add3A_1130 = arith.addi %mul3A_2, %add3A_1129 : i32
        %jit3A_1131 = arith.constant 4 : i32
        %div3A_1132 = arith.divsi %add3A_1130, %jit3A_1131 : i32
        %sign3A_1133 = arith.constant 0 : i32
        %sign3A_1134 = arith.cmpi sgt, %add3A_1130, %sign3A_1133 : i32
        %sign3A_1135 = arith.extui %sign3A_1134 : i1 to i32
        %sign3A_1136 = arith.constant 0 : i32
        %sign3A_1137 = arith.cmpi slt, %add3A_1130, %sign3A_1136 : i32
        %sign3A_1138 = arith.extui %sign3A_1137 : i1 to i32
        %sign3A_1139 = arith.subi %sign3A_1135, %sign3A_1138 : i32
        %sign3A_1140 = arith.constant 0 : i32
        %sign3A_1141 = arith.cmpi sgt, %jit3A_1131, %sign3A_1140 : i32
        %sign3A_1142 = arith.extui %sign3A_1141 : i1 to i32
        %sign3A_1143 = arith.constant 0 : i32
        %sign3A_1144 = arith.cmpi slt, %jit3A_1131, %sign3A_1143 : i32
        %sign3A_1145 = arith.extui %sign3A_1144 : i1 to i32
        %sign3A_1146 = arith.subi %sign3A_1142, %sign3A_1145 : i32
        %ne3A_1147 = arith.cmpi ne, %sign3A_1139, %sign3A_1146 : i32
        %rem3A_1148 = arith.remsi %add3A_1130, %jit3A_1131 : i32
        %ne3A_1149 = arith.constant 0 : i32
        %ne3A_1150 = arith.cmpi ne, %rem3A_1148, %ne3A_1149 : i32
        %and3A_1151 = arith.andi %ne3A_1147, %ne3A_1150 : i1
        %sub3A_1152 = arith.constant 1 : i32
        %sub3A_1153 = arith.subi %div3A_1132, %sub3A_1152 : i32
        %select_n3A_1154 = arith.select %and3A_1151, %sub3A_1153, %div3A_1132 : i32
        %jit3A_1155 = arith.constant 8 : i32
        %div3A_1156 = arith.divsi %select_n3A_1154, %jit3A_1155 : i32
        %sign3A_1157 = arith.constant 0 : i32
        %sign3A_1158 = arith.cmpi sgt, %select_n3A_1154, %sign3A_1157 : i32
        %sign3A_1159 = arith.extui %sign3A_1158 : i1 to i32
        %sign3A_1160 = arith.constant 0 : i32
        %sign3A_1161 = arith.cmpi slt, %select_n3A_1154, %sign3A_1160 : i32
        %sign3A_1162 = arith.extui %sign3A_1161 : i1 to i32
        %sign3A_1163 = arith.subi %sign3A_1159, %sign3A_1162 : i32
        %sign3A_1164 = arith.constant 0 : i32
        %sign3A_1165 = arith.cmpi sgt, %jit3A_1155, %sign3A_1164 : i32
        %sign3A_1166 = arith.extui %sign3A_1165 : i1 to i32
        %sign3A_1167 = arith.constant 0 : i32
        %sign3A_1168 = arith.cmpi slt, %jit3A_1155, %sign3A_1167 : i32
        %sign3A_1169 = arith.extui %sign3A_1168 : i1 to i32
        %sign3A_1170 = arith.subi %sign3A_1166, %sign3A_1169 : i32
        %ne3A_1171 = arith.cmpi ne, %sign3A_1163, %sign3A_1170 : i32
        %rem3A_1172 = arith.remsi %select_n3A_1154, %jit3A_1155 : i32
        %ne3A_1173 = arith.constant 0 : i32
        %ne3A_1174 = arith.cmpi ne, %rem3A_1172, %ne3A_1173 : i32
        %and3A_1175 = arith.andi %ne3A_1171, %ne3A_1174 : i1
        %sub3A_1176 = arith.constant 1 : i32
        %sub3A_1177 = arith.subi %div3A_1156, %sub3A_1176 : i32
        %select_n3A_1178 = arith.select %and3A_1175, %sub3A_1177, %div3A_1156 : i32
        %jit3A_1179 = arith.constant 4 : i32
        %eq3A_1180 = arith.constant 0 : i32
        %eq3A_1181 = arith.cmpi eq, %jit3A_1179, %eq3A_1180 : i32
        %jit3A_1182 = arith.constant 1 : i32
        %select_n3A_1183 = arith.select %eq3A_1181, %jit3A_1182, %jit3A_1179 : i32
        %rem3A_1184 = arith.remsi %add3A_1130, %select_n3A_1183 : i32
        %ne3A_1185 = arith.constant 0 : i32
        %ne3A_1186 = arith.cmpi ne, %rem3A_1184, %ne3A_1185 : i32
        %lt3A_1187 = arith.constant 0 : i32
        %lt3A_1188 = arith.cmpi slt, %rem3A_1184, %lt3A_1187 : i32
        %lt3A_1189 = arith.constant 0 : i32
        %lt3A_1190 = arith.cmpi slt, %select_n3A_1183, %lt3A_1189 : i32
        %ne3A_1191 = arith.xori %lt3A_1188, %lt3A_1190 : i1
        %and3A_1192 = arith.andi %ne3A_1191, %ne3A_1186 : i1
        %add3A_1193 = arith.addi %rem3A_1184, %select_n3A_1183 : i32
        %select_n3A_1194 = arith.select %and3A_1192, %add3A_1193, %rem3A_1184 : i32
        %mul3A_1195 = arith.constant 32 : i32
        %mul3A_1196 = arith.muli %select_n3A_1194, %mul3A_1195 : i32
        %jit3A_1197 = arith.constant 8 : i32
        %eq3A_1198 = arith.constant 0 : i32
        %eq3A_1199 = arith.cmpi eq, %jit3A_1197, %eq3A_1198 : i32
        %jit3A_1200 = arith.constant 1 : i32
        %select_n3A_1201 = arith.select %eq3A_1199, %jit3A_1200, %jit3A_1197 : i32
        %rem3A_1202 = arith.remsi %select_n3A_1154, %select_n3A_1201 : i32
        %ne3A_1203 = arith.constant 0 : i32
        %ne3A_1204 = arith.cmpi ne, %rem3A_1202, %ne3A_1203 : i32
        %lt3A_1205 = arith.constant 0 : i32
        %lt3A_1206 = arith.cmpi slt, %rem3A_1202, %lt3A_1205 : i32
        %lt3A_1207 = arith.constant 0 : i32
        %lt3A_1208 = arith.cmpi slt, %select_n3A_1201, %lt3A_1207 : i32
        %ne3A_1209 = arith.xori %lt3A_1206, %lt3A_1208 : i1
        %and3A_1210 = arith.andi %ne3A_1209, %ne3A_1204 : i1
        %add3A_1211 = arith.addi %rem3A_1202, %select_n3A_1201 : i32
        %select_n3A_1212 = arith.select %and3A_1210, %add3A_1211, %rem3A_1202 : i32
        %dma_start3A_1213 = arith.constant 1 : i32
        %dma_start3A_1214 = arith.constant 0 : i32
        %dma_start3A_1215 = arith.constant 0 : i32
        %dma_start3A_1216 = tpu.memref_slice %arg6[%dma_start3A_1213, %dma_start3A_1214, %dma_start3A_1215] : memref<3x32x128xi32, #tpu.memory_space<vmem>> -> memref<1x32x128xi32, #tpu.memory_space<vmem>>
        %dma_start3A_1217 = tpu.memref_squeeze %dma_start3A_1216 : memref<1x32x128xi32, #tpu.memory_space<vmem>> -> memref<32x128xi32, #tpu.memory_space<vmem>>
        %dma_start3A_1218 = arith.constant 0 : i32
        %dma_start3A_1219 = tpu.memref_slice %arg2[%select_n3A_1178, %mul3A_1196, %select_n3A_1212, %dma_start3A_1218] : memref<25x128x8x128xi32, #tpu.memory_space<hbm>> -> memref<1x32x1x128xi32, #tpu.memory_space<hbm>>
        %dma_start3A_1220 = tpu.memref_squeeze %dma_start3A_1219 : memref<1x32x1x128xi32, #tpu.memory_space<hbm>> -> memref<32x128xi32, #tpu.memory_space<hbm>>
        %dma_start3A_1221 = arith.constant 0 : i32
        %dma_start3A_1222 = arith.constant 0 : i32
        %dma_start3A_1223 = tpu.memref_slice %arg6[%dma_start3A_1213, %dma_start3A_1221, %dma_start3A_1222] : memref<3x32x128xi32, #tpu.memory_space<vmem>> -> memref<1x32x128xi32, #tpu.memory_space<vmem>>
        %dma_start3A_1224 = tpu.memref_squeeze %dma_start3A_1223 : memref<1x32x128xi32, #tpu.memory_space<vmem>> -> memref<32x128xi32, #tpu.memory_space<vmem>>
        %dma_start3A_1225 = arith.constant 0 : i32
        %dma_start3A_1226 = tpu.memref_slice %arg2[%select_n3A_1178, %mul3A_1196, %select_n3A_1212, %dma_start3A_1225] : memref<25x128x8x128xi32, #tpu.memory_space<hbm>> -> memref<1x32x1x128xi32, #tpu.memory_space<hbm>>
        %dma_start3A_1227 = tpu.memref_squeeze %dma_start3A_1226 : memref<1x32x1x128xi32, #tpu.memory_space<hbm>> -> memref<32x128xi32, #tpu.memory_space<hbm>>
        tpu.enqueue_dma source(%dma_start3A_1227 : memref<32x128xi32, #tpu.memory_space<hbm>>) target(%dma_start3A_1224 : memref<32x128xi32, #tpu.memory_space<vmem>>) target_semaphore(%arg9 : memref<!tpu.dma_semaphore, #tpu.memory_space<semaphore_mem>>)
      } else {
      }
      %ge3A_1062 = arith.constant 1 : i32
      %ge3A_1063 = arith.cmpi sge, %scan3A_605, %ge3A_1062 : i32
      %convert_element_type3A_1064 = arith.extui %ge3A_1063 : i1 to i32
      %cond3A_1065 = arith.constant 0 : i32
      %cond3A_1066 = arith.cmpi ne, %convert_element_type3A_1064, %cond3A_1065 : i32
      scf.if %cond3A_1066 {
        %sub3A_1128 = arith.constant 3 : i32
        %sub3A_1129 = arith.subi %add3A_956, %sub3A_1128 : i32
        %add3A_1130 = arith.addi %mul3A_2, %sub3A_1129 : i32
        %jit3A_1131 = arith.constant 4 : i32
        %div3A_1132 = arith.divsi %add3A_1130, %jit3A_1131 : i32
        %sign3A_1133 = arith.constant 0 : i32
        %sign3A_1134 = arith.cmpi sgt, %add3A_1130, %sign3A_1133 : i32
        %sign3A_1135 = arith.extui %sign3A_1134 : i1 to i32
        %sign3A_1136 = arith.constant 0 : i32
        %sign3A_1137 = arith.cmpi slt, %add3A_1130, %sign3A_1136 : i32
        %sign3A_1138 = arith.extui %sign3A_1137 : i1 to i32
        %sign3A_1139 = arith.subi %sign3A_1135, %sign3A_1138 : i32
        %sign3A_1140 = arith.constant 0 : i32
        %sign3A_1141 = arith.cmpi sgt, %jit3A_1131, %sign3A_1140 : i32
        %sign3A_1142 = arith.extui %sign3A_1141 : i1 to i32
        %sign3A_1143 = arith.constant 0 : i32
        %sign3A_1144 = arith.cmpi slt, %jit3A_1131, %sign3A_1143 : i32
        %sign3A_1145 = arith.extui %sign3A_1144 : i1 to i32
        %sign3A_1146 = arith.subi %sign3A_1142, %sign3A_1145 : i32
        %ne3A_1147 = arith.cmpi ne, %sign3A_1139, %sign3A_1146 : i32
        %rem3A_1148 = arith.remsi %add3A_1130, %jit3A_1131 : i32
        %ne3A_1149 = arith.constant 0 : i32
        %ne3A_1150 = arith.cmpi ne, %rem3A_1148, %ne3A_1149 : i32
        %and3A_1151 = arith.andi %ne3A_1147, %ne3A_1150 : i1
        %sub3A_1152 = arith.constant 1 : i32
        %sub3A_1153 = arith.subi %div3A_1132, %sub3A_1152 : i32
        %select_n3A_1154 = arith.select %and3A_1151, %sub3A_1153, %div3A_1132 : i32
        %jit3A_1155 = arith.constant 4 : i32
        %eq3A_1156 = arith.constant 0 : i32
        %eq3A_1157 = arith.cmpi eq, %jit3A_1155, %eq3A_1156 : i32
        %jit3A_1158 = arith.constant 1 : i32
        %select_n3A_1159 = arith.select %eq3A_1157, %jit3A_1158, %jit3A_1155 : i32
        %rem3A_1160 = arith.remsi %add3A_1130, %select_n3A_1159 : i32
        %ne3A_1161 = arith.constant 0 : i32
        %ne3A_1162 = arith.cmpi ne, %rem3A_1160, %ne3A_1161 : i32
        %lt3A_1163 = arith.constant 0 : i32
        %lt3A_1164 = arith.cmpi slt, %rem3A_1160, %lt3A_1163 : i32
        %lt3A_1165 = arith.constant 0 : i32
        %lt3A_1166 = arith.cmpi slt, %select_n3A_1159, %lt3A_1165 : i32
        %ne3A_1167 = arith.xori %lt3A_1164, %lt3A_1166 : i1
        %and3A_1168 = arith.andi %ne3A_1167, %ne3A_1162 : i1
        %add3A_1169 = arith.addi %rem3A_1160, %select_n3A_1159 : i32
        %select_n3A_1170 = arith.select %and3A_1168, %add3A_1169, %rem3A_1160 : i32
        %mul3A_1171 = arith.constant 128 : i32
        %mul3A_1172 = arith.muli %select_n3A_1170, %mul3A_1171 : i32
        %dma_wait3A_1173 = arith.constant 2 : i32
        %dma_wait3A_1174 = arith.constant 0 : i32
        %dma_wait3A_1175 = arith.constant 0 : i32
        %dma_wait3A_1176 = tpu.memref_slice %arg7[%dma_wait3A_1173, %dma_wait3A_1174, %dma_wait3A_1175] : memref<3x128x128xf32, #tpu.memory_space<vmem>> -> memref<1x128x128xf32, #tpu.memory_space<vmem>>
        %dma_wait3A_1177 = tpu.memref_squeeze %dma_wait3A_1176 : memref<1x128x128xf32, #tpu.memory_space<vmem>> -> memref<128x128xf32, #tpu.memory_space<vmem>>
        %dma_wait3A_1178 = arith.constant 0 : i32
        %dma_wait3A_1179 = tpu.memref_slice %arg4[%select_n3A_1154, %mul3A_1172, %dma_wait3A_1178] : memref<200x512x128xf32, #tpu.memory_space<hbm>> -> memref<1x128x128xf32, #tpu.memory_space<hbm>>
        %dma_wait3A_1180 = tpu.memref_squeeze %dma_wait3A_1179 : memref<1x128x128xf32, #tpu.memory_space<hbm>> -> memref<128x128xf32, #tpu.memory_space<hbm>>
        %dma_wait3A_1181 = arith.constant 0 : i32
        %dma_wait3A_1182 = tpu.memref_slice %arg4[%select_n3A_1154, %mul3A_1172, %dma_wait3A_1181] : memref<200x512x128xf32, #tpu.memory_space<hbm>> -> memref<1x128x128xf32, #tpu.memory_space<hbm>>
        %dma_wait3A_1183 = tpu.memref_squeeze %dma_wait3A_1182 : memref<1x128x128xf32, #tpu.memory_space<hbm>> -> memref<128x128xf32, #tpu.memory_space<hbm>>
        %dma_wait3A_1184 = arith.constant 0 : i32
        %dma_wait3A_1185 = arith.constant 0 : i32
        %dma_wait3A_1186 = tpu.memref_slice %arg7[%dma_wait3A_1173, %dma_wait3A_1184, %dma_wait3A_1185] : memref<3x128x128xf32, #tpu.memory_space<vmem>> -> memref<1x128x128xf32, #tpu.memory_space<vmem>>
        %dma_wait3A_1187 = tpu.memref_squeeze %dma_wait3A_1186 : memref<1x128x128xf32, #tpu.memory_space<vmem>> -> memref<128x128xf32, #tpu.memory_space<vmem>>
        tpu.wait_dma2 semaphore(%arg13 : memref<!tpu.dma_semaphore, #tpu.memory_space<semaphore_mem>>) src(%dma_wait3A_1187 : memref<128x128xf32, #tpu.memory_space<vmem>>) dst(%dma_wait3A_1183 : memref<128x128xf32, #tpu.memory_space<hbm>>)
      } else {
      }
      %parallel_loop3A_1067 = arith.constant 0 : i32
      %parallel_loop3A_1068 = arith.constant 32 : i32
      %parallel_loop3A_1069 = arith.constant 1 : i32
      scf.for %parallel_loop3A_1128 = %parallel_loop3A_1067 to %parallel_loop3A_1068 step %parallel_loop3A_1069  : i32 {
        %parallel_loop3A_1129 = arith.constant 2 : i32
        %parallel_loop3A_1130 = arith.index_cast %parallel_loop3A_1129 : i32 to index
        %parallel_loop3A_1131 = arith.index_cast %parallel_loop3A_1128 : i32 to index
        %parallel_loop3A_1132 = arith.constant 0 : index
        %parallel_loop3A_1133 = tpu.vector_load %arg6[%parallel_loop3A_1130, %parallel_loop3A_1131, %parallel_loop3A_1132] {strides = array<i32>} : memref<3x32x128xi32, #tpu.memory_space<vmem>>, vector<16xi32>,
        %parallel_loop3A_1134 = vector.shape_cast %parallel_loop3A_1133 : vector<16xi32> to vector<16x1xi32>
        %parallel_loop3A_1135 = vector.shape_cast %parallel_loop3A_1134 : vector<16x1xi32> to vector<16xi32>
        %parallel_loop3A_1136 = tpu.dynamic_gather %get3A_5[%parallel_loop3A_1135] in [0] : vector<16xf32>, vector<16xi32> -> vector<16xf32>
        %parallel_loop3A_1137 = arith.constant 4 : i32
        %parallel_loop3A_1138 = arith.muli %parallel_loop3A_1128, %parallel_loop3A_1137 : i32
        %parallel_loop3A_1139 = arith.constant 0 : i32
        %parallel_loop3A_1140 = arith.addi %parallel_loop3A_1138, %parallel_loop3A_1139 : i32
        %parallel_loop3A_1141 = arith.constant 2 : i32
        %parallel_loop3A_1142 = arith.index_cast %parallel_loop3A_1141 : i32 to index
        %parallel_loop3A_1143 = arith.index_cast %parallel_loop3A_1140 : i32 to index
        %parallel_loop3A_1144 = arith.constant 0 : index
        %parallel_loop3A_1145 = tpu.vector_load %arg7[%parallel_loop3A_1142, %parallel_loop3A_1143, %parallel_loop3A_1144] {strides = array<i32>} : memref<3x128x128xf32, #tpu.memory_space<vmem>>, vector<16xf32>,
        tpu.vector_store %arg7[%parallel_loop3A_1142, %parallel_loop3A_1143, %parallel_loop3A_1144], %parallel_loop3A_1136 {strides = array<i32>} : memref<3x128x128xf32, #tpu.memory_space<vmem>>, vector<16xf32>,
        %parallel_loop3A_1146 = vector.shape_cast %parallel_loop3A_1133 : vector<16xi32> to vector<16x1xi32>
        %parallel_loop3A_1147 = vector.shape_cast %parallel_loop3A_1146 : vector<16x1xi32> to vector<16xi32>
        %parallel_loop3A_1148 = tpu.dynamic_gather %get3A_9[%parallel_loop3A_1147] in [0] : vector<16xf32>, vector<16xi32> -> vector<16xf32>
        %parallel_loop3A_1149 = arith.constant 4 : i32
        %parallel_loop3A_1150 = arith.muli %parallel_loop3A_1128, %parallel_loop3A_1149 : i32
        %parallel_loop3A_1151 = arith.constant 1 : i32
        %parallel_loop3A_1152 = arith.addi %parallel_loop3A_1150, %parallel_loop3A_1151 : i32
        %parallel_loop3A_1153 = arith.constant 2 : i32
        %parallel_loop3A_1154 = arith.index_cast %parallel_loop3A_1153 : i32 to index
        %parallel_loop3A_1155 = arith.index_cast %parallel_loop3A_1152 : i32 to index
        %parallel_loop3A_1156 = arith.constant 0 : index
        %parallel_loop3A_1157 = tpu.vector_load %arg7[%parallel_loop3A_1154, %parallel_loop3A_1155, %parallel_loop3A_1156] {strides = array<i32>} : memref<3x128x128xf32, #tpu.memory_space<vmem>>, vector<16xf32>,
        tpu.vector_store %arg7[%parallel_loop3A_1154, %parallel_loop3A_1155, %parallel_loop3A_1156], %parallel_loop3A_1148 {strides = array<i32>} : memref<3x128x128xf32, #tpu.memory_space<vmem>>, vector<16xf32>,
        %parallel_loop3A_1158 = vector.shape_cast %parallel_loop3A_1133 : vector<16xi32> to vector<16x1xi32>
        %parallel_loop3A_1159 = vector.shape_cast %parallel_loop3A_1158 : vector<16x1xi32> to vector<16xi32>
        %parallel_loop3A_1160 = tpu.dynamic_gather %get3A_13[%parallel_loop3A_1159] in [0] : vector<16xf32>, vector<16xi32> -> vector<16xf32>
        %parallel_loop3A_1161 = arith.constant 4 : i32
        %parallel_loop3A_1162 = arith.muli %parallel_loop3A_1128, %parallel_loop3A_1161 : i32
        %parallel_loop3A_1163 = arith.constant 2 : i32
        %parallel_loop3A_1164 = arith.addi %parallel_loop3A_1162, %parallel_loop3A_1163 : i32
        %parallel_loop3A_1165 = arith.constant 2 : i32
        %parallel_loop3A_1166 = arith.index_cast %parallel_loop3A_1165 : i32 to index
        %parallel_loop3A_1167 = arith.index_cast %parallel_loop3A_1164 : i32 to index
        %parallel_loop3A_1168 = arith.constant 0 : index
        %parallel_loop3A_1169 = tpu.vector_load %arg7[%parallel_loop3A_1166, %parallel_loop3A_1167, %parallel_loop3A_1168] {strides = array<i32>} : memref<3x128x128xf32, #tpu.memory_space<vmem>>, vector<16xf32>,
        tpu.vector_store %arg7[%parallel_loop3A_1166, %parallel_loop3A_1167, %parallel_loop3A_1168], %parallel_loop3A_1160 {strides = array<i32>} : memref<3x128x128xf32, #tpu.memory_space<vmem>>, vector<16xf32>,
        %parallel_loop3A_1170 = vector.shape_cast %parallel_loop3A_1133 : vector<16xi32> to vector<16x1xi32>
        %parallel_loop3A_1171 = vector.shape_cast %parallel_loop3A_1170 : vector<16x1xi32> to vector<16xi32>
        %parallel_loop3A_1172 = tpu.dynamic_gather %get3A_17[%parallel_loop3A_1171] in [0] : vector<16xf32>, vector<16xi32> -> vector<16xf32>
        %parallel_loop3A_1173 = arith.constant 4 : i32
        %parallel_loop3A_1174 = arith.muli %parallel_loop3A_1128, %parallel_loop3A_1173 : i32
        %parallel_loop3A_1175 = arith.constant 3 : i32
        %parallel_loop3A_1176 = arith.addi %parallel_loop3A_1174, %parallel_loop3A_1175 : i32
        %parallel_loop3A_1177 = arith.constant 2 : i32
        %parallel_loop3A_1178 = arith.index_cast %parallel_loop3A_1177 : i32 to index
        %parallel_loop3A_1179 = arith.index_cast %parallel_loop3A_1176 : i32 to index
        %parallel_loop3A_1180 = arith.constant 0 : index
        %parallel_loop3A_1181 = tpu.vector_load %arg7[%parallel_loop3A_1178, %parallel_loop3A_1179, %parallel_loop3A_1180] {strides = array<i32>} : memref<3x128x128xf32, #tpu.memory_space<vmem>>, vector<16xf32>,
        tpu.vector_store %arg7[%parallel_loop3A_1178, %parallel_loop3A_1179, %parallel_loop3A_1180], %parallel_loop3A_1172 {strides = array<i32>} : memref<3x128x128xf32, #tpu.memory_space<vmem>>, vector<16xf32>,
        %parallel_loop3A_1182 = arith.constant 2 : i32
        %parallel_loop3A_1183 = arith.index_cast %parallel_loop3A_1182 : i32 to index
        %parallel_loop3A_1184 = arith.index_cast %parallel_loop3A_1128 : i32 to index
        %parallel_loop3A_1185 = arith.constant 16 : index
        %parallel_loop3A_1186 = tpu.vector_load %arg6[%parallel_loop3A_1183, %parallel_loop3A_1184, %parallel_loop3A_1185] {strides = array<i32>} : memref<3x32x128xi32, #tpu.memory_space<vmem>>, vector<16xi32>,
        %parallel_loop3A_1187 = vector.shape_cast %parallel_loop3A_1186 : vector<16xi32> to vector<16x1xi32>
        %parallel_loop3A_1188 = vector.shape_cast %parallel_loop3A_1187 : vector<16x1xi32> to vector<16xi32>
        %parallel_loop3A_1189 = tpu.dynamic_gather %get3A_5[%parallel_loop3A_1188] in [0] : vector<16xf32>, vector<16xi32> -> vector<16xf32>
        %parallel_loop3A_1190 = arith.constant 4 : i32
        %parallel_loop3A_1191 = arith.muli %parallel_loop3A_1128, %parallel_loop3A_1190 : i32
        %parallel_loop3A_1192 = arith.constant 0 : i32
        %parallel_loop3A_1193 = arith.addi %parallel_loop3A_1191, %parallel_loop3A_1192 : i32
        %parallel_loop3A_1194 = arith.constant 2 : i32
        %parallel_loop3A_1195 = arith.index_cast %parallel_loop3A_1194 : i32 to index
        %parallel_loop3A_1196 = arith.index_cast %parallel_loop3A_1193 : i32 to index
        %parallel_loop3A_1197 = arith.constant 16 : index
        %parallel_loop3A_1198 = tpu.vector_load %arg7[%parallel_loop3A_1195, %parallel_loop3A_1196, %parallel_loop3A_1197] {strides = array<i32>} : memref<3x128x128xf32, #tpu.memory_space<vmem>>, vector<16xf32>,
        tpu.vector_store %arg7[%parallel_loop3A_1195, %parallel_loop3A_1196, %parallel_loop3A_1197], %parallel_loop3A_1189 {strides = array<i32>} : memref<3x128x128xf32, #tpu.memory_space<vmem>>, vector<16xf32>,
        %parallel_loop3A_1199 = vector.shape_cast %parallel_loop3A_1186 : vector<16xi32> to vector<16x1xi32>
        %parallel_loop3A_1200 = vector.shape_cast %parallel_loop3A_1199 : vector<16x1xi32> to vector<16xi32>
        %parallel_loop3A_1201 = tpu.dynamic_gather %get3A_9[%parallel_loop3A_1200] in [0] : vector<16xf32>, vector<16xi32> -> vector<16xf32>
        %parallel_loop3A_1202 = arith.constant 4 : i32
        %parallel_loop3A_1203 = arith.muli %parallel_loop3A_1128, %parallel_loop3A_1202 : i32
        %parallel_loop3A_1204 = arith.constant 1 : i32
        %parallel_loop3A_1205 = arith.addi %parallel_loop3A_1203, %parallel_loop3A_1204 : i32
        %parallel_loop3A_1206 = arith.constant 2 : i32
        %parallel_loop3A_1207 = arith.index_cast %parallel_loop3A_1206 : i32 to index
        %parallel_loop3A_1208 = arith.index_cast %parallel_loop3A_1205 : i32 to index
        %parallel_loop3A_1209 = arith.constant 16 : index
        %parallel_loop3A_1210 = tpu.vector_load %arg7[%parallel_loop3A_1207, %parallel_loop3A_1208, %parallel_loop3A_1209] {strides = array<i32>} : memref<3x128x128xf32, #tpu.memory_space<vmem>>, vector<16xf32>,
        tpu.vector_store %arg7[%parallel_loop3A_1207, %parallel_loop3A_1208, %parallel_loop3A_1209], %parallel_loop3A_1201 {strides = array<i32>} : memref<3x128x128xf32, #tpu.memory_space<vmem>>, vector<16xf32>,
        %parallel_loop3A_1211 = vector.shape_cast %parallel_loop3A_1186 : vector<16xi32> to vector<16x1xi32>
        %parallel_loop3A_1212 = vector.shape_cast %parallel_loop3A_1211 : vector<16x1xi32> to vector<16xi32>
        %parallel_loop3A_1213 = tpu.dynamic_gather %get3A_13[%parallel_loop3A_1212] in [0] : vector<16xf32>, vector<16xi32> -> vector<16xf32>
        %parallel_loop3A_1214 = arith.constant 4 : i32
        %parallel_loop3A_1215 = arith.muli %parallel_loop3A_1128, %parallel_loop3A_1214 : i32
        %parallel_loop3A_1216 = arith.constant 2 : i32
        %parallel_loop3A_1217 = arith.addi %parallel_loop3A_1215, %parallel_loop3A_1216 : i32
        %parallel_loop3A_1218 = arith.constant 2 : i32
        %parallel_loop3A_1219 = arith.index_cast %parallel_loop3A_1218 : i32 to index
        %parallel_loop3A_1220 = arith.index_cast %parallel_loop3A_1217 : i32 to index
        %parallel_loop3A_1221 = arith.constant 16 : index
        %parallel_loop3A_1222 = tpu.vector_load %arg7[%parallel_loop3A_1219, %parallel_loop3A_1220, %parallel_loop3A_1221] {strides = array<i32>} : memref<3x128x128xf32, #tpu.memory_space<vmem>>, vector<16xf32>,
        tpu.vector_store %arg7[%parallel_loop3A_1219, %parallel_loop3A_1220, %parallel_loop3A_1221], %parallel_loop3A_1213 {strides = array<i32>} : memref<3x128x128xf32, #tpu.memory_space<vmem>>, vector<16xf32>,
        %parallel_loop3A_1223 = vector.shape_cast %parallel_loop3A_1186 : vector<16xi32> to vector<16x1xi32>
        %parallel_loop3A_1224 = vector.shape_cast %parallel_loop3A_1223 : vector<16x1xi32> to vector<16xi32>
        %parallel_loop3A_1225 = tpu.dynamic_gather %get3A_17[%parallel_loop3A_1224] in [0] : vector<16xf32>, vector<16xi32> -> vector<16xf32>
        %parallel_loop3A_1226 = arith.constant 4 : i32
        %parallel_loop3A_1227 = arith.muli %parallel_loop3A_1128, %parallel_loop3A_1226 : i32
        %parallel_loop3A_1228 = arith.constant 3 : i32
        %parallel_loop3A_1229 = arith.addi %parallel_loop3A_1227, %parallel_loop3A_1228 : i32
        %parallel_loop3A_1230 = arith.constant 2 : i32
        %parallel_loop3A_1231 = arith.index_cast %parallel_loop3A_1230 : i32 to index
        %parallel_loop3A_1232 = arith.index_cast %parallel_loop3A_1229 : i32 to index
        %parallel_loop3A_1233 = arith.constant 16 : index
        %parallel_loop3A_1234 = tpu.vector_load %arg7[%parallel_loop3A_1231, %parallel_loop3A_1232, %parallel_loop3A_1233] {strides = array<i32>} : memref<3x128x128xf32, #tpu.memory_space<vmem>>, vector<16xf32>,
        tpu.vector_store %arg7[%parallel_loop3A_1231, %parallel_loop3A_1232, %parallel_loop3A_1233], %parallel_loop3A_1225 {strides = array<i32>} : memref<3x128x128xf32, #tpu.memory_space<vmem>>, vector<16xf32>,
        %parallel_loop3A_1235 = arith.constant 2 : i32
        %parallel_loop3A_1236 = arith.index_cast %parallel_loop3A_1235 : i32 to index
        %parallel_loop3A_1237 = arith.index_cast %parallel_loop3A_1128 : i32 to index
        %parallel_loop3A_1238 = arith.constant 32 : index
        %parallel_loop3A_1239 = tpu.vector_load %arg6[%parallel_loop3A_1236, %parallel_loop3A_1237, %parallel_loop3A_1238] {strides = array<i32>} : memref<3x32x128xi32, #tpu.memory_space<vmem>>, vector<16xi32>,
        %parallel_loop3A_1240 = vector.shape_cast %parallel_loop3A_1239 : vector<16xi32> to vector<16x1xi32>
        %parallel_loop3A_1241 = vector.shape_cast %parallel_loop3A_1240 : vector<16x1xi32> to vector<16xi32>
        %parallel_loop3A_1242 = tpu.dynamic_gather %get3A_5[%parallel_loop3A_1241] in [0] : vector<16xf32>, vector<16xi32> -> vector<16xf32>
        %parallel_loop3A_1243 = arith.constant 4 : i32
        %parallel_loop3A_1244 = arith.muli %parallel_loop3A_1128, %parallel_loop3A_1243 : i32
        %parallel_loop3A_1245 = arith.constant 0 : i32
        %parallel_loop3A_1246 = arith.addi %parallel_loop3A_1244, %parallel_loop3A_1245 : i32
        %parallel_loop3A_1247 = arith.constant 2 : i32
        %parallel_loop3A_1248 = arith.index_cast %parallel_loop3A_1247 : i32 to index
        %parallel_loop3A_1249 = arith.index_cast %parallel_loop3A_1246 : i32 to index
        %parallel_loop3A_1250 = arith.constant 32 : index
        %parallel_loop3A_1251 = tpu.vector_load %arg7[%parallel_loop3A_1248, %parallel_loop3A_1249, %parallel_loop3A_1250] {strides = array<i32>} : memref<3x128x128xf32, #tpu.memory_space<vmem>>, vector<16xf32>,
        tpu.vector_store %arg7[%parallel_loop3A_1248, %parallel_loop3A_1249, %parallel_loop3A_1250], %parallel_loop3A_1242 {strides = array<i32>} : memref<3x128x128xf32, #tpu.memory_space<vmem>>, vector<16xf32>,
        %parallel_loop3A_1252 = vector.shape_cast %parallel_loop3A_1239 : vector<16xi32> to vector<16x1xi32>
        %parallel_loop3A_1253 = vector.shape_cast %parallel_loop3A_1252 : vector<16x1xi32> to vector<16xi32>
        %parallel_loop3A_1254 = tpu.dynamic_gather %get3A_9[%parallel_loop3A_1253] in [0] : vector<16xf32>, vector<16xi32> -> vector<16xf32>
        %parallel_loop3A_1255 = arith.constant 4 : i32
        %parallel_loop3A_1256 = arith.muli %parallel_loop3A_1128, %parallel_loop3A_1255 : i32
        %parallel_loop3A_1257 = arith.constant 1 : i32
        %parallel_loop3A_1258 = arith.addi %parallel_loop3A_1256, %parallel_loop3A_1257 : i32
        %parallel_loop3A_1259 = arith.constant 2 : i32
        %parallel_loop3A_1260 = arith.index_cast %parallel_loop3A_1259 : i32 to index
        %parallel_loop3A_1261 = arith.index_cast %parallel_loop3A_1258 : i32 to index
        %parallel_loop3A_1262 = arith.constant 32 : index
        %parallel_loop3A_1263 = tpu.vector_load %arg7[%parallel_loop3A_1260, %parallel_loop3A_1261, %parallel_loop3A_1262] {strides = array<i32>} : memref<3x128x128xf32, #tpu.memory_space<vmem>>, vector<16xf32>,
        tpu.vector_store %arg7[%parallel_loop3A_1260, %parallel_loop3A_1261, %parallel_loop3A_1262], %parallel_loop3A_1254 {strides = array<i32>} : memref<3x128x128xf32, #tpu.memory_space<vmem>>, vector<16xf32>,
        %parallel_loop3A_1264 = vector.shape_cast %parallel_loop3A_1239 : vector<16xi32> to vector<16x1xi32>
        %parallel_loop3A_1265 = vector.shape_cast %parallel_loop3A_1264 : vector<16x1xi32> to vector<16xi32>
        %parallel_loop3A_1266 = tpu.dynamic_gather %get3A_13[%parallel_loop3A_1265] in [0] : vector<16xf32>, vector<16xi32> -> vector<16xf32>
        %parallel_loop3A_1267 = arith.constant 4 : i32
        %parallel_loop3A_1268 = arith.muli %parallel_loop3A_1128, %parallel_loop3A_1267 : i32
        %parallel_loop3A_1269 = arith.constant 2 : i32
        %parallel_loop3A_1270 = arith.addi %parallel_loop3A_1268, %parallel_loop3A_1269 : i32
        %parallel_loop3A_1271 = arith.constant 2 : i32
        %parallel_loop3A_1272 = arith.index_cast %parallel_loop3A_1271 : i32 to index
        %parallel_loop3A_1273 = arith.index_cast %parallel_loop3A_1270 : i32 to index
        %parallel_loop3A_1274 = arith.constant 32 : index
        %parallel_loop3A_1275 = tpu.vector_load %arg7[%parallel_loop3A_1272, %parallel_loop3A_1273, %parallel_loop3A_1274] {strides = array<i32>} : memref<3x128x128xf32, #tpu.memory_space<vmem>>, vector<16xf32>,
        tpu.vector_store %arg7[%parallel_loop3A_1272, %parallel_loop3A_1273, %parallel_loop3A_1274], %parallel_loop3A_1266 {strides = array<i32>} : memref<3x128x128xf32, #tpu.memory_space<vmem>>, vector<16xf32>,
        %parallel_loop3A_1276 = vector.shape_cast %parallel_loop3A_1239 : vector<16xi32> to vector<16x1xi32>
        %parallel_loop3A_1277 = vector.shape_cast %parallel_loop3A_1276 : vector<16x1xi32> to vector<16xi32>
        %parallel_loop3A_1278 = tpu.dynamic_gather %get3A_17[%parallel_loop3A_1277] in [0] : vector<16xf32>, vector<16xi32> -> vector<16xf32>
        %parallel_loop3A_1279 = arith.constant 4 : i32
        %parallel_loop3A_1280 = arith.muli %parallel_loop3A_1128, %parallel_loop3A_1279 : i32
        %parallel_loop3A_1281 = arith.constant 3 : i32
        %parallel_loop3A_1282 = arith.addi %parallel_loop3A_1280, %parallel_loop3A_1281 : i32
        %parallel_loop3A_1283 = arith.constant 2 : i32
        %parallel_loop3A_1284 = arith.index_cast %parallel_loop3A_1283 : i32 to index
        %parallel_loop3A_1285 = arith.index_cast %parallel_loop3A_1282 : i32 to index
        %parallel_loop3A_1286 = arith.constant 32 : index
        %parallel_loop3A_1287 = tpu.vector_load %arg7[%parallel_loop3A_1284, %parallel_loop3A_1285, %parallel_loop3A_1286] {strides = array<i32>} : memref<3x128x128xf32, #tpu.memory_space<vmem>>, vector<16xf32>,
        tpu.vector_store %arg7[%parallel_loop3A_1284, %parallel_loop3A_1285, %parallel_loop3A_1286], %parallel_loop3A_1278 {strides = array<i32>} : memref<3x128x128xf32, #tpu.memory_space<vmem>>, vector<16xf32>,
        %parallel_loop3A_1288 = arith.constant 2 : i32
        %parallel_loop3A_1289 = arith.index_cast %parallel_loop3A_1288 : i32 to index
        %parallel_loop3A_1290 = arith.index_cast %parallel_loop3A_1128 : i32 to index
        %parallel_loop3A_1291 = arith.constant 48 : index
        %parallel_loop3A_1292 = tpu.vector_load %arg6[%parallel_loop3A_1289, %parallel_loop3A_1290, %parallel_loop3A_1291] {strides = array<i32>} : memref<3x32x128xi32, #tpu.memory_space<vmem>>, vector<16xi32>,
        %parallel_loop3A_1293 = vector.shape_cast %parallel_loop3A_1292 : vector<16xi32> to vector<16x1xi32>
        %parallel_loop3A_1294 = vector.shape_cast %parallel_loop3A_1293 : vector<16x1xi32> to vector<16xi32>
        %parallel_loop3A_1295 = tpu.dynamic_gather %get3A_5[%parallel_loop3A_1294] in [0] : vector<16xf32>, vector<16xi32> -> vector<16xf32>
        %parallel_loop3A_1296 = arith.constant 4 : i32
        %parallel_loop3A_1297 = arith.muli %parallel_loop3A_1128, %parallel_loop3A_1296 : i32
        %parallel_loop3A_1298 = arith.constant 0 : i32
        %parallel_loop3A_1299 = arith.addi %parallel_loop3A_1297, %parallel_loop3A_1298 : i32
        %parallel_loop3A_1300 = arith.constant 2 : i32
        %parallel_loop3A_1301 = arith.index_cast %parallel_loop3A_1300 : i32 to index
        %parallel_loop3A_1302 = arith.index_cast %parallel_loop3A_1299 : i32 to index
        %parallel_loop3A_1303 = arith.constant 48 : index
        %parallel_loop3A_1304 = tpu.vector_load %arg7[%parallel_loop3A_1301, %parallel_loop3A_1302, %parallel_loop3A_1303] {strides = array<i32>} : memref<3x128x128xf32, #tpu.memory_space<vmem>>, vector<16xf32>,
        tpu.vector_store %arg7[%parallel_loop3A_1301, %parallel_loop3A_1302, %parallel_loop3A_1303], %parallel_loop3A_1295 {strides = array<i32>} : memref<3x128x128xf32, #tpu.memory_space<vmem>>, vector<16xf32>,
        %parallel_loop3A_1305 = vector.shape_cast %parallel_loop3A_1292 : vector<16xi32> to vector<16x1xi32>
        %parallel_loop3A_1306 = vector.shape_cast %parallel_loop3A_1305 : vector<16x1xi32> to vector<16xi32>
        %parallel_loop3A_1307 = tpu.dynamic_gather %get3A_9[%parallel_loop3A_1306] in [0] : vector<16xf32>, vector<16xi32> -> vector<16xf32>
        %parallel_loop3A_1308 = arith.constant 4 : i32
        %parallel_loop3A_1309 = arith.muli %parallel_loop3A_1128, %parallel_loop3A_1308 : i32
        %parallel_loop3A_1310 = arith.constant 1 : i32
        %parallel_loop3A_1311 = arith.addi %parallel_loop3A_1309, %parallel_loop3A_1310 : i32
        %parallel_loop3A_1312 = arith.constant 2 : i32
        %parallel_loop3A_1313 = arith.index_cast %parallel_loop3A_1312 : i32 to index
        %parallel_loop3A_1314 = arith.index_cast %parallel_loop3A_1311 : i32 to index
        %parallel_loop3A_1315 = arith.constant 48 : index
        %parallel_loop3A_1316 = tpu.vector_load %arg7[%parallel_loop3A_1313, %parallel_loop3A_1314, %parallel_loop3A_1315] {strides = array<i32>} : memref<3x128x128xf32, #tpu.memory_space<vmem>>, vector<16xf32>,
        tpu.vector_store %arg7[%parallel_loop3A_1313, %parallel_loop3A_1314, %parallel_loop3A_1315], %parallel_loop3A_1307 {strides = array<i32>} : memref<3x128x128xf32, #tpu.memory_space<vmem>>, vector<16xf32>,
        %parallel_loop3A_1317 = vector.shape_cast %parallel_loop3A_1292 : vector<16xi32> to vector<16x1xi32>
        %parallel_loop3A_1318 = vector.shape_cast %parallel_loop3A_1317 : vector<16x1xi32> to vector<16xi32>
        %parallel_loop3A_1319 = tpu.dynamic_gather %get3A_13[%parallel_loop3A_1318] in [0] : vector<16xf32>, vector<16xi32> -> vector<16xf32>
        %parallel_loop3A_1320 = arith.constant 4 : i32
        %parallel_loop3A_1321 = arith.muli %parallel_loop3A_1128, %parallel_loop3A_1320 : i32
        %parallel_loop3A_1322 = arith.constant 2 : i32
        %parallel_loop3A_1323 = arith.addi %parallel_loop3A_1321, %parallel_loop3A_1322 : i32
        %parallel_loop3A_1324 = arith.constant 2 : i32
        %parallel_loop3A_1325 = arith.index_cast %parallel_loop3A_1324 : i32 to index
        %parallel_loop3A_1326 = arith.index_cast %parallel_loop3A_1323 : i32 to index
        %parallel_loop3A_1327 = arith.constant 48 : index
        %parallel_loop3A_1328 = tpu.vector_load %arg7[%parallel_loop3A_1325, %parallel_loop3A_1326, %parallel_loop3A_1327] {strides = array<i32>} : memref<3x128x128xf32, #tpu.memory_space<vmem>>, vector<16xf32>,
        tpu.vector_store %arg7[%parallel_loop3A_1325, %parallel_loop3A_1326, %parallel_loop3A_1327], %parallel_loop3A_1319 {strides = array<i32>} : memref<3x128x128xf32, #tpu.memory_space<vmem>>, vector<16xf32>,
        %parallel_loop3A_1329 = vector.shape_cast %parallel_loop3A_1292 : vector<16xi32> to vector<16x1xi32>
        %parallel_loop3A_1330 = vector.shape_cast %parallel_loop3A_1329 : vector<16x1xi32> to vector<16xi32>
        %parallel_loop3A_1331 = tpu.dynamic_gather %get3A_17[%parallel_loop3A_1330] in [0] : vector<16xf32>, vector<16xi32> -> vector<16xf32>
        %parallel_loop3A_1332 = arith.constant 4 : i32
        %parallel_loop3A_1333 = arith.muli %parallel_loop3A_1128, %parallel_loop3A_1332 : i32
        %parallel_loop3A_1334 = arith.constant 3 : i32
        %parallel_loop3A_1335 = arith.addi %parallel_loop3A_1333, %parallel_loop3A_1334 : i32
        %parallel_loop3A_1336 = arith.constant 2 : i32
        %parallel_loop3A_1337 = arith.index_cast %parallel_loop3A_1336 : i32 to index
        %parallel_loop3A_1338 = arith.index_cast %parallel_loop3A_1335 : i32 to index
        %parallel_loop3A_1339 = arith.constant 48 : index
        %parallel_loop3A_1340 = tpu.vector_load %arg7[%parallel_loop3A_1337, %parallel_loop3A_1338, %parallel_loop3A_1339] {strides = array<i32>} : memref<3x128x128xf32, #tpu.memory_space<vmem>>, vector<16xf32>,
        tpu.vector_store %arg7[%parallel_loop3A_1337, %parallel_loop3A_1338, %parallel_loop3A_1339], %parallel_loop3A_1331 {strides = array<i32>} : memref<3x128x128xf32, #tpu.memory_space<vmem>>, vector<16xf32>,
        %parallel_loop3A_1341 = arith.constant 2 : i32
        %parallel_loop3A_1342 = arith.index_cast %parallel_loop3A_1341 : i32 to index
        %parallel_loop3A_1343 = arith.index_cast %parallel_loop3A_1128 : i32 to index
        %parallel_loop3A_1344 = arith.constant 64 : index
        %parallel_loop3A_1345 = tpu.vector_load %arg6[%parallel_loop3A_1342, %parallel_loop3A_1343, %parallel_loop3A_1344] {strides = array<i32>} : memref<3x32x128xi32, #tpu.memory_space<vmem>>, vector<16xi32>,
        %parallel_loop3A_1346 = vector.shape_cast %parallel_loop3A_1345 : vector<16xi32> to vector<16x1xi32>
        %parallel_loop3A_1347 = vector.shape_cast %parallel_loop3A_1346 : vector<16x1xi32> to vector<16xi32>
        %parallel_loop3A_1348 = tpu.dynamic_gather %get3A_5[%parallel_loop3A_1347] in [0] : vector<16xf32>, vector<16xi32> -> vector<16xf32>
        %parallel_loop3A_1349 = arith.constant 4 : i32
        %parallel_loop3A_1350 = arith.muli %parallel_loop3A_1128, %parallel_loop3A_1349 : i32
        %parallel_loop3A_1351 = arith.constant 0 : i32
        %parallel_loop3A_1352 = arith.addi %parallel_loop3A_1350, %parallel_loop3A_1351 : i32
        %parallel_loop3A_1353 = arith.constant 2 : i32
        %parallel_loop3A_1354 = arith.index_cast %parallel_loop3A_1353 : i32 to index
        %parallel_loop3A_1355 = arith.index_cast %parallel_loop3A_1352 : i32 to index
        %parallel_loop3A_1356 = arith.constant 64 : index
        %parallel_loop3A_1357 = tpu.vector_load %arg7[%parallel_loop3A_1354, %parallel_loop3A_1355, %parallel_loop3A_1356] {strides = array<i32>} : memref<3x128x128xf32, #tpu.memory_space<vmem>>, vector<16xf32>,
        tpu.vector_store %arg7[%parallel_loop3A_1354, %parallel_loop3A_1355, %parallel_loop3A_1356], %parallel_loop3A_1348 {strides = array<i32>} : memref<3x128x128xf32, #tpu.memory_space<vmem>>, vector<16xf32>,
        %parallel_loop3A_1358 = vector.shape_cast %parallel_loop3A_1345 : vector<16xi32> to vector<16x1xi32>
        %parallel_loop3A_1359 = vector.shape_cast %parallel_loop3A_1358 : vector<16x1xi32> to vector<16xi32>
        %parallel_loop3A_1360 = tpu.dynamic_gather %get3A_9[%parallel_loop3A_1359] in [0] : vector<16xf32>, vector<16xi32> -> vector<16xf32>
        %parallel_loop3A_1361 = arith.constant 4 : i32
        %parallel_loop3A_1362 = arith.muli %parallel_loop3A_1128, %parallel_loop3A_1361 : i32
        %parallel_loop3A_1363 = arith.constant 1 : i32
        %parallel_loop3A_1364 = arith.addi %parallel_loop3A_1362, %parallel_loop3A_1363 : i32
        %parallel_loop3A_1365 = arith.constant 2 : i32
        %parallel_loop3A_1366 = arith.index_cast %parallel_loop3A_1365 : i32 to index
        %parallel_loop3A_1367 = arith.index_cast %parallel_loop3A_1364 : i32 to index
        %parallel_loop3A_1368 = arith.constant 64 : index
        %parallel_loop3A_1369 = tpu.vector_load %arg7[%parallel_loop3A_1366, %parallel_loop3A_1367, %parallel_loop3A_1368] {strides = array<i32>} : memref<3x128x128xf32, #tpu.memory_space<vmem>>, vector<16xf32>,
        tpu.vector_store %arg7[%parallel_loop3A_1366, %parallel_loop3A_1367, %parallel_loop3A_1368], %parallel_loop3A_1360 {strides = array<i32>} : memref<3x128x128xf32, #tpu.memory_space<vmem>>, vector<16xf32>,
        %parallel_loop3A_1370 = vector.shape_cast %parallel_loop3A_1345 : vector<16xi32> to vector<16x1xi32>
        %parallel_loop3A_1371 = vector.shape_cast %parallel_loop3A_1370 : vector<16x1xi32> to vector<16xi32>
        %parallel_loop3A_1372 = tpu.dynamic_gather %get3A_13[%parallel_loop3A_1371] in [0] : vector<16xf32>, vector<16xi32> -> vector<16xf32>
        %parallel_loop3A_1373 = arith.constant 4 : i32
        %parallel_loop3A_1374 = arith.muli %parallel_loop3A_1128, %parallel_loop3A_1373 : i32
        %parallel_loop3A_1375 = arith.constant 2 : i32
        %parallel_loop3A_1376 = arith.addi %parallel_loop3A_1374, %parallel_loop3A_1375 : i32
        %parallel_loop3A_1377 = arith.constant 2 : i32
        %parallel_loop3A_1378 = arith.index_cast %parallel_loop3A_1377 : i32 to index
        %parallel_loop3A_1379 = arith.index_cast %parallel_loop3A_1376 : i32 to index
        %parallel_loop3A_1380 = arith.constant 64 : index
        %parallel_loop3A_1381 = tpu.vector_load %arg7[%parallel_loop3A_1378, %parallel_loop3A_1379, %parallel_loop3A_1380] {strides = array<i32>} : memref<3x128x128xf32, #tpu.memory_space<vmem>>, vector<16xf32>,
        tpu.vector_store %arg7[%parallel_loop3A_1378, %parallel_loop3A_1379, %parallel_loop3A_1380], %parallel_loop3A_1372 {strides = array<i32>} : memref<3x128x128xf32, #tpu.memory_space<vmem>>, vector<16xf32>,
        %parallel_loop3A_1382 = vector.shape_cast %parallel_loop3A_1345 : vector<16xi32> to vector<16x1xi32>
        %parallel_loop3A_1383 = vector.shape_cast %parallel_loop3A_1382 : vector<16x1xi32> to vector<16xi32>
        %parallel_loop3A_1384 = tpu.dynamic_gather %get3A_17[%parallel_loop3A_1383] in [0] : vector<16xf32>, vector<16xi32> -> vector<16xf32>
        %parallel_loop3A_1385 = arith.constant 4 : i32
        %parallel_loop3A_1386 = arith.muli %parallel_loop3A_1128, %parallel_loop3A_1385 : i32
        %parallel_loop3A_1387 = arith.constant 3 : i32
        %parallel_loop3A_1388 = arith.addi %parallel_loop3A_1386, %parallel_loop3A_1387 : i32
        %parallel_loop3A_1389 = arith.constant 2 : i32
        %parallel_loop3A_1390 = arith.index_cast %parallel_loop3A_1389 : i32 to index
        %parallel_loop3A_1391 = arith.index_cast %parallel_loop3A_1388 : i32 to index
        %parallel_loop3A_1392 = arith.constant 64 : index
        %parallel_loop3A_1393 = tpu.vector_load %arg7[%parallel_loop3A_1390, %parallel_loop3A_1391, %parallel_loop3A_1392] {strides = array<i32>} : memref<3x128x128xf32, #tpu.memory_space<vmem>>, vector<16xf32>,
        tpu.vector_store %arg7[%parallel_loop3A_1390, %parallel_loop3A_1391, %parallel_loop3A_1392], %parallel_loop3A_1384 {strides = array<i32>} : memref<3x128x128xf32, #tpu.memory_space<vmem>>, vector<16xf32>,
        %parallel_loop3A_1394 = arith.constant 2 : i32
        %parallel_loop3A_1395 = arith.index_cast %parallel_loop3A_1394 : i32 to index
        %parallel_loop3A_1396 = arith.index_cast %parallel_loop3A_1128 : i32 to index
        %parallel_loop3A_1397 = arith.constant 80 : index
        %parallel_loop3A_1398 = tpu.vector_load %arg6[%parallel_loop3A_1395, %parallel_loop3A_1396, %parallel_loop3A_1397] {strides = array<i32>} : memref<3x32x128xi32, #tpu.memory_space<vmem>>, vector<16xi32>,
        %parallel_loop3A_1399 = vector.shape_cast %parallel_loop3A_1398 : vector<16xi32> to vector<16x1xi32>
        %parallel_loop3A_1400 = vector.shape_cast %parallel_loop3A_1399 : vector<16x1xi32> to vector<16xi32>
        %parallel_loop3A_1401 = tpu.dynamic_gather %get3A_5[%parallel_loop3A_1400] in [0] : vector<16xf32>, vector<16xi32> -> vector<16xf32>
        %parallel_loop3A_1402 = arith.constant 4 : i32
        %parallel_loop3A_1403 = arith.muli %parallel_loop3A_1128, %parallel_loop3A_1402 : i32
        %parallel_loop3A_1404 = arith.constant 0 : i32
        %parallel_loop3A_1405 = arith.addi %parallel_loop3A_1403, %parallel_loop3A_1404 : i32
        %parallel_loop3A_1406 = arith.constant 2 : i32
        %parallel_loop3A_1407 = arith.index_cast %parallel_loop3A_1406 : i32 to index
        %parallel_loop3A_1408 = arith.index_cast %parallel_loop3A_1405 : i32 to index
        %parallel_loop3A_1409 = arith.constant 80 : index
        %parallel_loop3A_1410 = tpu.vector_load %arg7[%parallel_loop3A_1407, %parallel_loop3A_1408, %parallel_loop3A_1409] {strides = array<i32>} : memref<3x128x128xf32, #tpu.memory_space<vmem>>, vector<16xf32>,
        tpu.vector_store %arg7[%parallel_loop3A_1407, %parallel_loop3A_1408, %parallel_loop3A_1409], %parallel_loop3A_1401 {strides = array<i32>} : memref<3x128x128xf32, #tpu.memory_space<vmem>>, vector<16xf32>,
        %parallel_loop3A_1411 = vector.shape_cast %parallel_loop3A_1398 : vector<16xi32> to vector<16x1xi32>
        %parallel_loop3A_1412 = vector.shape_cast %parallel_loop3A_1411 : vector<16x1xi32> to vector<16xi32>
        %parallel_loop3A_1413 = tpu.dynamic_gather %get3A_9[%parallel_loop3A_1412] in [0] : vector<16xf32>, vector<16xi32> -> vector<16xf32>
        %parallel_loop3A_1414 = arith.constant 4 : i32
        %parallel_loop3A_1415 = arith.muli %parallel_loop3A_1128, %parallel_loop3A_1414 : i32
        %parallel_loop3A_1416 = arith.constant 1 : i32
        %parallel_loop3A_1417 = arith.addi %parallel_loop3A_1415, %parallel_loop3A_1416 : i32
        %parallel_loop3A_1418 = arith.constant 2 : i32
        %parallel_loop3A_1419 = arith.index_cast %parallel_loop3A_1418 : i32 to index
        %parallel_loop3A_1420 = arith.index_cast %parallel_loop3A_1417 : i32 to index
        %parallel_loop3A_1421 = arith.constant 80 : index
        %parallel_loop3A_1422 = tpu.vector_load %arg7[%parallel_loop3A_1419, %parallel_loop3A_1420, %parallel_loop3A_1421] {strides = array<i32>} : memref<3x128x128xf32, #tpu.memory_space<vmem>>, vector<16xf32>,
        tpu.vector_store %arg7[%parallel_loop3A_1419, %parallel_loop3A_1420, %parallel_loop3A_1421], %parallel_loop3A_1413 {strides = array<i32>} : memref<3x128x128xf32, #tpu.memory_space<vmem>>, vector<16xf32>,
        %parallel_loop3A_1423 = vector.shape_cast %parallel_loop3A_1398 : vector<16xi32> to vector<16x1xi32>
        %parallel_loop3A_1424 = vector.shape_cast %parallel_loop3A_1423 : vector<16x1xi32> to vector<16xi32>
        %parallel_loop3A_1425 = tpu.dynamic_gather %get3A_13[%parallel_loop3A_1424] in [0] : vector<16xf32>, vector<16xi32> -> vector<16xf32>
        %parallel_loop3A_1426 = arith.constant 4 : i32
        %parallel_loop3A_1427 = arith.muli %parallel_loop3A_1128, %parallel_loop3A_1426 : i32
        %parallel_loop3A_1428 = arith.constant 2 : i32
        %parallel_loop3A_1429 = arith.addi %parallel_loop3A_1427, %parallel_loop3A_1428 : i32
        %parallel_loop3A_1430 = arith.constant 2 : i32
        %parallel_loop3A_1431 = arith.index_cast %parallel_loop3A_1430 : i32 to index
        %parallel_loop3A_1432 = arith.index_cast %parallel_loop3A_1429 : i32 to index
        %parallel_loop3A_1433 = arith.constant 80 : index
        %parallel_loop3A_1434 = tpu.vector_load %arg7[%parallel_loop3A_1431, %parallel_loop3A_1432, %parallel_loop3A_1433] {strides = array<i32>} : memref<3x128x128xf32, #tpu.memory_space<vmem>>, vector<16xf32>,
        tpu.vector_store %arg7[%parallel_loop3A_1431, %parallel_loop3A_1432, %parallel_loop3A_1433], %parallel_loop3A_1425 {strides = array<i32>} : memref<3x128x128xf32, #tpu.memory_space<vmem>>, vector<16xf32>,
        %parallel_loop3A_1435 = vector.shape_cast %parallel_loop3A_1398 : vector<16xi32> to vector<16x1xi32>
        %parallel_loop3A_1436 = vector.shape_cast %parallel_loop3A_1435 : vector<16x1xi32> to vector<16xi32>
        %parallel_loop3A_1437 = tpu.dynamic_gather %get3A_17[%parallel_loop3A_1436] in [0] : vector<16xf32>, vector<16xi32> -> vector<16xf32>
        %parallel_loop3A_1438 = arith.constant 4 : i32
        %parallel_loop3A_1439 = arith.muli %parallel_loop3A_1128, %parallel_loop3A_1438 : i32
        %parallel_loop3A_1440 = arith.constant 3 : i32
        %parallel_loop3A_1441 = arith.addi %parallel_loop3A_1439, %parallel_loop3A_1440 : i32
        %parallel_loop3A_1442 = arith.constant 2 : i32
        %parallel_loop3A_1443 = arith.index_cast %parallel_loop3A_1442 : i32 to index
        %parallel_loop3A_1444 = arith.index_cast %parallel_loop3A_1441 : i32 to index
        %parallel_loop3A_1445 = arith.constant 80 : index
        %parallel_loop3A_1446 = tpu.vector_load %arg7[%parallel_loop3A_1443, %parallel_loop3A_1444, %parallel_loop3A_1445] {strides = array<i32>} : memref<3x128x128xf32, #tpu.memory_space<vmem>>, vector<16xf32>,
        tpu.vector_store %arg7[%parallel_loop3A_1443, %parallel_loop3A_1444, %parallel_loop3A_1445], %parallel_loop3A_1437 {strides = array<i32>} : memref<3x128x128xf32, #tpu.memory_space<vmem>>, vector<16xf32>,
        %parallel_loop3A_1447 = arith.constant 2 : i32
        %parallel_loop3A_1448 = arith.index_cast %parallel_loop3A_1447 : i32 to index
        %parallel_loop3A_1449 = arith.index_cast %parallel_loop3A_1128 : i32 to index
        %parallel_loop3A_1450 = arith.constant 96 : index
        %parallel_loop3A_1451 = tpu.vector_load %arg6[%parallel_loop3A_1448, %parallel_loop3A_1449, %parallel_loop3A_1450] {strides = array<i32>} : memref<3x32x128xi32, #tpu.memory_space<vmem>>, vector<16xi32>,
        %parallel_loop3A_1452 = vector.shape_cast %parallel_loop3A_1451 : vector<16xi32> to vector<16x1xi32>
        %parallel_loop3A_1453 = vector.shape_cast %parallel_loop3A_1452 : vector<16x1xi32> to vector<16xi32>
        %parallel_loop3A_1454 = tpu.dynamic_gather %get3A_5[%parallel_loop3A_1453] in [0] : vector<16xf32>, vector<16xi32> -> vector<16xf32>
        %parallel_loop3A_1455 = arith.constant 4 : i32
        %parallel_loop3A_1456 = arith.muli %parallel_loop3A_1128, %parallel_loop3A_1455 : i32
        %parallel_loop3A_1457 = arith.constant 0 : i32
        %parallel_loop3A_1458 = arith.addi %parallel_loop3A_1456, %parallel_loop3A_1457 : i32
        %parallel_loop3A_1459 = arith.constant 2 : i32
        %parallel_loop3A_1460 = arith.index_cast %parallel_loop3A_1459 : i32 to index
        %parallel_loop3A_1461 = arith.index_cast %parallel_loop3A_1458 : i32 to index
        %parallel_loop3A_1462 = arith.constant 96 : index
        %parallel_loop3A_1463 = tpu.vector_load %arg7[%parallel_loop3A_1460, %parallel_loop3A_1461, %parallel_loop3A_1462] {strides = array<i32>} : memref<3x128x128xf32, #tpu.memory_space<vmem>>, vector<16xf32>,
        tpu.vector_store %arg7[%parallel_loop3A_1460, %parallel_loop3A_1461, %parallel_loop3A_1462], %parallel_loop3A_1454 {strides = array<i32>} : memref<3x128x128xf32, #tpu.memory_space<vmem>>, vector<16xf32>,
        %parallel_loop3A_1464 = vector.shape_cast %parallel_loop3A_1451 : vector<16xi32> to vector<16x1xi32>
        %parallel_loop3A_1465 = vector.shape_cast %parallel_loop3A_1464 : vector<16x1xi32> to vector<16xi32>
        %parallel_loop3A_1466 = tpu.dynamic_gather %get3A_9[%parallel_loop3A_1465] in [0] : vector<16xf32>, vector<16xi32> -> vector<16xf32>
        %parallel_loop3A_1467 = arith.constant 4 : i32
        %parallel_loop3A_1468 = arith.muli %parallel_loop3A_1128, %parallel_loop3A_1467 : i32
        %parallel_loop3A_1469 = arith.constant 1 : i32
        %parallel_loop3A_1470 = arith.addi %parallel_loop3A_1468, %parallel_loop3A_1469 : i32
        %parallel_loop3A_1471 = arith.constant 2 : i32
        %parallel_loop3A_1472 = arith.index_cast %parallel_loop3A_1471 : i32 to index
        %parallel_loop3A_1473 = arith.index_cast %parallel_loop3A_1470 : i32 to index
        %parallel_loop3A_1474 = arith.constant 96 : index
        %parallel_loop3A_1475 = tpu.vector_load %arg7[%parallel_loop3A_1472, %parallel_loop3A_1473, %parallel_loop3A_1474] {strides = array<i32>} : memref<3x128x128xf32, #tpu.memory_space<vmem>>, vector<16xf32>,
        tpu.vector_store %arg7[%parallel_loop3A_1472, %parallel_loop3A_1473, %parallel_loop3A_1474], %parallel_loop3A_1466 {strides = array<i32>} : memref<3x128x128xf32, #tpu.memory_space<vmem>>, vector<16xf32>,
        %parallel_loop3A_1476 = vector.shape_cast %parallel_loop3A_1451 : vector<16xi32> to vector<16x1xi32>
        %parallel_loop3A_1477 = vector.shape_cast %parallel_loop3A_1476 : vector<16x1xi32> to vector<16xi32>
        %parallel_loop3A_1478 = tpu.dynamic_gather %get3A_13[%parallel_loop3A_1477] in [0] : vector<16xf32>, vector<16xi32> -> vector<16xf32>
        %parallel_loop3A_1479 = arith.constant 4 : i32
        %parallel_loop3A_1480 = arith.muli %parallel_loop3A_1128, %parallel_loop3A_1479 : i32
        %parallel_loop3A_1481 = arith.constant 2 : i32
        %parallel_loop3A_1482 = arith.addi %parallel_loop3A_1480, %parallel_loop3A_1481 : i32
        %parallel_loop3A_1483 = arith.constant 2 : i32
        %parallel_loop3A_1484 = arith.index_cast %parallel_loop3A_1483 : i32 to index
        %parallel_loop3A_1485 = arith.index_cast %parallel_loop3A_1482 : i32 to index
        %parallel_loop3A_1486 = arith.constant 96 : index
        %parallel_loop3A_1487 = tpu.vector_load %arg7[%parallel_loop3A_1484, %parallel_loop3A_1485, %parallel_loop3A_1486] {strides = array<i32>} : memref<3x128x128xf32, #tpu.memory_space<vmem>>, vector<16xf32>,
        tpu.vector_store %arg7[%parallel_loop3A_1484, %parallel_loop3A_1485, %parallel_loop3A_1486], %parallel_loop3A_1478 {strides = array<i32>} : memref<3x128x128xf32, #tpu.memory_space<vmem>>, vector<16xf32>,
        %parallel_loop3A_1488 = vector.shape_cast %parallel_loop3A_1451 : vector<16xi32> to vector<16x1xi32>
        %parallel_loop3A_1489 = vector.shape_cast %parallel_loop3A_1488 : vector<16x1xi32> to vector<16xi32>
        %parallel_loop3A_1490 = tpu.dynamic_gather %get3A_17[%parallel_loop3A_1489] in [0] : vector<16xf32>, vector<16xi32> -> vector<16xf32>
        %parallel_loop3A_1491 = arith.constant 4 : i32
        %parallel_loop3A_1492 = arith.muli %parallel_loop3A_1128, %parallel_loop3A_1491 : i32
        %parallel_loop3A_1493 = arith.constant 3 : i32
        %parallel_loop3A_1494 = arith.addi %parallel_loop3A_1492, %parallel_loop3A_1493 : i32
        %parallel_loop3A_1495 = arith.constant 2 : i32
        %parallel_loop3A_1496 = arith.index_cast %parallel_loop3A_1495 : i32 to index
        %parallel_loop3A_1497 = arith.index_cast %parallel_loop3A_1494 : i32 to index
        %parallel_loop3A_1498 = arith.constant 96 : index
        %parallel_loop3A_1499 = tpu.vector_load %arg7[%parallel_loop3A_1496, %parallel_loop3A_1497, %parallel_loop3A_1498] {strides = array<i32>} : memref<3x128x128xf32, #tpu.memory_space<vmem>>, vector<16xf32>,
        tpu.vector_store %arg7[%parallel_loop3A_1496, %parallel_loop3A_1497, %parallel_loop3A_1498], %parallel_loop3A_1490 {strides = array<i32>} : memref<3x128x128xf32, #tpu.memory_space<vmem>>, vector<16xf32>,
        %parallel_loop3A_1500 = arith.constant 2 : i32
        %parallel_loop3A_1501 = arith.index_cast %parallel_loop3A_1500 : i32 to index
        %parallel_loop3A_1502 = arith.index_cast %parallel_loop3A_1128 : i32 to index
        %parallel_loop3A_1503 = arith.constant 112 : index
        %parallel_loop3A_1504 = tpu.vector_load %arg6[%parallel_loop3A_1501, %parallel_loop3A_1502, %parallel_loop3A_1503] {strides = array<i32>} : memref<3x32x128xi32, #tpu.memory_space<vmem>>, vector<16xi32>,
        %parallel_loop3A_1505 = vector.shape_cast %parallel_loop3A_1504 : vector<16xi32> to vector<16x1xi32>
        %parallel_loop3A_1506 = vector.shape_cast %parallel_loop3A_1505 : vector<16x1xi32> to vector<16xi32>
        %parallel_loop3A_1507 = tpu.dynamic_gather %get3A_5[%parallel_loop3A_1506] in [0] : vector<16xf32>, vector<16xi32> -> vector<16xf32>
        %parallel_loop3A_1508 = arith.constant 4 : i32
        %parallel_loop3A_1509 = arith.muli %parallel_loop3A_1128, %parallel_loop3A_1508 : i32
        %parallel_loop3A_1510 = arith.constant 0 : i32
        %parallel_loop3A_1511 = arith.addi %parallel_loop3A_1509, %parallel_loop3A_1510 : i32
        %parallel_loop3A_1512 = arith.constant 2 : i32
        %parallel_loop3A_1513 = arith.index_cast %parallel_loop3A_1512 : i32 to index
        %parallel_loop3A_1514 = arith.index_cast %parallel_loop3A_1511 : i32 to index
        %parallel_loop3A_1515 = arith.constant 112 : index
        %parallel_loop3A_1516 = tpu.vector_load %arg7[%parallel_loop3A_1513, %parallel_loop3A_1514, %parallel_loop3A_1515] {strides = array<i32>} : memref<3x128x128xf32, #tpu.memory_space<vmem>>, vector<16xf32>,
        tpu.vector_store %arg7[%parallel_loop3A_1513, %parallel_loop3A_1514, %parallel_loop3A_1515], %parallel_loop3A_1507 {strides = array<i32>} : memref<3x128x128xf32, #tpu.memory_space<vmem>>, vector<16xf32>,
        %parallel_loop3A_1517 = vector.shape_cast %parallel_loop3A_1504 : vector<16xi32> to vector<16x1xi32>
        %parallel_loop3A_1518 = vector.shape_cast %parallel_loop3A_1517 : vector<16x1xi32> to vector<16xi32>
        %parallel_loop3A_1519 = tpu.dynamic_gather %get3A_9[%parallel_loop3A_1518] in [0] : vector<16xf32>, vector<16xi32> -> vector<16xf32>
        %parallel_loop3A_1520 = arith.constant 4 : i32
        %parallel_loop3A_1521 = arith.muli %parallel_loop3A_1128, %parallel_loop3A_1520 : i32
        %parallel_loop3A_1522 = arith.constant 1 : i32
        %parallel_loop3A_1523 = arith.addi %parallel_loop3A_1521, %parallel_loop3A_1522 : i32
        %parallel_loop3A_1524 = arith.constant 2 : i32
        %parallel_loop3A_1525 = arith.index_cast %parallel_loop3A_1524 : i32 to index
        %parallel_loop3A_1526 = arith.index_cast %parallel_loop3A_1523 : i32 to index
        %parallel_loop3A_1527 = arith.constant 112 : index
        %parallel_loop3A_1528 = tpu.vector_load %arg7[%parallel_loop3A_1525, %parallel_loop3A_1526, %parallel_loop3A_1527] {strides = array<i32>} : memref<3x128x128xf32, #tpu.memory_space<vmem>>, vector<16xf32>,
        tpu.vector_store %arg7[%parallel_loop3A_1525, %parallel_loop3A_1526, %parallel_loop3A_1527], %parallel_loop3A_1519 {strides = array<i32>} : memref<3x128x128xf32, #tpu.memory_space<vmem>>, vector<16xf32>,
        %parallel_loop3A_1529 = vector.shape_cast %parallel_loop3A_1504 : vector<16xi32> to vector<16x1xi32>
        %parallel_loop3A_1530 = vector.shape_cast %parallel_loop3A_1529 : vector<16x1xi32> to vector<16xi32>
        %parallel_loop3A_1531 = tpu.dynamic_gather %get3A_13[%parallel_loop3A_1530] in [0] : vector<16xf32>, vector<16xi32> -> vector<16xf32>
        %parallel_loop3A_1532 = arith.constant 4 : i32
        %parallel_loop3A_1533 = arith.muli %parallel_loop3A_1128, %parallel_loop3A_1532 : i32
        %parallel_loop3A_1534 = arith.constant 2 : i32
        %parallel_loop3A_1535 = arith.addi %parallel_loop3A_1533, %parallel_loop3A_1534 : i32
        %parallel_loop3A_1536 = arith.constant 2 : i32
        %parallel_loop3A_1537 = arith.index_cast %parallel_loop3A_1536 : i32 to index
        %parallel_loop3A_1538 = arith.index_cast %parallel_loop3A_1535 : i32 to index
        %parallel_loop3A_1539 = arith.constant 112 : index
        %parallel_loop3A_1540 = tpu.vector_load %arg7[%parallel_loop3A_1537, %parallel_loop3A_1538, %parallel_loop3A_1539] {strides = array<i32>} : memref<3x128x128xf32, #tpu.memory_space<vmem>>, vector<16xf32>,
        tpu.vector_store %arg7[%parallel_loop3A_1537, %parallel_loop3A_1538, %parallel_loop3A_1539], %parallel_loop3A_1531 {strides = array<i32>} : memref<3x128x128xf32, #tpu.memory_space<vmem>>, vector<16xf32>,
        %parallel_loop3A_1541 = vector.shape_cast %parallel_loop3A_1504 : vector<16xi32> to vector<16x1xi32>
        %parallel_loop3A_1542 = vector.shape_cast %parallel_loop3A_1541 : vector<16x1xi32> to vector<16xi32>
        %parallel_loop3A_1543 = tpu.dynamic_gather %get3A_17[%parallel_loop3A_1542] in [0] : vector<16xf32>, vector<16xi32> -> vector<16xf32>
        %parallel_loop3A_1544 = arith.constant 4 : i32
        %parallel_loop3A_1545 = arith.muli %parallel_loop3A_1128, %parallel_loop3A_1544 : i32
        %parallel_loop3A_1546 = arith.constant 3 : i32
        %parallel_loop3A_1547 = arith.addi %parallel_loop3A_1545, %parallel_loop3A_1546 : i32
        %parallel_loop3A_1548 = arith.constant 2 : i32
        %parallel_loop3A_1549 = arith.index_cast %parallel_loop3A_1548 : i32 to index
        %parallel_loop3A_1550 = arith.index_cast %parallel_loop3A_1547 : i32 to index
        %parallel_loop3A_1551 = arith.constant 112 : index
        %parallel_loop3A_1552 = tpu.vector_load %arg7[%parallel_loop3A_1549, %parallel_loop3A_1550, %parallel_loop3A_1551] {strides = array<i32>} : memref<3x128x128xf32, #tpu.memory_space<vmem>>, vector<16xf32>,
        tpu.vector_store %arg7[%parallel_loop3A_1549, %parallel_loop3A_1550, %parallel_loop3A_1551], %parallel_loop3A_1543 {strides = array<i32>} : memref<3x128x128xf32, #tpu.memory_space<vmem>>, vector<16xf32>,
      } {sc.loop_unroll_factor = 8 : i64, sc.parallel_access}
      %add3A_1070 = arith.addi %mul3A_2, %add3A_956 : i32
      %jit3A_1071 = arith.constant 4 : i32
      %div3A_1072 = arith.divsi %add3A_1070, %jit3A_1071 : i32
      %sign3A_1073 = arith.constant 0 : i32
      %sign3A_1074 = arith.cmpi sgt, %add3A_1070, %sign3A_1073 : i32
      %sign3A_1075 = arith.extui %sign3A_1074 : i1 to i32
      %sign3A_1076 = arith.constant 0 : i32
      %sign3A_1077 = arith.cmpi slt, %add3A_1070, %sign3A_1076 : i32
      %sign3A_1078 = arith.extui %sign3A_1077 : i1 to i32
      %sign3A_1079 = arith.subi %sign3A_1075, %sign3A_1078 : i32
      %sign3A_1080 = arith.constant 0 : i32
      %sign3A_1081 = arith.cmpi sgt, %jit3A_1071, %sign3A_1080 : i32
      %sign3A_1082 = arith.extui %sign3A_1081 : i1 to i32
      %sign3A_1083 = arith.constant 0 : i32
      %sign3A_1084 = arith.cmpi slt, %jit3A_1071, %sign3A_1083 : i32
      %sign3A_1085 = arith.extui %sign3A_1084 : i1 to i32
      %sign3A_1086 = arith.subi %sign3A_1082, %sign3A_1085 : i32
      %ne3A_1087 = arith.cmpi ne, %sign3A_1079, %sign3A_1086 : i32
      %rem3A_1088 = arith.remsi %add3A_1070, %jit3A_1071 : i32
      %ne3A_1089 = arith.constant 0 : i32
      %ne3A_1090 = arith.cmpi ne, %rem3A_1088, %ne3A_1089 : i32
      %and3A_1091 = arith.andi %ne3A_1087, %ne3A_1090 : i1
      %sub3A_1092 = arith.constant 1 : i32
      %sub3A_1093 = arith.subi %div3A_1072, %sub3A_1092 : i32
      %select_n3A_1094 = arith.select %and3A_1091, %sub3A_1093, %div3A_1072 : i32
      %jit3A_1095 = arith.constant 4 : i32
      %eq3A_1096 = arith.constant 0 : i32
      %eq3A_1097 = arith.cmpi eq, %jit3A_1095, %eq3A_1096 : i32
      %jit3A_1098 = arith.constant 1 : i32
      %select_n3A_1099 = arith.select %eq3A_1097, %jit3A_1098, %jit3A_1095 : i32
      %rem3A_1100 = arith.remsi %add3A_1070, %select_n3A_1099 : i32
      %ne3A_1101 = arith.constant 0 : i32
      %ne3A_1102 = arith.cmpi ne, %rem3A_1100, %ne3A_1101 : i32
      %lt3A_1103 = arith.constant 0 : i32
      %lt3A_1104 = arith.cmpi slt, %rem3A_1100, %lt3A_1103 : i32
      %lt3A_1105 = arith.constant 0 : i32
      %lt3A_1106 = arith.cmpi slt, %select_n3A_1099, %lt3A_1105 : i32
      %ne3A_1107 = arith.xori %lt3A_1104, %lt3A_1106 : i1
      %and3A_1108 = arith.andi %ne3A_1107, %ne3A_1102 : i1
      %add3A_1109 = arith.addi %rem3A_1100, %select_n3A_1099 : i32
      %select_n3A_1110 = arith.select %and3A_1108, %add3A_1109, %rem3A_1100 : i32
      %mul3A_1111 = arith.constant 128 : i32
      %mul3A_1112 = arith.muli %select_n3A_1110, %mul3A_1111 : i32
      %dma_start3A_1113 = arith.constant 2 : i32
      %dma_start3A_1114 = arith.constant 0 : i32
      %dma_start3A_1115 = arith.constant 0 : i32
      %dma_start3A_1116 = tpu.memref_slice %arg7[%dma_start3A_1113, %dma_start3A_1114, %dma_start3A_1115] : memref<3x128x128xf32, #tpu.memory_space<vmem>> -> memref<1x128x128xf32, #tpu.memory_space<vmem>>
      %dma_start3A_1117 = tpu.memref_squeeze %dma_start3A_1116 : memref<1x128x128xf32, #tpu.memory_space<vmem>> -> memref<128x128xf32, #tpu.memory_space<vmem>>
      %dma_start3A_1118 = arith.constant 0 : i32
      %dma_start3A_1119 = tpu.memref_slice %arg4[%select_n3A_1094, %mul3A_1112, %dma_start3A_1118] : memref<200x512x128xf32, #tpu.memory_space<hbm>> -> memref<1x128x128xf32, #tpu.memory_space<hbm>>
      %dma_start3A_1120 = tpu.memref_squeeze %dma_start3A_1119 : memref<1x128x128xf32, #tpu.memory_space<hbm>> -> memref<128x128xf32, #tpu.memory_space<hbm>>
      %dma_start3A_1121 = arith.constant 0 : i32
      %dma_start3A_1122 = tpu.memref_slice %arg4[%select_n3A_1094, %mul3A_1112, %dma_start3A_1121] : memref<200x512x128xf32, #tpu.memory_space<hbm>> -> memref<1x128x128xf32, #tpu.memory_space<hbm>>
      %dma_start3A_1123 = tpu.memref_squeeze %dma_start3A_1122 : memref<1x128x128xf32, #tpu.memory_space<hbm>> -> memref<128x128xf32, #tpu.memory_space<hbm>>
      %dma_start3A_1124 = arith.constant 0 : i32
      %dma_start3A_1125 = arith.constant 0 : i32
      %dma_start3A_1126 = tpu.memref_slice %arg7[%dma_start3A_1113, %dma_start3A_1124, %dma_start3A_1125] : memref<3x128x128xf32, #tpu.memory_space<vmem>> -> memref<1x128x128xf32, #tpu.memory_space<vmem>>
      %dma_start3A_1127 = tpu.memref_squeeze %dma_start3A_1126 : memref<1x128x128xf32, #tpu.memory_space<vmem>> -> memref<128x128xf32, #tpu.memory_space<vmem>>
      tpu.enqueue_dma source(%dma_start3A_1127 : memref<128x128xf32, #tpu.memory_space<vmem>>) target(%dma_start3A_1123 : memref<128x128xf32, #tpu.memory_space<hbm>>) target_semaphore(%arg13 : memref<!tpu.dma_semaphore, #tpu.memory_space<semaphore_mem>>)
    }
    %scan3A_209 = arith.constant 8 : i32
    %add3A_210 = arith.constant 24 : i32
    %add3A_211 = arith.addi %mul3A_2, %add3A_210 : i32
    %jit3A_212 = arith.constant 4 : i32
    %div3A_213 = arith.divsi %add3A_211, %jit3A_212 : i32
    %sign3A_214 = arith.constant 0 : i32
    %sign3A_215 = arith.cmpi sgt, %add3A_211, %sign3A_214 : i32
    %sign3A_216 = arith.extui %sign3A_215 : i1 to i32
    %sign3A_217 = arith.constant 0 : i32
    %sign3A_218 = arith.cmpi slt, %add3A_211, %sign3A_217 : i32
    %sign3A_219 = arith.extui %sign3A_218 : i1 to i32
    %sign3A_220 = arith.subi %sign3A_216, %sign3A_219 : i32
    %sign3A_221 = arith.constant 0 : i32
    %sign3A_222 = arith.cmpi sgt, %jit3A_212, %sign3A_221 : i32
    %sign3A_223 = arith.extui %sign3A_222 : i1 to i32
    %sign3A_224 = arith.constant 0 : i32
    %sign3A_225 = arith.cmpi slt, %jit3A_212, %sign3A_224 : i32
    %sign3A_226 = arith.extui %sign3A_225 : i1 to i32
    %sign3A_227 = arith.subi %sign3A_223, %sign3A_226 : i32
    %ne3A_228 = arith.cmpi ne, %sign3A_220, %sign3A_227 : i32
    %rem3A_229 = arith.remsi %add3A_211, %jit3A_212 : i32
    %ne3A_230 = arith.constant 0 : i32
    %ne3A_231 = arith.cmpi ne, %rem3A_229, %ne3A_230 : i32
    %and3A_232 = arith.andi %ne3A_228, %ne3A_231 : i1
    %sub3A_233 = arith.constant 1 : i32
    %sub3A_234 = arith.subi %div3A_213, %sub3A_233 : i32
    %select_n3A_235 = arith.select %and3A_232, %sub3A_234, %div3A_213 : i32
    %jit3A_236 = arith.constant 8 : i32
    %div3A_237 = arith.divsi %select_n3A_235, %jit3A_236 : i32
    %sign3A_238 = arith.constant 0 : i32
    %sign3A_239 = arith.cmpi sgt, %select_n3A_235, %sign3A_238 : i32
    %sign3A_240 = arith.extui %sign3A_239 : i1 to i32
    %sign3A_241 = arith.constant 0 : i32
    %sign3A_242 = arith.cmpi slt, %select_n3A_235, %sign3A_241 : i32
    %sign3A_243 = arith.extui %sign3A_242 : i1 to i32
    %sign3A_244 = arith.subi %sign3A_240, %sign3A_243 : i32
    %sign3A_245 = arith.constant 0 : i32
    %sign3A_246 = arith.cmpi sgt, %jit3A_236, %sign3A_245 : i32
    %sign3A_247 = arith.extui %sign3A_246 : i1 to i32
    %sign3A_248 = arith.constant 0 : i32
    %sign3A_249 = arith.cmpi slt, %jit3A_236, %sign3A_248 : i32
    %sign3A_250 = arith.extui %sign3A_249 : i1 to i32
    %sign3A_251 = arith.subi %sign3A_247, %sign3A_250 : i32
    %ne3A_252 = arith.cmpi ne, %sign3A_244, %sign3A_251 : i32
    %rem3A_253 = arith.remsi %select_n3A_235, %jit3A_236 : i32
    %ne3A_254 = arith.constant 0 : i32
    %ne3A_255 = arith.cmpi ne, %rem3A_253, %ne3A_254 : i32
    %and3A_256 = arith.andi %ne3A_252, %ne3A_255 : i1
    %sub3A_257 = arith.constant 1 : i32
    %sub3A_258 = arith.subi %div3A_237, %sub3A_257 : i32
    %select_n3A_259 = arith.select %and3A_256, %sub3A_258, %div3A_237 : i32
    %jit3A_260 = arith.constant 4 : i32
    %eq3A_261 = arith.constant 0 : i32
    %eq3A_262 = arith.cmpi eq, %jit3A_260, %eq3A_261 : i32
    %jit3A_263 = arith.constant 1 : i32
    %select_n3A_264 = arith.select %eq3A_262, %jit3A_263, %jit3A_260 : i32
    %rem3A_265 = arith.remsi %add3A_211, %select_n3A_264 : i32
    %ne3A_266 = arith.constant 0 : i32
    %ne3A_267 = arith.cmpi ne, %rem3A_265, %ne3A_266 : i32
    %lt3A_268 = arith.constant 0 : i32
    %lt3A_269 = arith.cmpi slt, %rem3A_265, %lt3A_268 : i32
    %lt3A_270 = arith.constant 0 : i32
    %lt3A_271 = arith.cmpi slt, %select_n3A_264, %lt3A_270 : i32
    %ne3A_272 = arith.xori %lt3A_269, %lt3A_271 : i1
    %and3A_273 = arith.andi %ne3A_272, %ne3A_267 : i1
    %add3A_274 = arith.addi %rem3A_265, %select_n3A_264 : i32
    %select_n3A_275 = arith.select %and3A_273, %add3A_274, %rem3A_265 : i32
    %mul3A_276 = arith.constant 32 : i32
    %mul3A_277 = arith.muli %select_n3A_275, %mul3A_276 : i32
    %jit3A_278 = arith.constant 8 : i32
    %eq3A_279 = arith.constant 0 : i32
    %eq3A_280 = arith.cmpi eq, %jit3A_278, %eq3A_279 : i32
    %jit3A_281 = arith.constant 1 : i32
    %select_n3A_282 = arith.select %eq3A_280, %jit3A_281, %jit3A_278 : i32
    %rem3A_283 = arith.remsi %select_n3A_235, %select_n3A_282 : i32
    %ne3A_284 = arith.constant 0 : i32
    %ne3A_285 = arith.cmpi ne, %rem3A_283, %ne3A_284 : i32
    %lt3A_286 = arith.constant 0 : i32
    %lt3A_287 = arith.cmpi slt, %rem3A_283, %lt3A_286 : i32
    %lt3A_288 = arith.constant 0 : i32
    %lt3A_289 = arith.cmpi slt, %select_n3A_282, %lt3A_288 : i32
    %ne3A_290 = arith.xori %lt3A_287, %lt3A_289 : i1
    %and3A_291 = arith.andi %ne3A_290, %ne3A_285 : i1
    %add3A_292 = arith.addi %rem3A_283, %select_n3A_282 : i32
    %select_n3A_293 = arith.select %and3A_291, %add3A_292, %rem3A_283 : i32
    %dma_wait3A = arith.constant 0 : i32
    %dma_wait3A_294 = arith.constant 0 : i32
    %dma_wait3A_295 = arith.constant 0 : i32
    %dma_wait3A_296 = tpu.memref_slice %arg6[%dma_wait3A, %dma_wait3A_294, %dma_wait3A_295] : memref<3x32x128xi32, #tpu.memory_space<vmem>> -> memref<1x32x128xi32, #tpu.memory_space<vmem>>
    %dma_wait3A_297 = tpu.memref_squeeze %dma_wait3A_296 : memref<1x32x128xi32, #tpu.memory_space<vmem>> -> memref<32x128xi32, #tpu.memory_space<vmem>>
    %dma_wait3A_298 = arith.constant 0 : i32
    %dma_wait3A_299 = tpu.memref_slice %arg2[%select_n3A_259, %mul3A_277, %select_n3A_293, %dma_wait3A_298] : memref<25x128x8x128xi32, #tpu.memory_space<hbm>> -> memref<1x32x1x128xi32, #tpu.memory_space<hbm>>
    %dma_wait3A_300 = tpu.memref_squeeze %dma_wait3A_299 : memref<1x32x1x128xi32, #tpu.memory_space<hbm>> -> memref<32x128xi32, #tpu.memory_space<hbm>>
    %dma_wait3A_301 = arith.constant 0 : i32
    %dma_wait3A_302 = arith.constant 0 : i32
    %dma_wait3A_303 = tpu.memref_slice %arg6[%dma_wait3A, %dma_wait3A_301, %dma_wait3A_302] : memref<3x32x128xi32, #tpu.memory_space<vmem>> -> memref<1x32x128xi32, #tpu.memory_space<vmem>>
    %dma_wait3A_304 = tpu.memref_squeeze %dma_wait3A_303 : memref<1x32x128xi32, #tpu.memory_space<vmem>> -> memref<32x128xi32, #tpu.memory_space<vmem>>
    %dma_wait3A_305 = arith.constant 0 : i32
    %dma_wait3A_306 = tpu.memref_slice %arg2[%select_n3A_259, %mul3A_277, %select_n3A_293, %dma_wait3A_305] : memref<25x128x8x128xi32, #tpu.memory_space<hbm>> -> memref<1x32x1x128xi32, #tpu.memory_space<hbm>>
    %dma_wait3A_307 = tpu.memref_squeeze %dma_wait3A_306 : memref<1x32x1x128xi32, #tpu.memory_space<hbm>> -> memref<32x128xi32, #tpu.memory_space<hbm>>
    tpu.wait_dma2 semaphore(%arg8 : memref<!tpu.dma_semaphore, #tpu.memory_space<semaphore_mem>>) src(%dma_wait3A_307 : memref<32x128xi32, #tpu.memory_space<hbm>>) dst(%dma_wait3A_304 : memref<32x128xi32, #tpu.memory_space<vmem>>)
    %add3A_308 = arith.constant 21 : i32
    %add3A_309 = arith.addi %mul3A_2, %add3A_308 : i32
    %jit3A_310 = arith.constant 4 : i32
    %div3A_311 = arith.divsi %add3A_309, %jit3A_310 : i32
    %sign3A_312 = arith.constant 0 : i32
    %sign3A_313 = arith.cmpi sgt, %add3A_309, %sign3A_312 : i32
    %sign3A_314 = arith.extui %sign3A_313 : i1 to i32
    %sign3A_315 = arith.constant 0 : i32
    %sign3A_316 = arith.cmpi slt, %add3A_309, %sign3A_315 : i32
    %sign3A_317 = arith.extui %sign3A_316 : i1 to i32
    %sign3A_318 = arith.subi %sign3A_314, %sign3A_317 : i32
    %sign3A_319 = arith.constant 0 : i32
    %sign3A_320 = arith.cmpi sgt, %jit3A_310, %sign3A_319 : i32
    %sign3A_321 = arith.extui %sign3A_320 : i1 to i32
    %sign3A_322 = arith.constant 0 : i32
    %sign3A_323 = arith.cmpi slt, %jit3A_310, %sign3A_322 : i32
    %sign3A_324 = arith.extui %sign3A_323 : i1 to i32
    %sign3A_325 = arith.subi %sign3A_321, %sign3A_324 : i32
    %ne3A_326 = arith.cmpi ne, %sign3A_318, %sign3A_325 : i32
    %rem3A_327 = arith.remsi %add3A_309, %jit3A_310 : i32
    %ne3A_328 = arith.constant 0 : i32
    %ne3A_329 = arith.cmpi ne, %rem3A_327, %ne3A_328 : i32
    %and3A_330 = arith.andi %ne3A_326, %ne3A_329 : i1
    %sub3A_331 = arith.constant 1 : i32
    %sub3A_332 = arith.subi %div3A_311, %sub3A_331 : i32
    %select_n3A_333 = arith.select %and3A_330, %sub3A_332, %div3A_311 : i32
    %jit3A_334 = arith.constant 4 : i32
    %eq3A_335 = arith.constant 0 : i32
    %eq3A_336 = arith.cmpi eq, %jit3A_334, %eq3A_335 : i32
    %jit3A_337 = arith.constant 1 : i32
    %select_n3A_338 = arith.select %eq3A_336, %jit3A_337, %jit3A_334 : i32
    %rem3A_339 = arith.remsi %add3A_309, %select_n3A_338 : i32
    %ne3A_340 = arith.constant 0 : i32
    %ne3A_341 = arith.cmpi ne, %rem3A_339, %ne3A_340 : i32
    %lt3A_342 = arith.constant 0 : i32
    %lt3A_343 = arith.cmpi slt, %rem3A_339, %lt3A_342 : i32
    %lt3A_344 = arith.constant 0 : i32
    %lt3A_345 = arith.cmpi slt, %select_n3A_338, %lt3A_344 : i32
    %ne3A_346 = arith.xori %lt3A_343, %lt3A_345 : i1
    %and3A_347 = arith.andi %ne3A_346, %ne3A_341 : i1
    %add3A_348 = arith.addi %rem3A_339, %select_n3A_338 : i32
    %select_n3A_349 = arith.select %and3A_347, %add3A_348, %rem3A_339 : i32
    %mul3A_350 = arith.constant 128 : i32
    %mul3A_351 = arith.muli %select_n3A_349, %mul3A_350 : i32
    %dma_wait3A_352 = arith.constant 0 : i32
    %dma_wait3A_353 = arith.constant 0 : i32
    %dma_wait3A_354 = arith.constant 0 : i32
    %dma_wait3A_355 = tpu.memref_slice %arg7[%dma_wait3A_352, %dma_wait3A_353, %dma_wait3A_354] : memref<3x128x128xf32, #tpu.memory_space<vmem>> -> memref<1x128x128xf32, #tpu.memory_space<vmem>>
    %dma_wait3A_356 = tpu.memref_squeeze %dma_wait3A_355 : memref<1x128x128xf32, #tpu.memory_space<vmem>> -> memref<128x128xf32, #tpu.memory_space<vmem>>
    %dma_wait3A_357 = arith.constant 0 : i32
    %dma_wait3A_358 = tpu.memref_slice %arg4[%select_n3A_333, %mul3A_351, %dma_wait3A_357] : memref<200x512x128xf32, #tpu.memory_space<hbm>> -> memref<1x128x128xf32, #tpu.memory_space<hbm>>
    %dma_wait3A_359 = tpu.memref_squeeze %dma_wait3A_358 : memref<1x128x128xf32, #tpu.memory_space<hbm>> -> memref<128x128xf32, #tpu.memory_space<hbm>>
    %dma_wait3A_360 = arith.constant 0 : i32
    %dma_wait3A_361 = tpu.memref_slice %arg4[%select_n3A_333, %mul3A_351, %dma_wait3A_360] : memref<200x512x128xf32, #tpu.memory_space<hbm>> -> memref<1x128x128xf32, #tpu.memory_space<hbm>>
    %dma_wait3A_362 = tpu.memref_squeeze %dma_wait3A_361 : memref<1x128x128xf32, #tpu.memory_space<hbm>> -> memref<128x128xf32, #tpu.memory_space<hbm>>
    %dma_wait3A_363 = arith.constant 0 : i32
    %dma_wait3A_364 = arith.constant 0 : i32
    %dma_wait3A_365 = tpu.memref_slice %arg7[%dma_wait3A_352, %dma_wait3A_363, %dma_wait3A_364] : memref<3x128x128xf32, #tpu.memory_space<vmem>> -> memref<1x128x128xf32, #tpu.memory_space<vmem>>
    %dma_wait3A_366 = tpu.memref_squeeze %dma_wait3A_365 : memref<1x128x128xf32, #tpu.memory_space<vmem>> -> memref<128x128xf32, #tpu.memory_space<vmem>>
    tpu.wait_dma2 semaphore(%arg11 : memref<!tpu.dma_semaphore, #tpu.memory_space<semaphore_mem>>) src(%dma_wait3A_366 : memref<128x128xf32, #tpu.memory_space<vmem>>) dst(%dma_wait3A_362 : memref<128x128xf32, #tpu.memory_space<hbm>>)
    %parallel_loop3A = arith.constant 0 : i32
    %parallel_loop3A_367 = arith.constant 32 : i32
    %parallel_loop3A_368 = arith.constant 1 : i32
    scf.for %parallel_loop3A_605 = %parallel_loop3A to %parallel_loop3A_367 step %parallel_loop3A_368  : i32 {
      %parallel_loop3A_606 = arith.constant 0 : i32
      %parallel_loop3A_607 = arith.index_cast %parallel_loop3A_606 : i32 to index
      %parallel_loop3A_608 = arith.index_cast %parallel_loop3A_605 : i32 to index
      %parallel_loop3A_609 = arith.constant 0 : index
      %parallel_loop3A_610 = tpu.vector_load %arg6[%parallel_loop3A_607, %parallel_loop3A_608, %parallel_loop3A_609] {strides = array<i32>} : memref<3x32x128xi32, #tpu.memory_space<vmem>>, vector<16xi32>,
      %parallel_loop3A_611 = vector.shape_cast %parallel_loop3A_610 : vector<16xi32> to vector<16x1xi32>
      %parallel_loop3A_612 = vector.shape_cast %parallel_loop3A_611 : vector<16x1xi32> to vector<16xi32>
      %parallel_loop3A_613 = tpu.dynamic_gather %get3A_5[%parallel_loop3A_612] in [0] : vector<16xf32>, vector<16xi32> -> vector<16xf32>
      %parallel_loop3A_614 = arith.constant 4 : i32
      %parallel_loop3A_615 = arith.muli %parallel_loop3A_605, %parallel_loop3A_614 : i32
      %parallel_loop3A_616 = arith.constant 0 : i32
      %parallel_loop3A_617 = arith.addi %parallel_loop3A_615, %parallel_loop3A_616 : i32
      %parallel_loop3A_618 = arith.constant 0 : i32
      %parallel_loop3A_619 = arith.index_cast %parallel_loop3A_618 : i32 to index
      %parallel_loop3A_620 = arith.index_cast %parallel_loop3A_617 : i32 to index
      %parallel_loop3A_621 = arith.constant 0 : index
      %parallel_loop3A_622 = tpu.vector_load %arg7[%parallel_loop3A_619, %parallel_loop3A_620, %parallel_loop3A_621] {strides = array<i32>} : memref<3x128x128xf32, #tpu.memory_space<vmem>>, vector<16xf32>,
      tpu.vector_store %arg7[%parallel_loop3A_619, %parallel_loop3A_620, %parallel_loop3A_621], %parallel_loop3A_613 {strides = array<i32>} : memref<3x128x128xf32, #tpu.memory_space<vmem>>, vector<16xf32>,
      %parallel_loop3A_623 = vector.shape_cast %parallel_loop3A_610 : vector<16xi32> to vector<16x1xi32>
      %parallel_loop3A_624 = vector.shape_cast %parallel_loop3A_623 : vector<16x1xi32> to vector<16xi32>
      %parallel_loop3A_625 = tpu.dynamic_gather %get3A_9[%parallel_loop3A_624] in [0] : vector<16xf32>, vector<16xi32> -> vector<16xf32>
      %parallel_loop3A_626 = arith.constant 4 : i32
      %parallel_loop3A_627 = arith.muli %parallel_loop3A_605, %parallel_loop3A_626 : i32
      %parallel_loop3A_628 = arith.constant 1 : i32
      %parallel_loop3A_629 = arith.addi %parallel_loop3A_627, %parallel_loop3A_628 : i32
      %parallel_loop3A_630 = arith.constant 0 : i32
      %parallel_loop3A_631 = arith.index_cast %parallel_loop3A_630 : i32 to index
      %parallel_loop3A_632 = arith.index_cast %parallel_loop3A_629 : i32 to index
      %parallel_loop3A_633 = arith.constant 0 : index
      %parallel_loop3A_634 = tpu.vector_load %arg7[%parallel_loop3A_631, %parallel_loop3A_632, %parallel_loop3A_633] {strides = array<i32>} : memref<3x128x128xf32, #tpu.memory_space<vmem>>, vector<16xf32>,
      tpu.vector_store %arg7[%parallel_loop3A_631, %parallel_loop3A_632, %parallel_loop3A_633], %parallel_loop3A_625 {strides = array<i32>} : memref<3x128x128xf32, #tpu.memory_space<vmem>>, vector<16xf32>,
      %parallel_loop3A_635 = vector.shape_cast %parallel_loop3A_610 : vector<16xi32> to vector<16x1xi32>
      %parallel_loop3A_636 = vector.shape_cast %parallel_loop3A_635 : vector<16x1xi32> to vector<16xi32>
      %parallel_loop3A_637 = tpu.dynamic_gather %get3A_13[%parallel_loop3A_636] in [0] : vector<16xf32>, vector<16xi32> -> vector<16xf32>
      %parallel_loop3A_638 = arith.constant 4 : i32
      %parallel_loop3A_639 = arith.muli %parallel_loop3A_605, %parallel_loop3A_638 : i32
      %parallel_loop3A_640 = arith.constant 2 : i32
      %parallel_loop3A_641 = arith.addi %parallel_loop3A_639, %parallel_loop3A_640 : i32
      %parallel_loop3A_642 = arith.constant 0 : i32
      %parallel_loop3A_643 = arith.index_cast %parallel_loop3A_642 : i32 to index
      %parallel_loop3A_644 = arith.index_cast %parallel_loop3A_641 : i32 to index
      %parallel_loop3A_645 = arith.constant 0 : index
      %parallel_loop3A_646 = tpu.vector_load %arg7[%parallel_loop3A_643, %parallel_loop3A_644, %parallel_loop3A_645] {strides = array<i32>} : memref<3x128x128xf32, #tpu.memory_space<vmem>>, vector<16xf32>,
      tpu.vector_store %arg7[%parallel_loop3A_643, %parallel_loop3A_644, %parallel_loop3A_645], %parallel_loop3A_637 {strides = array<i32>} : memref<3x128x128xf32, #tpu.memory_space<vmem>>, vector<16xf32>,
      %parallel_loop3A_647 = vector.shape_cast %parallel_loop3A_610 : vector<16xi32> to vector<16x1xi32>
      %parallel_loop3A_648 = vector.shape_cast %parallel_loop3A_647 : vector<16x1xi32> to vector<16xi32>
      %parallel_loop3A_649 = tpu.dynamic_gather %get3A_17[%parallel_loop3A_648] in [0] : vector<16xf32>, vector<16xi32> -> vector<16xf32>
      %parallel_loop3A_650 = arith.constant 4 : i32
      %parallel_loop3A_651 = arith.muli %parallel_loop3A_605, %parallel_loop3A_650 : i32
      %parallel_loop3A_652 = arith.constant 3 : i32
      %parallel_loop3A_653 = arith.addi %parallel_loop3A_651, %parallel_loop3A_652 : i32
      %parallel_loop3A_654 = arith.constant 0 : i32
      %parallel_loop3A_655 = arith.index_cast %parallel_loop3A_654 : i32 to index
      %parallel_loop3A_656 = arith.index_cast %parallel_loop3A_653 : i32 to index
      %parallel_loop3A_657 = arith.constant 0 : index
      %parallel_loop3A_658 = tpu.vector_load %arg7[%parallel_loop3A_655, %parallel_loop3A_656, %parallel_loop3A_657] {strides = array<i32>} : memref<3x128x128xf32, #tpu.memory_space<vmem>>, vector<16xf32>,
      tpu.vector_store %arg7[%parallel_loop3A_655, %parallel_loop3A_656, %parallel_loop3A_657], %parallel_loop3A_649 {strides = array<i32>} : memref<3x128x128xf32, #tpu.memory_space<vmem>>, vector<16xf32>,
      %parallel_loop3A_659 = arith.constant 0 : i32
      %parallel_loop3A_660 = arith.index_cast %parallel_loop3A_659 : i32 to index
      %parallel_loop3A_661 = arith.index_cast %parallel_loop3A_605 : i32 to index
      %parallel_loop3A_662 = arith.constant 16 : index
      %parallel_loop3A_663 = tpu.vector_load %arg6[%parallel_loop3A_660, %parallel_loop3A_661, %parallel_loop3A_662] {strides = array<i32>} : memref<3x32x128xi32, #tpu.memory_space<vmem>>, vector<16xi32>,
      %parallel_loop3A_664 = vector.shape_cast %parallel_loop3A_663 : vector<16xi32> to vector<16x1xi32>
      %parallel_loop3A_665 = vector.shape_cast %parallel_loop3A_664 : vector<16x1xi32> to vector<16xi32>
      %parallel_loop3A_666 = tpu.dynamic_gather %get3A_5[%parallel_loop3A_665] in [0] : vector<16xf32>, vector<16xi32> -> vector<16xf32>
      %parallel_loop3A_667 = arith.constant 4 : i32
      %parallel_loop3A_668 = arith.muli %parallel_loop3A_605, %parallel_loop3A_667 : i32
      %parallel_loop3A_669 = arith.constant 0 : i32
      %parallel_loop3A_670 = arith.addi %parallel_loop3A_668, %parallel_loop3A_669 : i32
      %parallel_loop3A_671 = arith.constant 0 : i32
      %parallel_loop3A_672 = arith.index_cast %parallel_loop3A_671 : i32 to index
      %parallel_loop3A_673 = arith.index_cast %parallel_loop3A_670 : i32 to index
      %parallel_loop3A_674 = arith.constant 16 : index
      %parallel_loop3A_675 = tpu.vector_load %arg7[%parallel_loop3A_672, %parallel_loop3A_673, %parallel_loop3A_674] {strides = array<i32>} : memref<3x128x128xf32, #tpu.memory_space<vmem>>, vector<16xf32>,
      tpu.vector_store %arg7[%parallel_loop3A_672, %parallel_loop3A_673, %parallel_loop3A_674], %parallel_loop3A_666 {strides = array<i32>} : memref<3x128x128xf32, #tpu.memory_space<vmem>>, vector<16xf32>,
      %parallel_loop3A_676 = vector.shape_cast %parallel_loop3A_663 : vector<16xi32> to vector<16x1xi32>
      %parallel_loop3A_677 = vector.shape_cast %parallel_loop3A_676 : vector<16x1xi32> to vector<16xi32>
      %parallel_loop3A_678 = tpu.dynamic_gather %get3A_9[%parallel_loop3A_677] in [0] : vector<16xf32>, vector<16xi32> -> vector<16xf32>
      %parallel_loop3A_679 = arith.constant 4 : i32
      %parallel_loop3A_680 = arith.muli %parallel_loop3A_605, %parallel_loop3A_679 : i32
      %parallel_loop3A_681 = arith.constant 1 : i32
      %parallel_loop3A_682 = arith.addi %parallel_loop3A_680, %parallel_loop3A_681 : i32
      %parallel_loop3A_683 = arith.constant 0 : i32
      %parallel_loop3A_684 = arith.index_cast %parallel_loop3A_683 : i32 to index
      %parallel_loop3A_685 = arith.index_cast %parallel_loop3A_682 : i32 to index
      %parallel_loop3A_686 = arith.constant 16 : index
      %parallel_loop3A_687 = tpu.vector_load %arg7[%parallel_loop3A_684, %parallel_loop3A_685, %parallel_loop3A_686] {strides = array<i32>} : memref<3x128x128xf32, #tpu.memory_space<vmem>>, vector<16xf32>,
      tpu.vector_store %arg7[%parallel_loop3A_684, %parallel_loop3A_685, %parallel_loop3A_686], %parallel_loop3A_678 {strides = array<i32>} : memref<3x128x128xf32, #tpu.memory_space<vmem>>, vector<16xf32>,
      %parallel_loop3A_688 = vector.shape_cast %parallel_loop3A_663 : vector<16xi32> to vector<16x1xi32>
      %parallel_loop3A_689 = vector.shape_cast %parallel_loop3A_688 : vector<16x1xi32> to vector<16xi32>
      %parallel_loop3A_690 = tpu.dynamic_gather %get3A_13[%parallel_loop3A_689] in [0] : vector<16xf32>, vector<16xi32> -> vector<16xf32>
      %parallel_loop3A_691 = arith.constant 4 : i32
      %parallel_loop3A_692 = arith.muli %parallel_loop3A_605, %parallel_loop3A_691 : i32
      %parallel_loop3A_693 = arith.constant 2 : i32
      %parallel_loop3A_694 = arith.addi %parallel_loop3A_692, %parallel_loop3A_693 : i32
      %parallel_loop3A_695 = arith.constant 0 : i32
      %parallel_loop3A_696 = arith.index_cast %parallel_loop3A_695 : i32 to index
      %parallel_loop3A_697 = arith.index_cast %parallel_loop3A_694 : i32 to index
      %parallel_loop3A_698 = arith.constant 16 : index
      %parallel_loop3A_699 = tpu.vector_load %arg7[%parallel_loop3A_696, %parallel_loop3A_697, %parallel_loop3A_698] {strides = array<i32>} : memref<3x128x128xf32, #tpu.memory_space<vmem>>, vector<16xf32>,
      tpu.vector_store %arg7[%parallel_loop3A_696, %parallel_loop3A_697, %parallel_loop3A_698], %parallel_loop3A_690 {strides = array<i32>} : memref<3x128x128xf32, #tpu.memory_space<vmem>>, vector<16xf32>,
      %parallel_loop3A_700 = vector.shape_cast %parallel_loop3A_663 : vector<16xi32> to vector<16x1xi32>
      %parallel_loop3A_701 = vector.shape_cast %parallel_loop3A_700 : vector<16x1xi32> to vector<16xi32>
      %parallel_loop3A_702 = tpu.dynamic_gather %get3A_17[%parallel_loop3A_701] in [0] : vector<16xf32>, vector<16xi32> -> vector<16xf32>
      %parallel_loop3A_703 = arith.constant 4 : i32
      %parallel_loop3A_704 = arith.muli %parallel_loop3A_605, %parallel_loop3A_703 : i32
      %parallel_loop3A_705 = arith.constant 3 : i32
      %parallel_loop3A_706 = arith.addi %parallel_loop3A_704, %parallel_loop3A_705 : i32
      %parallel_loop3A_707 = arith.constant 0 : i32
      %parallel_loop3A_708 = arith.index_cast %parallel_loop3A_707 : i32 to index
      %parallel_loop3A_709 = arith.index_cast %parallel_loop3A_706 : i32 to index
      %parallel_loop3A_710 = arith.constant 16 : index
      %parallel_loop3A_711 = tpu.vector_load %arg7[%parallel_loop3A_708, %parallel_loop3A_709, %parallel_loop3A_710] {strides = array<i32>} : memref<3x128x128xf32, #tpu.memory_space<vmem>>, vector<16xf32>,
      tpu.vector_store %arg7[%parallel_loop3A_708, %parallel_loop3A_709, %parallel_loop3A_710], %parallel_loop3A_702 {strides = array<i32>} : memref<3x128x128xf32, #tpu.memory_space<vmem>>, vector<16xf32>,
      %parallel_loop3A_712 = arith.constant 0 : i32
      %parallel_loop3A_713 = arith.index_cast %parallel_loop3A_712 : i32 to index
      %parallel_loop3A_714 = arith.index_cast %parallel_loop3A_605 : i32 to index
      %parallel_loop3A_715 = arith.constant 32 : index
      %parallel_loop3A_716 = tpu.vector_load %arg6[%parallel_loop3A_713, %parallel_loop3A_714, %parallel_loop3A_715] {strides = array<i32>} : memref<3x32x128xi32, #tpu.memory_space<vmem>>, vector<16xi32>,
      %parallel_loop3A_717 = vector.shape_cast %parallel_loop3A_716 : vector<16xi32> to vector<16x1xi32>
      %parallel_loop3A_718 = vector.shape_cast %parallel_loop3A_717 : vector<16x1xi32> to vector<16xi32>
      %parallel_loop3A_719 = tpu.dynamic_gather %get3A_5[%parallel_loop3A_718] in [0] : vector<16xf32>, vector<16xi32> -> vector<16xf32>
      %parallel_loop3A_720 = arith.constant 4 : i32
      %parallel_loop3A_721 = arith.muli %parallel_loop3A_605, %parallel_loop3A_720 : i32
      %parallel_loop3A_722 = arith.constant 0 : i32
      %parallel_loop3A_723 = arith.addi %parallel_loop3A_721, %parallel_loop3A_722 : i32
      %parallel_loop3A_724 = arith.constant 0 : i32
      %parallel_loop3A_725 = arith.index_cast %parallel_loop3A_724 : i32 to index
      %parallel_loop3A_726 = arith.index_cast %parallel_loop3A_723 : i32 to index
      %parallel_loop3A_727 = arith.constant 32 : index
      %parallel_loop3A_728 = tpu.vector_load %arg7[%parallel_loop3A_725, %parallel_loop3A_726, %parallel_loop3A_727] {strides = array<i32>} : memref<3x128x128xf32, #tpu.memory_space<vmem>>, vector<16xf32>,
      tpu.vector_store %arg7[%parallel_loop3A_725, %parallel_loop3A_726, %parallel_loop3A_727], %parallel_loop3A_719 {strides = array<i32>} : memref<3x128x128xf32, #tpu.memory_space<vmem>>, vector<16xf32>,
      %parallel_loop3A_729 = vector.shape_cast %parallel_loop3A_716 : vector<16xi32> to vector<16x1xi32>
      %parallel_loop3A_730 = vector.shape_cast %parallel_loop3A_729 : vector<16x1xi32> to vector<16xi32>
      %parallel_loop3A_731 = tpu.dynamic_gather %get3A_9[%parallel_loop3A_730] in [0] : vector<16xf32>, vector<16xi32> -> vector<16xf32>
      %parallel_loop3A_732 = arith.constant 4 : i32
      %parallel_loop3A_733 = arith.muli %parallel_loop3A_605, %parallel_loop3A_732 : i32
      %parallel_loop3A_734 = arith.constant 1 : i32
      %parallel_loop3A_735 = arith.addi %parallel_loop3A_733, %parallel_loop3A_734 : i32
      %parallel_loop3A_736 = arith.constant 0 : i32
      %parallel_loop3A_737 = arith.index_cast %parallel_loop3A_736 : i32 to index
      %parallel_loop3A_738 = arith.index_cast %parallel_loop3A_735 : i32 to index
      %parallel_loop3A_739 = arith.constant 32 : index
      %parallel_loop3A_740 = tpu.vector_load %arg7[%parallel_loop3A_737, %parallel_loop3A_738, %parallel_loop3A_739] {strides = array<i32>} : memref<3x128x128xf32, #tpu.memory_space<vmem>>, vector<16xf32>,
      tpu.vector_store %arg7[%parallel_loop3A_737, %parallel_loop3A_738, %parallel_loop3A_739], %parallel_loop3A_731 {strides = array<i32>} : memref<3x128x128xf32, #tpu.memory_space<vmem>>, vector<16xf32>,
      %parallel_loop3A_741 = vector.shape_cast %parallel_loop3A_716 : vector<16xi32> to vector<16x1xi32>
      %parallel_loop3A_742 = vector.shape_cast %parallel_loop3A_741 : vector<16x1xi32> to vector<16xi32>
      %parallel_loop3A_743 = tpu.dynamic_gather %get3A_13[%parallel_loop3A_742] in [0] : vector<16xf32>, vector<16xi32> -> vector<16xf32>
      %parallel_loop3A_744 = arith.constant 4 : i32
      %parallel_loop3A_745 = arith.muli %parallel_loop3A_605, %parallel_loop3A_744 : i32
      %parallel_loop3A_746 = arith.constant 2 : i32
      %parallel_loop3A_747 = arith.addi %parallel_loop3A_745, %parallel_loop3A_746 : i32
      %parallel_loop3A_748 = arith.constant 0 : i32
      %parallel_loop3A_749 = arith.index_cast %parallel_loop3A_748 : i32 to index
      %parallel_loop3A_750 = arith.index_cast %parallel_loop3A_747 : i32 to index
      %parallel_loop3A_751 = arith.constant 32 : index
      %parallel_loop3A_752 = tpu.vector_load %arg7[%parallel_loop3A_749, %parallel_loop3A_750, %parallel_loop3A_751] {strides = array<i32>} : memref<3x128x128xf32, #tpu.memory_space<vmem>>, vector<16xf32>,
      tpu.vector_store %arg7[%parallel_loop3A_749, %parallel_loop3A_750, %parallel_loop3A_751], %parallel_loop3A_743 {strides = array<i32>} : memref<3x128x128xf32, #tpu.memory_space<vmem>>, vector<16xf32>,
      %parallel_loop3A_753 = vector.shape_cast %parallel_loop3A_716 : vector<16xi32> to vector<16x1xi32>
      %parallel_loop3A_754 = vector.shape_cast %parallel_loop3A_753 : vector<16x1xi32> to vector<16xi32>
      %parallel_loop3A_755 = tpu.dynamic_gather %get3A_17[%parallel_loop3A_754] in [0] : vector<16xf32>, vector<16xi32> -> vector<16xf32>
      %parallel_loop3A_756 = arith.constant 4 : i32
      %parallel_loop3A_757 = arith.muli %parallel_loop3A_605, %parallel_loop3A_756 : i32
      %parallel_loop3A_758 = arith.constant 3 : i32
      %parallel_loop3A_759 = arith.addi %parallel_loop3A_757, %parallel_loop3A_758 : i32
      %parallel_loop3A_760 = arith.constant 0 : i32
      %parallel_loop3A_761 = arith.index_cast %parallel_loop3A_760 : i32 to index
      %parallel_loop3A_762 = arith.index_cast %parallel_loop3A_759 : i32 to index
      %parallel_loop3A_763 = arith.constant 32 : index
      %parallel_loop3A_764 = tpu.vector_load %arg7[%parallel_loop3A_761, %parallel_loop3A_762, %parallel_loop3A_763] {strides = array<i32>} : memref<3x128x128xf32, #tpu.memory_space<vmem>>, vector<16xf32>,
      tpu.vector_store %arg7[%parallel_loop3A_761, %parallel_loop3A_762, %parallel_loop3A_763], %parallel_loop3A_755 {strides = array<i32>} : memref<3x128x128xf32, #tpu.memory_space<vmem>>, vector<16xf32>,
      %parallel_loop3A_765 = arith.constant 0 : i32
      %parallel_loop3A_766 = arith.index_cast %parallel_loop3A_765 : i32 to index
      %parallel_loop3A_767 = arith.index_cast %parallel_loop3A_605 : i32 to index
      %parallel_loop3A_768 = arith.constant 48 : index
      %parallel_loop3A_769 = tpu.vector_load %arg6[%parallel_loop3A_766, %parallel_loop3A_767, %parallel_loop3A_768] {strides = array<i32>} : memref<3x32x128xi32, #tpu.memory_space<vmem>>, vector<16xi32>,
      %parallel_loop3A_770 = vector.shape_cast %parallel_loop3A_769 : vector<16xi32> to vector<16x1xi32>
      %parallel_loop3A_771 = vector.shape_cast %parallel_loop3A_770 : vector<16x1xi32> to vector<16xi32>
      %parallel_loop3A_772 = tpu.dynamic_gather %get3A_5[%parallel_loop3A_771] in [0] : vector<16xf32>, vector<16xi32> -> vector<16xf32>
      %parallel_loop3A_773 = arith.constant 4 : i32
      %parallel_loop3A_774 = arith.muli %parallel_loop3A_605, %parallel_loop3A_773 : i32
      %parallel_loop3A_775 = arith.constant 0 : i32
      %parallel_loop3A_776 = arith.addi %parallel_loop3A_774, %parallel_loop3A_775 : i32
      %parallel_loop3A_777 = arith.constant 0 : i32
      %parallel_loop3A_778 = arith.index_cast %parallel_loop3A_777 : i32 to index
      %parallel_loop3A_779 = arith.index_cast %parallel_loop3A_776 : i32 to index
      %parallel_loop3A_780 = arith.constant 48 : index
      %parallel_loop3A_781 = tpu.vector_load %arg7[%parallel_loop3A_778, %parallel_loop3A_779, %parallel_loop3A_780] {strides = array<i32>} : memref<3x128x128xf32, #tpu.memory_space<vmem>>, vector<16xf32>,
      tpu.vector_store %arg7[%parallel_loop3A_778, %parallel_loop3A_779, %parallel_loop3A_780], %parallel_loop3A_772 {strides = array<i32>} : memref<3x128x128xf32, #tpu.memory_space<vmem>>, vector<16xf32>,
      %parallel_loop3A_782 = vector.shape_cast %parallel_loop3A_769 : vector<16xi32> to vector<16x1xi32>
      %parallel_loop3A_783 = vector.shape_cast %parallel_loop3A_782 : vector<16x1xi32> to vector<16xi32>
      %parallel_loop3A_784 = tpu.dynamic_gather %get3A_9[%parallel_loop3A_783] in [0] : vector<16xf32>, vector<16xi32> -> vector<16xf32>
      %parallel_loop3A_785 = arith.constant 4 : i32
      %parallel_loop3A_786 = arith.muli %parallel_loop3A_605, %parallel_loop3A_785 : i32
      %parallel_loop3A_787 = arith.constant 1 : i32
      %parallel_loop3A_788 = arith.addi %parallel_loop3A_786, %parallel_loop3A_787 : i32
      %parallel_loop3A_789 = arith.constant 0 : i32
      %parallel_loop3A_790 = arith.index_cast %parallel_loop3A_789 : i32 to index
      %parallel_loop3A_791 = arith.index_cast %parallel_loop3A_788 : i32 to index
      %parallel_loop3A_792 = arith.constant 48 : index
      %parallel_loop3A_793 = tpu.vector_load %arg7[%parallel_loop3A_790, %parallel_loop3A_791, %parallel_loop3A_792] {strides = array<i32>} : memref<3x128x128xf32, #tpu.memory_space<vmem>>, vector<16xf32>,
      tpu.vector_store %arg7[%parallel_loop3A_790, %parallel_loop3A_791, %parallel_loop3A_792], %parallel_loop3A_784 {strides = array<i32>} : memref<3x128x128xf32, #tpu.memory_space<vmem>>, vector<16xf32>,
      %parallel_loop3A_794 = vector.shape_cast %parallel_loop3A_769 : vector<16xi32> to vector<16x1xi32>
      %parallel_loop3A_795 = vector.shape_cast %parallel_loop3A_794 : vector<16x1xi32> to vector<16xi32>
      %parallel_loop3A_796 = tpu.dynamic_gather %get3A_13[%parallel_loop3A_795] in [0] : vector<16xf32>, vector<16xi32> -> vector<16xf32>
      %parallel_loop3A_797 = arith.constant 4 : i32
      %parallel_loop3A_798 = arith.muli %parallel_loop3A_605, %parallel_loop3A_797 : i32
      %parallel_loop3A_799 = arith.constant 2 : i32
      %parallel_loop3A_800 = arith.addi %parallel_loop3A_798, %parallel_loop3A_799 : i32
      %parallel_loop3A_801 = arith.constant 0 : i32
      %parallel_loop3A_802 = arith.index_cast %parallel_loop3A_801 : i32 to index
      %parallel_loop3A_803 = arith.index_cast %parallel_loop3A_800 : i32 to index
      %parallel_loop3A_804 = arith.constant 48 : index
      %parallel_loop3A_805 = tpu.vector_load %arg7[%parallel_loop3A_802, %parallel_loop3A_803, %parallel_loop3A_804] {strides = array<i32>} : memref<3x128x128xf32, #tpu.memory_space<vmem>>, vector<16xf32>,
      tpu.vector_store %arg7[%parallel_loop3A_802, %parallel_loop3A_803, %parallel_loop3A_804], %parallel_loop3A_796 {strides = array<i32>} : memref<3x128x128xf32, #tpu.memory_space<vmem>>, vector<16xf32>,
      %parallel_loop3A_806 = vector.shape_cast %parallel_loop3A_769 : vector<16xi32> to vector<16x1xi32>
      %parallel_loop3A_807 = vector.shape_cast %parallel_loop3A_806 : vector<16x1xi32> to vector<16xi32>
      %parallel_loop3A_808 = tpu.dynamic_gather %get3A_17[%parallel_loop3A_807] in [0] : vector<16xf32>, vector<16xi32> -> vector<16xf32>
      %parallel_loop3A_809 = arith.constant 4 : i32
      %parallel_loop3A_810 = arith.muli %parallel_loop3A_605, %parallel_loop3A_809 : i32
      %parallel_loop3A_811 = arith.constant 3 : i32
      %parallel_loop3A_812 = arith.addi %parallel_loop3A_810, %parallel_loop3A_811 : i32
      %parallel_loop3A_813 = arith.constant 0 : i32
      %parallel_loop3A_814 = arith.index_cast %parallel_loop3A_813 : i32 to index
      %parallel_loop3A_815 = arith.index_cast %parallel_loop3A_812 : i32 to index
      %parallel_loop3A_816 = arith.constant 48 : index
      %parallel_loop3A_817 = tpu.vector_load %arg7[%parallel_loop3A_814, %parallel_loop3A_815, %parallel_loop3A_816] {strides = array<i32>} : memref<3x128x128xf32, #tpu.memory_space<vmem>>, vector<16xf32>,
      tpu.vector_store %arg7[%parallel_loop3A_814, %parallel_loop3A_815, %parallel_loop3A_816], %parallel_loop3A_808 {strides = array<i32>} : memref<3x128x128xf32, #tpu.memory_space<vmem>>, vector<16xf32>,
      %parallel_loop3A_818 = arith.constant 0 : i32
      %parallel_loop3A_819 = arith.index_cast %parallel_loop3A_818 : i32 to index
      %parallel_loop3A_820 = arith.index_cast %parallel_loop3A_605 : i32 to index
      %parallel_loop3A_821 = arith.constant 64 : index
      %parallel_loop3A_822 = tpu.vector_load %arg6[%parallel_loop3A_819, %parallel_loop3A_820, %parallel_loop3A_821] {strides = array<i32>} : memref<3x32x128xi32, #tpu.memory_space<vmem>>, vector<16xi32>,
      %parallel_loop3A_823 = vector.shape_cast %parallel_loop3A_822 : vector<16xi32> to vector<16x1xi32>
      %parallel_loop3A_824 = vector.shape_cast %parallel_loop3A_823 : vector<16x1xi32> to vector<16xi32>
      %parallel_loop3A_825 = tpu.dynamic_gather %get3A_5[%parallel_loop3A_824] in [0] : vector<16xf32>, vector<16xi32> -> vector<16xf32>
      %parallel_loop3A_826 = arith.constant 4 : i32
      %parallel_loop3A_827 = arith.muli %parallel_loop3A_605, %parallel_loop3A_826 : i32
      %parallel_loop3A_828 = arith.constant 0 : i32
      %parallel_loop3A_829 = arith.addi %parallel_loop3A_827, %parallel_loop3A_828 : i32
      %parallel_loop3A_830 = arith.constant 0 : i32
      %parallel_loop3A_831 = arith.index_cast %parallel_loop3A_830 : i32 to index
      %parallel_loop3A_832 = arith.index_cast %parallel_loop3A_829 : i32 to index
      %parallel_loop3A_833 = arith.constant 64 : index
      %parallel_loop3A_834 = tpu.vector_load %arg7[%parallel_loop3A_831, %parallel_loop3A_832, %parallel_loop3A_833] {strides = array<i32>} : memref<3x128x128xf32, #tpu.memory_space<vmem>>, vector<16xf32>,
      tpu.vector_store %arg7[%parallel_loop3A_831, %parallel_loop3A_832, %parallel_loop3A_833], %parallel_loop3A_825 {strides = array<i32>} : memref<3x128x128xf32, #tpu.memory_space<vmem>>, vector<16xf32>,
      %parallel_loop3A_835 = vector.shape_cast %parallel_loop3A_822 : vector<16xi32> to vector<16x1xi32>
      %parallel_loop3A_836 = vector.shape_cast %parallel_loop3A_835 : vector<16x1xi32> to vector<16xi32>
      %parallel_loop3A_837 = tpu.dynamic_gather %get3A_9[%parallel_loop3A_836] in [0] : vector<16xf32>, vector<16xi32> -> vector<16xf32>
      %parallel_loop3A_838 = arith.constant 4 : i32
      %parallel_loop3A_839 = arith.muli %parallel_loop3A_605, %parallel_loop3A_838 : i32
      %parallel_loop3A_840 = arith.constant 1 : i32
      %parallel_loop3A_841 = arith.addi %parallel_loop3A_839, %parallel_loop3A_840 : i32
      %parallel_loop3A_842 = arith.constant 0 : i32
      %parallel_loop3A_843 = arith.index_cast %parallel_loop3A_842 : i32 to index
      %parallel_loop3A_844 = arith.index_cast %parallel_loop3A_841 : i32 to index
      %parallel_loop3A_845 = arith.constant 64 : index
      %parallel_loop3A_846 = tpu.vector_load %arg7[%parallel_loop3A_843, %parallel_loop3A_844, %parallel_loop3A_845] {strides = array<i32>} : memref<3x128x128xf32, #tpu.memory_space<vmem>>, vector<16xf32>,
      tpu.vector_store %arg7[%parallel_loop3A_843, %parallel_loop3A_844, %parallel_loop3A_845], %parallel_loop3A_837 {strides = array<i32>} : memref<3x128x128xf32, #tpu.memory_space<vmem>>, vector<16xf32>,
      %parallel_loop3A_847 = vector.shape_cast %parallel_loop3A_822 : vector<16xi32> to vector<16x1xi32>
      %parallel_loop3A_848 = vector.shape_cast %parallel_loop3A_847 : vector<16x1xi32> to vector<16xi32>
      %parallel_loop3A_849 = tpu.dynamic_gather %get3A_13[%parallel_loop3A_848] in [0] : vector<16xf32>, vector<16xi32> -> vector<16xf32>
      %parallel_loop3A_850 = arith.constant 4 : i32
      %parallel_loop3A_851 = arith.muli %parallel_loop3A_605, %parallel_loop3A_850 : i32
      %parallel_loop3A_852 = arith.constant 2 : i32
      %parallel_loop3A_853 = arith.addi %parallel_loop3A_851, %parallel_loop3A_852 : i32
      %parallel_loop3A_854 = arith.constant 0 : i32
      %parallel_loop3A_855 = arith.index_cast %parallel_loop3A_854 : i32 to index
      %parallel_loop3A_856 = arith.index_cast %parallel_loop3A_853 : i32 to index
      %parallel_loop3A_857 = arith.constant 64 : index
      %parallel_loop3A_858 = tpu.vector_load %arg7[%parallel_loop3A_855, %parallel_loop3A_856, %parallel_loop3A_857] {strides = array<i32>} : memref<3x128x128xf32, #tpu.memory_space<vmem>>, vector<16xf32>,
      tpu.vector_store %arg7[%parallel_loop3A_855, %parallel_loop3A_856, %parallel_loop3A_857], %parallel_loop3A_849 {strides = array<i32>} : memref<3x128x128xf32, #tpu.memory_space<vmem>>, vector<16xf32>,
      %parallel_loop3A_859 = vector.shape_cast %parallel_loop3A_822 : vector<16xi32> to vector<16x1xi32>
      %parallel_loop3A_860 = vector.shape_cast %parallel_loop3A_859 : vector<16x1xi32> to vector<16xi32>
      %parallel_loop3A_861 = tpu.dynamic_gather %get3A_17[%parallel_loop3A_860] in [0] : vector<16xf32>, vector<16xi32> -> vector<16xf32>
      %parallel_loop3A_862 = arith.constant 4 : i32
      %parallel_loop3A_863 = arith.muli %parallel_loop3A_605, %parallel_loop3A_862 : i32
      %parallel_loop3A_864 = arith.constant 3 : i32
      %parallel_loop3A_865 = arith.addi %parallel_loop3A_863, %parallel_loop3A_864 : i32
      %parallel_loop3A_866 = arith.constant 0 : i32
      %parallel_loop3A_867 = arith.index_cast %parallel_loop3A_866 : i32 to index
      %parallel_loop3A_868 = arith.index_cast %parallel_loop3A_865 : i32 to index
      %parallel_loop3A_869 = arith.constant 64 : index
      %parallel_loop3A_870 = tpu.vector_load %arg7[%parallel_loop3A_867, %parallel_loop3A_868, %parallel_loop3A_869] {strides = array<i32>} : memref<3x128x128xf32, #tpu.memory_space<vmem>>, vector<16xf32>,
      tpu.vector_store %arg7[%parallel_loop3A_867, %parallel_loop3A_868, %parallel_loop3A_869], %parallel_loop3A_861 {strides = array<i32>} : memref<3x128x128xf32, #tpu.memory_space<vmem>>, vector<16xf32>,
      %parallel_loop3A_871 = arith.constant 0 : i32
      %parallel_loop3A_872 = arith.index_cast %parallel_loop3A_871 : i32 to index
      %parallel_loop3A_873 = arith.index_cast %parallel_loop3A_605 : i32 to index
      %parallel_loop3A_874 = arith.constant 80 : index
      %parallel_loop3A_875 = tpu.vector_load %arg6[%parallel_loop3A_872, %parallel_loop3A_873, %parallel_loop3A_874] {strides = array<i32>} : memref<3x32x128xi32, #tpu.memory_space<vmem>>, vector<16xi32>,
      %parallel_loop3A_876 = vector.shape_cast %parallel_loop3A_875 : vector<16xi32> to vector<16x1xi32>
      %parallel_loop3A_877 = vector.shape_cast %parallel_loop3A_876 : vector<16x1xi32> to vector<16xi32>
      %parallel_loop3A_878 = tpu.dynamic_gather %get3A_5[%parallel_loop3A_877] in [0] : vector<16xf32>, vector<16xi32> -> vector<16xf32>
      %parallel_loop3A_879 = arith.constant 4 : i32
      %parallel_loop3A_880 = arith.muli %parallel_loop3A_605, %parallel_loop3A_879 : i32
      %parallel_loop3A_881 = arith.constant 0 : i32
      %parallel_loop3A_882 = arith.addi %parallel_loop3A_880, %parallel_loop3A_881 : i32
      %parallel_loop3A_883 = arith.constant 0 : i32
      %parallel_loop3A_884 = arith.index_cast %parallel_loop3A_883 : i32 to index
      %parallel_loop3A_885 = arith.index_cast %parallel_loop3A_882 : i32 to index
      %parallel_loop3A_886 = arith.constant 80 : index
      %parallel_loop3A_887 = tpu.vector_load %arg7[%parallel_loop3A_884, %parallel_loop3A_885, %parallel_loop3A_886] {strides = array<i32>} : memref<3x128x128xf32, #tpu.memory_space<vmem>>, vector<16xf32>,
      tpu.vector_store %arg7[%parallel_loop3A_884, %parallel_loop3A_885, %parallel_loop3A_886], %parallel_loop3A_878 {strides = array<i32>} : memref<3x128x128xf32, #tpu.memory_space<vmem>>, vector<16xf32>,
      %parallel_loop3A_888 = vector.shape_cast %parallel_loop3A_875 : vector<16xi32> to vector<16x1xi32>
      %parallel_loop3A_889 = vector.shape_cast %parallel_loop3A_888 : vector<16x1xi32> to vector<16xi32>
      %parallel_loop3A_890 = tpu.dynamic_gather %get3A_9[%parallel_loop3A_889] in [0] : vector<16xf32>, vector<16xi32> -> vector<16xf32>
      %parallel_loop3A_891 = arith.constant 4 : i32
      %parallel_loop3A_892 = arith.muli %parallel_loop3A_605, %parallel_loop3A_891 : i32
      %parallel_loop3A_893 = arith.constant 1 : i32
      %parallel_loop3A_894 = arith.addi %parallel_loop3A_892, %parallel_loop3A_893 : i32
      %parallel_loop3A_895 = arith.constant 0 : i32
      %parallel_loop3A_896 = arith.index_cast %parallel_loop3A_895 : i32 to index
      %parallel_loop3A_897 = arith.index_cast %parallel_loop3A_894 : i32 to index
      %parallel_loop3A_898 = arith.constant 80 : index
      %parallel_loop3A_899 = tpu.vector_load %arg7[%parallel_loop3A_896, %parallel_loop3A_897, %parallel_loop3A_898] {strides = array<i32>} : memref<3x128x128xf32, #tpu.memory_space<vmem>>, vector<16xf32>,
      tpu.vector_store %arg7[%parallel_loop3A_896, %parallel_loop3A_897, %parallel_loop3A_898], %parallel_loop3A_890 {strides = array<i32>} : memref<3x128x128xf32, #tpu.memory_space<vmem>>, vector<16xf32>,
      %parallel_loop3A_900 = vector.shape_cast %parallel_loop3A_875 : vector<16xi32> to vector<16x1xi32>
      %parallel_loop3A_901 = vector.shape_cast %parallel_loop3A_900 : vector<16x1xi32> to vector<16xi32>
      %parallel_loop3A_902 = tpu.dynamic_gather %get3A_13[%parallel_loop3A_901] in [0] : vector<16xf32>, vector<16xi32> -> vector<16xf32>
      %parallel_loop3A_903 = arith.constant 4 : i32
      %parallel_loop3A_904 = arith.muli %parallel_loop3A_605, %parallel_loop3A_903 : i32
      %parallel_loop3A_905 = arith.constant 2 : i32
      %parallel_loop3A_906 = arith.addi %parallel_loop3A_904, %parallel_loop3A_905 : i32
      %parallel_loop3A_907 = arith.constant 0 : i32
      %parallel_loop3A_908 = arith.index_cast %parallel_loop3A_907 : i32 to index
      %parallel_loop3A_909 = arith.index_cast %parallel_loop3A_906 : i32 to index
      %parallel_loop3A_910 = arith.constant 80 : index
      %parallel_loop3A_911 = tpu.vector_load %arg7[%parallel_loop3A_908, %parallel_loop3A_909, %parallel_loop3A_910] {strides = array<i32>} : memref<3x128x128xf32, #tpu.memory_space<vmem>>, vector<16xf32>,
      tpu.vector_store %arg7[%parallel_loop3A_908, %parallel_loop3A_909, %parallel_loop3A_910], %parallel_loop3A_902 {strides = array<i32>} : memref<3x128x128xf32, #tpu.memory_space<vmem>>, vector<16xf32>,
      %parallel_loop3A_912 = vector.shape_cast %parallel_loop3A_875 : vector<16xi32> to vector<16x1xi32>
      %parallel_loop3A_913 = vector.shape_cast %parallel_loop3A_912 : vector<16x1xi32> to vector<16xi32>
      %parallel_loop3A_914 = tpu.dynamic_gather %get3A_17[%parallel_loop3A_913] in [0] : vector<16xf32>, vector<16xi32> -> vector<16xf32>
      %parallel_loop3A_915 = arith.constant 4 : i32
      %parallel_loop3A_916 = arith.muli %parallel_loop3A_605, %parallel_loop3A_915 : i32
      %parallel_loop3A_917 = arith.constant 3 : i32
      %parallel_loop3A_918 = arith.addi %parallel_loop3A_916, %parallel_loop3A_917 : i32
      %parallel_loop3A_919 = arith.constant 0 : i32
      %parallel_loop3A_920 = arith.index_cast %parallel_loop3A_919 : i32 to index
      %parallel_loop3A_921 = arith.index_cast %parallel_loop3A_918 : i32 to index
      %parallel_loop3A_922 = arith.constant 80 : index
      %parallel_loop3A_923 = tpu.vector_load %arg7[%parallel_loop3A_920, %parallel_loop3A_921, %parallel_loop3A_922] {strides = array<i32>} : memref<3x128x128xf32, #tpu.memory_space<vmem>>, vector<16xf32>,
      tpu.vector_store %arg7[%parallel_loop3A_920, %parallel_loop3A_921, %parallel_loop3A_922], %parallel_loop3A_914 {strides = array<i32>} : memref<3x128x128xf32, #tpu.memory_space<vmem>>, vector<16xf32>,
      %parallel_loop3A_924 = arith.constant 0 : i32
      %parallel_loop3A_925 = arith.index_cast %parallel_loop3A_924 : i32 to index
      %parallel_loop3A_926 = arith.index_cast %parallel_loop3A_605 : i32 to index
      %parallel_loop3A_927 = arith.constant 96 : index
      %parallel_loop3A_928 = tpu.vector_load %arg6[%parallel_loop3A_925, %parallel_loop3A_926, %parallel_loop3A_927] {strides = array<i32>} : memref<3x32x128xi32, #tpu.memory_space<vmem>>, vector<16xi32>,
      %parallel_loop3A_929 = vector.shape_cast %parallel_loop3A_928 : vector<16xi32> to vector<16x1xi32>
      %parallel_loop3A_930 = vector.shape_cast %parallel_loop3A_929 : vector<16x1xi32> to vector<16xi32>
      %parallel_loop3A_931 = tpu.dynamic_gather %get3A_5[%parallel_loop3A_930] in [0] : vector<16xf32>, vector<16xi32> -> vector<16xf32>
      %parallel_loop3A_932 = arith.constant 4 : i32
      %parallel_loop3A_933 = arith.muli %parallel_loop3A_605, %parallel_loop3A_932 : i32
      %parallel_loop3A_934 = arith.constant 0 : i32
      %parallel_loop3A_935 = arith.addi %parallel_loop3A_933, %parallel_loop3A_934 : i32
      %parallel_loop3A_936 = arith.constant 0 : i32
      %parallel_loop3A_937 = arith.index_cast %parallel_loop3A_936 : i32 to index
      %parallel_loop3A_938 = arith.index_cast %parallel_loop3A_935 : i32 to index
      %parallel_loop3A_939 = arith.constant 96 : index
      %parallel_loop3A_940 = tpu.vector_load %arg7[%parallel_loop3A_937, %parallel_loop3A_938, %parallel_loop3A_939] {strides = array<i32>} : memref<3x128x128xf32, #tpu.memory_space<vmem>>, vector<16xf32>,
      tpu.vector_store %arg7[%parallel_loop3A_937, %parallel_loop3A_938, %parallel_loop3A_939], %parallel_loop3A_931 {strides = array<i32>} : memref<3x128x128xf32, #tpu.memory_space<vmem>>, vector<16xf32>,
      %parallel_loop3A_941 = vector.shape_cast %parallel_loop3A_928 : vector<16xi32> to vector<16x1xi32>
      %parallel_loop3A_942 = vector.shape_cast %parallel_loop3A_941 : vector<16x1xi32> to vector<16xi32>
      %parallel_loop3A_943 = tpu.dynamic_gather %get3A_9[%parallel_loop3A_942] in [0] : vector<16xf32>, vector<16xi32> -> vector<16xf32>
      %parallel_loop3A_944 = arith.constant 4 : i32
      %parallel_loop3A_945 = arith.muli %parallel_loop3A_605, %parallel_loop3A_944 : i32
      %parallel_loop3A_946 = arith.constant 1 : i32
      %parallel_loop3A_947 = arith.addi %parallel_loop3A_945, %parallel_loop3A_946 : i32
      %parallel_loop3A_948 = arith.constant 0 : i32
      %parallel_loop3A_949 = arith.index_cast %parallel_loop3A_948 : i32 to index
      %parallel_loop3A_950 = arith.index_cast %parallel_loop3A_947 : i32 to index
      %parallel_loop3A_951 = arith.constant 96 : index
      %parallel_loop3A_952 = tpu.vector_load %arg7[%parallel_loop3A_949, %parallel_loop3A_950, %parallel_loop3A_951] {strides = array<i32>} : memref<3x128x128xf32, #tpu.memory_space<vmem>>, vector<16xf32>,
      tpu.vector_store %arg7[%parallel_loop3A_949, %parallel_loop3A_950, %parallel_loop3A_951], %parallel_loop3A_943 {strides = array<i32>} : memref<3x128x128xf32, #tpu.memory_space<vmem>>, vector<16xf32>,
      %parallel_loop3A_953 = vector.shape_cast %parallel_loop3A_928 : vector<16xi32> to vector<16x1xi32>
      %parallel_loop3A_954 = vector.shape_cast %parallel_loop3A_953 : vector<16x1xi32> to vector<16xi32>
      %parallel_loop3A_955 = tpu.dynamic_gather %get3A_13[%parallel_loop3A_954] in [0] : vector<16xf32>, vector<16xi32> -> vector<16xf32>
      %parallel_loop3A_956 = arith.constant 4 : i32
      %parallel_loop3A_957 = arith.muli %parallel_loop3A_605, %parallel_loop3A_956 : i32
      %parallel_loop3A_958 = arith.constant 2 : i32
      %parallel_loop3A_959 = arith.addi %parallel_loop3A_957, %parallel_loop3A_958 : i32
      %parallel_loop3A_960 = arith.constant 0 : i32
      %parallel_loop3A_961 = arith.index_cast %parallel_loop3A_960 : i32 to index
      %parallel_loop3A_962 = arith.index_cast %parallel_loop3A_959 : i32 to index
      %parallel_loop3A_963 = arith.constant 96 : index
      %parallel_loop3A_964 = tpu.vector_load %arg7[%parallel_loop3A_961, %parallel_loop3A_962, %parallel_loop3A_963] {strides = array<i32>} : memref<3x128x128xf32, #tpu.memory_space<vmem>>, vector<16xf32>,
      tpu.vector_store %arg7[%parallel_loop3A_961, %parallel_loop3A_962, %parallel_loop3A_963], %parallel_loop3A_955 {strides = array<i32>} : memref<3x128x128xf32, #tpu.memory_space<vmem>>, vector<16xf32>,
      %parallel_loop3A_965 = vector.shape_cast %parallel_loop3A_928 : vector<16xi32> to vector<16x1xi32>
      %parallel_loop3A_966 = vector.shape_cast %parallel_loop3A_965 : vector<16x1xi32> to vector<16xi32>
      %parallel_loop3A_967 = tpu.dynamic_gather %get3A_17[%parallel_loop3A_966] in [0] : vector<16xf32>, vector<16xi32> -> vector<16xf32>
      %parallel_loop3A_968 = arith.constant 4 : i32
      %parallel_loop3A_969 = arith.muli %parallel_loop3A_605, %parallel_loop3A_968 : i32
      %parallel_loop3A_970 = arith.constant 3 : i32
      %parallel_loop3A_971 = arith.addi %parallel_loop3A_969, %parallel_loop3A_970 : i32
      %parallel_loop3A_972 = arith.constant 0 : i32
      %parallel_loop3A_973 = arith.index_cast %parallel_loop3A_972 : i32 to index
      %parallel_loop3A_974 = arith.index_cast %parallel_loop3A_971 : i32 to index
      %parallel_loop3A_975 = arith.constant 96 : index
      %parallel_loop3A_976 = tpu.vector_load %arg7[%parallel_loop3A_973, %parallel_loop3A_974, %parallel_loop3A_975] {strides = array<i32>} : memref<3x128x128xf32, #tpu.memory_space<vmem>>, vector<16xf32>,
      tpu.vector_store %arg7[%parallel_loop3A_973, %parallel_loop3A_974, %parallel_loop3A_975], %parallel_loop3A_967 {strides = array<i32>} : memref<3x128x128xf32, #tpu.memory_space<vmem>>, vector<16xf32>,
      %parallel_loop3A_977 = arith.constant 0 : i32
      %parallel_loop3A_978 = arith.index_cast %parallel_loop3A_977 : i32 to index
      %parallel_loop3A_979 = arith.index_cast %parallel_loop3A_605 : i32 to index
      %parallel_loop3A_980 = arith.constant 112 : index
      %parallel_loop3A_981 = tpu.vector_load %arg6[%parallel_loop3A_978, %parallel_loop3A_979, %parallel_loop3A_980] {strides = array<i32>} : memref<3x32x128xi32, #tpu.memory_space<vmem>>, vector<16xi32>,
      %parallel_loop3A_982 = vector.shape_cast %parallel_loop3A_981 : vector<16xi32> to vector<16x1xi32>
      %parallel_loop3A_983 = vector.shape_cast %parallel_loop3A_982 : vector<16x1xi32> to vector<16xi32>
      %parallel_loop3A_984 = tpu.dynamic_gather %get3A_5[%parallel_loop3A_983] in [0] : vector<16xf32>, vector<16xi32> -> vector<16xf32>
      %parallel_loop3A_985 = arith.constant 4 : i32
      %parallel_loop3A_986 = arith.muli %parallel_loop3A_605, %parallel_loop3A_985 : i32
      %parallel_loop3A_987 = arith.constant 0 : i32
      %parallel_loop3A_988 = arith.addi %parallel_loop3A_986, %parallel_loop3A_987 : i32
      %parallel_loop3A_989 = arith.constant 0 : i32
      %parallel_loop3A_990 = arith.index_cast %parallel_loop3A_989 : i32 to index
      %parallel_loop3A_991 = arith.index_cast %parallel_loop3A_988 : i32 to index
      %parallel_loop3A_992 = arith.constant 112 : index
      %parallel_loop3A_993 = tpu.vector_load %arg7[%parallel_loop3A_990, %parallel_loop3A_991, %parallel_loop3A_992] {strides = array<i32>} : memref<3x128x128xf32, #tpu.memory_space<vmem>>, vector<16xf32>,
      tpu.vector_store %arg7[%parallel_loop3A_990, %parallel_loop3A_991, %parallel_loop3A_992], %parallel_loop3A_984 {strides = array<i32>} : memref<3x128x128xf32, #tpu.memory_space<vmem>>, vector<16xf32>,
      %parallel_loop3A_994 = vector.shape_cast %parallel_loop3A_981 : vector<16xi32> to vector<16x1xi32>
      %parallel_loop3A_995 = vector.shape_cast %parallel_loop3A_994 : vector<16x1xi32> to vector<16xi32>
      %parallel_loop3A_996 = tpu.dynamic_gather %get3A_9[%parallel_loop3A_995] in [0] : vector<16xf32>, vector<16xi32> -> vector<16xf32>
      %parallel_loop3A_997 = arith.constant 4 : i32
      %parallel_loop3A_998 = arith.muli %parallel_loop3A_605, %parallel_loop3A_997 : i32
      %parallel_loop3A_999 = arith.constant 1 : i32
      %parallel_loop3A_1000 = arith.addi %parallel_loop3A_998, %parallel_loop3A_999 : i32
      %parallel_loop3A_1001 = arith.constant 0 : i32
      %parallel_loop3A_1002 = arith.index_cast %parallel_loop3A_1001 : i32 to index
      %parallel_loop3A_1003 = arith.index_cast %parallel_loop3A_1000 : i32 to index
      %parallel_loop3A_1004 = arith.constant 112 : index
      %parallel_loop3A_1005 = tpu.vector_load %arg7[%parallel_loop3A_1002, %parallel_loop3A_1003, %parallel_loop3A_1004] {strides = array<i32>} : memref<3x128x128xf32, #tpu.memory_space<vmem>>, vector<16xf32>,
      tpu.vector_store %arg7[%parallel_loop3A_1002, %parallel_loop3A_1003, %parallel_loop3A_1004], %parallel_loop3A_996 {strides = array<i32>} : memref<3x128x128xf32, #tpu.memory_space<vmem>>, vector<16xf32>,
      %parallel_loop3A_1006 = vector.shape_cast %parallel_loop3A_981 : vector<16xi32> to vector<16x1xi32>
      %parallel_loop3A_1007 = vector.shape_cast %parallel_loop3A_1006 : vector<16x1xi32> to vector<16xi32>
      %parallel_loop3A_1008 = tpu.dynamic_gather %get3A_13[%parallel_loop3A_1007] in [0] : vector<16xf32>, vector<16xi32> -> vector<16xf32>
      %parallel_loop3A_1009 = arith.constant 4 : i32
      %parallel_loop3A_1010 = arith.muli %parallel_loop3A_605, %parallel_loop3A_1009 : i32
      %parallel_loop3A_1011 = arith.constant 2 : i32
      %parallel_loop3A_1012 = arith.addi %parallel_loop3A_1010, %parallel_loop3A_1011 : i32
      %parallel_loop3A_1013 = arith.constant 0 : i32
      %parallel_loop3A_1014 = arith.index_cast %parallel_loop3A_1013 : i32 to index
      %parallel_loop3A_1015 = arith.index_cast %parallel_loop3A_1012 : i32 to index
      %parallel_loop3A_1016 = arith.constant 112 : index
      %parallel_loop3A_1017 = tpu.vector_load %arg7[%parallel_loop3A_1014, %parallel_loop3A_1015, %parallel_loop3A_1016] {strides = array<i32>} : memref<3x128x128xf32, #tpu.memory_space<vmem>>, vector<16xf32>,
      tpu.vector_store %arg7[%parallel_loop3A_1014, %parallel_loop3A_1015, %parallel_loop3A_1016], %parallel_loop3A_1008 {strides = array<i32>} : memref<3x128x128xf32, #tpu.memory_space<vmem>>, vector<16xf32>,
      %parallel_loop3A_1018 = vector.shape_cast %parallel_loop3A_981 : vector<16xi32> to vector<16x1xi32>
      %parallel_loop3A_1019 = vector.shape_cast %parallel_loop3A_1018 : vector<16x1xi32> to vector<16xi32>
      %parallel_loop3A_1020 = tpu.dynamic_gather %get3A_17[%parallel_loop3A_1019] in [0] : vector<16xf32>, vector<16xi32> -> vector<16xf32>
      %parallel_loop3A_1021 = arith.constant 4 : i32
      %parallel_loop3A_1022 = arith.muli %parallel_loop3A_605, %parallel_loop3A_1021 : i32
      %parallel_loop3A_1023 = arith.constant 3 : i32
      %parallel_loop3A_1024 = arith.addi %parallel_loop3A_1022, %parallel_loop3A_1023 : i32
      %parallel_loop3A_1025 = arith.constant 0 : i32
      %parallel_loop3A_1026 = arith.index_cast %parallel_loop3A_1025 : i32 to index
      %parallel_loop3A_1027 = arith.index_cast %parallel_loop3A_1024 : i32 to index
      %parallel_loop3A_1028 = arith.constant 112 : index
      %parallel_loop3A_1029 = tpu.vector_load %arg7[%parallel_loop3A_1026, %parallel_loop3A_1027, %parallel_loop3A_1028] {strides = array<i32>} : memref<3x128x128xf32, #tpu.memory_space<vmem>>, vector<16xf32>,
      tpu.vector_store %arg7[%parallel_loop3A_1026, %parallel_loop3A_1027, %parallel_loop3A_1028], %parallel_loop3A_1020 {strides = array<i32>} : memref<3x128x128xf32, #tpu.memory_space<vmem>>, vector<16xf32>,
    } {sc.loop_unroll_factor = 8 : i64, sc.parallel_access}
    %add3A_369 = arith.constant 24 : i32
    %add3A_370 = arith.addi %mul3A_2, %add3A_369 : i32
    %jit3A_371 = arith.constant 4 : i32
    %div3A_372 = arith.divsi %add3A_370, %jit3A_371 : i32
    %sign3A_373 = arith.constant 0 : i32
    %sign3A_374 = arith.cmpi sgt, %add3A_370, %sign3A_373 : i32
    %sign3A_375 = arith.extui %sign3A_374 : i1 to i32
    %sign3A_376 = arith.constant 0 : i32
    %sign3A_377 = arith.cmpi slt, %add3A_370, %sign3A_376 : i32
    %sign3A_378 = arith.extui %sign3A_377 : i1 to i32
    %sign3A_379 = arith.subi %sign3A_375, %sign3A_378 : i32
    %sign3A_380 = arith.constant 0 : i32
    %sign3A_381 = arith.cmpi sgt, %jit3A_371, %sign3A_380 : i32
    %sign3A_382 = arith.extui %sign3A_381 : i1 to i32
    %sign3A_383 = arith.constant 0 : i32
    %sign3A_384 = arith.cmpi slt, %jit3A_371, %sign3A_383 : i32
    %sign3A_385 = arith.extui %sign3A_384 : i1 to i32
    %sign3A_386 = arith.subi %sign3A_382, %sign3A_385 : i32
    %ne3A_387 = arith.cmpi ne, %sign3A_379, %sign3A_386 : i32
    %rem3A_388 = arith.remsi %add3A_370, %jit3A_371 : i32
    %ne3A_389 = arith.constant 0 : i32
    %ne3A_390 = arith.cmpi ne, %rem3A_388, %ne3A_389 : i32
    %and3A_391 = arith.andi %ne3A_387, %ne3A_390 : i1
    %sub3A_392 = arith.constant 1 : i32
    %sub3A_393 = arith.subi %div3A_372, %sub3A_392 : i32
    %select_n3A_394 = arith.select %and3A_391, %sub3A_393, %div3A_372 : i32
    %jit3A_395 = arith.constant 4 : i32
    %eq3A_396 = arith.constant 0 : i32
    %eq3A_397 = arith.cmpi eq, %jit3A_395, %eq3A_396 : i32
    %jit3A_398 = arith.constant 1 : i32
    %select_n3A_399 = arith.select %eq3A_397, %jit3A_398, %jit3A_395 : i32
    %rem3A_400 = arith.remsi %add3A_370, %select_n3A_399 : i32
    %ne3A_401 = arith.constant 0 : i32
    %ne3A_402 = arith.cmpi ne, %rem3A_400, %ne3A_401 : i32
    %lt3A_403 = arith.constant 0 : i32
    %lt3A_404 = arith.cmpi slt, %rem3A_400, %lt3A_403 : i32
    %lt3A_405 = arith.constant 0 : i32
    %lt3A_406 = arith.cmpi slt, %select_n3A_399, %lt3A_405 : i32
    %ne3A_407 = arith.xori %lt3A_404, %lt3A_406 : i1
    %and3A_408 = arith.andi %ne3A_407, %ne3A_402 : i1
    %add3A_409 = arith.addi %rem3A_400, %select_n3A_399 : i32
    %select_n3A_410 = arith.select %and3A_408, %add3A_409, %rem3A_400 : i32
    %mul3A_411 = arith.constant 128 : i32
    %mul3A_412 = arith.muli %select_n3A_410, %mul3A_411 : i32
    %dma_start3A_413 = arith.constant 0 : i32
    %dma_start3A_414 = arith.constant 0 : i32
    %dma_start3A_415 = arith.constant 0 : i32
    %dma_start3A_416 = tpu.memref_slice %arg7[%dma_start3A_413, %dma_start3A_414, %dma_start3A_415] : memref<3x128x128xf32, #tpu.memory_space<vmem>> -> memref<1x128x128xf32, #tpu.memory_space<vmem>>
    %dma_start3A_417 = tpu.memref_squeeze %dma_start3A_416 : memref<1x128x128xf32, #tpu.memory_space<vmem>> -> memref<128x128xf32, #tpu.memory_space<vmem>>
    %dma_start3A_418 = arith.constant 0 : i32
    %dma_start3A_419 = tpu.memref_slice %arg4[%select_n3A_394, %mul3A_412, %dma_start3A_418] : memref<200x512x128xf32, #tpu.memory_space<hbm>> -> memref<1x128x128xf32, #tpu.memory_space<hbm>>
    %dma_start3A_420 = tpu.memref_squeeze %dma_start3A_419 : memref<1x128x128xf32, #tpu.memory_space<hbm>> -> memref<128x128xf32, #tpu.memory_space<hbm>>
    %dma_start3A_421 = arith.constant 0 : i32
    %dma_start3A_422 = tpu.memref_slice %arg4[%select_n3A_394, %mul3A_412, %dma_start3A_421] : memref<200x512x128xf32, #tpu.memory_space<hbm>> -> memref<1x128x128xf32, #tpu.memory_space<hbm>>
    %dma_start3A_423 = tpu.memref_squeeze %dma_start3A_422 : memref<1x128x128xf32, #tpu.memory_space<hbm>> -> memref<128x128xf32, #tpu.memory_space<hbm>>
    %dma_start3A_424 = arith.constant 0 : i32
    %dma_start3A_425 = arith.constant 0 : i32
    %dma_start3A_426 = tpu.memref_slice %arg7[%dma_start3A_413, %dma_start3A_424, %dma_start3A_425] : memref<3x128x128xf32, #tpu.memory_space<vmem>> -> memref<1x128x128xf32, #tpu.memory_space<vmem>>
    %dma_start3A_427 = tpu.memref_squeeze %dma_start3A_426 : memref<1x128x128xf32, #tpu.memory_space<vmem>> -> memref<128x128xf32, #tpu.memory_space<vmem>>
    tpu.enqueue_dma source(%dma_start3A_427 : memref<128x128xf32, #tpu.memory_space<vmem>>) target(%dma_start3A_423 : memref<128x128xf32, #tpu.memory_space<hbm>>) target_semaphore(%arg11 : memref<!tpu.dma_semaphore, #tpu.memory_space<semaphore_mem>>)
    %add3A_428 = arith.constant 22 : i32
    %add3A_429 = arith.addi %mul3A_2, %add3A_428 : i32
    %jit3A_430 = arith.constant 4 : i32
    %div3A_431 = arith.divsi %add3A_429, %jit3A_430 : i32
    %sign3A_432 = arith.constant 0 : i32
    %sign3A_433 = arith.cmpi sgt, %add3A_429, %sign3A_432 : i32
    %sign3A_434 = arith.extui %sign3A_433 : i1 to i32
    %sign3A_435 = arith.constant 0 : i32
    %sign3A_436 = arith.cmpi slt, %add3A_429, %sign3A_435 : i32
    %sign3A_437 = arith.extui %sign3A_436 : i1 to i32
    %sign3A_438 = arith.subi %sign3A_434, %sign3A_437 : i32
    %sign3A_439 = arith.constant 0 : i32
    %sign3A_440 = arith.cmpi sgt, %jit3A_430, %sign3A_439 : i32
    %sign3A_441 = arith.extui %sign3A_440 : i1 to i32
    %sign3A_442 = arith.constant 0 : i32
    %sign3A_443 = arith.cmpi slt, %jit3A_430, %sign3A_442 : i32
    %sign3A_444 = arith.extui %sign3A_443 : i1 to i32
    %sign3A_445 = arith.subi %sign3A_441, %sign3A_444 : i32
    %ne3A_446 = arith.cmpi ne, %sign3A_438, %sign3A_445 : i32
    %rem3A_447 = arith.remsi %add3A_429, %jit3A_430 : i32
    %ne3A_448 = arith.constant 0 : i32
    %ne3A_449 = arith.cmpi ne, %rem3A_447, %ne3A_448 : i32
    %and3A_450 = arith.andi %ne3A_446, %ne3A_449 : i1
    %sub3A_451 = arith.constant 1 : i32
    %sub3A_452 = arith.subi %div3A_431, %sub3A_451 : i32
    %select_n3A_453 = arith.select %and3A_450, %sub3A_452, %div3A_431 : i32
    %jit3A_454 = arith.constant 4 : i32
    %eq3A_455 = arith.constant 0 : i32
    %eq3A_456 = arith.cmpi eq, %jit3A_454, %eq3A_455 : i32
    %jit3A_457 = arith.constant 1 : i32
    %select_n3A_458 = arith.select %eq3A_456, %jit3A_457, %jit3A_454 : i32
    %rem3A_459 = arith.remsi %add3A_429, %select_n3A_458 : i32
    %ne3A_460 = arith.constant 0 : i32
    %ne3A_461 = arith.cmpi ne, %rem3A_459, %ne3A_460 : i32
    %lt3A_462 = arith.constant 0 : i32
    %lt3A_463 = arith.cmpi slt, %rem3A_459, %lt3A_462 : i32
    %lt3A_464 = arith.constant 0 : i32
    %lt3A_465 = arith.cmpi slt, %select_n3A_458, %lt3A_464 : i32
    %ne3A_466 = arith.xori %lt3A_463, %lt3A_465 : i1
    %and3A_467 = arith.andi %ne3A_466, %ne3A_461 : i1
    %add3A_468 = arith.addi %rem3A_459, %select_n3A_458 : i32
    %select_n3A_469 = arith.select %and3A_467, %add3A_468, %rem3A_459 : i32
    %mul3A_470 = arith.constant 128 : i32
    %mul3A_471 = arith.muli %select_n3A_469, %mul3A_470 : i32
    %dma_wait3A_472 = arith.constant 1 : i32
    %dma_wait3A_473 = arith.constant 0 : i32
    %dma_wait3A_474 = arith.constant 0 : i32
    %dma_wait3A_475 = tpu.memref_slice %arg7[%dma_wait3A_472, %dma_wait3A_473, %dma_wait3A_474] : memref<3x128x128xf32, #tpu.memory_space<vmem>> -> memref<1x128x128xf32, #tpu.memory_space<vmem>>
    %dma_wait3A_476 = tpu.memref_squeeze %dma_wait3A_475 : memref<1x128x128xf32, #tpu.memory_space<vmem>> -> memref<128x128xf32, #tpu.memory_space<vmem>>
    %dma_wait3A_477 = arith.constant 0 : i32
    %dma_wait3A_478 = tpu.memref_slice %arg4[%select_n3A_453, %mul3A_471, %dma_wait3A_477] : memref<200x512x128xf32, #tpu.memory_space<hbm>> -> memref<1x128x128xf32, #tpu.memory_space<hbm>>
    %dma_wait3A_479 = tpu.memref_squeeze %dma_wait3A_478 : memref<1x128x128xf32, #tpu.memory_space<hbm>> -> memref<128x128xf32, #tpu.memory_space<hbm>>
    %dma_wait3A_480 = arith.constant 0 : i32
    %dma_wait3A_481 = tpu.memref_slice %arg4[%select_n3A_453, %mul3A_471, %dma_wait3A_480] : memref<200x512x128xf32, #tpu.memory_space<hbm>> -> memref<1x128x128xf32, #tpu.memory_space<hbm>>
    %dma_wait3A_482 = tpu.memref_squeeze %dma_wait3A_481 : memref<1x128x128xf32, #tpu.memory_space<hbm>> -> memref<128x128xf32, #tpu.memory_space<hbm>>
    %dma_wait3A_483 = arith.constant 0 : i32
    %dma_wait3A_484 = arith.constant 0 : i32
    %dma_wait3A_485 = tpu.memref_slice %arg7[%dma_wait3A_472, %dma_wait3A_483, %dma_wait3A_484] : memref<3x128x128xf32, #tpu.memory_space<vmem>> -> memref<1x128x128xf32, #tpu.memory_space<vmem>>
    %dma_wait3A_486 = tpu.memref_squeeze %dma_wait3A_485 : memref<1x128x128xf32, #tpu.memory_space<vmem>> -> memref<128x128xf32, #tpu.memory_space<vmem>>
    tpu.wait_dma2 semaphore(%arg12 : memref<!tpu.dma_semaphore, #tpu.memory_space<semaphore_mem>>) src(%dma_wait3A_486 : memref<128x128xf32, #tpu.memory_space<vmem>>) dst(%dma_wait3A_482 : memref<128x128xf32, #tpu.memory_space<hbm>>)
    %add3A_487 = arith.constant 23 : i32
    %add3A_488 = arith.addi %mul3A_2, %add3A_487 : i32
    %jit3A_489 = arith.constant 4 : i32
    %div3A_490 = arith.divsi %add3A_488, %jit3A_489 : i32
    %sign3A_491 = arith.constant 0 : i32
    %sign3A_492 = arith.cmpi sgt, %add3A_488, %sign3A_491 : i32
    %sign3A_493 = arith.extui %sign3A_492 : i1 to i32
    %sign3A_494 = arith.constant 0 : i32
    %sign3A_495 = arith.cmpi slt, %add3A_488, %sign3A_494 : i32
    %sign3A_496 = arith.extui %sign3A_495 : i1 to i32
    %sign3A_497 = arith.subi %sign3A_493, %sign3A_496 : i32
    %sign3A_498 = arith.constant 0 : i32
    %sign3A_499 = arith.cmpi sgt, %jit3A_489, %sign3A_498 : i32
    %sign3A_500 = arith.extui %sign3A_499 : i1 to i32
    %sign3A_501 = arith.constant 0 : i32
    %sign3A_502 = arith.cmpi slt, %jit3A_489, %sign3A_501 : i32
    %sign3A_503 = arith.extui %sign3A_502 : i1 to i32
    %sign3A_504 = arith.subi %sign3A_500, %sign3A_503 : i32
    %ne3A_505 = arith.cmpi ne, %sign3A_497, %sign3A_504 : i32
    %rem3A_506 = arith.remsi %add3A_488, %jit3A_489 : i32
    %ne3A_507 = arith.constant 0 : i32
    %ne3A_508 = arith.cmpi ne, %rem3A_506, %ne3A_507 : i32
    %and3A_509 = arith.andi %ne3A_505, %ne3A_508 : i1
    %sub3A_510 = arith.constant 1 : i32
    %sub3A_511 = arith.subi %div3A_490, %sub3A_510 : i32
    %select_n3A_512 = arith.select %and3A_509, %sub3A_511, %div3A_490 : i32
    %jit3A_513 = arith.constant 4 : i32
    %eq3A_514 = arith.constant 0 : i32
    %eq3A_515 = arith.cmpi eq, %jit3A_513, %eq3A_514 : i32
    %jit3A_516 = arith.constant 1 : i32
    %select_n3A_517 = arith.select %eq3A_515, %jit3A_516, %jit3A_513 : i32
    %rem3A_518 = arith.remsi %add3A_488, %select_n3A_517 : i32
    %ne3A_519 = arith.constant 0 : i32
    %ne3A_520 = arith.cmpi ne, %rem3A_518, %ne3A_519 : i32
    %lt3A_521 = arith.constant 0 : i32
    %lt3A_522 = arith.cmpi slt, %rem3A_518, %lt3A_521 : i32
    %lt3A_523 = arith.constant 0 : i32
    %lt3A_524 = arith.cmpi slt, %select_n3A_517, %lt3A_523 : i32
    %ne3A_525 = arith.xori %lt3A_522, %lt3A_524 : i1
    %and3A_526 = arith.andi %ne3A_525, %ne3A_520 : i1
    %add3A_527 = arith.addi %rem3A_518, %select_n3A_517 : i32
    %select_n3A_528 = arith.select %and3A_526, %add3A_527, %rem3A_518 : i32
    %mul3A_529 = arith.constant 128 : i32
    %mul3A_530 = arith.muli %select_n3A_528, %mul3A_529 : i32
    %dma_wait3A_531 = arith.constant 2 : i32
    %dma_wait3A_532 = arith.constant 0 : i32
    %dma_wait3A_533 = arith.constant 0 : i32
    %dma_wait3A_534 = tpu.memref_slice %arg7[%dma_wait3A_531, %dma_wait3A_532, %dma_wait3A_533] : memref<3x128x128xf32, #tpu.memory_space<vmem>> -> memref<1x128x128xf32, #tpu.memory_space<vmem>>
    %dma_wait3A_535 = tpu.memref_squeeze %dma_wait3A_534 : memref<1x128x128xf32, #tpu.memory_space<vmem>> -> memref<128x128xf32, #tpu.memory_space<vmem>>
    %dma_wait3A_536 = arith.constant 0 : i32
    %dma_wait3A_537 = tpu.memref_slice %arg4[%select_n3A_512, %mul3A_530, %dma_wait3A_536] : memref<200x512x128xf32, #tpu.memory_space<hbm>> -> memref<1x128x128xf32, #tpu.memory_space<hbm>>
    %dma_wait3A_538 = tpu.memref_squeeze %dma_wait3A_537 : memref<1x128x128xf32, #tpu.memory_space<hbm>> -> memref<128x128xf32, #tpu.memory_space<hbm>>
    %dma_wait3A_539 = arith.constant 0 : i32
    %dma_wait3A_540 = tpu.memref_slice %arg4[%select_n3A_512, %mul3A_530, %dma_wait3A_539] : memref<200x512x128xf32, #tpu.memory_space<hbm>> -> memref<1x128x128xf32, #tpu.memory_space<hbm>>
    %dma_wait3A_541 = tpu.memref_squeeze %dma_wait3A_540 : memref<1x128x128xf32, #tpu.memory_space<hbm>> -> memref<128x128xf32, #tpu.memory_space<hbm>>
    %dma_wait3A_542 = arith.constant 0 : i32
    %dma_wait3A_543 = arith.constant 0 : i32
    %dma_wait3A_544 = tpu.memref_slice %arg7[%dma_wait3A_531, %dma_wait3A_542, %dma_wait3A_543] : memref<3x128x128xf32, #tpu.memory_space<vmem>> -> memref<1x128x128xf32, #tpu.memory_space<vmem>>
    %dma_wait3A_545 = tpu.memref_squeeze %dma_wait3A_544 : memref<1x128x128xf32, #tpu.memory_space<vmem>> -> memref<128x128xf32, #tpu.memory_space<vmem>>
    tpu.wait_dma2 semaphore(%arg13 : memref<!tpu.dma_semaphore, #tpu.memory_space<semaphore_mem>>) src(%dma_wait3A_545 : memref<128x128xf32, #tpu.memory_space<vmem>>) dst(%dma_wait3A_541 : memref<128x128xf32, #tpu.memory_space<hbm>>)
    %add3A_546 = arith.constant 24 : i32
    %add3A_547 = arith.addi %mul3A_2, %add3A_546 : i32
    %jit3A_548 = arith.constant 4 : i32
    %div3A_549 = arith.divsi %add3A_547, %jit3A_548 : i32
    %sign3A_550 = arith.constant 0 : i32
    %sign3A_551 = arith.cmpi sgt, %add3A_547, %sign3A_550 : i32
    %sign3A_552 = arith.extui %sign3A_551 : i1 to i32
    %sign3A_553 = arith.constant 0 : i32
    %sign3A_554 = arith.cmpi slt, %add3A_547, %sign3A_553 : i32
    %sign3A_555 = arith.extui %sign3A_554 : i1 to i32
    %sign3A_556 = arith.subi %sign3A_552, %sign3A_555 : i32
    %sign3A_557 = arith.constant 0 : i32
    %sign3A_558 = arith.cmpi sgt, %jit3A_548, %sign3A_557 : i32
    %sign3A_559 = arith.extui %sign3A_558 : i1 to i32
    %sign3A_560 = arith.constant 0 : i32
    %sign3A_561 = arith.cmpi slt, %jit3A_548, %sign3A_560 : i32
    %sign3A_562 = arith.extui %sign3A_561 : i1 to i32
    %sign3A_563 = arith.subi %sign3A_559, %sign3A_562 : i32
    %ne3A_564 = arith.cmpi ne, %sign3A_556, %sign3A_563 : i32
    %rem3A_565 = arith.remsi %add3A_547, %jit3A_548 : i32
    %ne3A_566 = arith.constant 0 : i32
    %ne3A_567 = arith.cmpi ne, %rem3A_565, %ne3A_566 : i32
    %and3A_568 = arith.andi %ne3A_564, %ne3A_567 : i1
    %sub3A_569 = arith.constant 1 : i32
    %sub3A_570 = arith.subi %div3A_549, %sub3A_569 : i32
    %select_n3A_571 = arith.select %and3A_568, %sub3A_570, %div3A_549 : i32
    %jit3A_572 = arith.constant 4 : i32
    %eq3A_573 = arith.constant 0 : i32
    %eq3A_574 = arith.cmpi eq, %jit3A_572, %eq3A_573 : i32
    %jit3A_575 = arith.constant 1 : i32
    %select_n3A_576 = arith.select %eq3A_574, %jit3A_575, %jit3A_572 : i32
    %rem3A_577 = arith.remsi %add3A_547, %select_n3A_576 : i32
    %ne3A_578 = arith.constant 0 : i32
    %ne3A_579 = arith.cmpi ne, %rem3A_577, %ne3A_578 : i32
    %lt3A_580 = arith.constant 0 : i32
    %lt3A_581 = arith.cmpi slt, %rem3A_577, %lt3A_580 : i32
    %lt3A_582 = arith.constant 0 : i32
    %lt3A_583 = arith.cmpi slt, %select_n3A_576, %lt3A_582 : i32
    %ne3A_584 = arith.xori %lt3A_581, %lt3A_583 : i1
    %and3A_585 = arith.andi %ne3A_584, %ne3A_579 : i1
    %add3A_586 = arith.addi %rem3A_577, %select_n3A_576 : i32
    %select_n3A_587 = arith.select %and3A_585, %add3A_586, %rem3A_577 : i32
    %mul3A_588 = arith.constant 128 : i32
    %mul3A_589 = arith.muli %select_n3A_587, %mul3A_588 : i32
    %dma_wait3A_590 = arith.constant 0 : i32
    %dma_wait3A_591 = arith.constant 0 : i32
    %dma_wait3A_592 = arith.constant 0 : i32
    %dma_wait3A_593 = tpu.memref_slice %arg7[%dma_wait3A_590, %dma_wait3A_591, %dma_wait3A_592] : memref<3x128x128xf32, #tpu.memory_space<vmem>> -> memref<1x128x128xf32, #tpu.memory_space<vmem>>
    %dma_wait3A_594 = tpu.memref_squeeze %dma_wait3A_593 : memref<1x128x128xf32, #tpu.memory_space<vmem>> -> memref<128x128xf32, #tpu.memory_space<vmem>>
    %dma_wait3A_595 = arith.constant 0 : i32
    %dma_wait3A_596 = tpu.memref_slice %arg4[%select_n3A_571, %mul3A_589, %dma_wait3A_595] : memref<200x512x128xf32, #tpu.memory_space<hbm>> -> memref<1x128x128xf32, #tpu.memory_space<hbm>>
    %dma_wait3A_597 = tpu.memref_squeeze %dma_wait3A_596 : memref<1x128x128xf32, #tpu.memory_space<hbm>> -> memref<128x128xf32, #tpu.memory_space<hbm>>
    %dma_wait3A_598 = arith.constant 0 : i32
    %dma_wait3A_599 = tpu.memref_slice %arg4[%select_n3A_571, %mul3A_589, %dma_wait3A_598] : memref<200x512x128xf32, #tpu.memory_space<hbm>> -> memref<1x128x128xf32, #tpu.memory_space<hbm>>
    %dma_wait3A_600 = tpu.memref_squeeze %dma_wait3A_599 : memref<1x128x128xf32, #tpu.memory_space<hbm>> -> memref<128x128xf32, #tpu.memory_space<hbm>>
    %dma_wait3A_601 = arith.constant 0 : i32
    %dma_wait3A_602 = arith.constant 0 : i32
    %dma_wait3A_603 = tpu.memref_slice %arg7[%dma_wait3A_590, %dma_wait3A_601, %dma_wait3A_602] : memref<3x128x128xf32, #tpu.memory_space<vmem>> -> memref<1x128x128xf32, #tpu.memory_space<vmem>>
    %dma_wait3A_604 = tpu.memref_squeeze %dma_wait3A_603 : memref<1x128x128xf32, #tpu.memory_space<vmem>> -> memref<128x128xf32, #tpu.memory_space<vmem>>
    tpu.wait_dma2 semaphore(%arg11 : memref<!tpu.dma_semaphore, #tpu.memory_space<semaphore_mem>>) src(%dma_wait3A_604 : memref<128x128xf32, #tpu.memory_space<vmem>>) dst(%dma_wait3A_600 : memref<128x128xf32, #tpu.memory_space<hbm>>)
    return
  }
}

</mosaic_0001>

<sc_bundles>
// kernel: kernel.3.cloned.1.call-start
scs
__scs_entry_jumppad:
0x0: {  	(pc) =	sbr.rel $0x88, $3  }
0x1: {  	(tag) =	ssettag $0x0;
	lr =	simm.s32 $0x1  }
0x2: {  	[smem:$0x3F9F] =	sst lr;
	_ =	strace $0xD0000000  }
0x3: {  	_ = 	snop  }
0x4: {  	_ = 	snop  }
0x5: {  	_ = 	snop  }
0x6: {  	_ = 	snop  }
0x7: {  	_ = 	snop  }
__scs_overlays_trampoline_lowered:
0x8: {  	[smem:$0x3FAE] =	sst s0  }
0x9: {  	[smem:$0x3FAF] =	sst s1  }
0xa: {  	[smem:$0x3FB0] =	sst s2  }
0xb: {  	[smem:$0x3FB1] =	sst s3  }
0xc: {  	[smem:$0x3FB2] =	sst s4  }
0xd: {  	[smem:$0x3FB3] =	sst s5  }
0xe: {  	[smem:$0x3FB4] =	sst s6  }
0xf: {  	[smem:$0x3FB5] =	sst s7  }
0x10: {  	[smem:$0x3FB6] =	sst s8  }
0x11: {  	[smem:$0x3FB7] =	sst s9;
	s0 =	simm.s32 @!p0 $0x0  }
0x12: {  	s1 =	sld [smem:$0x3F9D];
	s0 =	simm.s32 @p0 $0x1  }
0x13: {  	[smem:$0x3FB8] =	sst s0;
	s0 =	simm.s32 @!p1 $0x0  }
0x14: {  	s2 =	sld [smem:$0x3F9C];
	s0 =	simm.s32 @p1 $0x1  }
0x15: {  	[smem:$0x3FB9] =	sst s0;
	s0 =	simm.s32 @!p2 $0x0  }
0x16: {  	s3 =	sld [smem:$0x3FDB];
	s0 =	simm.s32 @p2 $0x1  }
0x17: {  	s4 =	simm.s32 $0x1BF5;
	[smem:$0x3FBB] =	sst s0  }
0x18: {  	s0 =	sld [smem:$0x3F9E];
	_ =	swait.ge [sflag:s4], $0x0  }
0x19: {  	s7 =	sld [smem:$0x3F9F]  }
0x1a: {  	s8 =	sadd.s32 $0xFFFFE003, lr  }
0x1b: {  	s9 =	sadd.s32 $0xFFFFFEF7, lr;
	s5 =	simm.s32 $0xFFFFFFFF;
	p2 =	slt.u32 s8, $0xFFFFF086  }
0x1c: {  	p1 =	slt.u32 s9, $0xF7A;
	s5 =	simm.s32 @!p2 $0x0  }
0x1d: {  	s5 =	simm.s32 @p1 $0x1;
	p0 =	seq.s32 s7, s2  }
0x1e: {  	s7 =	smul.u32 @!p0 $0xF7A, s2;
	p2 =	seq.s32 @!p0 s5, $0x0  }
0x1f: {  	s9 =	smul.u32 $0xF7A, s1;
	s8 =	simm.s32 @!p0 $0x1BF5;
	p2 =	por !p2, p0  }
0x20: {  	[sflag:s8] =	ssyncset.s32 @!p0 $0xFFFFF086;
	s6 =	sadd.s32 @!p0 s3, s7;
	s7 =	simm.s32 @!p0 $0x108  }
0x21: {  	s3 =	sadd.s32 s3, s9;
	s6 =	sadd.s32 @!p0 $0x88, s6;
	s7 =	simm.s32 @p2 $0x1082  }
0x22: {  	[simem:s7], [sflag:s8] =	dma.local @!p0 [hbm:s6], $0xF7A  }
0x23: {  	s9 =	sor.u32 $0xD0000000, s2;
	s6 =	simm.s32 $0x108;
	_ =	swait.ge @!p0 [sflag:s8], $0x0  }
0x24: {  	s3 =	sadd.s32 $0x88, s3;
	s6 =	simm.s32 @!p1 $0x1082;
	[sflag:s4] =	ssyncset.s32 $0xFFFFF086  }
0x25: {  	[simem:s6], [sflag:s4] =	dma.local [hbm:s3], $0xF7A  }
0x26: {  	[smem:$0x3F9F] =	sst s1;
	(tag) =	ssettag s2;
	_ =	strace s9  }
0x27: {  	s1 =	sld [smem:$0x3FAF]  }
0x28: {  	s2 =	sld [smem:$0x3FB0]  }
0x29: {  	s4 =	sld [smem:$0x3FB2]  }
0x2a: {  	p0 =	seq.s32 s5, $0x0;
	s5 =	sld [smem:$0x3FB3]  }
0x2b: {  	s6 =	sld [smem:$0x3FB4]  }
0x2c: {  	s7 =	sld [smem:$0x3FB5]  }
0x2d: {  	s3 =	simm.s32 $0x108;
	s8 =	sld [smem:$0x3FB6]  }
0x2e: {  	s3 =	simm.s32 @!p0 $0x1082;
	s9 =	sld [smem:$0x3FB7]  }
0x2f: {  	lr =	sadd.s32 s0, s3;
	s0 =	sld [smem:$0x3FAE]  }
0x30: {  	s3 =	sld [smem:$0x3FB1]  }
0x31: {  	[smem:$0x3FBA] =	sst s10  }
0x32: {  	s10 =	sld [smem:$0x3FB8];
	_ =	sdelay $0x3  }
0x33: {  	p0 =	seq.s32 s10, $0x1;
	s10 =	sld [smem:$0x3FBA];
	_ =	sdelay $0x3  }
0x34: {  	[smem:$0x3FBA] =	sst s10  }
0x35: {  	s10 =	sld [smem:$0x3FB9];
	_ =	sdelay $0x3  }
0x36: {  	p1 =	seq.s32 s10, $0x1;
	s10 =	sld [smem:$0x3FBA];
	_ =	sdelay $0x3  }
0x37: {  	[smem:$0x3FBA] =	sst s10  }
0x38: {  	s10 =	sld [smem:$0x3FBB]  }
0x39: {  	_ = 	snop;
	(pc) =	sbr.ind lr, $3  }
0x3a: {  	_ = 	snop  }
0x3b: {  	_ = 	snop  }
0x3c: {  	p2 =	seq.s32 s10, $0x1;
	s10 =	sld [smem:$0x3FBA]  }
0x3d: {  	_ =	shalt  }
0x3e: {  	_ =	shalt  }
0x3f: {  	_ =	shalt  }
0x40: {  	_ =	shalt  }
0x41: {  	_ =	shalt  }
0x42: {  	_ =	shalt  }
0x43: {  	_ =	shalt  }
0x44: {  	_ =	shalt  }
0x45: {  	_ =	shalt  }
0x46: {  	_ =	shalt  }
0x47: {  	_ =	shalt  }
0x48: {  	_ =	shalt  }
0x49: {  	_ =	shalt  }
0x4a: {  	_ =	shalt  }
0x4b: {  	_ =	shalt  }
0x4c: {  	_ =	shalt  }
0x4d: {  	_ =	shalt  }
0x4e: {  	_ =	shalt  }
0x4f: {  	_ =	shalt  }
0x50: {  	_ =	shalt  }
0x51: {  	_ =	shalt  }
0x52: {  	_ =	shalt  }
0x53: {  	_ =	shalt  }
0x54: {  	_ =	shalt  }
0x55: {  	_ =	shalt  }
0x56: {  	_ =	shalt  }
0x57: {  	_ =	shalt  }
0x58: {  	_ =	shalt  }
0x59: {  	_ =	shalt  }
0x5a: {  	_ =	shalt  }
0x5b: {  	_ =	shalt  }
0x5c: {  	_ =	shalt  }
0x5d: {  	_ =	shalt  }
0x5e: {  	_ =	shalt  }
0x5f: {  	_ =	shalt  }
0x60: {  	_ =	shalt  }
0x61: {  	_ =	shalt  }
0x62: {  	_ =	shalt  }
0x63: {  	_ =	shalt  }
0x64: {  	_ =	shalt  }
0x65: {  	_ =	shalt  }
0x66: {  	_ =	shalt  }
0x67: {  	_ =	shalt  }
0x68: {  	_ =	shalt  }
0x69: {  	_ =	shalt  }
0x6a: {  	_ =	shalt  }
0x6b: {  	_ =	shalt  }
0x6c: {  	_ =	shalt  }
0x6d: {  	_ =	shalt  }
0x6e: {  	_ =	shalt  }
0x6f: {  	_ =	shalt  }
0x70: {  	_ =	shalt  }
0x71: {  	_ =	shalt  }
0x72: {  	_ =	shalt  }
0x73: {  	_ =	shalt  }
0x74: {  	_ =	shalt  }
0x75: {  	_ =	shalt  }
0x76: {  	_ =	shalt  }
0x77: {  	_ =	shalt  }
0x78: {  	_ =	shalt  }
0x79: {  	_ =	shalt  }
0x7a: {  	_ =	shalt  }
0x7b: {  	_ =	shalt  }
0x7c: {  	_ =	shalt  }
0x7d: {  	_ =	shalt  }
0x7e: {  	_ =	shalt  }
0x7f: {  	_ =	shalt  }
0x80: {  	_ =	shalt  }
0x81: {  	_ =	shalt  }
0x82: {  	_ =	shalt  }
0x83: {  	_ =	shalt  }
0x84: {  	_ =	shalt  }
0x85: {  	_ =	shalt  }
0x86: {  	_ =	shalt  }
0x87: {  	_ =	shalt  }
.Lfunc_end0:
.L_simem_size_0:
called_computation_lowered:
.L_overlay_start_0:
0x88: {  	s2 =	sld [smem:$0x3FD9]  }
0x89: {  	s3 =	sld [smem:$0x3FFE];
	_ =	sdelay $0x1  }
0x8a: {  	s1 =	srdreg.scid  }
0x8b: {  	s0 =	sand.u32 $0x1, s1  }
0x8c: {  	s17 =	sshll.u32 s0, $0xA;
	s2 =	sadd.s32 s3, s2  }
0x8d: {  	s2 =	sadd.s32 s2, s17  }
0x8e: {  	[smem:$0x3FC6] =	sst s2  }
0x8f: {  	_ = 	snop  }
0x90: {  	s2 =	sld [smem:$0x3FC9]  }
0x91: {  	s18 =	sld [smem:$0x3FD0];
	(tm) =	ssettm $0x1  }
0x92: {  	s4 =	sld [smem:$0x3FFB];
	_ =	sdelay $0x3  }
0x93: {  	_ =	strace s4  }
0x94: {  	s4 =	sld [smem:$0x3FFC];
	_ =	sdelay $0x3  }
0x95: {  	_ =	strace s4  }
0x96: {  	s4 =	sld [smem:$0x3FFD];
	_ =	sdelay $0x3  }
0x97: {  	_ =	strace s4  }
0x98: {  	_ =	strace $0x8FFFFFFF  }
0x99: {  	s19 =	sld [smem:$0x3FDB];
	_ =	sdelay $0x1  }
0x9a: {  	s5 =	simm.s32 $_scs_section_size  }
0x9b: {  	s6 =	simm.s32 $_size__tile_overlayer_lowered;
	s7 =	simm.s32 $_tile_overlayer_lowered  }
0x9c: {  	s22 =	simm.s32 $0x1BFF;
	s21 =	sshll.u32 s7, $0x1;
	s4 =	sadd.s32 s5, s19  }
0x9d: {  	s8 =	simm.s32 $0x0;
	s20 =	sshll.u32 s6, $0x1;
	s6 =	sadd.s32 s21, s4  }
0x9e: {  	[timem:s8], [sflag:s22] =	dma.local [hbm:s6], s20  }
0x9f: {  	_ =	swait.ge [sflag:s22], s20  }
0xa0: {  	s5 =	ssub.s32 $0x0, s20;
	[sflag:s22] =	ssyncset.done $0x0  }
0xa1: {  	[sflag:s22] =	ssyncadd.s32 s5;
	_ =	sdelay $0x1  }
0xa2: {  	s23 =	simm.s32 $0x1B8B  }
0xa3: {  	_ =	swait.ge [sflag:s23], $0x1  }
0xa4: {  	[sflag:s23] =	ssyncset.done $0x0  }
0xa5: {  	s25 =	simm.s32 $0x1B8E;
	s24 =	sld [smem:$0x3FFE];
	[sflag:s23] =	ssyncadd.s32 $0xFFFFFFFF  }
0xa6: {  	s26 =	simm.s32 $execute0_lowered;
	[smem:$0x3FD2] =	sst s25  }
0xa7: {  	s6 =	sshll.u32 s26, $0x1;
	_ =	strace $0x80000046;
	[dreg:$0x1] =	wrdreg $0xFFFFFFFF  }
0xa8: {  	s28 =	simm.s32 $_size_execute0_lowered;
	s4 =	sadd.s32 s4, s6;
	[dreg:$0x0] =	wrdreg $0x0  }
0xa9: {  	s6 =	sshll.u32 s28, $0x1;
	[dreg:$0x2] =	wrdreg s4  }
0xaa: {  	[dreg:$0x3] =	wrdreg s6  }
0xab: {  	[dreg:$0x4] =	wrdreg $0xC0  }
0xac: {  	_ =	task [dreg:s8], $0x5FFFF  }
0xad: {  	[dreg:$0x1] =	wrdreg $0xFFFFFFFF  }
0xae: {  	[dreg:$0x0] =	wrdreg $0x60  }
0xaf: {  	[dreg:$0x2] =	wrdreg s2  }
0xb0: {  	[dreg:$0x3] =	wrdreg s24  }
0xb1: {  	[dreg:$0x4] =	wrdreg s18  }
0xb2: {  	[dreg:$0x5] =	wrdreg $0x9  }
0xb3: {  	_ =	task.clear_ibuf [dreg:s8], $0x6FFFF;
	_ =	strace $0x90000046  }
0xb4: {  	s29 =	simm.s32 $0x9;
	_ =	strace $0x80000048  }
0xb5: {  	_ =	swait.ge [sflag:s29], $0x1  }
0xb6: {  	[sflag:s29] =	ssyncadd.s32 $0xFFFFFFFF  }
0xb7: {  	_ =	strace $0x90000048  }
0xb8: {  	_ =	sfence  }
0xb9: {  	s30 =	sld [smem:$0x0];
	_ =	sdelay $0x2  }
0xba: {  	s31 =	sshll.u32 s1, $0xD;
	s1 =	sshrl.u32 s1, $0x2  }
0xbb: {  	s3 =	sand.u32 $0x4000, s31;
	s1 =	sadd.s32 s1, s30  }
0xbc: {  	s0 =	sor.u32 s3, s0;
	s1 =	sshll.u32 s1, $0x11  }
0xbd: {  	s0 =	sor.u32 s1, s0  }
0xbe: {  	s0 =	sadd.s32 $0x8F2B, s0  }
0xbf: {  	[sflag:s0] =	ssyncadd.remote.s32 $0x1  }
0xc0: {  	_ =	sfence.sel $0xFFFF  }
0xc1: {  	[dreg:$0x0] =	wrdreg $0xFFFFFFFF;
	(pc) =	sbr.abs _section_cstart, $3  }
0xc2: {  	[dreg:$0x1] =	wrdreg $0xFFFFFFFF  }
0xc3: {  	_ =	task.clear_ibuf [dreg:s8], $0x2FFFF;
	_ =	strace $0x9FFFFFFF  }
0xc4: {  	(tm) =	ssettm $0x7FFFFFFF  }
0xc5: {  	_ =	shalt  }
tec
execute0_lowered:
.L_overlay_start_1:
0x0: {  	(tag) =	ssettag $0x1  }
0x1: {  	s1 =	rddreg [dreg:$0x0];
	s0 =	srdreg.scid  }
0x2: {  	s2 =	stileid.u32;
	s4 =	rddreg [dreg:$0x2];
	s5 =	simm.s32 $0x0  }
0x3: {  	s16 =	simm.s32 $0x80;
	s17 =	simm.s32 $0x400;
	s18 =	simm.s32 $0x200  }
0x4: {  	s20 =	simm.s32 $0x1;
	s0 =	sand.u32 $0x1, s0;
	s2 =	sshll.u32 s2, $0x1  }
0x5: {  	s22 =	simm.s32 $0x3200;
	s23 =	simm.s32 $0x2;
	s2 =	sor.u32 s0, s2  }
0x6: {  	s25 =	simm.s32 $0x3;
	[smem:$0x7FF] =	sst s5;
	s3 =	smul.u32 $0x19000, s2  }
0x7: {  	s30 =	simm.s32 $0x6;
	_ =	strace $0x80000047;
	s7 =	smul.u32 $0x320, s2  }
0x8: {  	s0 =	ssub.s32 $0x2, s0;
	s6 =	sshll.u32 s2, $0xF;
	s9 =	smul.u32 $0x64000, s2  }
0x9: {  	s26 =	sshrl.u32 s0, $0x1;
	s8 =	sand.u32 $0x18000, s6;
	s6 =	smul.u32 $0x19, s2  }
0xa: {  	s0 =	ssub.s32 s0, s26;
	s2 =	sshll.u32 s2, $0xE;
	s3 =	sand.u32 $0x3E0000, s3  }
0xb: {  	s7 =	sand.u32 $0x380, s7;
	s9 =	sand.u32 $0xFF0000, s9;
	s2 =	sand.u32 $0xC000, s2  }
0xc: {  	s0 =	smax.u32 s0, $0x1;
	s3 =	sor.u32 s8, s3;
	s2 =	sor.u32 s2, s9  }
0xd: {  	s11 =	sadd.s32 $0x3, s6;
	[dreg:$0x7] =	wrdreg s0;
	s3 =	sor.u32 s7, s3  }
0xe: {  	s7 =	sadd.s32 $0x1, s6;
	s2 =	sadd.s32 $0x60000, s2;
	s3 =	sshrl.u32 s3, $0x3  }
0xf: {  	s28 =	sshll.u32 s7, $0x9;
	s29 =	sshll.u32 s7, $0xC;
	s10 =	sshll.u32 s7, $0x2  }
0x10: {  	s2 =	sshrl.u32 s2, $0x3;
	s3 =	sadd.s32 s1, s3;
	s8 =	sand.u32 $0x3000, s29  }
0x11: {  	s10 =	sand.u32 $0x70, s10;
	[dreg:$0x4] =	wrdreg s3;
	s3 =	sand.u32 $0xFC000, s28  }
0x12: {  	s2 =	sadd.s32 s4, s2;
	s31 =	sadd.s32 s1, s10;
	s3 =	sor.u32 s8, s3  }
0x13: {  	s12 =	sadd.s32 $0x4, s6;
	[dreg:$0x6] =	wrdreg s2;
	s3 =	sadd.s32 s3, s31  }
0x14: {  	s10 =	sadd.s32 $0x2, s6;
	s2 =	simm.s32 $0x0;
	[dreg:$0x5] =	wrdreg s3  }
.LBB2_1:
0x15: {  	[dreg:$0x8] =	wrdreg s2  }
0x16: {  	s0 =	rddreg [dreg:$0x1];
	s26 =	simm.s32 $0x7  }
0x17: {  	[tilespmem:s5], [sflag:$0x7] =	stream.linear.gather [hbm4b:s0+s5], $0x200, $0x38;
	[tilespmem:$0xF200] =	vst v63  }
0x18: {  	_ =	swait.ge [sflag:s26], $0x200  }
0x19: {  	[sflag:s26] =	ssyncset.done $0x0  }
0x1a: {  	[sflag:s26] =	ssyncadd.s32 $0xFFFFFE00  }
0x1b: {  	v0 =	vld [tilespmem:$0x0]  }
0x1c: {  	v1 =	vld [tilespmem:$0x80]  }
0x1d: {  	s28 =	rddreg [dreg:$0x4];
	v2 =	vld [tilespmem:$0x100]  }
0x1e: {  	v3 =	vld [tilespmem:$0x180];
	[tilespmem:s18], [sflag:$0x1] =	stream.strided.gather [hbm4b:s28+s16], $0x1000, s17, s16, $0x38  }
0x1f: {  	s31 =	simm.s32 $0x1200;
	s2 =	simm.s32 $0x0;
	s29 =	rddreg [dreg:$0x5]  }
0x20: {  	[tilespmem:s31], [sflag:$0x2] =	stream.strided.gather [hbm4b:s29+s16], $0x1000, s17, s16, $0x38;
	[tilespmem:$0xF200] =	vst v63  }
.LBB2_2:
0x21: {  	s3 =	smul.u32 $0x3, s2;
	_ =	sdelay $0x1  }
0x22: {  	_ =	swait.ge [sflag:s20], $0x1000;
	s31 =	simm.s32 $0x2200;
	s0 =	sadd.s32 s3, s10  }
0x23: {  	s8 =	sshll.u32 s0, $0x9;
	s9 =	sshll.u32 s0, $0xC;
	s13 =	sshll.u32 s0, $0x2  }
0x24: {  	s8 =	sand.u32 $0xFFFC000, s8;
	s9 =	sand.u32 $0x3000, s9;
	s13 =	sand.u32 $0x70, s13  }
0x25: {  	[sflag:s20] =	ssyncset.done $0x0;
	s8 =	sor.u32 s9, s8;
	s29 =	sadd.s32 s1, s13  }
0x26: {  	p0 =	seq.s32 s2, $0x0;
	[sflag:s20] =	ssyncadd.s32 $0xFFFFF000;
	s8 =	sadd.s32 s8, s29  }
0x27: {  	[tilespmem:s31], [sflag:$0x3] =	stream.strided.gather [hbm4b:s8+s16], $0x1000, s17, s16, $0x38;
	[tilespmem:$0xF200] =	vst v63  }
0x28: {  	s8 =	simm.s32 @!p0 $0x4  }
0x29: {  	_ =	swait.ge @!p0 [sflag:s8], $0x4000  }
0x2a: {  	[sflag:s8] =	ssyncset.done @!p0 $0x0  }
0x2b: {  	s19 =	sadd.s32 s6, s3;
	[sflag:s8] =	ssyncadd.s32 @!p0 $0xFFFFC000;
	s8 =	simm.s32 $0x0  }
.LBB2_3:
0x2c: {  	s9 =	sshll.u32 s8, $0x9  }
0x2d: {  	s13 =	sshra.s32 s9, $0x2  }
0x2e: {  	v4 =	vld [tilespmem:s13+$0x200];
	_ =	sdelay $0x4  }
0x2f: {  	v5 =	vperm.xlane v0, v4  }
0x30: {  	s15 =	sand.u32 $0x3FFFFE00, s9;
	v6 =	vperm.xlane v1, v4  }
0x31: {  	[tilespmem:s15+$0x3200] =	vst v5;
	v5 =	vperm.xlane v2, v4  }
0x32: {  	[tilespmem:s15+$0x3280] =	vst v6;
	v4 =	vperm.xlane v3, v4  }
0x33: {  	[tilespmem:s15+$0x3300] =	vst v5  }
0x34: {  	[tilespmem:s15+$0x3380] =	vst v4  }
0x35: {  	v4 =	vld [tilespmem:s13+$0x210];
	_ =	sdelay $0x4  }
0x36: {  	v5 =	vperm.xlane v0, v4  }
0x37: {  	v50 =	vperm.xlane v1, v4  }
0x38: {  	[tilespmem:s15+$0x3210] =	vst v5;
	v5 =	vperm.xlane v2, v4  }
0x39: {  	[tilespmem:s15+$0x3290] =	vst v50;
	v4 =	vperm.xlane v3, v4  }
0x3a: {  	[tilespmem:s15+$0x3310] =	vst v5  }
0x3b: {  	[tilespmem:s15+$0x3390] =	vst v4  }
0x3c: {  	v4 =	vld [tilespmem:s13+$0x220];
	_ =	sdelay $0x4  }
0x3d: {  	v5 =	vperm.xlane v0, v4  }
0x3e: {  	v51 =	vperm.xlane v1, v4  }
0x3f: {  	[tilespmem:s15+$0x3220] =	vst v5;
	v5 =	vperm.xlane v2, v4  }
0x40: {  	[tilespmem:s15+$0x32A0] =	vst v51;
	v4 =	vperm.xlane v3, v4  }
0x41: {  	[tilespmem:s15+$0x3320] =	vst v5  }
0x42: {  	[tilespmem:s15+$0x33A0] =	vst v4  }
0x43: {  	v4 =	vld [tilespmem:s13+$0x230];
	_ =	sdelay $0x4  }
0x44: {  	v5 =	vperm.xlane v0, v4  }
0x45: {  	v52 =	vperm.xlane v1, v4  }
0x46: {  	[tilespmem:s15+$0x3230] =	vst v5;
	v5 =	vperm.xlane v2, v4  }
0x47: {  	[tilespmem:s15+$0x32B0] =	vst v52;
	v4 =	vperm.xlane v3, v4  }
0x48: {  	[tilespmem:s15+$0x3330] =	vst v5  }
0x49: {  	[tilespmem:s15+$0x33B0] =	vst v4  }
0x4a: {  	s14 =	sor.u32 $0x200, s9;
	v4 =	vld [tilespmem:s13+$0x240]  }
0x4b: {  	s28 =	sshra.s32 s14, $0x2  }
0x4c: {  	v5 =	vld [tilespmem:s28+$0x200];
	_ =	sdelay $0x2  }
0x4d: {  	v53 =	vperm.xlane v0, v4;
	v7 =	vperm.xlane v1, v4  }
0x4e: {  	v54 =	vperm.xlane v2, v4;
	v4 =	vperm.xlane v3, v4  }
0x4f: {  	v55 =	vperm.xlane v0, v5  }
0x50: {  	s21 =	sand.u32 $0x3FFFFE00, s14;
	[tilespmem:s15+$0x33C0] =	vst v4;
	v4 =	vperm.xlane v1, v5  }
0x51: {  	v56 =	vperm.xlane v2, v5;
	[tilespmem:s21+$0x3200] =	vst v55  }
0x52: {  	s24 =	sor.u32 $0x400, s9;
	[tilespmem:s21+$0x3280] =	vst v4;
	v4 =	vperm.xlane v3, v5  }
0x53: {  	s26 =	sshra.s32 s24, $0x2;
	[tilespmem:s21+$0x3300] =	vst v56  }
0x54: {  	v58 =	vld [tilespmem:s26+$0x200];
	[tilespmem:s21+$0x3380] =	vst v4  }
0x55: {  	v4 =	vld [tilespmem:s28+$0x210];
	_ =	sdelay $0x2  }
0x56: {  	[tilespmem:s15+$0x3240] =	vst v53  }
0x57: {  	v61 =	vperm.xlane v0, v58;
	[tilespmem:s15+$0x32C0] =	vst v7  }
0x58: {  	s14 =	sand.u32 $0x3FFFFE00, s24;
	[tilespmem:s15+$0x3340] =	vst v54;
	v8 =	vperm.xlane v0, v4  }
0x59: {  	[tilespmem:s14+$0x3200] =	vst v61;
	v5 =	vld [tilespmem:s13+$0x250];
	v59 =	vperm.xlane v1, v4  }
0x5a: {  	v60 =	vperm.xlane v2, v4;
	[tilespmem:s21+$0x3210] =	vst v8  }
0x5b: {  	v4 =	vperm.xlane v3, v4;
	[tilespmem:s21+$0x3290] =	vst v59  }
0x5c: {  	v62 =	vperm.xlane v2, v58;
	[tilespmem:s21+$0x3310] =	vst v60  }
0x5d: {  	[tilespmem:s21+$0x3390] =	vst v4;
	v4 =	vperm.xlane v1, v58  }
0x5e: {  	[tilespmem:s14+$0x3300] =	vst v62;
	v57 =	vperm.xlane v0, v5;
	v8 =	vld [tilespmem:s28+$0x220]  }
0x5f: {  	[tilespmem:s14+$0x3280] =	vst v4;
	v4 =	vperm.xlane v3, v58  }
0x60: {  	v63 =	vperm.xlane v1, v5;
	[tilespmem:s15+$0x3250] =	vst v57  }
0x61: {  	v9 =	vperm.xlane v2, v5;
	[tilespmem:s14+$0x3380] =	vst v4  }
0x62: {  	[tilespmem:s15+$0x32D0] =	vst v63;
	v4 =	vperm.xlane v3, v5;
	v5 =	vld [tilespmem:s26+$0x210]  }
0x63: {  	[tilespmem:s15+$0x3350] =	vst v9;
	v10 =	vperm.xlane v0, v8  }
0x64: {  	[tilespmem:s15+$0x33D0] =	vst v4;
	v4 =	vperm.xlane v1, v8  }
0x65: {  	v11 =	vperm.xlane v2, v8;
	[tilespmem:s21+$0x3220] =	vst v10  }
0x66: {  	[tilespmem:s21+$0x32A0] =	vst v4;
	v4 =	vperm.xlane v3, v8  }
0x67: {  	[tilespmem:s21+$0x3320] =	vst v11;
	v12 =	vperm.xlane v0, v5  }
0x68: {  	v7 =	vld [tilespmem:s13+$0x260];
	[tilespmem:s21+$0x33A0] =	vst v4;
	v4 =	vperm.xlane v1, v5  }
0x69: {  	v14 =	vperm.xlane v2, v5;
	v13 =	vld [tilespmem:s28+$0x230];
	[tilespmem:s14+$0x3210] =	vst v12  }
0x6a: {  	[tilespmem:s14+$0x3290] =	vst v4;
	v4 =	vperm.xlane v3, v5  }
0x6b: {  	[tilespmem:s14+$0x3310] =	vst v14  }
0x6c: {  	[tilespmem:s14+$0x3390] =	vst v4  }
0x6d: {  	v4 =	vperm.xlane v0, v7;
	v5 =	vld [tilespmem:s26+$0x220]  }
0x6e: {  	v15 =	vperm.xlane v0, v13  }
0x6f: {  	[tilespmem:s15+$0x3260] =	vst v4;
	v4 =	vperm.xlane v1, v13  }
0x70: {  	v16 =	vperm.xlane v2, v13;
	[tilespmem:s21+$0x3230] =	vst v15  }
0x71: {  	[tilespmem:s21+$0x32B0] =	vst v4;
	v4 =	vperm.xlane v3, v13  }
0x72: {  	[tilespmem:s21+$0x3330] =	vst v16;
	v17 =	vperm.xlane v0, v5  }
0x73: {  	[tilespmem:s21+$0x33B0] =	vst v4;
	v4 =	vperm.xlane v1, v5  }
0x74: {  	v19 =	vperm.xlane v2, v5;
	v18 =	vld [tilespmem:s28+$0x240];
	[tilespmem:s14+$0x3220] =	vst v17  }
0x75: {  	[tilespmem:s14+$0x32A0] =	vst v4;
	v4 =	vperm.xlane v3, v5  }
0x76: {  	v5 =	vperm.xlane v1, v7;
	[tilespmem:s14+$0x3320] =	vst v19  }
0x77: {  	[tilespmem:s14+$0x33A0] =	vst v4  }
0x78: {  	[tilespmem:s15+$0x32E0] =	vst v5;
	v4 =	vperm.xlane v3, v7;
	v5 =	vld [tilespmem:s26+$0x230]  }
0x79: {  	v21 =	vperm.xlane v0, v18  }
0x7a: {  	s29 =	sor.u32 $0x600, s9;
	[tilespmem:s15+$0x33E0] =	vst v4;
	v4 =	vperm.xlane v1, v18  }
0x7b: {  	s24 =	sshra.s32 s29, $0x2;
	v22 =	vperm.xlane v2, v18;
	[tilespmem:s21+$0x3240] =	vst v21  }
0x7c: {  	v23 =	vld [tilespmem:s24+$0x200];
	[tilespmem:s21+$0x32C0] =	vst v4;
	v4 =	vperm.xlane v3, v18  }
0x7d: {  	[tilespmem:s21+$0x3340] =	vst v22;
	v24 =	vperm.xlane v0, v5  }
0x7e: {  	[tilespmem:s21+$0x33C0] =	vst v4;
	v4 =	vperm.xlane v1, v5  }
0x7f: {  	v25 =	vperm.xlane v2, v5;
	[tilespmem:s14+$0x3230] =	vst v24  }
0x80: {  	[tilespmem:s14+$0x32B0] =	vst v4;
	v4 =	vperm.xlane v3, v5  }
0x81: {  	v26 =	vperm.xlane v0, v23;
	v27 =	vld [tilespmem:s28+$0x250];
	[tilespmem:s14+$0x3330] =	vst v25  }
0x82: {  	s31 =	sand.u32 $0x3FFFFE00, s29;
	[tilespmem:s14+$0x33B0] =	vst v4;
	v4 =	vperm.xlane v1, v23  }
0x83: {  	v28 =	vperm.xlane v2, v23;
	[tilespmem:s31+$0x3200] =	vst v26;
	v9 =	vld [tilespmem:s26+$0x240]  }
0x84: {  	[tilespmem:s31+$0x3280] =	vst v4;
	v4 =	vperm.xlane v3, v23  }
0x85: {  	[tilespmem:s31+$0x3300] =	vst v28;
	v20 =	vperm.xlane v2, v7  }
0x86: {  	v36 =	vperm.xlane v1, v27;
	[tilespmem:s31+$0x3380] =	vst v4  }
0x87: {  	[tilespmem:s15+$0x3360] =	vst v20;
	v4 =	vperm.xlane v0, v27;
	v30 =	vld [tilespmem:s24+$0x210]  }
0x88: {  	[tilespmem:s21+$0x32D0] =	vst v36;
	v31 =	vperm.xlane v0, v9  }
0x89: {  	[tilespmem:s21+$0x3250] =	vst v4;
	v4 =	vperm.xlane v1, v9  }
0x8a: {  	v32 =	vperm.xlane v2, v9;
	[tilespmem:s14+$0x3240] =	vst v31  }
0x8b: {  	[tilespmem:s14+$0x32C0] =	vst v4;
	v4 =	vperm.xlane v3, v9  }
0x8c: {  	v5 =	vld [tilespmem:s13+$0x270];
	[tilespmem:s14+$0x3340] =	vst v32;
	v33 =	vperm.xlane v0, v30  }
0x8d: {  	[tilespmem:s14+$0x33C0] =	vst v4;
	v4 =	vperm.xlane v1, v30  }
0x8e: {  	v35 =	vperm.xlane v2, v30;
	v34 =	vld [tilespmem:s26+$0x250];
	[tilespmem:s31+$0x3210] =	vst v33  }
0x8f: {  	[tilespmem:s31+$0x3290] =	vst v4;
	v4 =	vperm.xlane v3, v30  }
0x90: {  	v37 =	vperm.xlane v2, v27;
	[tilespmem:s31+$0x3310] =	vst v35  }
0x91: {  	v29 =	vperm.xlane v0, v5;
	[tilespmem:s31+$0x3390] =	vst v4  }
0x92: {  	[tilespmem:s21+$0x3350] =	vst v37;
	v4 =	vperm.xlane v3, v27;
	v38 =	vld [tilespmem:s24+$0x220]  }
0x93: {  	[tilespmem:s15+$0x3270] =	vst v29;
	v39 =	vperm.xlane v0, v34  }
0x94: {  	[tilespmem:s21+$0x33D0] =	vst v4;
	v4 =	vperm.xlane v1, v34  }
0x95: {  	v40 =	vperm.xlane v2, v34;
	[tilespmem:s14+$0x3250] =	vst v39  }
0x96: {  	[tilespmem:s14+$0x32D0] =	vst v4;
	v4 =	vperm.xlane v3, v34  }
0x97: {  	s13 =	sor.u32 $0x800, s9;
	[tilespmem:s14+$0x3350] =	vst v40;
	v41 =	vperm.xlane v0, v38  }
0x98: {  	s29 =	sshra.s32 s13, $0x2;
	v42 =	vld [tilespmem:s28+$0x260];
	[tilespmem:s14+$0x33D0] =	vst v4;
	v4 =	vperm.xlane v1, v38  }
0x99: {  	v50 =	vld [tilespmem:s29+$0x200];
	v43 =	vperm.xlane v2, v38;
	[tilespmem:s31+$0x3220] =	vst v41  }
0x9a: {  	[tilespmem:s31+$0x32A0] =	vst v4;
	v4 =	vperm.xlane v3, v38  }
0x9b: {  	v44 =	vperm.xlane v1, v5;
	[tilespmem:s31+$0x3320] =	vst v43  }
0x9c: {  	v45 =	vperm.xlane v2, v5;
	v46 =	vld [tilespmem:s26+$0x260];
	[tilespmem:s31+$0x33A0] =	vst v4  }
0x9d: {  	[tilespmem:s15+$0x32F0] =	vst v44;
	v4 =	vperm.xlane v0, v42;
	v47 =	vld [tilespmem:s24+$0x230]  }
0x9e: {  	[tilespmem:s15+$0x3370] =	vst v45;
	v53 =	vperm.xlane v0, v50  }
0x9f: {  	s13 =	sand.u32 $0x3FFFFE00, s13;
	[tilespmem:s21+$0x3260] =	vst v4;
	v4 =	vperm.xlane v2, v42  }
0xa0: {  	v55 =	vperm.xlane v2, v50;
	[tilespmem:s13+$0x3200] =	vst v53  }
0xa1: {  	[tilespmem:s21+$0x3360] =	vst v4;
	v4 =	vperm.xlane v0, v46  }
0xa2: {  	[tilespmem:s13+$0x3300] =	vst v55;
	v51 =	vperm.xlane v0, v47  }
0xa3: {  	[tilespmem:s14+$0x3260] =	vst v4;
	v4 =	vperm.xlane v1, v47  }
0xa4: {  	v52 =	vperm.xlane v2, v47;
	[tilespmem:s31+$0x3230] =	vst v51  }
0xa5: {  	[tilespmem:s31+$0x32B0] =	vst v4;
	v4 =	vperm.xlane v3, v47  }
0xa6: {  	v48 =	vperm.xlane v1, v42;
	[tilespmem:s31+$0x3330] =	vst v52  }
0xa7: {  	[tilespmem:s31+$0x33B0] =	vst v4;
	v4 =	vperm.xlane v1, v50  }
0xa8: {  	v49 =	vperm.xlane v3, v42;
	[tilespmem:s21+$0x32E0] =	vst v48;
	v54 =	vld [tilespmem:s24+$0x240]  }
0xa9: {  	[tilespmem:s13+$0x3280] =	vst v4;
	v4 =	vperm.xlane v3, v50  }
0xaa: {  	[tilespmem:s21+$0x33E0] =	vst v49;
	v56 =	vperm.xlane v1, v46  }
0xab: {  	v57 =	vperm.xlane v2, v46;
	[tilespmem:s13+$0x3380] =	vst v4  }
0xac: {  	[tilespmem:s14+$0x32E0] =	vst v56;
	v4 =	vperm.xlane v3, v46;
	v58 =	vld [tilespmem:s29+$0x210]  }
0xad: {  	[tilespmem:s14+$0x3360] =	vst v57;
	v59 =	vperm.xlane v0, v54  }
0xae: {  	[tilespmem:s14+$0x33E0] =	vst v4;
	v4 =	vperm.xlane v1, v54  }
0xaf: {  	v60 =	vperm.xlane v2, v54;
	[tilespmem:s31+$0x3240] =	vst v59  }
0xb0: {  	[tilespmem:s31+$0x32C0] =	vst v4;
	v4 =	vperm.xlane v3, v54  }
0xb1: {  	v61 =	vld [tilespmem:s28+$0x270];
	[tilespmem:s31+$0x3340] =	vst v60;
	v62 =	vperm.xlane v0, v58  }
0xb2: {  	[tilespmem:s31+$0x33C0] =	vst v4;
	v4 =	vperm.xlane v1, v58  }
0xb3: {  	v63 =	vperm.xlane v2, v58;
	[tilespmem:s13+$0x3210] =	vst v62  }
0xb4: {  	[tilespmem:s13+$0x3290] =	vst v4;
	v4 =	vperm.xlane v3, v58  }
0xb5: {  	v5 =	vperm.xlane v3, v5;
	v12 =	vld [tilespmem:s26+$0x270];
	[tilespmem:s13+$0x3310] =	vst v63  }
0xb6: {  	v13 =	vperm.xlane v0, v61;
	v14 =	vld [tilespmem:s24+$0x250];
	[tilespmem:s13+$0x3390] =	vst v4  }
0xb7: {  	[tilespmem:s15+$0x33F0] =	vst v5;
	v4 =	vperm.xlane v1, v61;
	v5 =	vld [tilespmem:s29+$0x220]  }
0xb8: {  	v15 =	vperm.xlane v2, v61;
	[tilespmem:s21+$0x3270] =	vst v13  }
0xb9: {  	s26 =	sor.u32 $0xA00, s9;
	[tilespmem:s21+$0x32F0] =	vst v4;
	v4 =	vperm.xlane v3, v61  }
0xba: {  	[tilespmem:s21+$0x3370] =	vst v15;
	s28 =	sshra.s32 s26, $0x2;
	v16 =	vperm.xlane v0, v12  }
0xbb: {  	v17 =	vld [tilespmem:s28+$0x200];
	[tilespmem:s21+$0x33F0] =	vst v4;
	v4 =	vperm.xlane v0, v14  }
0xbc: {  	[tilespmem:s14+$0x3270] =	vst v16;
	v18 =	vperm.xlane v0, v5  }
0xbd: {  	[tilespmem:s31+$0x3250] =	vst v4;
	v4 =	vperm.xlane v1, v5  }
0xbe: {  	v19 =	vperm.xlane v2, v5;
	[tilespmem:s13+$0x3220] =	vst v18  }
0xbf: {  	[tilespmem:s13+$0x32A0] =	vst v4;
	v4 =	vperm.xlane v3, v5  }
0xc0: {  	[tilespmem:s13+$0x3320] =	vst v19;
	v5 =	vperm.xlane v0, v17  }
0xc1: {  	s15 =	sand.u32 $0x3FFFFE00, s26;
	[tilespmem:s13+$0x33A0] =	vst v4;
	v4 =	vperm.xlane v1, v17  }
0xc2: {  	[tilespmem:s15+$0x3200] =	vst v5;
	v5 =	vperm.xlane v2, v17;
	v6 =	vld [tilespmem:s29+$0x230]  }
0xc3: {  	[tilespmem:s15+$0x3280] =	vst v4;
	v4 =	vperm.xlane v3, v17  }
0xc4: {  	v20 =	vperm.xlane v1, v14;
	[tilespmem:s15+$0x3300] =	vst v5  }
0xc5: {  	v5 =	vperm.xlane v2, v14;
	[tilespmem:s15+$0x3380] =	vst v4  }
0xc6: {  	[tilespmem:s31+$0x32D0] =	vst v20;
	v4 =	vperm.xlane v3, v14;
	v21 =	vld [tilespmem:s28+$0x210]  }
0xc7: {  	[tilespmem:s31+$0x3350] =	vst v5;
	v5 =	vperm.xlane v0, v6  }
0xc8: {  	[tilespmem:s31+$0x33D0] =	vst v4;
	v4 =	vperm.xlane v1, v6  }
0xc9: {  	[tilespmem:s13+$0x3230] =	vst v5;
	v5 =	vperm.xlane v2, v6  }
0xca: {  	[tilespmem:s13+$0x32B0] =	vst v4;
	v4 =	vperm.xlane v3, v6  }
0xcb: {  	[tilespmem:s13+$0x3330] =	vst v5;
	v5 =	vperm.xlane v0, v21  }
0xcc: {  	v22 =	vld [tilespmem:s24+$0x260];
	[tilespmem:s13+$0x33B0] =	vst v4;
	v4 =	vperm.xlane v1, v21  }
0xcd: {  	v23 =	vld [tilespmem:s29+$0x240];
	[tilespmem:s15+$0x3210] =	vst v5;
	v5 =	vperm.xlane v2, v21  }
0xce: {  	[tilespmem:s15+$0x3290] =	vst v4;
	v4 =	vperm.xlane v3, v21  }
0xcf: {  	v24 =	vperm.xlane v1, v12;
	[tilespmem:s15+$0x3310] =	vst v5  }
0xd0: {  	v5 =	vperm.xlane v2, v12;
	[tilespmem:s15+$0x3390] =	vst v4  }
0xd1: {  	[tilespmem:s14+$0x32F0] =	vst v24;
	v4 =	vperm.xlane v0, v22;
	v25 =	vld [tilespmem:s28+$0x220]  }
0xd2: {  	[tilespmem:s14+$0x3370] =	vst v5;
	v5 =	vperm.xlane v0, v23  }
0xd3: {  	[tilespmem:s31+$0x3260] =	vst v4;
	v4 =	vperm.xlane v1, v23  }
0xd4: {  	[tilespmem:s13+$0x3240] =	vst v5;
	v5 =	vperm.xlane v2, v23  }
0xd5: {  	[tilespmem:s13+$0x32C0] =	vst v4;
	v4 =	vperm.xlane v3, v23  }
0xd6: {  	[tilespmem:s13+$0x3340] =	vst v5;
	v5 =	vperm.xlane v0, v25  }
0xd7: {  	[tilespmem:s13+$0x33C0] =	vst v4;
	v4 =	vperm.xlane v1, v25  }
0xd8: {  	v26 =	vld [tilespmem:s29+$0x250];
	[tilespmem:s15+$0x3220] =	vst v5;
	v5 =	vperm.xlane v2, v25  }
0xd9: {  	[tilespmem:s15+$0x32A0] =	vst v4;
	v4 =	vperm.xlane v3, v25  }
0xda: {  	v27 =	vperm.xlane v1, v22;
	[tilespmem:s15+$0x3320] =	vst v5  }
0xdb: {  	v5 =	vperm.xlane v2, v22;
	[tilespmem:s15+$0x33A0] =	vst v4  }
0xdc: {  	[tilespmem:s31+$0x32E0] =	vst v27;
	v4 =	vperm.xlane v3, v22;
	v28 =	vld [tilespmem:s28+$0x230]  }
0xdd: {  	[tilespmem:s31+$0x3360] =	vst v5;
	v5 =	vperm.xlane v0, v26  }
0xde: {  	[tilespmem:s31+$0x33E0] =	vst v4;
	v4 =	vperm.xlane v1, v26  }
0xdf: {  	[tilespmem:s13+$0x3250] =	vst v5;
	v5 =	vperm.xlane v2, v26  }
0xe0: {  	[tilespmem:s13+$0x32D0] =	vst v4;
	v4 =	vperm.xlane v3, v26  }
0xe1: {  	v7 =	vld [tilespmem:s24+$0x270];
	[tilespmem:s13+$0x3350] =	vst v5;
	v5 =	vperm.xlane v0, v28  }
0xe2: {  	[tilespmem:s13+$0x33D0] =	vst v4;
	v4 =	vperm.xlane v1, v28  }
0xe3: {  	[tilespmem:s15+$0x3230] =	vst v5;
	v5 =	vperm.xlane v2, v28  }
0xe4: {  	[tilespmem:s15+$0x32B0] =	vst v4;
	v4 =	vperm.xlane v3, v28  }
0xe5: {  	v29 =	vperm.xlane v3, v12;
	v30 =	vld [tilespmem:s29+$0x260];
	[tilespmem:s15+$0x3330] =	vst v5  }
0xe6: {  	s26 =	sor.u32 $0xC00, s9;
	v5 =	vperm.xlane v0, v7;
	[tilespmem:s15+$0x33B0] =	vst v4  }
0xe7: {  	[tilespmem:s14+$0x33F0] =	vst v29;
	s21 =	sshra.s32 s26, $0x2;
	v4 =	vperm.xlane v1, v7;
	v31 =	vld [tilespmem:s28+$0x240]  }
0xe8: {  	v32 =	vld [tilespmem:s21+$0x200];
	[tilespmem:s31+$0x3270] =	vst v5;
	v5 =	vperm.xlane v2, v7  }
0xe9: {  	[tilespmem:s31+$0x32F0] =	vst v4;
	v4 =	vperm.xlane v3, v7  }
0xea: {  	s24 =	sor.u32 $0xE00, s9;
	[tilespmem:s31+$0x3370] =	vst v5;
	v5 =	vperm.xlane v0, v30  }
0xeb: {  	s9 =	sshra.s32 s24, $0x2;
	[tilespmem:s31+$0x33F0] =	vst v4;
	v4 =	vperm.xlane v1, v30  }
0xec: {  	v33 =	vld [tilespmem:s9+$0x200];
	[tilespmem:s13+$0x3260] =	vst v5;
	v5 =	vperm.xlane v0, v31  }
0xed: {  	[tilespmem:s13+$0x32E0] =	vst v4;
	v4 =	vperm.xlane v0, v32  }
0xee: {  	s26 =	sand.u32 $0x3FFFFE00, s26;
	[tilespmem:s15+$0x3240] =	vst v5;
	v5 =	vperm.xlane v1, v32  }
0xef: {  	[tilespmem:s26+$0x3200] =	vst v4;
	v4 =	vperm.xlane v2, v32  }
0xf0: {  	[tilespmem:s26+$0x3280] =	vst v5;
	v5 =	vperm.xlane v3, v32  }
0xf1: {  	[tilespmem:s26+$0x3300] =	vst v4;
	v4 =	vperm.xlane v0, v33  }
0xf2: {  	s14 =	sand.u32 $0x3FFFFE00, s24;
	[tilespmem:s26+$0x3380] =	vst v5;
	v5 =	vperm.xlane v1, v33  }
0xf3: {  	[tilespmem:s14+$0x3200] =	vst v4;
	v4 =	vperm.xlane v2, v33;
	v34 =	vld [tilespmem:s21+$0x210]  }
0xf4: {  	[tilespmem:s14+$0x3280] =	vst v5;
	v5 =	vperm.xlane v3, v33  }
0xf5: {  	v35 =	vperm.xlane v1, v31;
	[tilespmem:s14+$0x3300] =	vst v4  }
0xf6: {  	v4 =	vperm.xlane v2, v31;
	[tilespmem:s14+$0x3380] =	vst v5  }
0xf7: {  	[tilespmem:s15+$0x32C0] =	vst v35;
	v5 =	vperm.xlane v3, v31;
	v36 =	vld [tilespmem:s9+$0x210]  }
0xf8: {  	[tilespmem:s15+$0x3340] =	vst v4;
	v4 =	vperm.xlane v0, v34  }
0xf9: {  	[tilespmem:s15+$0x33C0] =	vst v5;
	v5 =	vperm.xlane v1, v34  }
0xfa: {  	[tilespmem:s26+$0x3210] =	vst v4;
	v4 =	vperm.xlane v2, v34  }
0xfb: {  	[tilespmem:s26+$0x3290] =	vst v5;
	v5 =	vperm.xlane v3, v34  }
0xfc: {  	[tilespmem:s26+$0x3310] =	vst v4;
	v4 =	vperm.xlane v0, v36  }
0xfd: {  	v7 =	vld [tilespmem:s28+$0x250];
	[tilespmem:s26+$0x3390] =	vst v5;
	v5 =	vperm.xlane v1, v36  }
0xfe: {  	v37 =	vld [tilespmem:s21+$0x220];
	[tilespmem:s14+$0x3210] =	vst v4;
	v4 =	vperm.xlane v2, v36  }
0xff: {  	[tilespmem:s14+$0x3290] =	vst v5;
	v5 =	vperm.xlane v3, v36  }
0x100: {  	v38 =	vperm.xlane v2, v30;
	[tilespmem:s14+$0x3310] =	vst v4  }
0x101: {  	v4 =	vperm.xlane v3, v30;
	[tilespmem:s14+$0x3390] =	vst v5  }
0x102: {  	[tilespmem:s13+$0x3360] =	vst v38;
	v5 =	vperm.xlane v0, v7;
	v39 =	vld [tilespmem:s9+$0x220]  }
0x103: {  	[tilespmem:s13+$0x33E0] =	vst v4;
	v4 =	vperm.xlane v0, v37  }
0x104: {  	[tilespmem:s15+$0x3250] =	vst v5;
	v5 =	vperm.xlane v1, v37  }
0x105: {  	[tilespmem:s26+$0x3220] =	vst v4;
	v4 =	vperm.xlane v2, v37  }
0x106: {  	[tilespmem:s26+$0x32A0] =	vst v5;
	v5 =	vperm.xlane v3, v37  }
0x107: {  	[tilespmem:s26+$0x3320] =	vst v4;
	v4 =	vperm.xlane v0, v39  }
0x108: {  	[tilespmem:s26+$0x33A0] =	vst v5;
	v5 =	vperm.xlane v1, v39  }
0x109: {  	v40 =	vld [tilespmem:s21+$0x230];
	[tilespmem:s14+$0x3220] =	vst v4;
	v4 =	vperm.xlane v2, v39  }
0x10a: {  	[tilespmem:s14+$0x32A0] =	vst v5;
	v5 =	vperm.xlane v3, v39  }
0x10b: {  	v41 =	vperm.xlane v1, v7;
	[tilespmem:s14+$0x3320] =	vst v4  }
0x10c: {  	v4 =	vperm.xlane v2, v7;
	[tilespmem:s14+$0x33A0] =	vst v5  }
0x10d: {  	[tilespmem:s15+$0x32D0] =	vst v41;
	v5 =	vperm.xlane v3, v7;
	v42 =	vld [tilespmem:s9+$0x230]  }
0x10e: {  	[tilespmem:s15+$0x3350] =	vst v4;
	v4 =	vperm.xlane v0, v40  }
0x10f: {  	[tilespmem:s15+$0x33D0] =	vst v5;
	v5 =	vperm.xlane v1, v40  }
0x110: {  	[tilespmem:s26+$0x3230] =	vst v4;
	v4 =	vperm.xlane v2, v40  }
0x111: {  	v43 =	vld [tilespmem:s29+$0x270];
	[tilespmem:s26+$0x32B0] =	vst v5;
	v5 =	vperm.xlane v3, v40  }
0x112: {  	[tilespmem:s26+$0x3330] =	vst v4;
	v4 =	vperm.xlane v0, v42  }
0x113: {  	v44 =	vld [tilespmem:s28+$0x260];
	[tilespmem:s26+$0x33B0] =	vst v5;
	v5 =	vperm.xlane v1, v42  }
0x114: {  	v45 =	vld [tilespmem:s21+$0x240];
	[tilespmem:s14+$0x3230] =	vst v4;
	v4 =	vperm.xlane v2, v42  }
0x115: {  	[tilespmem:s14+$0x32B0] =	vst v5;
	v5 =	vperm.xlane v3, v42  }
0x116: {  	v46 =	vperm.xlane v0, v43;
	[tilespmem:s14+$0x3330] =	vst v4  }
0x117: {  	v4 =	vperm.xlane v1, v43;
	[tilespmem:s14+$0x33B0] =	vst v5  }
0x118: {  	[tilespmem:s13+$0x3270] =	vst v46;
	v5 =	vperm.xlane v0, v44;
	v47 =	vld [tilespmem:s9+$0x240]  }
0x119: {  	[tilespmem:s13+$0x32F0] =	vst v4;
	v4 =	vperm.xlane v0, v45  }
0x11a: {  	[tilespmem:s15+$0x3260] =	vst v5;
	v5 =	vperm.xlane v1, v45  }
0x11b: {  	[tilespmem:s26+$0x3240] =	vst v4;
	v4 =	vperm.xlane v2, v45  }
0x11c: {  	[tilespmem:s26+$0x32C0] =	vst v5;
	v5 =	vperm.xlane v3, v45  }
0x11d: {  	[tilespmem:s26+$0x3340] =	vst v4;
	v4 =	vperm.xlane v0, v47  }
0x11e: {  	[tilespmem:s26+$0x33C0] =	vst v5;
	v5 =	vperm.xlane v1, v47  }
0x11f: {  	v48 =	vld [tilespmem:s21+$0x250];
	[tilespmem:s14+$0x3240] =	vst v4;
	v4 =	vperm.xlane v2, v47  }
0x120: {  	[tilespmem:s14+$0x32C0] =	vst v5;
	v5 =	vperm.xlane v3, v47  }
0x121: {  	v49 =	vperm.xlane v1, v44;
	[tilespmem:s14+$0x3340] =	vst v4  }
0x122: {  	v4 =	vperm.xlane v2, v44;
	[tilespmem:s14+$0x33C0] =	vst v5  }
0x123: {  	[tilespmem:s15+$0x32E0] =	vst v49;
	v5 =	vperm.xlane v3, v44;
	v50 =	vld [tilespmem:s9+$0x250]  }
0x124: {  	[tilespmem:s15+$0x3360] =	vst v4;
	v4 =	vperm.xlane v0, v48  }
0x125: {  	[tilespmem:s15+$0x33E0] =	vst v5;
	v5 =	vperm.xlane v1, v48  }
0x126: {  	[tilespmem:s26+$0x3250] =	vst v4;
	v4 =	vperm.xlane v2, v48  }
0x127: {  	[tilespmem:s26+$0x32D0] =	vst v5;
	v5 =	vperm.xlane v3, v48  }
0x128: {  	[tilespmem:s26+$0x3350] =	vst v4;
	v4 =	vperm.xlane v0, v50  }
0x129: {  	v51 =	vld [tilespmem:s28+$0x270];
	[tilespmem:s26+$0x33D0] =	vst v5;
	v5 =	vperm.xlane v1, v50  }
0x12a: {  	v52 =	vld [tilespmem:s21+$0x260];
	[tilespmem:s14+$0x3250] =	vst v4;
	v4 =	vperm.xlane v2, v50  }
0x12b: {  	[tilespmem:s14+$0x32D0] =	vst v5;
	v5 =	vperm.xlane v3, v50  }
0x12c: {  	[tilespmem:s14+$0x3350] =	vst v4;
	v4 =	vperm.xlane v2, v43  }
0x12d: {  	v53 =	vperm.xlane v3, v43;
	[tilespmem:s14+$0x33D0] =	vst v5  }
0x12e: {  	v5 =	vld [tilespmem:s9+$0x260];
	[tilespmem:s13+$0x3370] =	vst v4;
	v4 =	vperm.xlane v0, v51  }
0x12f: {  	[tilespmem:s13+$0x33F0] =	vst v53;
	v54 =	vperm.xlane v0, v52  }
0x130: {  	[tilespmem:s15+$0x3270] =	vst v4;
	v4 =	vperm.xlane v1, v52  }
0x131: {  	v55 =	vperm.xlane v2, v52;
	[tilespmem:s26+$0x3260] =	vst v54  }
0x132: {  	[tilespmem:s26+$0x32E0] =	vst v4;
	v4 =	vperm.xlane v3, v52  }
0x133: {  	[tilespmem:s26+$0x3360] =	vst v55;
	v56 =	vperm.xlane v0, v5  }
0x134: {  	[tilespmem:s26+$0x33E0] =	vst v4;
	v4 =	vperm.xlane v1, v5  }
0x135: {  	v58 =	vperm.xlane v2, v5;
	[tilespmem:s14+$0x3260] =	vst v56;
	v57 =	vld [tilespmem:s21+$0x270]  }
0x136: {  	[tilespmem:s14+$0x32E0] =	vst v4;
	v4 =	vperm.xlane v3, v5  }
0x137: {  	[tilespmem:s14+$0x3360] =	vst v58;
	v5 =	vperm.xlane v1, v51  }
0x138: {  	v59 =	vperm.xlane v2, v51;
	[tilespmem:s14+$0x33E0] =	vst v4  }
0x139: {  	[tilespmem:s15+$0x32F0] =	vst v5;
	v5 =	vperm.xlane v3, v51;
	v4 =	vld [tilespmem:s9+$0x270]  }
0x13a: {  	[tilespmem:s15+$0x3370] =	vst v59;
	v60 =	vperm.xlane v0, v57  }
0x13b: {  	[tilespmem:s15+$0x33F0] =	vst v5;
	v5 =	vperm.xlane v1, v57  }
0x13c: {  	v61 =	vperm.xlane v2, v57;
	[tilespmem:s26+$0x3270] =	vst v60  }
0x13d: {  	[tilespmem:s26+$0x32F0] =	vst v5;
	v5 =	vperm.xlane v3, v57  }
0x13e: {  	p1 =	slt.u32 s8, $0x18;
	[tilespmem:s26+$0x3370] =	vst v61;
	v62 =	vperm.xlane v0, v4  }
.Ltmp0:
0x13f: {  	[tilespmem:s26+$0x33F0] =	vst v5;
	v5 =	vperm.xlane v1, v4;
	(pc) =	sbr.rel @p1 .LBB2_3-.Ltmp0, $4  }
0x140: {  	v63 =	vperm.xlane v2, v4;
	[tilespmem:s14+$0x3270] =	vst v62  }
0x141: {  	v4 =	vperm.xlane v3, v4;
	[tilespmem:s14+$0x32F0] =	vst v5  }
0x142: {  	s31 =	sadd.s32 $0x8, s8;
	[tilespmem:s14+$0x3370] =	vst v63  }
0x143: {  	s8 =	smov.u32 s31;
	[tilespmem:s14+$0x33F0] =	vst v4  }
0x144: {  	s8 =	sshll.u32 s19, $0xB;
	s31 =	sadd.s32 s3, s11  }
0x145: {  	s8 =	sadd.s32 s4, s8;
	s9 =	sshll.u32 s31, $0x9  }
0x146: {  	[hbm4b:s8+s5] =	stream.linear.scatter [tilespmem:s22], [sflag:$0x4], $0x4000, $0x38;
	[tilespmem:$0xF200] =	vst v63  }
0x147: {  	s13 =	sshll.u32 s31, $0xC;
	s8 =	sshll.u32 s31, $0x2;
	s9 =	sand.u32 $0xFFFC000, s9  }
0x148: {  	s13 =	sand.u32 $0x3000, s13;
	_ =	swait.ge [sflag:s23], $0x1000;
	s8 =	sand.u32 $0x70, s8  }
0x149: {  	s9 =	sor.u32 s13, s9;
	[sflag:s23] =	ssyncset.done $0x0;
	s8 =	sadd.s32 s1, s8  }
0x14a: {  	[sflag:s23] =	ssyncadd.s32 $0xFFFFF000;
	s8 =	sadd.s32 s9, s8  }
0x14b: {  	[tilespmem:s18], [sflag:$0x1] =	stream.strided.gather [hbm4b:s8+s16], $0x1000, s17, s16, $0x38;
	[tilespmem:$0xF200] =	vst v63  }
0x14c: {  	s8 =	simm.s32 @!p0 $0x5  }
0x14d: {  	_ =	swait.ge @!p0 [sflag:s8], $0x4000  }
0x14e: {  	[sflag:s8] =	ssyncset.done @!p0 $0x0  }
0x14f: {  	s19 =	sadd.s32 s3, s7;
	[sflag:s8] =	ssyncadd.s32 @!p0 $0xFFFFC000;
	s8 =	simm.s32 $0x0  }
.LBB2_5:
0x150: {  	s9 =	sshll.u32 s8, $0x9  }
0x151: {  	s13 =	sshra.s32 s9, $0x2  }
0x152: {  	v4 =	vld [tilespmem:s13+$0x1200];
	_ =	sdelay $0x4  }
0x153: {  	v5 =	vperm.xlane v0, v4  }
0x154: {  	s15 =	sand.u32 $0x3FFFFE00, s9;
	v6 =	vperm.xlane v1, v4  }
0x155: {  	[tilespmem:s15+$0x7200] =	vst v5;
	v5 =	vperm.xlane v2, v4  }
0x156: {  	[tilespmem:s15+$0x7280] =	vst v6;
	v4 =	vperm.xlane v3, v4  }
0x157: {  	[tilespmem:s15+$0x7300] =	vst v5  }
0x158: {  	[tilespmem:s15+$0x7380] =	vst v4  }
0x159: {  	v4 =	vld [tilespmem:s13+$0x1210];
	_ =	sdelay $0x4  }
0x15a: {  	v5 =	vperm.xlane v0, v4  }
0x15b: {  	v50 =	vperm.xlane v1, v4  }
0x15c: {  	[tilespmem:s15+$0x7210] =	vst v5;
	v5 =	vperm.xlane v2, v4  }
0x15d: {  	[tilespmem:s15+$0x7290] =	vst v50;
	v4 =	vperm.xlane v3, v4  }
0x15e: {  	[tilespmem:s15+$0x7310] =	vst v5  }
0x15f: {  	[tilespmem:s15+$0x7390] =	vst v4  }
0x160: {  	v4 =	vld [tilespmem:s13+$0x1220];
	_ =	sdelay $0x4  }
0x161: {  	v5 =	vperm.xlane v0, v4  }
0x162: {  	v51 =	vperm.xlane v1, v4  }
0x163: {  	[tilespmem:s15+$0x7220] =	vst v5;
	v5 =	vperm.xlane v2, v4  }
0x164: {  	[tilespmem:s15+$0x72A0] =	vst v51;
	v4 =	vperm.xlane v3, v4  }
0x165: {  	[tilespmem:s15+$0x7320] =	vst v5  }
0x166: {  	[tilespmem:s15+$0x73A0] =	vst v4  }
0x167: {  	v4 =	vld [tilespmem:s13+$0x1230];
	_ =	sdelay $0x4  }
0x168: {  	v5 =	vperm.xlane v0, v4  }
0x169: {  	v52 =	vperm.xlane v1, v4  }
0x16a: {  	[tilespmem:s15+$0x7230] =	vst v5;
	v5 =	vperm.xlane v2, v4  }
0x16b: {  	[tilespmem:s15+$0x72B0] =	vst v52;
	v4 =	vperm.xlane v3, v4  }
0x16c: {  	[tilespmem:s15+$0x7330] =	vst v5  }
0x16d: {  	[tilespmem:s15+$0x73B0] =	vst v4  }
0x16e: {  	s14 =	sor.u32 $0x200, s9;
	v4 =	vld [tilespmem:s13+$0x1240]  }
0x16f: {  	s28 =	sshra.s32 s14, $0x2  }
0x170: {  	v5 =	vld [tilespmem:s28+$0x1200];
	_ =	sdelay $0x2  }
0x171: {  	v53 =	vperm.xlane v0, v4;
	v7 =	vperm.xlane v1, v4  }
0x172: {  	v54 =	vperm.xlane v2, v4;
	v4 =	vperm.xlane v3, v4  }
0x173: {  	v55 =	vperm.xlane v0, v5  }
0x174: {  	s21 =	sand.u32 $0x3FFFFE00, s14;
	[tilespmem:s15+$0x73C0] =	vst v4;
	v4 =	vperm.xlane v1, v5  }
0x175: {  	v56 =	vperm.xlane v2, v5;
	[tilespmem:s21+$0x7200] =	vst v55  }
0x176: {  	s24 =	sor.u32 $0x400, s9;
	[tilespmem:s21+$0x7280] =	vst v4;
	v4 =	vperm.xlane v3, v5  }
0x177: {  	s26 =	sshra.s32 s24, $0x2;
	[tilespmem:s21+$0x7300] =	vst v56  }
0x178: {  	v58 =	vld [tilespmem:s26+$0x1200];
	[tilespmem:s21+$0x7380] =	vst v4  }
0x179: {  	v4 =	vld [tilespmem:s28+$0x1210];
	_ =	sdelay $0x2  }
0x17a: {  	[tilespmem:s15+$0x7240] =	vst v53  }
0x17b: {  	v61 =	vperm.xlane v0, v58;
	[tilespmem:s15+$0x72C0] =	vst v7  }
0x17c: {  	s14 =	sand.u32 $0x3FFFFE00, s24;
	[tilespmem:s15+$0x7340] =	vst v54;
	v8 =	vperm.xlane v0, v4  }
0x17d: {  	[tilespmem:s14+$0x7200] =	vst v61;
	v5 =	vld [tilespmem:s13+$0x1250];
	v59 =	vperm.xlane v1, v4  }
0x17e: {  	v60 =	vperm.xlane v2, v4;
	[tilespmem:s21+$0x7210] =	vst v8  }
0x17f: {  	v4 =	vperm.xlane v3, v4;
	[tilespmem:s21+$0x7290] =	vst v59  }
0x180: {  	v62 =	vperm.xlane v2, v58;
	[tilespmem:s21+$0x7310] =	vst v60  }
0x181: {  	[tilespmem:s21+$0x7390] =	vst v4;
	v4 =	vperm.xlane v1, v58  }
0x182: {  	[tilespmem:s14+$0x7300] =	vst v62;
	v57 =	vperm.xlane v0, v5;
	v8 =	vld [tilespmem:s28+$0x1220]  }
0x183: {  	[tilespmem:s14+$0x7280] =	vst v4;
	v4 =	vperm.xlane v3, v58  }
0x184: {  	v63 =	vperm.xlane v1, v5;
	[tilespmem:s15+$0x7250] =	vst v57  }
0x185: {  	v9 =	vperm.xlane v2, v5;
	[tilespmem:s14+$0x7380] =	vst v4  }
0x186: {  	[tilespmem:s15+$0x72D0] =	vst v63;
	v4 =	vperm.xlane v3, v5;
	v5 =	vld [tilespmem:s26+$0x1210]  }
0x187: {  	[tilespmem:s15+$0x7350] =	vst v9;
	v10 =	vperm.xlane v0, v8  }
0x188: {  	[tilespmem:s15+$0x73D0] =	vst v4;
	v4 =	vperm.xlane v1, v8  }
0x189: {  	v11 =	vperm.xlane v2, v8;
	[tilespmem:s21+$0x7220] =	vst v10  }
0x18a: {  	[tilespmem:s21+$0x72A0] =	vst v4;
	v4 =	vperm.xlane v3, v8  }
0x18b: {  	[tilespmem:s21+$0x7320] =	vst v11;
	v12 =	vperm.xlane v0, v5  }
0x18c: {  	v7 =	vld [tilespmem:s13+$0x1260];
	[tilespmem:s21+$0x73A0] =	vst v4;
	v4 =	vperm.xlane v1, v5  }
0x18d: {  	v14 =	vperm.xlane v2, v5;
	v13 =	vld [tilespmem:s28+$0x1230];
	[tilespmem:s14+$0x7210] =	vst v12  }
0x18e: {  	[tilespmem:s14+$0x7290] =	vst v4;
	v4 =	vperm.xlane v3, v5  }
0x18f: {  	[tilespmem:s14+$0x7310] =	vst v14  }
0x190: {  	[tilespmem:s14+$0x7390] =	vst v4  }
0x191: {  	v4 =	vperm.xlane v0, v7;
	v5 =	vld [tilespmem:s26+$0x1220]  }
0x192: {  	v15 =	vperm.xlane v0, v13  }
0x193: {  	[tilespmem:s15+$0x7260] =	vst v4;
	v4 =	vperm.xlane v1, v13  }
0x194: {  	v16 =	vperm.xlane v2, v13;
	[tilespmem:s21+$0x7230] =	vst v15  }
0x195: {  	[tilespmem:s21+$0x72B0] =	vst v4;
	v4 =	vperm.xlane v3, v13  }
0x196: {  	[tilespmem:s21+$0x7330] =	vst v16;
	v17 =	vperm.xlane v0, v5  }
0x197: {  	[tilespmem:s21+$0x73B0] =	vst v4;
	v4 =	vperm.xlane v1, v5  }
0x198: {  	v19 =	vperm.xlane v2, v5;
	v18 =	vld [tilespmem:s28+$0x1240];
	[tilespmem:s14+$0x7220] =	vst v17  }
0x199: {  	[tilespmem:s14+$0x72A0] =	vst v4;
	v4 =	vperm.xlane v3, v5  }
0x19a: {  	v5 =	vperm.xlane v1, v7;
	[tilespmem:s14+$0x7320] =	vst v19  }
0x19b: {  	[tilespmem:s14+$0x73A0] =	vst v4  }
0x19c: {  	[tilespmem:s15+$0x72E0] =	vst v5;
	v4 =	vperm.xlane v3, v7;
	v5 =	vld [tilespmem:s26+$0x1230]  }
0x19d: {  	v21 =	vperm.xlane v0, v18  }
0x19e: {  	s29 =	sor.u32 $0x600, s9;
	[tilespmem:s15+$0x73E0] =	vst v4;
	v4 =	vperm.xlane v1, v18  }
0x19f: {  	s24 =	sshra.s32 s29, $0x2;
	v22 =	vperm.xlane v2, v18;
	[tilespmem:s21+$0x7240] =	vst v21  }
0x1a0: {  	v23 =	vld [tilespmem:s24+$0x1200];
	[tilespmem:s21+$0x72C0] =	vst v4;
	v4 =	vperm.xlane v3, v18  }
0x1a1: {  	[tilespmem:s21+$0x7340] =	vst v22;
	v24 =	vperm.xlane v0, v5  }
0x1a2: {  	[tilespmem:s21+$0x73C0] =	vst v4;
	v4 =	vperm.xlane v1, v5  }
0x1a3: {  	v25 =	vperm.xlane v2, v5;
	[tilespmem:s14+$0x7230] =	vst v24  }
0x1a4: {  	[tilespmem:s14+$0x72B0] =	vst v4;
	v4 =	vperm.xlane v3, v5  }
0x1a5: {  	v26 =	vperm.xlane v0, v23;
	v27 =	vld [tilespmem:s28+$0x1250];
	[tilespmem:s14+$0x7330] =	vst v25  }
0x1a6: {  	s31 =	sand.u32 $0x3FFFFE00, s29;
	[tilespmem:s14+$0x73B0] =	vst v4;
	v4 =	vperm.xlane v1, v23  }
0x1a7: {  	v28 =	vperm.xlane v2, v23;
	[tilespmem:s31+$0x7200] =	vst v26;
	v9 =	vld [tilespmem:s26+$0x1240]  }
0x1a8: {  	[tilespmem:s31+$0x7280] =	vst v4;
	v4 =	vperm.xlane v3, v23  }
0x1a9: {  	[tilespmem:s31+$0x7300] =	vst v28;
	v20 =	vperm.xlane v2, v7  }
0x1aa: {  	v36 =	vperm.xlane v1, v27;
	[tilespmem:s31+$0x7380] =	vst v4  }
0x1ab: {  	[tilespmem:s15+$0x7360] =	vst v20;
	v4 =	vperm.xlane v0, v27;
	v30 =	vld [tilespmem:s24+$0x1210]  }
0x1ac: {  	[tilespmem:s21+$0x72D0] =	vst v36;
	v31 =	vperm.xlane v0, v9  }
0x1ad: {  	[tilespmem:s21+$0x7250] =	vst v4;
	v4 =	vperm.xlane v1, v9  }
0x1ae: {  	v32 =	vperm.xlane v2, v9;
	[tilespmem:s14+$0x7240] =	vst v31  }
0x1af: {  	[tilespmem:s14+$0x72C0] =	vst v4;
	v4 =	vperm.xlane v3, v9  }
0x1b0: {  	v5 =	vld [tilespmem:s13+$0x1270];
	[tilespmem:s14+$0x7340] =	vst v32;
	v33 =	vperm.xlane v0, v30  }
0x1b1: {  	[tilespmem:s14+$0x73C0] =	vst v4;
	v4 =	vperm.xlane v1, v30  }
0x1b2: {  	v35 =	vperm.xlane v2, v30;
	v34 =	vld [tilespmem:s26+$0x1250];
	[tilespmem:s31+$0x7210] =	vst v33  }
0x1b3: {  	[tilespmem:s31+$0x7290] =	vst v4;
	v4 =	vperm.xlane v3, v30  }
0x1b4: {  	v37 =	vperm.xlane v2, v27;
	[tilespmem:s31+$0x7310] =	vst v35  }
0x1b5: {  	v29 =	vperm.xlane v0, v5;
	[tilespmem:s31+$0x7390] =	vst v4  }
0x1b6: {  	[tilespmem:s21+$0x7350] =	vst v37;
	v4 =	vperm.xlane v3, v27;
	v38 =	vld [tilespmem:s24+$0x1220]  }
0x1b7: {  	[tilespmem:s15+$0x7270] =	vst v29;
	v39 =	vperm.xlane v0, v34  }
0x1b8: {  	[tilespmem:s21+$0x73D0] =	vst v4;
	v4 =	vperm.xlane v1, v34  }
0x1b9: {  	v40 =	vperm.xlane v2, v34;
	[tilespmem:s14+$0x7250] =	vst v39  }
0x1ba: {  	[tilespmem:s14+$0x72D0] =	vst v4;
	v4 =	vperm.xlane v3, v34  }
0x1bb: {  	s13 =	sor.u32 $0x800, s9;
	[tilespmem:s14+$0x7350] =	vst v40;
	v41 =	vperm.xlane v0, v38  }
0x1bc: {  	s29 =	sshra.s32 s13, $0x2;
	v42 =	vld [tilespmem:s28+$0x1260];
	[tilespmem:s14+$0x73D0] =	vst v4;
	v4 =	vperm.xlane v1, v38  }
0x1bd: {  	v50 =	vld [tilespmem:s29+$0x1200];
	v43 =	vperm.xlane v2, v38;
	[tilespmem:s31+$0x7220] =	vst v41  }
0x1be: {  	[tilespmem:s31+$0x72A0] =	vst v4;
	v4 =	vperm.xlane v3, v38  }
0x1bf: {  	v44 =	vperm.xlane v1, v5;
	[tilespmem:s31+$0x7320] =	vst v43  }
0x1c0: {  	v45 =	vperm.xlane v2, v5;
	v46 =	vld [tilespmem:s26+$0x1260];
	[tilespmem:s31+$0x73A0] =	vst v4  }
0x1c1: {  	[tilespmem:s15+$0x72F0] =	vst v44;
	v4 =	vperm.xlane v0, v42;
	v47 =	vld [tilespmem:s24+$0x1230]  }
0x1c2: {  	[tilespmem:s15+$0x7370] =	vst v45;
	v53 =	vperm.xlane v0, v50  }
0x1c3: {  	s13 =	sand.u32 $0x3FFFFE00, s13;
	[tilespmem:s21+$0x7260] =	vst v4;
	v4 =	vperm.xlane v2, v42  }
0x1c4: {  	v55 =	vperm.xlane v2, v50;
	[tilespmem:s13+$0x7200] =	vst v53  }
0x1c5: {  	[tilespmem:s21+$0x7360] =	vst v4;
	v4 =	vperm.xlane v0, v46  }
0x1c6: {  	[tilespmem:s13+$0x7300] =	vst v55;
	v51 =	vperm.xlane v0, v47  }
0x1c7: {  	[tilespmem:s14+$0x7260] =	vst v4;
	v4 =	vperm.xlane v1, v47  }
0x1c8: {  	v52 =	vperm.xlane v2, v47;
	[tilespmem:s31+$0x7230] =	vst v51  }
0x1c9: {  	[tilespmem:s31+$0x72B0] =	vst v4;
	v4 =	vperm.xlane v3, v47  }
0x1ca: {  	v48 =	vperm.xlane v1, v42;
	[tilespmem:s31+$0x7330] =	vst v52  }
0x1cb: {  	[tilespmem:s31+$0x73B0] =	vst v4;
	v4 =	vperm.xlane v1, v50  }
0x1cc: {  	v49 =	vperm.xlane v3, v42;
	[tilespmem:s21+$0x72E0] =	vst v48;
	v54 =	vld [tilespmem:s24+$0x1240]  }
0x1cd: {  	[tilespmem:s13+$0x7280] =	vst v4;
	v4 =	vperm.xlane v3, v50  }
0x1ce: {  	[tilespmem:s21+$0x73E0] =	vst v49;
	v56 =	vperm.xlane v1, v46  }
0x1cf: {  	v57 =	vperm.xlane v2, v46;
	[tilespmem:s13+$0x7380] =	vst v4  }
0x1d0: {  	[tilespmem:s14+$0x72E0] =	vst v56;
	v4 =	vperm.xlane v3, v46;
	v58 =	vld [tilespmem:s29+$0x1210]  }
0x1d1: {  	[tilespmem:s14+$0x7360] =	vst v57;
	v59 =	vperm.xlane v0, v54  }
0x1d2: {  	[tilespmem:s14+$0x73E0] =	vst v4;
	v4 =	vperm.xlane v1, v54  }
0x1d3: {  	v60 =	vperm.xlane v2, v54;
	[tilespmem:s31+$0x7240] =	vst v59  }
0x1d4: {  	[tilespmem:s31+$0x72C0] =	vst v4;
	v4 =	vperm.xlane v3, v54  }
0x1d5: {  	v61 =	vld [tilespmem:s28+$0x1270];
	[tilespmem:s31+$0x7340] =	vst v60;
	v62 =	vperm.xlane v0, v58  }
0x1d6: {  	[tilespmem:s31+$0x73C0] =	vst v4;
	v4 =	vperm.xlane v1, v58  }
0x1d7: {  	v63 =	vperm.xlane v2, v58;
	[tilespmem:s13+$0x7210] =	vst v62  }
0x1d8: {  	[tilespmem:s13+$0x7290] =	vst v4;
	v4 =	vperm.xlane v3, v58  }
0x1d9: {  	v5 =	vperm.xlane v3, v5;
	v12 =	vld [tilespmem:s26+$0x1270];
	[tilespmem:s13+$0x7310] =	vst v63  }
0x1da: {  	v13 =	vperm.xlane v0, v61;
	v14 =	vld [tilespmem:s24+$0x1250];
	[tilespmem:s13+$0x7390] =	vst v4  }
0x1db: {  	[tilespmem:s15+$0x73F0] =	vst v5;
	v4 =	vperm.xlane v1, v61;
	v5 =	vld [tilespmem:s29+$0x1220]  }
0x1dc: {  	v15 =	vperm.xlane v2, v61;
	[tilespmem:s21+$0x7270] =	vst v13  }
0x1dd: {  	s26 =	sor.u32 $0xA00, s9;
	[tilespmem:s21+$0x72F0] =	vst v4;
	v4 =	vperm.xlane v3, v61  }
0x1de: {  	[tilespmem:s21+$0x7370] =	vst v15;
	s28 =	sshra.s32 s26, $0x2;
	v16 =	vperm.xlane v0, v12  }
0x1df: {  	v17 =	vld [tilespmem:s28+$0x1200];
	[tilespmem:s21+$0x73F0] =	vst v4;
	v4 =	vperm.xlane v0, v14  }
0x1e0: {  	[tilespmem:s14+$0x7270] =	vst v16;
	v18 =	vperm.xlane v0, v5  }
0x1e1: {  	[tilespmem:s31+$0x7250] =	vst v4;
	v4 =	vperm.xlane v1, v5  }
0x1e2: {  	v19 =	vperm.xlane v2, v5;
	[tilespmem:s13+$0x7220] =	vst v18  }
0x1e3: {  	[tilespmem:s13+$0x72A0] =	vst v4;
	v4 =	vperm.xlane v3, v5  }
0x1e4: {  	[tilespmem:s13+$0x7320] =	vst v19;
	v5 =	vperm.xlane v0, v17  }
0x1e5: {  	s15 =	sand.u32 $0x3FFFFE00, s26;
	[tilespmem:s13+$0x73A0] =	vst v4;
	v4 =	vperm.xlane v1, v17  }
0x1e6: {  	[tilespmem:s15+$0x7200] =	vst v5;
	v5 =	vperm.xlane v2, v17;
	v6 =	vld [tilespmem:s29+$0x1230]  }
0x1e7: {  	[tilespmem:s15+$0x7280] =	vst v4;
	v4 =	vperm.xlane v3, v17  }
0x1e8: {  	v20 =	vperm.xlane v1, v14;
	[tilespmem:s15+$0x7300] =	vst v5  }
0x1e9: {  	v5 =	vperm.xlane v2, v14;
	[tilespmem:s15+$0x7380] =	vst v4  }
0x1ea: {  	[tilespmem:s31+$0x72D0] =	vst v20;
	v4 =	vperm.xlane v3, v14;
	v21 =	vld [tilespmem:s28+$0x1210]  }
0x1eb: {  	[tilespmem:s31+$0x7350] =	vst v5;
	v5 =	vperm.xlane v0, v6  }
0x1ec: {  	[tilespmem:s31+$0x73D0] =	vst v4;
	v4 =	vperm.xlane v1, v6  }
0x1ed: {  	[tilespmem:s13+$0x7230] =	vst v5;
	v5 =	vperm.xlane v2, v6  }
0x1ee: {  	[tilespmem:s13+$0x72B0] =	vst v4;
	v4 =	vperm.xlane v3, v6  }
0x1ef: {  	[tilespmem:s13+$0x7330] =	vst v5;
	v5 =	vperm.xlane v0, v21  }
0x1f0: {  	v22 =	vld [tilespmem:s24+$0x1260];
	[tilespmem:s13+$0x73B0] =	vst v4;
	v4 =	vperm.xlane v1, v21  }
0x1f1: {  	v23 =	vld [tilespmem:s29+$0x1240];
	[tilespmem:s15+$0x7210] =	vst v5;
	v5 =	vperm.xlane v2, v21  }
0x1f2: {  	[tilespmem:s15+$0x7290] =	vst v4;
	v4 =	vperm.xlane v3, v21  }
0x1f3: {  	v24 =	vperm.xlane v1, v12;
	[tilespmem:s15+$0x7310] =	vst v5  }
0x1f4: {  	v5 =	vperm.xlane v2, v12;
	[tilespmem:s15+$0x7390] =	vst v4  }
0x1f5: {  	[tilespmem:s14+$0x72F0] =	vst v24;
	v4 =	vperm.xlane v0, v22;
	v25 =	vld [tilespmem:s28+$0x1220]  }
0x1f6: {  	[tilespmem:s14+$0x7370] =	vst v5;
	v5 =	vperm.xlane v0, v23  }
0x1f7: {  	[tilespmem:s31+$0x7260] =	vst v4;
	v4 =	vperm.xlane v1, v23  }
0x1f8: {  	[tilespmem:s13+$0x7240] =	vst v5;
	v5 =	vperm.xlane v2, v23  }
0x1f9: {  	[tilespmem:s13+$0x72C0] =	vst v4;
	v4 =	vperm.xlane v3, v23  }
0x1fa: {  	[tilespmem:s13+$0x7340] =	vst v5;
	v5 =	vperm.xlane v0, v25  }
0x1fb: {  	[tilespmem:s13+$0x73C0] =	vst v4;
	v4 =	vperm.xlane v1, v25  }
0x1fc: {  	v26 =	vld [tilespmem:s29+$0x1250];
	[tilespmem:s15+$0x7220] =	vst v5;
	v5 =	vperm.xlane v2, v25  }
0x1fd: {  	[tilespmem:s15+$0x72A0] =	vst v4;
	v4 =	vperm.xlane v3, v25  }
0x1fe: {  	v27 =	vperm.xlane v1, v22;
	[tilespmem:s15+$0x7320] =	vst v5  }
0x1ff: {  	v5 =	vperm.xlane v2, v22;
	[tilespmem:s15+$0x73A0] =	vst v4  }
0x200: {  	[tilespmem:s31+$0x72E0] =	vst v27;
	v4 =	vperm.xlane v3, v22;
	v28 =	vld [tilespmem:s28+$0x1230]  }
0x201: {  	[tilespmem:s31+$0x7360] =	vst v5;
	v5 =	vperm.xlane v0, v26  }
0x202: {  	[tilespmem:s31+$0x73E0] =	vst v4;
	v4 =	vperm.xlane v1, v26  }
0x203: {  	[tilespmem:s13+$0x7250] =	vst v5;
	v5 =	vperm.xlane v2, v26  }
0x204: {  	[tilespmem:s13+$0x72D0] =	vst v4;
	v4 =	vperm.xlane v3, v26  }
0x205: {  	v7 =	vld [tilespmem:s24+$0x1270];
	[tilespmem:s13+$0x7350] =	vst v5;
	v5 =	vperm.xlane v0, v28  }
0x206: {  	[tilespmem:s13+$0x73D0] =	vst v4;
	v4 =	vperm.xlane v1, v28  }
0x207: {  	[tilespmem:s15+$0x7230] =	vst v5;
	v5 =	vperm.xlane v2, v28  }
0x208: {  	[tilespmem:s15+$0x72B0] =	vst v4;
	v4 =	vperm.xlane v3, v28  }
0x209: {  	v29 =	vperm.xlane v3, v12;
	v30 =	vld [tilespmem:s29+$0x1260];
	[tilespmem:s15+$0x7330] =	vst v5  }
0x20a: {  	s26 =	sor.u32 $0xC00, s9;
	v5 =	vperm.xlane v0, v7;
	[tilespmem:s15+$0x73B0] =	vst v4  }
0x20b: {  	[tilespmem:s14+$0x73F0] =	vst v29;
	s21 =	sshra.s32 s26, $0x2;
	v4 =	vperm.xlane v1, v7;
	v31 =	vld [tilespmem:s28+$0x1240]  }
0x20c: {  	v32 =	vld [tilespmem:s21+$0x1200];
	[tilespmem:s31+$0x7270] =	vst v5;
	v5 =	vperm.xlane v2, v7  }
0x20d: {  	[tilespmem:s31+$0x72F0] =	vst v4;
	v4 =	vperm.xlane v3, v7  }
0x20e: {  	s24 =	sor.u32 $0xE00, s9;
	[tilespmem:s31+$0x7370] =	vst v5;
	v5 =	vperm.xlane v0, v30  }
0x20f: {  	s9 =	sshra.s32 s24, $0x2;
	[tilespmem:s31+$0x73F0] =	vst v4;
	v4 =	vperm.xlane v1, v30  }
0x210: {  	v33 =	vld [tilespmem:s9+$0x1200];
	[tilespmem:s13+$0x7260] =	vst v5;
	v5 =	vperm.xlane v0, v31  }
0x211: {  	[tilespmem:s13+$0x72E0] =	vst v4;
	v4 =	vperm.xlane v0, v32  }
0x212: {  	s26 =	sand.u32 $0x3FFFFE00, s26;
	[tilespmem:s15+$0x7240] =	vst v5;
	v5 =	vperm.xlane v1, v32  }
0x213: {  	[tilespmem:s26+$0x7200] =	vst v4;
	v4 =	vperm.xlane v2, v32  }
0x214: {  	[tilespmem:s26+$0x7280] =	vst v5;
	v5 =	vperm.xlane v3, v32  }
0x215: {  	[tilespmem:s26+$0x7300] =	vst v4;
	v4 =	vperm.xlane v0, v33  }
0x216: {  	s14 =	sand.u32 $0x3FFFFE00, s24;
	[tilespmem:s26+$0x7380] =	vst v5;
	v5 =	vperm.xlane v1, v33  }
0x217: {  	[tilespmem:s14+$0x7200] =	vst v4;
	v4 =	vperm.xlane v2, v33;
	v34 =	vld [tilespmem:s21+$0x1210]  }
0x218: {  	[tilespmem:s14+$0x7280] =	vst v5;
	v5 =	vperm.xlane v3, v33  }
0x219: {  	v35 =	vperm.xlane v1, v31;
	[tilespmem:s14+$0x7300] =	vst v4  }
0x21a: {  	v4 =	vperm.xlane v2, v31;
	[tilespmem:s14+$0x7380] =	vst v5  }
0x21b: {  	[tilespmem:s15+$0x72C0] =	vst v35;
	v5 =	vperm.xlane v3, v31;
	v36 =	vld [tilespmem:s9+$0x1210]  }
0x21c: {  	[tilespmem:s15+$0x7340] =	vst v4;
	v4 =	vperm.xlane v0, v34  }
0x21d: {  	[tilespmem:s15+$0x73C0] =	vst v5;
	v5 =	vperm.xlane v1, v34  }
0x21e: {  	[tilespmem:s26+$0x7210] =	vst v4;
	v4 =	vperm.xlane v2, v34  }
0x21f: {  	[tilespmem:s26+$0x7290] =	vst v5;
	v5 =	vperm.xlane v3, v34  }
0x220: {  	[tilespmem:s26+$0x7310] =	vst v4;
	v4 =	vperm.xlane v0, v36  }
0x221: {  	v7 =	vld [tilespmem:s28+$0x1250];
	[tilespmem:s26+$0x7390] =	vst v5;
	v5 =	vperm.xlane v1, v36  }
0x222: {  	v37 =	vld [tilespmem:s21+$0x1220];
	[tilespmem:s14+$0x7210] =	vst v4;
	v4 =	vperm.xlane v2, v36  }
0x223: {  	[tilespmem:s14+$0x7290] =	vst v5;
	v5 =	vperm.xlane v3, v36  }
0x224: {  	v38 =	vperm.xlane v2, v30;
	[tilespmem:s14+$0x7310] =	vst v4  }
0x225: {  	v4 =	vperm.xlane v3, v30;
	[tilespmem:s14+$0x7390] =	vst v5  }
0x226: {  	[tilespmem:s13+$0x7360] =	vst v38;
	v5 =	vperm.xlane v0, v7;
	v39 =	vld [tilespmem:s9+$0x1220]  }
0x227: {  	[tilespmem:s13+$0x73E0] =	vst v4;
	v4 =	vperm.xlane v0, v37  }
0x228: {  	[tilespmem:s15+$0x7250] =	vst v5;
	v5 =	vperm.xlane v1, v37  }
0x229: {  	[tilespmem:s26+$0x7220] =	vst v4;
	v4 =	vperm.xlane v2, v37  }
0x22a: {  	[tilespmem:s26+$0x72A0] =	vst v5;
	v5 =	vperm.xlane v3, v37  }
0x22b: {  	[tilespmem:s26+$0x7320] =	vst v4;
	v4 =	vperm.xlane v0, v39  }
0x22c: {  	[tilespmem:s26+$0x73A0] =	vst v5;
	v5 =	vperm.xlane v1, v39  }
0x22d: {  	v40 =	vld [tilespmem:s21+$0x1230];
	[tilespmem:s14+$0x7220] =	vst v4;
	v4 =	vperm.xlane v2, v39  }
0x22e: {  	[tilespmem:s14+$0x72A0] =	vst v5;
	v5 =	vperm.xlane v3, v39  }
0x22f: {  	v41 =	vperm.xlane v1, v7;
	[tilespmem:s14+$0x7320] =	vst v4  }
0x230: {  	v4 =	vperm.xlane v2, v7;
	[tilespmem:s14+$0x73A0] =	vst v5  }
0x231: {  	[tilespmem:s15+$0x72D0] =	vst v41;
	v5 =	vperm.xlane v3, v7;
	v42 =	vld [tilespmem:s9+$0x1230]  }
0x232: {  	[tilespmem:s15+$0x7350] =	vst v4;
	v4 =	vperm.xlane v0, v40  }
0x233: {  	[tilespmem:s15+$0x73D0] =	vst v5;
	v5 =	vperm.xlane v1, v40  }
0x234: {  	[tilespmem:s26+$0x7230] =	vst v4;
	v4 =	vperm.xlane v2, v40  }
0x235: {  	v43 =	vld [tilespmem:s29+$0x1270];
	[tilespmem:s26+$0x72B0] =	vst v5;
	v5 =	vperm.xlane v3, v40  }
0x236: {  	[tilespmem:s26+$0x7330] =	vst v4;
	v4 =	vperm.xlane v0, v42  }
0x237: {  	v44 =	vld [tilespmem:s28+$0x1260];
	[tilespmem:s26+$0x73B0] =	vst v5;
	v5 =	vperm.xlane v1, v42  }
0x238: {  	v45 =	vld [tilespmem:s21+$0x1240];
	[tilespmem:s14+$0x7230] =	vst v4;
	v4 =	vperm.xlane v2, v42  }
0x239: {  	[tilespmem:s14+$0x72B0] =	vst v5;
	v5 =	vperm.xlane v3, v42  }
0x23a: {  	v46 =	vperm.xlane v0, v43;
	[tilespmem:s14+$0x7330] =	vst v4  }
0x23b: {  	v4 =	vperm.xlane v1, v43;
	[tilespmem:s14+$0x73B0] =	vst v5  }
0x23c: {  	[tilespmem:s13+$0x7270] =	vst v46;
	v5 =	vperm.xlane v0, v44;
	v47 =	vld [tilespmem:s9+$0x1240]  }
0x23d: {  	[tilespmem:s13+$0x72F0] =	vst v4;
	v4 =	vperm.xlane v0, v45  }
0x23e: {  	[tilespmem:s15+$0x7260] =	vst v5;
	v5 =	vperm.xlane v1, v45  }
0x23f: {  	[tilespmem:s26+$0x7240] =	vst v4;
	v4 =	vperm.xlane v2, v45  }
0x240: {  	[tilespmem:s26+$0x72C0] =	vst v5;
	v5 =	vperm.xlane v3, v45  }
0x241: {  	[tilespmem:s26+$0x7340] =	vst v4;
	v4 =	vperm.xlane v0, v47  }
0x242: {  	[tilespmem:s26+$0x73C0] =	vst v5;
	v5 =	vperm.xlane v1, v47  }
0x243: {  	v48 =	vld [tilespmem:s21+$0x1250];
	[tilespmem:s14+$0x7240] =	vst v4;
	v4 =	vperm.xlane v2, v47  }
0x244: {  	[tilespmem:s14+$0x72C0] =	vst v5;
	v5 =	vperm.xlane v3, v47  }
0x245: {  	v49 =	vperm.xlane v1, v44;
	[tilespmem:s14+$0x7340] =	vst v4  }
0x246: {  	v4 =	vperm.xlane v2, v44;
	[tilespmem:s14+$0x73C0] =	vst v5  }
0x247: {  	[tilespmem:s15+$0x72E0] =	vst v49;
	v5 =	vperm.xlane v3, v44;
	v50 =	vld [tilespmem:s9+$0x1250]  }
0x248: {  	[tilespmem:s15+$0x7360] =	vst v4;
	v4 =	vperm.xlane v0, v48  }
0x249: {  	[tilespmem:s15+$0x73E0] =	vst v5;
	v5 =	vperm.xlane v1, v48  }
0x24a: {  	[tilespmem:s26+$0x7250] =	vst v4;
	v4 =	vperm.xlane v2, v48  }
0x24b: {  	[tilespmem:s26+$0x72D0] =	vst v5;
	v5 =	vperm.xlane v3, v48  }
0x24c: {  	[tilespmem:s26+$0x7350] =	vst v4;
	v4 =	vperm.xlane v0, v50  }
0x24d: {  	v51 =	vld [tilespmem:s28+$0x1270];
	[tilespmem:s26+$0x73D0] =	vst v5;
	v5 =	vperm.xlane v1, v50  }
0x24e: {  	v52 =	vld [tilespmem:s21+$0x1260];
	[tilespmem:s14+$0x7250] =	vst v4;
	v4 =	vperm.xlane v2, v50  }
0x24f: {  	[tilespmem:s14+$0x72D0] =	vst v5;
	v5 =	vperm.xlane v3, v50  }
0x250: {  	[tilespmem:s14+$0x7350] =	vst v4;
	v4 =	vperm.xlane v2, v43  }
0x251: {  	v53 =	vperm.xlane v3, v43;
	[tilespmem:s14+$0x73D0] =	vst v5  }
0x252: {  	v5 =	vld [tilespmem:s9+$0x1260];
	[tilespmem:s13+$0x7370] =	vst v4;
	v4 =	vperm.xlane v0, v51  }
0x253: {  	[tilespmem:s13+$0x73F0] =	vst v53;
	v54 =	vperm.xlane v0, v52  }
0x254: {  	[tilespmem:s15+$0x7270] =	vst v4;
	v4 =	vperm.xlane v1, v52  }
0x255: {  	v55 =	vperm.xlane v2, v52;
	[tilespmem:s26+$0x7260] =	vst v54  }
0x256: {  	[tilespmem:s26+$0x72E0] =	vst v4;
	v4 =	vperm.xlane v3, v52  }
0x257: {  	[tilespmem:s26+$0x7360] =	vst v55;
	v56 =	vperm.xlane v0, v5  }
0x258: {  	[tilespmem:s26+$0x73E0] =	vst v4;
	v4 =	vperm.xlane v1, v5  }
0x259: {  	v58 =	vperm.xlane v2, v5;
	[tilespmem:s14+$0x7260] =	vst v56;
	v57 =	vld [tilespmem:s21+$0x1270]  }
0x25a: {  	[tilespmem:s14+$0x72E0] =	vst v4;
	v4 =	vperm.xlane v3, v5  }
0x25b: {  	[tilespmem:s14+$0x7360] =	vst v58;
	v5 =	vperm.xlane v1, v51  }
0x25c: {  	v59 =	vperm.xlane v2, v51;
	[tilespmem:s14+$0x73E0] =	vst v4  }
0x25d: {  	[tilespmem:s15+$0x72F0] =	vst v5;
	v5 =	vperm.xlane v3, v51;
	v4 =	vld [tilespmem:s9+$0x1270]  }
0x25e: {  	[tilespmem:s15+$0x7370] =	vst v59;
	v60 =	vperm.xlane v0, v57  }
0x25f: {  	[tilespmem:s15+$0x73F0] =	vst v5;
	v5 =	vperm.xlane v1, v57  }
0x260: {  	v61 =	vperm.xlane v2, v57;
	[tilespmem:s26+$0x7270] =	vst v60  }
0x261: {  	[tilespmem:s26+$0x72F0] =	vst v5;
	v5 =	vperm.xlane v3, v57  }
0x262: {  	p0 =	slt.u32 s8, $0x18;
	[tilespmem:s26+$0x7370] =	vst v61;
	v62 =	vperm.xlane v0, v4  }
.Ltmp1:
0x263: {  	[tilespmem:s26+$0x73F0] =	vst v5;
	v5 =	vperm.xlane v1, v4;
	(pc) =	sbr.rel @p0 .LBB2_5-.Ltmp1, $4  }
0x264: {  	v63 =	vperm.xlane v2, v4;
	[tilespmem:s14+$0x7270] =	vst v62  }
0x265: {  	v4 =	vperm.xlane v3, v4;
	[tilespmem:s14+$0x72F0] =	vst v5  }
0x266: {  	s31 =	sadd.s32 $0x8, s8;
	[tilespmem:s14+$0x7370] =	vst v63  }
0x267: {  	s8 =	smov.u32 s31;
	[tilespmem:s14+$0x73F0] =	vst v4  }
0x268: {  	s8 =	sshll.u32 s19, $0xB  }
0x269: {  	s9 =	simm.s32 $0x7200;
	p0 =	seq.s32 s2, $0x7;
	s8 =	sand.u32 $0xFFFF800, s8  }
0x26a: {  	s3 =	sadd.s32 @!p0 s3, s12;
	p1 =	seq.s32 @!p0 s2, $0x0;
	s8 =	sadd.s32 s4, s8  }
0x26b: {  	[hbm4b:s8+s5] =	stream.linear.scatter [tilespmem:s9], [sflag:$0x5], $0x4000, $0x38;
	[tilespmem:$0xF200] =	vst v63  }
0x26c: {  	s13 =	simm.s32 @!p0 $0x1200;
	s8 =	sshll.u32 @!p0 s3, $0x9;
	s9 =	sshll.u32 @!p0 s3, $0xC  }
0x26d: {  	s3 =	sshll.u32 @!p0 s3, $0x2;
	_ =	swait.ge [sflag:s25], $0x1000;
	s8 =	sand.u32 @!p0 $0xFFFC000, s8  }
0x26e: {  	s9 =	sand.u32 @!p0 $0x3000, s9;
	s3 =	sand.u32 @!p0 $0x70, s3;
	[sflag:s25] =	ssyncset.done $0x0  }
0x26f: {  	s8 =	sor.u32 @!p0 s9, s8;
	s3 =	sadd.s32 @!p0 s1, s3;
	s9 =	simm.s32 @!p0 $0x400  }
0x270: {  	[sflag:s25] =	ssyncadd.s32 $0xFFFFF000;
	s3 =	sadd.s32 @!p0 s8, s3;
	s8 =	simm.s32 @!p0 $0x80  }
0x271: {  	[tilespmem:s13], [sflag:$0x2] =	stream.strided.gather @!p0 [hbm4b:s3+s8], $0x1000, s9, s8, $0x38;
	[tilespmem:$0xF200] =	vst v63  }
0x272: {  	p0 =	por p0, !p1  }
0x273: {  	_ =	swait.ge @p0 [sflag:s30], $0x4000  }
0x274: {  	[sflag:s30] =	ssyncset.done @p0 $0x0  }
0x275: {  	s3 =	simm.s32 $0x0;
	[sflag:s30] =	ssyncadd.s32 @p0 $0xFFFFC000  }
.LBB2_7:
0x276: {  	s8 =	sshll.u32 s3, $0x9  }
0x277: {  	s9 =	sshra.s32 s8, $0x2  }
0x278: {  	v4 =	vld [tilespmem:s9+$0x2200];
	_ =	sdelay $0x4  }
0x279: {  	v5 =	vperm.xlane v0, v4  }
0x27a: {  	s14 =	sand.u32 $0x3FFFFE00, s8;
	v6 =	vperm.xlane v1, v4  }
0x27b: {  	[tilespmem:s14+$0xB200] =	vst v5;
	v5 =	vperm.xlane v2, v4  }
0x27c: {  	[tilespmem:s14+$0xB280] =	vst v6;
	v4 =	vperm.xlane v3, v4  }
0x27d: {  	[tilespmem:s14+$0xB300] =	vst v5  }
0x27e: {  	[tilespmem:s14+$0xB380] =	vst v4  }
0x27f: {  	v4 =	vld [tilespmem:s9+$0x2210];
	_ =	sdelay $0x4  }
0x280: {  	v5 =	vperm.xlane v0, v4  }
0x281: {  	v50 =	vperm.xlane v1, v4  }
0x282: {  	[tilespmem:s14+$0xB210] =	vst v5;
	v5 =	vperm.xlane v2, v4  }
0x283: {  	[tilespmem:s14+$0xB290] =	vst v50;
	v4 =	vperm.xlane v3, v4  }
0x284: {  	[tilespmem:s14+$0xB310] =	vst v5  }
0x285: {  	[tilespmem:s14+$0xB390] =	vst v4  }
0x286: {  	v4 =	vld [tilespmem:s9+$0x2220];
	_ =	sdelay $0x4  }
0x287: {  	v5 =	vperm.xlane v0, v4  }
0x288: {  	v51 =	vperm.xlane v1, v4  }
0x289: {  	[tilespmem:s14+$0xB220] =	vst v5;
	v5 =	vperm.xlane v2, v4  }
0x28a: {  	[tilespmem:s14+$0xB2A0] =	vst v51;
	v4 =	vperm.xlane v3, v4  }
0x28b: {  	[tilespmem:s14+$0xB320] =	vst v5  }
0x28c: {  	[tilespmem:s14+$0xB3A0] =	vst v4  }
0x28d: {  	v4 =	vld [tilespmem:s9+$0x2230];
	_ =	sdelay $0x4  }
0x28e: {  	v5 =	vperm.xlane v0, v4  }
0x28f: {  	v52 =	vperm.xlane v1, v4  }
0x290: {  	[tilespmem:s14+$0xB230] =	vst v5;
	v5 =	vperm.xlane v2, v4  }
0x291: {  	[tilespmem:s14+$0xB2B0] =	vst v52;
	v4 =	vperm.xlane v3, v4  }
0x292: {  	[tilespmem:s14+$0xB330] =	vst v5  }
0x293: {  	[tilespmem:s14+$0xB3B0] =	vst v4  }
0x294: {  	s13 =	sor.u32 $0x200, s8;
	v4 =	vld [tilespmem:s9+$0x2240]  }
0x295: {  	s19 =	sshra.s32 s13, $0x2  }
0x296: {  	v5 =	vld [tilespmem:s19+$0x2200];
	_ =	sdelay $0x2  }
0x297: {  	v53 =	vperm.xlane v0, v4;
	v7 =	vperm.xlane v1, v4  }
0x298: {  	v54 =	vperm.xlane v2, v4;
	v4 =	vperm.xlane v3, v4  }
0x299: {  	v55 =	vperm.xlane v0, v5  }
0x29a: {  	s21 =	sand.u32 $0x3FFFFE00, s13;
	[tilespmem:s14+$0xB3C0] =	vst v4;
	v4 =	vperm.xlane v1, v5  }
0x29b: {  	v56 =	vperm.xlane v2, v5;
	[tilespmem:s21+$0xB200] =	vst v55  }
0x29c: {  	s29 =	sor.u32 $0x400, s8;
	[tilespmem:s21+$0xB280] =	vst v4;
	v4 =	vperm.xlane v3, v5  }
0x29d: {  	s26 =	sshra.s32 s29, $0x2;
	[tilespmem:s21+$0xB300] =	vst v56  }
0x29e: {  	v58 =	vld [tilespmem:s26+$0x2200];
	[tilespmem:s21+$0xB380] =	vst v4  }
0x29f: {  	v4 =	vld [tilespmem:s19+$0x2210];
	_ =	sdelay $0x2  }
0x2a0: {  	[tilespmem:s14+$0xB240] =	vst v53  }
0x2a1: {  	v61 =	vperm.xlane v0, v58;
	[tilespmem:s14+$0xB2C0] =	vst v7  }
0x2a2: {  	s13 =	sand.u32 $0x3FFFFE00, s29;
	[tilespmem:s14+$0xB340] =	vst v54;
	v8 =	vperm.xlane v0, v4  }
0x2a3: {  	[tilespmem:s13+$0xB200] =	vst v61;
	v5 =	vld [tilespmem:s9+$0x2250];
	v59 =	vperm.xlane v1, v4  }
0x2a4: {  	v60 =	vperm.xlane v2, v4;
	[tilespmem:s21+$0xB210] =	vst v8  }
0x2a5: {  	v4 =	vperm.xlane v3, v4;
	[tilespmem:s21+$0xB290] =	vst v59  }
0x2a6: {  	v62 =	vperm.xlane v2, v58;
	[tilespmem:s21+$0xB310] =	vst v60  }
0x2a7: {  	[tilespmem:s21+$0xB390] =	vst v4;
	v4 =	vperm.xlane v1, v58  }
0x2a8: {  	[tilespmem:s13+$0xB300] =	vst v62;
	v57 =	vperm.xlane v0, v5;
	v8 =	vld [tilespmem:s19+$0x2220]  }
0x2a9: {  	[tilespmem:s13+$0xB280] =	vst v4;
	v4 =	vperm.xlane v3, v58  }
0x2aa: {  	v63 =	vperm.xlane v1, v5;
	[tilespmem:s14+$0xB250] =	vst v57  }
0x2ab: {  	v9 =	vperm.xlane v2, v5;
	[tilespmem:s13+$0xB380] =	vst v4  }
0x2ac: {  	[tilespmem:s14+$0xB2D0] =	vst v63;
	v4 =	vperm.xlane v3, v5;
	v5 =	vld [tilespmem:s26+$0x2210]  }
0x2ad: {  	[tilespmem:s14+$0xB350] =	vst v9;
	v10 =	vperm.xlane v0, v8  }
0x2ae: {  	[tilespmem:s14+$0xB3D0] =	vst v4;
	v4 =	vperm.xlane v1, v8  }
0x2af: {  	v11 =	vperm.xlane v2, v8;
	[tilespmem:s21+$0xB220] =	vst v10  }
0x2b0: {  	[tilespmem:s21+$0xB2A0] =	vst v4;
	v4 =	vperm.xlane v3, v8  }
0x2b1: {  	[tilespmem:s21+$0xB320] =	vst v11;
	v12 =	vperm.xlane v0, v5  }
0x2b2: {  	v7 =	vld [tilespmem:s9+$0x2260];
	[tilespmem:s21+$0xB3A0] =	vst v4;
	v4 =	vperm.xlane v1, v5  }
0x2b3: {  	v14 =	vperm.xlane v2, v5;
	v13 =	vld [tilespmem:s19+$0x2230];
	[tilespmem:s13+$0xB210] =	vst v12  }
0x2b4: {  	[tilespmem:s13+$0xB290] =	vst v4;
	v4 =	vperm.xlane v3, v5  }
0x2b5: {  	[tilespmem:s13+$0xB310] =	vst v14  }
0x2b6: {  	[tilespmem:s13+$0xB390] =	vst v4  }
0x2b7: {  	v4 =	vperm.xlane v0, v7;
	v5 =	vld [tilespmem:s26+$0x2220]  }
0x2b8: {  	v15 =	vperm.xlane v0, v13  }
0x2b9: {  	[tilespmem:s14+$0xB260] =	vst v4;
	v4 =	vperm.xlane v1, v13  }
0x2ba: {  	s15 =	sor.u32 $0x600, s8;
	v16 =	vperm.xlane v2, v13;
	[tilespmem:s21+$0xB230] =	vst v15  }
0x2bb: {  	s24 =	sshra.s32 s15, $0x2;
	[tilespmem:s21+$0xB2B0] =	vst v4;
	v4 =	vperm.xlane v3, v13  }
0x2bc: {  	v23 =	vld [tilespmem:s24+$0x2200];
	[tilespmem:s21+$0xB330] =	vst v16;
	v17 =	vperm.xlane v0, v5  }
0x2bd: {  	[tilespmem:s21+$0xB3B0] =	vst v4;
	v4 =	vperm.xlane v1, v5  }
0x2be: {  	v19 =	vperm.xlane v2, v5;
	v18 =	vld [tilespmem:s19+$0x2240];
	[tilespmem:s13+$0xB220] =	vst v17  }
0x2bf: {  	[tilespmem:s13+$0xB2A0] =	vst v4;
	v4 =	vperm.xlane v3, v5  }
0x2c0: {  	v5 =	vperm.xlane v1, v7;
	[tilespmem:s13+$0xB320] =	vst v19  }
0x2c1: {  	v26 =	vperm.xlane v0, v23;
	[tilespmem:s13+$0xB3A0] =	vst v4  }
0x2c2: {  	s28 =	sand.u32 $0x3FFFFE00, s15;
	[tilespmem:s14+$0xB2E0] =	vst v5;
	v4 =	vperm.xlane v3, v7;
	v5 =	vld [tilespmem:s26+$0x2230]  }
0x2c3: {  	[tilespmem:s28+$0xB200] =	vst v26;
	v21 =	vperm.xlane v0, v18  }
0x2c4: {  	[tilespmem:s14+$0xB3E0] =	vst v4;
	v4 =	vperm.xlane v1, v18  }
0x2c5: {  	v22 =	vperm.xlane v2, v18;
	[tilespmem:s21+$0xB240] =	vst v21  }
0x2c6: {  	[tilespmem:s21+$0xB2C0] =	vst v4;
	v4 =	vperm.xlane v3, v18  }
0x2c7: {  	[tilespmem:s21+$0xB340] =	vst v22;
	v24 =	vperm.xlane v0, v5  }
0x2c8: {  	[tilespmem:s21+$0xB3C0] =	vst v4;
	v4 =	vperm.xlane v1, v5  }
0x2c9: {  	s31 =	sor.u32 $0x800, s8;
	v25 =	vperm.xlane v2, v5;
	[tilespmem:s13+$0xB230] =	vst v24  }
0x2ca: {  	s15 =	sshra.s32 s31, $0x2;
	[tilespmem:s13+$0xB2B0] =	vst v4;
	v4 =	vperm.xlane v3, v5  }
0x2cb: {  	v28 =	vperm.xlane v2, v23;
	v50 =	vld [tilespmem:s15+$0x2200];
	[tilespmem:s13+$0xB330] =	vst v25  }
0x2cc: {  	v27 =	vld [tilespmem:s19+$0x2250];
	[tilespmem:s13+$0xB3B0] =	vst v4;
	v4 =	vperm.xlane v1, v23  }
0x2cd: {  	[tilespmem:s28+$0xB300] =	vst v28;
	v20 =	vperm.xlane v2, v7;
	v9 =	vld [tilespmem:s26+$0x2240]  }
0x2ce: {  	[tilespmem:s28+$0xB280] =	vst v4;
	v4 =	vperm.xlane v3, v23  }
0x2cf: {  	[tilespmem:s14+$0xB360] =	vst v20  }
0x2d0: {  	v53 =	vperm.xlane v0, v50;
	v5 =	vld [tilespmem:s9+$0x2270];
	[tilespmem:s28+$0xB380] =	vst v4  }
0x2d1: {  	s9 =	sand.u32 $0x3FFFFE00, s31;
	v4 =	vperm.xlane v0, v27;
	v30 =	vld [tilespmem:s24+$0x2210]  }
0x2d2: {  	[tilespmem:s9+$0xB200] =	vst v53;
	v31 =	vperm.xlane v0, v9  }
0x2d3: {  	[tilespmem:s21+$0xB250] =	vst v4;
	v4 =	vperm.xlane v1, v9  }
0x2d4: {  	v32 =	vperm.xlane v2, v9;
	[tilespmem:s13+$0xB240] =	vst v31  }
0x2d5: {  	[tilespmem:s13+$0xB2C0] =	vst v4;
	v4 =	vperm.xlane v3, v9  }
0x2d6: {  	[tilespmem:s13+$0xB340] =	vst v32;
	v33 =	vperm.xlane v0, v30  }
0x2d7: {  	[tilespmem:s13+$0xB3C0] =	vst v4;
	v4 =	vperm.xlane v1, v30  }
0x2d8: {  	v35 =	vperm.xlane v2, v30;
	v34 =	vld [tilespmem:s26+$0x2250];
	[tilespmem:s28+$0xB210] =	vst v33  }
0x2d9: {  	[tilespmem:s28+$0xB290] =	vst v4;
	v4 =	vperm.xlane v3, v30  }
0x2da: {  	v36 =	vperm.xlane v1, v27;
	[tilespmem:s28+$0xB310] =	vst v35  }
0x2db: {  	v37 =	vperm.xlane v2, v27;
	[tilespmem:s28+$0xB390] =	vst v4  }
0x2dc: {  	[tilespmem:s21+$0xB2D0] =	vst v36;
	v4 =	vperm.xlane v3, v27;
	v38 =	vld [tilespmem:s24+$0x2220]  }
0x2dd: {  	[tilespmem:s21+$0xB350] =	vst v37;
	v39 =	vperm.xlane v0, v34  }
0x2de: {  	[tilespmem:s21+$0xB3D0] =	vst v4;
	v4 =	vperm.xlane v1, v34  }
0x2df: {  	v40 =	vperm.xlane v2, v34;
	[tilespmem:s13+$0xB250] =	vst v39  }
0x2e0: {  	[tilespmem:s13+$0xB2D0] =	vst v4;
	v4 =	vperm.xlane v3, v34  }
0x2e1: {  	[tilespmem:s13+$0xB350] =	vst v40;
	v41 =	vperm.xlane v0, v38  }
0x2e2: {  	v42 =	vld [tilespmem:s19+$0x2260];
	[tilespmem:s13+$0xB3D0] =	vst v4;
	v4 =	vperm.xlane v1, v38  }
0x2e3: {  	v43 =	vperm.xlane v2, v38;
	[tilespmem:s28+$0xB220] =	vst v41  }
0x2e4: {  	[tilespmem:s28+$0xB2A0] =	vst v4;
	v4 =	vperm.xlane v3, v38  }
0x2e5: {  	v55 =	vperm.xlane v2, v50;
	[tilespmem:s28+$0xB320] =	vst v43  }
0x2e6: {  	v29 =	vperm.xlane v0, v5;
	v46 =	vld [tilespmem:s26+$0x2260];
	[tilespmem:s28+$0xB3A0] =	vst v4  }
0x2e7: {  	[tilespmem:s9+$0xB300] =	vst v55;
	v4 =	vperm.xlane v0, v42;
	v47 =	vld [tilespmem:s24+$0x2230]  }
0x2e8: {  	v44 =	vperm.xlane v1, v5;
	[tilespmem:s14+$0xB270] =	vst v29  }
0x2e9: {  	[tilespmem:s21+$0xB260] =	vst v4;
	v4 =	vperm.xlane v2, v42  }
0x2ea: {  	v45 =	vperm.xlane v2, v5;
	[tilespmem:s14+$0xB2F0] =	vst v44  }
0x2eb: {  	[tilespmem:s21+$0xB360] =	vst v4;
	v4 =	vperm.xlane v0, v46  }
0x2ec: {  	[tilespmem:s14+$0xB370] =	vst v45;
	v51 =	vperm.xlane v0, v47  }
0x2ed: {  	[tilespmem:s13+$0xB260] =	vst v4;
	v4 =	vperm.xlane v1, v47  }
0x2ee: {  	v52 =	vperm.xlane v2, v47;
	[tilespmem:s28+$0xB230] =	vst v51  }
0x2ef: {  	[tilespmem:s28+$0xB2B0] =	vst v4;
	v4 =	vperm.xlane v3, v47  }
0x2f0: {  	v48 =	vperm.xlane v1, v42;
	[tilespmem:s28+$0xB330] =	vst v52  }
0x2f1: {  	[tilespmem:s28+$0xB3B0] =	vst v4;
	v4 =	vperm.xlane v1, v50  }
0x2f2: {  	v49 =	vperm.xlane v3, v42;
	[tilespmem:s21+$0xB2E0] =	vst v48;
	v54 =	vld [tilespmem:s24+$0x2240]  }
0x2f3: {  	[tilespmem:s9+$0xB280] =	vst v4;
	v4 =	vperm.xlane v3, v50  }
0x2f4: {  	[tilespmem:s21+$0xB3E0] =	vst v49;
	v56 =	vperm.xlane v1, v46  }
0x2f5: {  	v57 =	vperm.xlane v2, v46;
	[tilespmem:s9+$0xB380] =	vst v4  }
0x2f6: {  	[tilespmem:s13+$0xB2E0] =	vst v56;
	v4 =	vperm.xlane v3, v46;
	v58 =	vld [tilespmem:s15+$0x2210]  }
0x2f7: {  	[tilespmem:s13+$0xB360] =	vst v57;
	v59 =	vperm.xlane v0, v54  }
0x2f8: {  	[tilespmem:s13+$0xB3E0] =	vst v4;
	v4 =	vperm.xlane v1, v54  }
0x2f9: {  	v60 =	vperm.xlane v2, v54;
	[tilespmem:s28+$0xB240] =	vst v59  }
0x2fa: {  	[tilespmem:s28+$0xB2C0] =	vst v4;
	v4 =	vperm.xlane v3, v54  }
0x2fb: {  	v61 =	vld [tilespmem:s19+$0x2270];
	[tilespmem:s28+$0xB340] =	vst v60;
	v62 =	vperm.xlane v0, v58  }
0x2fc: {  	[tilespmem:s28+$0xB3C0] =	vst v4;
	v4 =	vperm.xlane v1, v58  }
0x2fd: {  	v63 =	vperm.xlane v2, v58;
	[tilespmem:s9+$0xB210] =	vst v62  }
0x2fe: {  	[tilespmem:s9+$0xB290] =	vst v4;
	v4 =	vperm.xlane v3, v58  }
0x2ff: {  	v5 =	vperm.xlane v3, v5;
	v12 =	vld [tilespmem:s26+$0x2270];
	[tilespmem:s9+$0xB310] =	vst v63  }
0x300: {  	v13 =	vperm.xlane v0, v61;
	v14 =	vld [tilespmem:s24+$0x2250];
	[tilespmem:s9+$0xB390] =	vst v4  }
0x301: {  	[tilespmem:s14+$0xB3F0] =	vst v5;
	v4 =	vperm.xlane v1, v61;
	v5 =	vld [tilespmem:s15+$0x2220]  }
0x302: {  	v15 =	vperm.xlane v2, v61;
	[tilespmem:s21+$0xB270] =	vst v13  }
0x303: {  	s26 =	sor.u32 $0xA00, s8;
	[tilespmem:s21+$0xB2F0] =	vst v4;
	v4 =	vperm.xlane v3, v61  }
0x304: {  	[tilespmem:s21+$0xB370] =	vst v15;
	s19 =	sshra.s32 s26, $0x2;
	v16 =	vperm.xlane v0, v12  }
0x305: {  	v17 =	vld [tilespmem:s19+$0x2200];
	[tilespmem:s21+$0xB3F0] =	vst v4;
	v4 =	vperm.xlane v0, v14  }
0x306: {  	[tilespmem:s13+$0xB270] =	vst v16;
	v18 =	vperm.xlane v0, v5  }
0x307: {  	[tilespmem:s28+$0xB250] =	vst v4;
	v4 =	vperm.xlane v1, v5  }
0x308: {  	v19 =	vperm.xlane v2, v5;
	[tilespmem:s9+$0xB220] =	vst v18  }
0x309: {  	[tilespmem:s9+$0xB2A0] =	vst v4;
	v4 =	vperm.xlane v3, v5  }
0x30a: {  	[tilespmem:s9+$0xB320] =	vst v19;
	v5 =	vperm.xlane v0, v17  }
0x30b: {  	s14 =	sand.u32 $0x3FFFFE00, s26;
	[tilespmem:s9+$0xB3A0] =	vst v4;
	v4 =	vperm.xlane v1, v17  }
0x30c: {  	[tilespmem:s14+$0xB200] =	vst v5;
	v5 =	vperm.xlane v2, v17;
	v6 =	vld [tilespmem:s15+$0x2230]  }
0x30d: {  	[tilespmem:s14+$0xB280] =	vst v4;
	v4 =	vperm.xlane v3, v17  }
0x30e: {  	v20 =	vperm.xlane v1, v14;
	[tilespmem:s14+$0xB300] =	vst v5  }
0x30f: {  	v5 =	vperm.xlane v2, v14;
	[tilespmem:s14+$0xB380] =	vst v4  }
0x310: {  	[tilespmem:s28+$0xB2D0] =	vst v20;
	v4 =	vperm.xlane v3, v14;
	v21 =	vld [tilespmem:s19+$0x2210]  }
0x311: {  	[tilespmem:s28+$0xB350] =	vst v5;
	v5 =	vperm.xlane v0, v6  }
0x312: {  	[tilespmem:s28+$0xB3D0] =	vst v4;
	v4 =	vperm.xlane v1, v6  }
0x313: {  	[tilespmem:s9+$0xB230] =	vst v5;
	v5 =	vperm.xlane v2, v6  }
0x314: {  	[tilespmem:s9+$0xB2B0] =	vst v4;
	v4 =	vperm.xlane v3, v6  }
0x315: {  	[tilespmem:s9+$0xB330] =	vst v5;
	v5 =	vperm.xlane v0, v21  }
0x316: {  	v22 =	vld [tilespmem:s24+$0x2260];
	[tilespmem:s9+$0xB3B0] =	vst v4;
	v4 =	vperm.xlane v1, v21  }
0x317: {  	v23 =	vld [tilespmem:s15+$0x2240];
	[tilespmem:s14+$0xB210] =	vst v5;
	v5 =	vperm.xlane v2, v21  }
0x318: {  	[tilespmem:s14+$0xB290] =	vst v4;
	v4 =	vperm.xlane v3, v21  }
0x319: {  	v24 =	vperm.xlane v1, v12;
	[tilespmem:s14+$0xB310] =	vst v5  }
0x31a: {  	v5 =	vperm.xlane v2, v12;
	[tilespmem:s14+$0xB390] =	vst v4  }
0x31b: {  	[tilespmem:s13+$0xB2F0] =	vst v24;
	v4 =	vperm.xlane v0, v22;
	v25 =	vld [tilespmem:s19+$0x2220]  }
0x31c: {  	[tilespmem:s13+$0xB370] =	vst v5;
	v5 =	vperm.xlane v0, v23  }
0x31d: {  	[tilespmem:s28+$0xB260] =	vst v4;
	v4 =	vperm.xlane v1, v23  }
0x31e: {  	[tilespmem:s9+$0xB240] =	vst v5;
	v5 =	vperm.xlane v2, v23  }
0x31f: {  	[tilespmem:s9+$0xB2C0] =	vst v4;
	v4 =	vperm.xlane v3, v23  }
0x320: {  	[tilespmem:s9+$0xB340] =	vst v5;
	v5 =	vperm.xlane v0, v25  }
0x321: {  	[tilespmem:s9+$0xB3C0] =	vst v4;
	v4 =	vperm.xlane v1, v25  }
0x322: {  	v26 =	vld [tilespmem:s15+$0x2250];
	[tilespmem:s14+$0xB220] =	vst v5;
	v5 =	vperm.xlane v2, v25  }
0x323: {  	[tilespmem:s14+$0xB2A0] =	vst v4;
	v4 =	vperm.xlane v3, v25  }
0x324: {  	v27 =	vperm.xlane v1, v22;
	[tilespmem:s14+$0xB320] =	vst v5  }
0x325: {  	v5 =	vperm.xlane v2, v22;
	[tilespmem:s14+$0xB3A0] =	vst v4  }
0x326: {  	[tilespmem:s28+$0xB2E0] =	vst v27;
	v4 =	vperm.xlane v3, v22;
	v28 =	vld [tilespmem:s19+$0x2230]  }
0x327: {  	[tilespmem:s28+$0xB360] =	vst v5;
	v5 =	vperm.xlane v0, v26  }
0x328: {  	[tilespmem:s28+$0xB3E0] =	vst v4;
	v4 =	vperm.xlane v1, v26  }
0x329: {  	[tilespmem:s9+$0xB250] =	vst v5;
	v5 =	vperm.xlane v2, v26  }
0x32a: {  	[tilespmem:s9+$0xB2D0] =	vst v4;
	v4 =	vperm.xlane v3, v26  }
0x32b: {  	v7 =	vld [tilespmem:s24+$0x2270];
	[tilespmem:s9+$0xB350] =	vst v5;
	v5 =	vperm.xlane v0, v28  }
0x32c: {  	[tilespmem:s9+$0xB3D0] =	vst v4;
	v4 =	vperm.xlane v1, v28  }
0x32d: {  	[tilespmem:s14+$0xB230] =	vst v5;
	v5 =	vperm.xlane v2, v28  }
0x32e: {  	[tilespmem:s14+$0xB2B0] =	vst v4;
	v4 =	vperm.xlane v3, v28  }
0x32f: {  	v29 =	vperm.xlane v3, v12;
	v30 =	vld [tilespmem:s15+$0x2260];
	[tilespmem:s14+$0xB330] =	vst v5  }
0x330: {  	s29 =	sor.u32 $0xC00, s8;
	v5 =	vperm.xlane v0, v7;
	[tilespmem:s14+$0xB3B0] =	vst v4  }
0x331: {  	s31 =	sshra.s32 s29, $0x2;
	[tilespmem:s13+$0xB3F0] =	vst v29;
	v4 =	vperm.xlane v1, v7;
	v31 =	vld [tilespmem:s19+$0x2240]  }
0x332: {  	v32 =	vld [tilespmem:s31+$0x2200];
	[tilespmem:s28+$0xB270] =	vst v5;
	v5 =	vperm.xlane v2, v7  }
0x333: {  	[tilespmem:s28+$0xB2F0] =	vst v4;
	v4 =	vperm.xlane v3, v7  }
0x334: {  	s24 =	sor.u32 $0xE00, s8;
	[tilespmem:s28+$0xB370] =	vst v5;
	v5 =	vperm.xlane v0, v30  }
0x335: {  	[tilespmem:s28+$0xB3F0] =	vst v4;
	v4 =	vperm.xlane v1, v30;
	s28 =	sshra.s32 s24, $0x2  }
0x336: {  	v33 =	vld [tilespmem:s28+$0x2200];
	[tilespmem:s9+$0xB260] =	vst v5;
	v5 =	vperm.xlane v0, v31  }
0x337: {  	[tilespmem:s9+$0xB2E0] =	vst v4;
	v4 =	vperm.xlane v0, v32  }
0x338: {  	s29 =	sand.u32 $0x3FFFFE00, s29;
	[tilespmem:s14+$0xB240] =	vst v5;
	v5 =	vperm.xlane v1, v32  }
0x339: {  	[tilespmem:s29+$0xB200] =	vst v4;
	v4 =	vperm.xlane v2, v32  }
0x33a: {  	[tilespmem:s29+$0xB280] =	vst v5;
	v5 =	vperm.xlane v3, v32  }
0x33b: {  	[tilespmem:s29+$0xB300] =	vst v4;
	v4 =	vperm.xlane v0, v33  }
0x33c: {  	s13 =	sand.u32 $0x3FFFFE00, s24;
	[tilespmem:s29+$0xB380] =	vst v5;
	v5 =	vperm.xlane v1, v33  }
0x33d: {  	[tilespmem:s13+$0xB200] =	vst v4;
	v4 =	vperm.xlane v2, v33;
	v34 =	vld [tilespmem:s31+$0x2210]  }
0x33e: {  	[tilespmem:s13+$0xB280] =	vst v5;
	v5 =	vperm.xlane v3, v33  }
0x33f: {  	v35 =	vperm.xlane v1, v31;
	[tilespmem:s13+$0xB300] =	vst v4  }
0x340: {  	v4 =	vperm.xlane v2, v31;
	[tilespmem:s13+$0xB380] =	vst v5  }
0x341: {  	[tilespmem:s14+$0xB2C0] =	vst v35;
	v5 =	vperm.xlane v3, v31;
	v36 =	vld [tilespmem:s28+$0x2210]  }
0x342: {  	[tilespmem:s14+$0xB340] =	vst v4;
	v4 =	vperm.xlane v0, v34  }
0x343: {  	[tilespmem:s14+$0xB3C0] =	vst v5;
	v5 =	vperm.xlane v1, v34  }
0x344: {  	[tilespmem:s29+$0xB210] =	vst v4;
	v4 =	vperm.xlane v2, v34  }
0x345: {  	[tilespmem:s29+$0xB290] =	vst v5;
	v5 =	vperm.xlane v3, v34  }
0x346: {  	[tilespmem:s29+$0xB310] =	vst v4;
	v4 =	vperm.xlane v0, v36  }
0x347: {  	v7 =	vld [tilespmem:s19+$0x2250];
	[tilespmem:s29+$0xB390] =	vst v5;
	v5 =	vperm.xlane v1, v36  }
0x348: {  	v37 =	vld [tilespmem:s31+$0x2220];
	[tilespmem:s13+$0xB210] =	vst v4;
	v4 =	vperm.xlane v2, v36  }
0x349: {  	[tilespmem:s13+$0xB290] =	vst v5;
	v5 =	vperm.xlane v3, v36  }
0x34a: {  	v38 =	vperm.xlane v2, v30;
	[tilespmem:s13+$0xB310] =	vst v4  }
0x34b: {  	v4 =	vperm.xlane v3, v30;
	[tilespmem:s13+$0xB390] =	vst v5  }
0x34c: {  	[tilespmem:s9+$0xB360] =	vst v38;
	v5 =	vperm.xlane v0, v7;
	v39 =	vld [tilespmem:s28+$0x2220]  }
0x34d: {  	[tilespmem:s9+$0xB3E0] =	vst v4;
	v4 =	vperm.xlane v0, v37  }
0x34e: {  	[tilespmem:s14+$0xB250] =	vst v5;
	v5 =	vperm.xlane v1, v37  }
0x34f: {  	[tilespmem:s29+$0xB220] =	vst v4;
	v4 =	vperm.xlane v2, v37  }
0x350: {  	[tilespmem:s29+$0xB2A0] =	vst v5;
	v5 =	vperm.xlane v3, v37  }
0x351: {  	[tilespmem:s29+$0xB320] =	vst v4;
	v4 =	vperm.xlane v0, v39  }
0x352: {  	[tilespmem:s29+$0xB3A0] =	vst v5;
	v5 =	vperm.xlane v1, v39  }
0x353: {  	v40 =	vld [tilespmem:s31+$0x2230];
	[tilespmem:s13+$0xB220] =	vst v4;
	v4 =	vperm.xlane v2, v39  }
0x354: {  	[tilespmem:s13+$0xB2A0] =	vst v5;
	v5 =	vperm.xlane v3, v39  }
0x355: {  	v41 =	vperm.xlane v1, v7;
	[tilespmem:s13+$0xB320] =	vst v4  }
0x356: {  	v4 =	vperm.xlane v2, v7;
	[tilespmem:s13+$0xB3A0] =	vst v5  }
0x357: {  	[tilespmem:s14+$0xB2D0] =	vst v41;
	v5 =	vperm.xlane v3, v7;
	v42 =	vld [tilespmem:s28+$0x2230]  }
0x358: {  	[tilespmem:s14+$0xB350] =	vst v4;
	v4 =	vperm.xlane v0, v40  }
0x359: {  	[tilespmem:s14+$0xB3D0] =	vst v5;
	v5 =	vperm.xlane v1, v40  }
0x35a: {  	[tilespmem:s29+$0xB230] =	vst v4;
	v4 =	vperm.xlane v2, v40  }
0x35b: {  	v43 =	vld [tilespmem:s15+$0x2270];
	[tilespmem:s29+$0xB2B0] =	vst v5;
	v5 =	vperm.xlane v3, v40  }
0x35c: {  	[tilespmem:s29+$0xB330] =	vst v4;
	v4 =	vperm.xlane v0, v42  }
0x35d: {  	v44 =	vld [tilespmem:s19+$0x2260];
	[tilespmem:s29+$0xB3B0] =	vst v5;
	v5 =	vperm.xlane v1, v42  }
0x35e: {  	v45 =	vld [tilespmem:s31+$0x2240];
	[tilespmem:s13+$0xB230] =	vst v4;
	v4 =	vperm.xlane v2, v42  }
0x35f: {  	[tilespmem:s13+$0xB2B0] =	vst v5;
	v5 =	vperm.xlane v3, v42  }
0x360: {  	v46 =	vperm.xlane v0, v43;
	[tilespmem:s13+$0xB330] =	vst v4  }
0x361: {  	v4 =	vperm.xlane v1, v43;
	[tilespmem:s13+$0xB3B0] =	vst v5  }
0x362: {  	[tilespmem:s9+$0xB270] =	vst v46;
	v5 =	vperm.xlane v0, v44;
	v47 =	vld [tilespmem:s28+$0x2240]  }
0x363: {  	[tilespmem:s9+$0xB2F0] =	vst v4;
	v4 =	vperm.xlane v0, v45  }
0x364: {  	[tilespmem:s14+$0xB260] =	vst v5;
	v5 =	vperm.xlane v1, v45  }
0x365: {  	[tilespmem:s29+$0xB240] =	vst v4;
	v4 =	vperm.xlane v2, v45  }
0x366: {  	[tilespmem:s29+$0xB2C0] =	vst v5;
	v5 =	vperm.xlane v3, v45  }
0x367: {  	[tilespmem:s29+$0xB340] =	vst v4;
	v4 =	vperm.xlane v0, v47  }
0x368: {  	[tilespmem:s29+$0xB3C0] =	vst v5;
	v5 =	vperm.xlane v1, v47  }
0x369: {  	v48 =	vld [tilespmem:s31+$0x2250];
	[tilespmem:s13+$0xB240] =	vst v4;
	v4 =	vperm.xlane v2, v47  }
0x36a: {  	[tilespmem:s13+$0xB2C0] =	vst v5;
	v5 =	vperm.xlane v3, v47  }
0x36b: {  	v49 =	vperm.xlane v1, v44;
	[tilespmem:s13+$0xB340] =	vst v4  }
0x36c: {  	v4 =	vperm.xlane v2, v44;
	[tilespmem:s13+$0xB3C0] =	vst v5  }
0x36d: {  	[tilespmem:s14+$0xB2E0] =	vst v49;
	v5 =	vperm.xlane v3, v44;
	v50 =	vld [tilespmem:s28+$0x2250]  }
0x36e: {  	[tilespmem:s14+$0xB360] =	vst v4;
	v4 =	vperm.xlane v0, v48  }
0x36f: {  	[tilespmem:s14+$0xB3E0] =	vst v5;
	v5 =	vperm.xlane v1, v48  }
0x370: {  	[tilespmem:s29+$0xB250] =	vst v4;
	v4 =	vperm.xlane v2, v48  }
0x371: {  	[tilespmem:s29+$0xB2D0] =	vst v5;
	v5 =	vperm.xlane v3, v48  }
0x372: {  	[tilespmem:s29+$0xB350] =	vst v4;
	v4 =	vperm.xlane v0, v50  }
0x373: {  	v51 =	vld [tilespmem:s19+$0x2270];
	[tilespmem:s29+$0xB3D0] =	vst v5;
	v5 =	vperm.xlane v1, v50  }
0x374: {  	v52 =	vld [tilespmem:s31+$0x2260];
	[tilespmem:s13+$0xB250] =	vst v4;
	v4 =	vperm.xlane v2, v50  }
0x375: {  	[tilespmem:s13+$0xB2D0] =	vst v5;
	v5 =	vperm.xlane v3, v50  }
0x376: {  	[tilespmem:s13+$0xB350] =	vst v4;
	v4 =	vperm.xlane v2, v43  }
0x377: {  	v53 =	vperm.xlane v3, v43;
	[tilespmem:s13+$0xB3D0] =	vst v5  }
0x378: {  	v5 =	vld [tilespmem:s28+$0x2260];
	[tilespmem:s9+$0xB370] =	vst v4;
	v4 =	vperm.xlane v0, v51  }
0x379: {  	[tilespmem:s9+$0xB3F0] =	vst v53;
	v54 =	vperm.xlane v0, v52  }
0x37a: {  	[tilespmem:s14+$0xB270] =	vst v4;
	v4 =	vperm.xlane v1, v52  }
0x37b: {  	v55 =	vperm.xlane v2, v52;
	[tilespmem:s29+$0xB260] =	vst v54  }
0x37c: {  	[tilespmem:s29+$0xB2E0] =	vst v4;
	v4 =	vperm.xlane v3, v52  }
0x37d: {  	[tilespmem:s29+$0xB360] =	vst v55;
	v56 =	vperm.xlane v0, v5  }
0x37e: {  	[tilespmem:s29+$0xB3E0] =	vst v4;
	v4 =	vperm.xlane v1, v5  }
0x37f: {  	v58 =	vperm.xlane v2, v5;
	[tilespmem:s13+$0xB260] =	vst v56;
	v57 =	vld [tilespmem:s31+$0x2270]  }
0x380: {  	[tilespmem:s13+$0xB2E0] =	vst v4;
	v4 =	vperm.xlane v3, v5  }
0x381: {  	[tilespmem:s13+$0xB360] =	vst v58;
	v5 =	vperm.xlane v1, v51  }
0x382: {  	v59 =	vperm.xlane v2, v51;
	[tilespmem:s13+$0xB3E0] =	vst v4  }
0x383: {  	[tilespmem:s14+$0xB2F0] =	vst v5;
	v5 =	vperm.xlane v3, v51;
	v4 =	vld [tilespmem:s28+$0x2270]  }
0x384: {  	[tilespmem:s14+$0xB370] =	vst v59;
	v60 =	vperm.xlane v0, v57  }
0x385: {  	[tilespmem:s14+$0xB3F0] =	vst v5;
	v5 =	vperm.xlane v1, v57  }
0x386: {  	v61 =	vperm.xlane v2, v57;
	[tilespmem:s29+$0xB270] =	vst v60  }
0x387: {  	[tilespmem:s29+$0xB2F0] =	vst v5;
	v5 =	vperm.xlane v3, v57  }
0x388: {  	p0 =	slt.u32 s3, $0x18;
	[tilespmem:s29+$0xB370] =	vst v61;
	v62 =	vperm.xlane v0, v4  }
.Ltmp2:
0x389: {  	[tilespmem:s29+$0xB3F0] =	vst v5;
	v5 =	vperm.xlane v1, v4;
	(pc) =	sbr.rel @p0 .LBB2_7-.Ltmp2, $4  }
0x38a: {  	v63 =	vperm.xlane v2, v4;
	[tilespmem:s13+$0xB270] =	vst v62  }
0x38b: {  	v4 =	vperm.xlane v3, v4;
	[tilespmem:s13+$0xB2F0] =	vst v5  }
0x38c: {  	s31 =	sadd.s32 $0x8, s3;
	[tilespmem:s13+$0xB370] =	vst v63  }
0x38d: {  	s3 =	smov.u32 s31;
	[tilespmem:s13+$0xB3F0] =	vst v4  }
0x38e: {  	s2 =	sadd.s32 $0x1, s2  }
0x38f: {  	p0 =	sne.s32 s2, $0x8  }
.Ltmp3:
0x390: {  	_ = 	snop;
	(pc) =	sbr.rel @p0 .LBB2_2-.Ltmp3, $4  }
0x391: {  	s0 =	sshll.u32 s0, $0xB  }
0x392: {  	s0 =	sand.u32 $0xFFFF800, s0  }
0x393: {  	s3 =	simm.s32 $0xB200;
	s0 =	sadd.s32 s4, s0  }
0x394: {  	[hbm4b:s0+s5] =	stream.linear.scatter [tilespmem:s3], [sflag:$0x6], $0x4000, $0x38;
	[tilespmem:$0xF200] =	vst v63  }
0x395: {  	_ =	swait.ge [sflag:s20], $0x1000  }
0x396: {  	[sflag:s20] =	ssyncset.done $0x0  }
0x397: {  	s26 =	simm.s32 $0x4;
	[sflag:s20] =	ssyncadd.s32 $0xFFFFF000  }
0x398: {  	_ =	swait.ge [sflag:s26], $0x4000  }
0x399: {  	[sflag:s26] =	ssyncset.done $0x0  }
0x39a: {  	s0 =	simm.s32 $0x0;
	[sflag:s26] =	ssyncadd.s32 $0xFFFFC000  }
.LBB2_10:
0x39b: {  	s2 =	sshll.u32 s0, $0x9  }
0x39c: {  	s3 =	sshra.s32 s2, $0x2  }
0x39d: {  	v4 =	vld [tilespmem:s3+$0x200];
	_ =	sdelay $0x4  }
0x39e: {  	v5 =	vperm.xlane v0, v4  }
0x39f: {  	s9 =	sand.u32 $0x3FFFFE00, s2;
	v6 =	vperm.xlane v1, v4  }
0x3a0: {  	[tilespmem:s9+$0x3200] =	vst v5;
	v5 =	vperm.xlane v2, v4  }
0x3a1: {  	[tilespmem:s9+$0x3280] =	vst v6;
	v4 =	vperm.xlane v3, v4  }
0x3a2: {  	[tilespmem:s9+$0x3300] =	vst v5  }
0x3a3: {  	[tilespmem:s9+$0x3380] =	vst v4  }
0x3a4: {  	v4 =	vld [tilespmem:s3+$0x210];
	_ =	sdelay $0x4  }
0x3a5: {  	v5 =	vperm.xlane v0, v4  }
0x3a6: {  	v50 =	vperm.xlane v1, v4  }
0x3a7: {  	[tilespmem:s9+$0x3210] =	vst v5;
	v5 =	vperm.xlane v2, v4  }
0x3a8: {  	[tilespmem:s9+$0x3290] =	vst v50;
	v4 =	vperm.xlane v3, v4  }
0x3a9: {  	[tilespmem:s9+$0x3310] =	vst v5  }
0x3aa: {  	[tilespmem:s9+$0x3390] =	vst v4  }
0x3ab: {  	v4 =	vld [tilespmem:s3+$0x220];
	_ =	sdelay $0x4  }
0x3ac: {  	v5 =	vperm.xlane v0, v4  }
0x3ad: {  	v51 =	vperm.xlane v1, v4  }
0x3ae: {  	[tilespmem:s9+$0x3220] =	vst v5;
	v5 =	vperm.xlane v2, v4  }
0x3af: {  	[tilespmem:s9+$0x32A0] =	vst v51;
	v4 =	vperm.xlane v3, v4  }
0x3b0: {  	[tilespmem:s9+$0x3320] =	vst v5  }
0x3b1: {  	[tilespmem:s9+$0x33A0] =	vst v4  }
0x3b2: {  	v4 =	vld [tilespmem:s3+$0x230];
	_ =	sdelay $0x4  }
0x3b3: {  	v5 =	vperm.xlane v0, v4  }
0x3b4: {  	v52 =	vperm.xlane v1, v4  }
0x3b5: {  	[tilespmem:s9+$0x3230] =	vst v5;
	v5 =	vperm.xlane v2, v4  }
0x3b6: {  	[tilespmem:s9+$0x32B0] =	vst v52;
	v4 =	vperm.xlane v3, v4  }
0x3b7: {  	[tilespmem:s9+$0x3330] =	vst v5  }
0x3b8: {  	[tilespmem:s9+$0x33B0] =	vst v4  }
0x3b9: {  	s8 =	sor.u32 $0x200, s2;
	v4 =	vld [tilespmem:s3+$0x240]  }
0x3ba: {  	s14 =	sshra.s32 s8, $0x2  }
0x3bb: {  	v5 =	vld [tilespmem:s14+$0x200];
	_ =	sdelay $0x2  }
0x3bc: {  	v53 =	vperm.xlane v0, v4;
	v7 =	vperm.xlane v1, v4  }
0x3bd: {  	v54 =	vperm.xlane v2, v4;
	v4 =	vperm.xlane v3, v4  }
0x3be: {  	v55 =	vperm.xlane v0, v5  }
0x3bf: {  	s19 =	sand.u32 $0x3FFFFE00, s8;
	[tilespmem:s9+$0x33C0] =	vst v4;
	v4 =	vperm.xlane v1, v5  }
0x3c0: {  	v56 =	vperm.xlane v2, v5;
	[tilespmem:s19+$0x3200] =	vst v55  }
0x3c1: {  	s29 =	sor.u32 $0x400, s2;
	[tilespmem:s19+$0x3280] =	vst v4;
	v4 =	vperm.xlane v3, v5  }
0x3c2: {  	s24 =	sshra.s32 s29, $0x2;
	[tilespmem:s19+$0x3300] =	vst v56  }
0x3c3: {  	v58 =	vld [tilespmem:s24+$0x200];
	[tilespmem:s19+$0x3380] =	vst v4  }
0x3c4: {  	v4 =	vld [tilespmem:s14+$0x210];
	_ =	sdelay $0x2  }
0x3c5: {  	[tilespmem:s9+$0x3240] =	vst v53  }
0x3c6: {  	v61 =	vperm.xlane v0, v58;
	[tilespmem:s9+$0x32C0] =	vst v7  }
0x3c7: {  	s8 =	sand.u32 $0x3FFFFE00, s29;
	[tilespmem:s9+$0x3340] =	vst v54;
	v8 =	vperm.xlane v0, v4  }
0x3c8: {  	[tilespmem:s8+$0x3200] =	vst v61;
	v5 =	vld [tilespmem:s3+$0x250];
	v59 =	vperm.xlane v1, v4  }
0x3c9: {  	v60 =	vperm.xlane v2, v4;
	[tilespmem:s19+$0x3210] =	vst v8  }
0x3ca: {  	v4 =	vperm.xlane v3, v4;
	[tilespmem:s19+$0x3290] =	vst v59  }
0x3cb: {  	v62 =	vperm.xlane v2, v58;
	[tilespmem:s19+$0x3310] =	vst v60  }
0x3cc: {  	[tilespmem:s19+$0x3390] =	vst v4;
	v4 =	vperm.xlane v1, v58  }
0x3cd: {  	[tilespmem:s8+$0x3300] =	vst v62;
	v57 =	vperm.xlane v0, v5;
	v8 =	vld [tilespmem:s14+$0x220]  }
0x3ce: {  	[tilespmem:s8+$0x3280] =	vst v4;
	v4 =	vperm.xlane v3, v58  }
0x3cf: {  	v63 =	vperm.xlane v1, v5;
	[tilespmem:s9+$0x3250] =	vst v57  }
0x3d0: {  	v9 =	vperm.xlane v2, v5;
	[tilespmem:s8+$0x3380] =	vst v4  }
0x3d1: {  	[tilespmem:s9+$0x32D0] =	vst v63;
	v4 =	vperm.xlane v3, v5;
	v5 =	vld [tilespmem:s24+$0x210]  }
0x3d2: {  	[tilespmem:s9+$0x3350] =	vst v9;
	v10 =	vperm.xlane v0, v8  }
0x3d3: {  	[tilespmem:s9+$0x33D0] =	vst v4;
	v4 =	vperm.xlane v1, v8  }
0x3d4: {  	v11 =	vperm.xlane v2, v8;
	[tilespmem:s19+$0x3220] =	vst v10  }
0x3d5: {  	[tilespmem:s19+$0x32A0] =	vst v4;
	v4 =	vperm.xlane v3, v8  }
0x3d6: {  	[tilespmem:s19+$0x3320] =	vst v11;
	v12 =	vperm.xlane v0, v5  }
0x3d7: {  	v7 =	vld [tilespmem:s3+$0x260];
	[tilespmem:s19+$0x33A0] =	vst v4;
	v4 =	vperm.xlane v1, v5  }
0x3d8: {  	v14 =	vperm.xlane v2, v5;
	v13 =	vld [tilespmem:s14+$0x230];
	[tilespmem:s8+$0x3210] =	vst v12  }
0x3d9: {  	[tilespmem:s8+$0x3290] =	vst v4;
	v4 =	vperm.xlane v3, v5  }
0x3da: {  	[tilespmem:s8+$0x3310] =	vst v14  }
0x3db: {  	[tilespmem:s8+$0x3390] =	vst v4  }
0x3dc: {  	v4 =	vperm.xlane v0, v7;
	v5 =	vld [tilespmem:s24+$0x220]  }
0x3dd: {  	v15 =	vperm.xlane v0, v13  }
0x3de: {  	[tilespmem:s9+$0x3260] =	vst v4;
	v4 =	vperm.xlane v1, v13  }
0x3df: {  	s13 =	sor.u32 $0x600, s2;
	v16 =	vperm.xlane v2, v13;
	[tilespmem:s19+$0x3230] =	vst v15  }
0x3e0: {  	s21 =	sshra.s32 s13, $0x2;
	[tilespmem:s19+$0x32B0] =	vst v4;
	v4 =	vperm.xlane v3, v13  }
0x3e1: {  	v23 =	vld [tilespmem:s21+$0x200];
	[tilespmem:s19+$0x3330] =	vst v16;
	v17 =	vperm.xlane v0, v5  }
0x3e2: {  	[tilespmem:s19+$0x33B0] =	vst v4;
	v4 =	vperm.xlane v1, v5  }
0x3e3: {  	v19 =	vperm.xlane v2, v5;
	v18 =	vld [tilespmem:s14+$0x240];
	[tilespmem:s8+$0x3220] =	vst v17  }
0x3e4: {  	[tilespmem:s8+$0x32A0] =	vst v4;
	v4 =	vperm.xlane v3, v5  }
0x3e5: {  	v5 =	vperm.xlane v1, v7;
	[tilespmem:s8+$0x3320] =	vst v19  }
0x3e6: {  	v26 =	vperm.xlane v0, v23;
	[tilespmem:s8+$0x33A0] =	vst v4  }
0x3e7: {  	s15 =	sand.u32 $0x3FFFFE00, s13;
	[tilespmem:s9+$0x32E0] =	vst v5;
	v4 =	vperm.xlane v3, v7;
	v5 =	vld [tilespmem:s24+$0x230]  }
0x3e8: {  	[tilespmem:s15+$0x3200] =	vst v26;
	v21 =	vperm.xlane v0, v18  }
0x3e9: {  	[tilespmem:s9+$0x33E0] =	vst v4;
	v4 =	vperm.xlane v1, v18  }
0x3ea: {  	v22 =	vperm.xlane v2, v18;
	[tilespmem:s19+$0x3240] =	vst v21  }
0x3eb: {  	[tilespmem:s19+$0x32C0] =	vst v4;
	v4 =	vperm.xlane v3, v18  }
0x3ec: {  	[tilespmem:s19+$0x3340] =	vst v22;
	v24 =	vperm.xlane v0, v5  }
0x3ed: {  	[tilespmem:s19+$0x33C0] =	vst v4;
	v4 =	vperm.xlane v1, v5  }
0x3ee: {  	s31 =	sor.u32 $0x800, s2;
	v25 =	vperm.xlane v2, v5;
	[tilespmem:s8+$0x3230] =	vst v24  }
0x3ef: {  	s13 =	sshra.s32 s31, $0x2;
	[tilespmem:s8+$0x32B0] =	vst v4;
	v4 =	vperm.xlane v3, v5  }
0x3f0: {  	v28 =	vperm.xlane v2, v23;
	v50 =	vld [tilespmem:s13+$0x200];
	[tilespmem:s8+$0x3330] =	vst v25  }
0x3f1: {  	v27 =	vld [tilespmem:s14+$0x250];
	[tilespmem:s8+$0x33B0] =	vst v4;
	v4 =	vperm.xlane v1, v23  }
0x3f2: {  	[tilespmem:s15+$0x3300] =	vst v28;
	v20 =	vperm.xlane v2, v7;
	v9 =	vld [tilespmem:s24+$0x240]  }
0x3f3: {  	[tilespmem:s15+$0x3280] =	vst v4;
	v4 =	vperm.xlane v3, v23  }
0x3f4: {  	[tilespmem:s9+$0x3360] =	vst v20  }
0x3f5: {  	v53 =	vperm.xlane v0, v50;
	v5 =	vld [tilespmem:s3+$0x270];
	[tilespmem:s15+$0x3380] =	vst v4  }
0x3f6: {  	s3 =	sand.u32 $0x3FFFFE00, s31;
	v4 =	vperm.xlane v0, v27;
	v30 =	vld [tilespmem:s21+$0x210]  }
0x3f7: {  	[tilespmem:s3+$0x3200] =	vst v53;
	v31 =	vperm.xlane v0, v9  }
0x3f8: {  	[tilespmem:s19+$0x3250] =	vst v4;
	v4 =	vperm.xlane v1, v9  }
0x3f9: {  	v32 =	vperm.xlane v2, v9;
	[tilespmem:s8+$0x3240] =	vst v31  }
0x3fa: {  	[tilespmem:s8+$0x32C0] =	vst v4;
	v4 =	vperm.xlane v3, v9  }
0x3fb: {  	[tilespmem:s8+$0x3340] =	vst v32;
	v33 =	vperm.xlane v0, v30  }
0x3fc: {  	[tilespmem:s8+$0x33C0] =	vst v4;
	v4 =	vperm.xlane v1, v30  }
0x3fd: {  	v35 =	vperm.xlane v2, v30;
	v34 =	vld [tilespmem:s24+$0x250];
	[tilespmem:s15+$0x3210] =	vst v33  }
0x3fe: {  	[tilespmem:s15+$0x3290] =	vst v4;
	v4 =	vperm.xlane v3, v30  }
0x3ff: {  	v36 =	vperm.xlane v1, v27;
	[tilespmem:s15+$0x3310] =	vst v35  }
0x400: {  	v37 =	vperm.xlane v2, v27;
	[tilespmem:s15+$0x3390] =	vst v4  }
0x401: {  	[tilespmem:s19+$0x32D0] =	vst v36;
	v4 =	vperm.xlane v3, v27;
	v38 =	vld [tilespmem:s21+$0x220]  }
0x402: {  	[tilespmem:s19+$0x3350] =	vst v37;
	v39 =	vperm.xlane v0, v34  }
0x403: {  	[tilespmem:s19+$0x33D0] =	vst v4;
	v4 =	vperm.xlane v1, v34  }
0x404: {  	v40 =	vperm.xlane v2, v34;
	[tilespmem:s8+$0x3250] =	vst v39  }
0x405: {  	[tilespmem:s8+$0x32D0] =	vst v4;
	v4 =	vperm.xlane v3, v34  }
0x406: {  	[tilespmem:s8+$0x3350] =	vst v40;
	v41 =	vperm.xlane v0, v38  }
0x407: {  	v42 =	vld [tilespmem:s14+$0x260];
	[tilespmem:s8+$0x33D0] =	vst v4;
	v4 =	vperm.xlane v1, v38  }
0x408: {  	v43 =	vperm.xlane v2, v38;
	[tilespmem:s15+$0x3220] =	vst v41  }
0x409: {  	[tilespmem:s15+$0x32A0] =	vst v4;
	v4 =	vperm.xlane v3, v38  }
0x40a: {  	v55 =	vperm.xlane v2, v50;
	[tilespmem:s15+$0x3320] =	vst v43  }
0x40b: {  	v29 =	vperm.xlane v0, v5;
	v46 =	vld [tilespmem:s24+$0x260];
	[tilespmem:s15+$0x33A0] =	vst v4  }
0x40c: {  	[tilespmem:s3+$0x3300] =	vst v55;
	v4 =	vperm.xlane v0, v42;
	v47 =	vld [tilespmem:s21+$0x230]  }
0x40d: {  	v44 =	vperm.xlane v1, v5;
	[tilespmem:s9+$0x3270] =	vst v29  }
0x40e: {  	[tilespmem:s19+$0x3260] =	vst v4;
	v4 =	vperm.xlane v2, v42  }
0x40f: {  	v45 =	vperm.xlane v2, v5;
	[tilespmem:s9+$0x32F0] =	vst v44  }
0x410: {  	[tilespmem:s19+$0x3360] =	vst v4;
	v4 =	vperm.xlane v0, v46  }
0x411: {  	[tilespmem:s9+$0x3370] =	vst v45;
	v51 =	vperm.xlane v0, v47  }
0x412: {  	[tilespmem:s8+$0x3260] =	vst v4;
	v4 =	vperm.xlane v1, v47  }
0x413: {  	v52 =	vperm.xlane v2, v47;
	[tilespmem:s15+$0x3230] =	vst v51  }
0x414: {  	[tilespmem:s15+$0x32B0] =	vst v4;
	v4 =	vperm.xlane v3, v47  }
0x415: {  	v48 =	vperm.xlane v1, v42;
	[tilespmem:s15+$0x3330] =	vst v52  }
0x416: {  	[tilespmem:s15+$0x33B0] =	vst v4;
	v4 =	vperm.xlane v1, v50  }
0x417: {  	v49 =	vperm.xlane v3, v42;
	[tilespmem:s19+$0x32E0] =	vst v48;
	v54 =	vld [tilespmem:s21+$0x240]  }
0x418: {  	[tilespmem:s3+$0x3280] =	vst v4;
	v4 =	vperm.xlane v3, v50  }
0x419: {  	[tilespmem:s19+$0x33E0] =	vst v49;
	v56 =	vperm.xlane v1, v46  }
0x41a: {  	v57 =	vperm.xlane v2, v46;
	[tilespmem:s3+$0x3380] =	vst v4  }
0x41b: {  	[tilespmem:s8+$0x32E0] =	vst v56;
	v4 =	vperm.xlane v3, v46;
	v58 =	vld [tilespmem:s13+$0x210]  }
0x41c: {  	[tilespmem:s8+$0x3360] =	vst v57;
	v59 =	vperm.xlane v0, v54  }
0x41d: {  	[tilespmem:s8+$0x33E0] =	vst v4;
	v4 =	vperm.xlane v1, v54  }
0x41e: {  	v60 =	vperm.xlane v2, v54;
	[tilespmem:s15+$0x3240] =	vst v59  }
0x41f: {  	[tilespmem:s15+$0x32C0] =	vst v4;
	v4 =	vperm.xlane v3, v54  }
0x420: {  	v61 =	vld [tilespmem:s14+$0x270];
	[tilespmem:s15+$0x3340] =	vst v60;
	v62 =	vperm.xlane v0, v58  }
0x421: {  	[tilespmem:s15+$0x33C0] =	vst v4;
	v4 =	vperm.xlane v1, v58  }
0x422: {  	v63 =	vperm.xlane v2, v58;
	[tilespmem:s3+$0x3210] =	vst v62  }
0x423: {  	[tilespmem:s3+$0x3290] =	vst v4;
	v4 =	vperm.xlane v3, v58  }
0x424: {  	v5 =	vperm.xlane v3, v5;
	v12 =	vld [tilespmem:s24+$0x270];
	[tilespmem:s3+$0x3310] =	vst v63  }
0x425: {  	v13 =	vperm.xlane v0, v61;
	v14 =	vld [tilespmem:s21+$0x250];
	[tilespmem:s3+$0x3390] =	vst v4  }
0x426: {  	[tilespmem:s9+$0x33F0] =	vst v5;
	v4 =	vperm.xlane v1, v61;
	v5 =	vld [tilespmem:s13+$0x220]  }
0x427: {  	v15 =	vperm.xlane v2, v61;
	[tilespmem:s19+$0x3270] =	vst v13  }
0x428: {  	s28 =	sor.u32 $0xA00, s2;
	[tilespmem:s19+$0x32F0] =	vst v4;
	v4 =	vperm.xlane v3, v61  }
0x429: {  	s14 =	sshra.s32 s28, $0x2;
	[tilespmem:s19+$0x3370] =	vst v15;
	v16 =	vperm.xlane v0, v12  }
0x42a: {  	v17 =	vld [tilespmem:s14+$0x200];
	[tilespmem:s19+$0x33F0] =	vst v4;
	v4 =	vperm.xlane v0, v14  }
0x42b: {  	[tilespmem:s8+$0x3270] =	vst v16;
	v18 =	vperm.xlane v0, v5  }
0x42c: {  	[tilespmem:s15+$0x3250] =	vst v4;
	v4 =	vperm.xlane v1, v5  }
0x42d: {  	v19 =	vperm.xlane v2, v5;
	[tilespmem:s3+$0x3220] =	vst v18  }
0x42e: {  	[tilespmem:s3+$0x32A0] =	vst v4;
	v4 =	vperm.xlane v3, v5  }
0x42f: {  	[tilespmem:s3+$0x3320] =	vst v19;
	v5 =	vperm.xlane v0, v17  }
0x430: {  	s9 =	sand.u32 $0x3FFFFE00, s28;
	[tilespmem:s3+$0x33A0] =	vst v4;
	v4 =	vperm.xlane v1, v17  }
0x431: {  	[tilespmem:s9+$0x3200] =	vst v5;
	v5 =	vperm.xlane v2, v17;
	v6 =	vld [tilespmem:s13+$0x230]  }
0x432: {  	[tilespmem:s9+$0x3280] =	vst v4;
	v4 =	vperm.xlane v3, v17  }
0x433: {  	v20 =	vperm.xlane v1, v14;
	[tilespmem:s9+$0x3300] =	vst v5  }
0x434: {  	v5 =	vperm.xlane v2, v14;
	[tilespmem:s9+$0x3380] =	vst v4  }
0x435: {  	[tilespmem:s15+$0x32D0] =	vst v20;
	v4 =	vperm.xlane v3, v14;
	v21 =	vld [tilespmem:s14+$0x210]  }
0x436: {  	[tilespmem:s15+$0x3350] =	vst v5;
	v5 =	vperm.xlane v0, v6  }
0x437: {  	[tilespmem:s15+$0x33D0] =	vst v4;
	v4 =	vperm.xlane v1, v6  }
0x438: {  	[tilespmem:s3+$0x3230] =	vst v5;
	v5 =	vperm.xlane v2, v6  }
0x439: {  	[tilespmem:s3+$0x32B0] =	vst v4;
	v4 =	vperm.xlane v3, v6  }
0x43a: {  	[tilespmem:s3+$0x3330] =	vst v5;
	v5 =	vperm.xlane v0, v21  }
0x43b: {  	v22 =	vld [tilespmem:s21+$0x260];
	[tilespmem:s3+$0x33B0] =	vst v4;
	v4 =	vperm.xlane v1, v21  }
0x43c: {  	v23 =	vld [tilespmem:s13+$0x240];
	[tilespmem:s9+$0x3210] =	vst v5;
	v5 =	vperm.xlane v2, v21  }
0x43d: {  	[tilespmem:s9+$0x3290] =	vst v4;
	v4 =	vperm.xlane v3, v21  }
0x43e: {  	v24 =	vperm.xlane v1, v12;
	[tilespmem:s9+$0x3310] =	vst v5  }
0x43f: {  	v5 =	vperm.xlane v2, v12;
	[tilespmem:s9+$0x3390] =	vst v4  }
0x440: {  	[tilespmem:s8+$0x32F0] =	vst v24;
	v4 =	vperm.xlane v0, v22;
	v25 =	vld [tilespmem:s14+$0x220]  }
0x441: {  	[tilespmem:s8+$0x3370] =	vst v5;
	v5 =	vperm.xlane v0, v23  }
0x442: {  	[tilespmem:s15+$0x3260] =	vst v4;
	v4 =	vperm.xlane v1, v23  }
0x443: {  	[tilespmem:s3+$0x3240] =	vst v5;
	v5 =	vperm.xlane v2, v23  }
0x444: {  	[tilespmem:s3+$0x32C0] =	vst v4;
	v4 =	vperm.xlane v3, v23  }
0x445: {  	[tilespmem:s3+$0x3340] =	vst v5;
	v5 =	vperm.xlane v0, v25  }
0x446: {  	[tilespmem:s3+$0x33C0] =	vst v4;
	v4 =	vperm.xlane v1, v25  }
0x447: {  	v26 =	vld [tilespmem:s13+$0x250];
	[tilespmem:s9+$0x3220] =	vst v5;
	v5 =	vperm.xlane v2, v25  }
0x448: {  	[tilespmem:s9+$0x32A0] =	vst v4;
	v4 =	vperm.xlane v3, v25  }
0x449: {  	v27 =	vperm.xlane v1, v22;
	[tilespmem:s9+$0x3320] =	vst v5  }
0x44a: {  	v5 =	vperm.xlane v2, v22;
	[tilespmem:s9+$0x33A0] =	vst v4  }
0x44b: {  	[tilespmem:s15+$0x32E0] =	vst v27;
	v4 =	vperm.xlane v3, v22;
	v28 =	vld [tilespmem:s14+$0x230]  }
0x44c: {  	[tilespmem:s15+$0x3360] =	vst v5;
	v5 =	vperm.xlane v0, v26  }
0x44d: {  	[tilespmem:s15+$0x33E0] =	vst v4;
	v4 =	vperm.xlane v1, v26  }
0x44e: {  	[tilespmem:s3+$0x3250] =	vst v5;
	v5 =	vperm.xlane v2, v26  }
0x44f: {  	[tilespmem:s3+$0x32D0] =	vst v4;
	v4 =	vperm.xlane v3, v26  }
0x450: {  	v7 =	vld [tilespmem:s21+$0x270];
	[tilespmem:s3+$0x3350] =	vst v5;
	v5 =	vperm.xlane v0, v28  }
0x451: {  	[tilespmem:s3+$0x33D0] =	vst v4;
	v4 =	vperm.xlane v1, v28  }
0x452: {  	[tilespmem:s9+$0x3230] =	vst v5;
	v5 =	vperm.xlane v2, v28  }
0x453: {  	[tilespmem:s9+$0x32B0] =	vst v4;
	v4 =	vperm.xlane v3, v28  }
0x454: {  	v29 =	vperm.xlane v3, v12;
	v30 =	vld [tilespmem:s13+$0x260];
	[tilespmem:s9+$0x3330] =	vst v5  }
0x455: {  	s29 =	sor.u32 $0xC00, s2;
	v5 =	vperm.xlane v0, v7;
	[tilespmem:s9+$0x33B0] =	vst v4  }
0x456: {  	s31 =	sshra.s32 s29, $0x2;
	[tilespmem:s8+$0x33F0] =	vst v29;
	v4 =	vperm.xlane v1, v7;
	v31 =	vld [tilespmem:s14+$0x240]  }
0x457: {  	v32 =	vld [tilespmem:s31+$0x200];
	[tilespmem:s15+$0x3270] =	vst v5;
	v5 =	vperm.xlane v2, v7  }
0x458: {  	[tilespmem:s15+$0x32F0] =	vst v4;
	v4 =	vperm.xlane v3, v7  }
0x459: {  	s24 =	sor.u32 $0xE00, s2;
	[tilespmem:s15+$0x3370] =	vst v5;
	v5 =	vperm.xlane v0, v30  }
0x45a: {  	s28 =	sshra.s32 s24, $0x2;
	[tilespmem:s15+$0x33F0] =	vst v4;
	v4 =	vperm.xlane v1, v30  }
0x45b: {  	v33 =	vld [tilespmem:s28+$0x200];
	[tilespmem:s3+$0x3260] =	vst v5;
	v5 =	vperm.xlane v0, v31  }
0x45c: {  	[tilespmem:s3+$0x32E0] =	vst v4;
	v4 =	vperm.xlane v0, v32  }
0x45d: {  	s29 =	sand.u32 $0x3FFFFE00, s29;
	[tilespmem:s9+$0x3240] =	vst v5;
	v5 =	vperm.xlane v1, v32  }
0x45e: {  	[tilespmem:s29+$0x3200] =	vst v4;
	v4 =	vperm.xlane v2, v32  }
0x45f: {  	[tilespmem:s29+$0x3280] =	vst v5;
	v5 =	vperm.xlane v3, v32  }
0x460: {  	[tilespmem:s29+$0x3300] =	vst v4;
	v4 =	vperm.xlane v0, v33  }
0x461: {  	s8 =	sand.u32 $0x3FFFFE00, s24;
	[tilespmem:s29+$0x3380] =	vst v5;
	v5 =	vperm.xlane v1, v33  }
0x462: {  	[tilespmem:s8+$0x3200] =	vst v4;
	v4 =	vperm.xlane v2, v33;
	v34 =	vld [tilespmem:s31+$0x210]  }
0x463: {  	[tilespmem:s8+$0x3280] =	vst v5;
	v5 =	vperm.xlane v3, v33  }
0x464: {  	v35 =	vperm.xlane v1, v31;
	[tilespmem:s8+$0x3300] =	vst v4  }
0x465: {  	v4 =	vperm.xlane v2, v31;
	[tilespmem:s8+$0x3380] =	vst v5  }
0x466: {  	[tilespmem:s9+$0x32C0] =	vst v35;
	v5 =	vperm.xlane v3, v31;
	v36 =	vld [tilespmem:s28+$0x210]  }
0x467: {  	[tilespmem:s9+$0x3340] =	vst v4;
	v4 =	vperm.xlane v0, v34  }
0x468: {  	[tilespmem:s9+$0x33C0] =	vst v5;
	v5 =	vperm.xlane v1, v34  }
0x469: {  	[tilespmem:s29+$0x3210] =	vst v4;
	v4 =	vperm.xlane v2, v34  }
0x46a: {  	[tilespmem:s29+$0x3290] =	vst v5;
	v5 =	vperm.xlane v3, v34  }
0x46b: {  	[tilespmem:s29+$0x3310] =	vst v4;
	v4 =	vperm.xlane v0, v36  }
0x46c: {  	v7 =	vld [tilespmem:s14+$0x250];
	[tilespmem:s29+$0x3390] =	vst v5;
	v5 =	vperm.xlane v1, v36  }
0x46d: {  	v37 =	vld [tilespmem:s31+$0x220];
	[tilespmem:s8+$0x3210] =	vst v4;
	v4 =	vperm.xlane v2, v36  }
0x46e: {  	[tilespmem:s8+$0x3290] =	vst v5;
	v5 =	vperm.xlane v3, v36  }
0x46f: {  	v38 =	vperm.xlane v2, v30;
	[tilespmem:s8+$0x3310] =	vst v4  }
0x470: {  	v4 =	vperm.xlane v3, v30;
	[tilespmem:s8+$0x3390] =	vst v5  }
0x471: {  	[tilespmem:s3+$0x3360] =	vst v38;
	v5 =	vperm.xlane v0, v7;
	v39 =	vld [tilespmem:s28+$0x220]  }
0x472: {  	[tilespmem:s3+$0x33E0] =	vst v4;
	v4 =	vperm.xlane v0, v37  }
0x473: {  	[tilespmem:s9+$0x3250] =	vst v5;
	v5 =	vperm.xlane v1, v37  }
0x474: {  	[tilespmem:s29+$0x3220] =	vst v4;
	v4 =	vperm.xlane v2, v37  }
0x475: {  	[tilespmem:s29+$0x32A0] =	vst v5;
	v5 =	vperm.xlane v3, v37  }
0x476: {  	[tilespmem:s29+$0x3320] =	vst v4;
	v4 =	vperm.xlane v0, v39  }
0x477: {  	[tilespmem:s29+$0x33A0] =	vst v5;
	v5 =	vperm.xlane v1, v39  }
0x478: {  	v40 =	vld [tilespmem:s31+$0x230];
	[tilespmem:s8+$0x3220] =	vst v4;
	v4 =	vperm.xlane v2, v39  }
0x479: {  	[tilespmem:s8+$0x32A0] =	vst v5;
	v5 =	vperm.xlane v3, v39  }
0x47a: {  	v41 =	vperm.xlane v1, v7;
	[tilespmem:s8+$0x3320] =	vst v4  }
0x47b: {  	v4 =	vperm.xlane v2, v7;
	[tilespmem:s8+$0x33A0] =	vst v5  }
0x47c: {  	[tilespmem:s9+$0x32D0] =	vst v41;
	v5 =	vperm.xlane v3, v7;
	v42 =	vld [tilespmem:s28+$0x230]  }
0x47d: {  	[tilespmem:s9+$0x3350] =	vst v4;
	v4 =	vperm.xlane v0, v40  }
0x47e: {  	[tilespmem:s9+$0x33D0] =	vst v5;
	v5 =	vperm.xlane v1, v40  }
0x47f: {  	[tilespmem:s29+$0x3230] =	vst v4;
	v4 =	vperm.xlane v2, v40  }
0x480: {  	v43 =	vld [tilespmem:s13+$0x270];
	[tilespmem:s29+$0x32B0] =	vst v5;
	v5 =	vperm.xlane v3, v40  }
0x481: {  	[tilespmem:s29+$0x3330] =	vst v4;
	v4 =	vperm.xlane v0, v42  }
0x482: {  	v44 =	vld [tilespmem:s14+$0x260];
	[tilespmem:s29+$0x33B0] =	vst v5;
	v5 =	vperm.xlane v1, v42  }
0x483: {  	v45 =	vld [tilespmem:s31+$0x240];
	[tilespmem:s8+$0x3230] =	vst v4;
	v4 =	vperm.xlane v2, v42  }
0x484: {  	[tilespmem:s8+$0x32B0] =	vst v5;
	v5 =	vperm.xlane v3, v42  }
0x485: {  	v46 =	vperm.xlane v0, v43;
	[tilespmem:s8+$0x3330] =	vst v4  }
0x486: {  	v4 =	vperm.xlane v1, v43;
	[tilespmem:s8+$0x33B0] =	vst v5  }
0x487: {  	[tilespmem:s3+$0x3270] =	vst v46;
	v5 =	vperm.xlane v0, v44;
	v47 =	vld [tilespmem:s28+$0x240]  }
0x488: {  	[tilespmem:s3+$0x32F0] =	vst v4;
	v4 =	vperm.xlane v0, v45  }
0x489: {  	[tilespmem:s9+$0x3260] =	vst v5;
	v5 =	vperm.xlane v1, v45  }
0x48a: {  	[tilespmem:s29+$0x3240] =	vst v4;
	v4 =	vperm.xlane v2, v45  }
0x48b: {  	[tilespmem:s29+$0x32C0] =	vst v5;
	v5 =	vperm.xlane v3, v45  }
0x48c: {  	[tilespmem:s29+$0x3340] =	vst v4;
	v4 =	vperm.xlane v0, v47  }
0x48d: {  	[tilespmem:s29+$0x33C0] =	vst v5;
	v5 =	vperm.xlane v1, v47  }
0x48e: {  	v48 =	vld [tilespmem:s31+$0x250];
	[tilespmem:s8+$0x3240] =	vst v4;
	v4 =	vperm.xlane v2, v47  }
0x48f: {  	[tilespmem:s8+$0x32C0] =	vst v5;
	v5 =	vperm.xlane v3, v47  }
0x490: {  	v49 =	vperm.xlane v1, v44;
	[tilespmem:s8+$0x3340] =	vst v4  }
0x491: {  	v4 =	vperm.xlane v2, v44;
	[tilespmem:s8+$0x33C0] =	vst v5  }
0x492: {  	[tilespmem:s9+$0x32E0] =	vst v49;
	v5 =	vperm.xlane v3, v44;
	v50 =	vld [tilespmem:s28+$0x250]  }
0x493: {  	[tilespmem:s9+$0x3360] =	vst v4;
	v4 =	vperm.xlane v0, v48  }
0x494: {  	[tilespmem:s9+$0x33E0] =	vst v5;
	v5 =	vperm.xlane v1, v48  }
0x495: {  	[tilespmem:s29+$0x3250] =	vst v4;
	v4 =	vperm.xlane v2, v48  }
0x496: {  	[tilespmem:s29+$0x32D0] =	vst v5;
	v5 =	vperm.xlane v3, v48  }
0x497: {  	[tilespmem:s29+$0x3350] =	vst v4;
	v4 =	vperm.xlane v0, v50  }
0x498: {  	v51 =	vld [tilespmem:s14+$0x270];
	[tilespmem:s29+$0x33D0] =	vst v5;
	v5 =	vperm.xlane v1, v50  }
0x499: {  	v52 =	vld [tilespmem:s31+$0x260];
	[tilespmem:s8+$0x3250] =	vst v4;
	v4 =	vperm.xlane v2, v50  }
0x49a: {  	[tilespmem:s8+$0x32D0] =	vst v5;
	v5 =	vperm.xlane v3, v50  }
0x49b: {  	[tilespmem:s8+$0x3350] =	vst v4;
	v4 =	vperm.xlane v2, v43  }
0x49c: {  	v53 =	vperm.xlane v3, v43;
	[tilespmem:s8+$0x33D0] =	vst v5  }
0x49d: {  	v5 =	vld [tilespmem:s28+$0x260];
	[tilespmem:s3+$0x3370] =	vst v4;
	v4 =	vperm.xlane v0, v51  }
0x49e: {  	[tilespmem:s3+$0x33F0] =	vst v53;
	v54 =	vperm.xlane v0, v52  }
0x49f: {  	[tilespmem:s9+$0x3270] =	vst v4;
	v4 =	vperm.xlane v1, v52  }
0x4a0: {  	v55 =	vperm.xlane v2, v52;
	[tilespmem:s29+$0x3260] =	vst v54  }
0x4a1: {  	[tilespmem:s29+$0x32E0] =	vst v4;
	v4 =	vperm.xlane v3, v52  }
0x4a2: {  	[tilespmem:s29+$0x3360] =	vst v55;
	v56 =	vperm.xlane v0, v5  }
0x4a3: {  	[tilespmem:s29+$0x33E0] =	vst v4;
	v4 =	vperm.xlane v1, v5  }
0x4a4: {  	v58 =	vperm.xlane v2, v5;
	[tilespmem:s8+$0x3260] =	vst v56;
	v57 =	vld [tilespmem:s31+$0x270]  }
0x4a5: {  	[tilespmem:s8+$0x32E0] =	vst v4;
	v4 =	vperm.xlane v3, v5  }
0x4a6: {  	[tilespmem:s8+$0x3360] =	vst v58;
	v5 =	vperm.xlane v1, v51  }
0x4a7: {  	v59 =	vperm.xlane v2, v51;
	[tilespmem:s8+$0x33E0] =	vst v4  }
0x4a8: {  	[tilespmem:s9+$0x32F0] =	vst v5;
	v5 =	vperm.xlane v3, v51;
	v4 =	vld [tilespmem:s28+$0x270]  }
0x4a9: {  	[tilespmem:s9+$0x3370] =	vst v59;
	v60 =	vperm.xlane v0, v57  }
0x4aa: {  	[tilespmem:s9+$0x33F0] =	vst v5;
	v5 =	vperm.xlane v1, v57  }
0x4ab: {  	v61 =	vperm.xlane v2, v57;
	[tilespmem:s29+$0x3270] =	vst v60  }
0x4ac: {  	[tilespmem:s29+$0x32F0] =	vst v5;
	v5 =	vperm.xlane v3, v57  }
0x4ad: {  	p0 =	slt.u32 s0, $0x18;
	[tilespmem:s29+$0x3370] =	vst v61;
	v62 =	vperm.xlane v0, v4  }
.Ltmp4:
0x4ae: {  	[tilespmem:s29+$0x33F0] =	vst v5;
	v5 =	vperm.xlane v1, v4;
	(pc) =	sbr.rel @p0 .LBB2_10-.Ltmp4, $4  }
0x4af: {  	v63 =	vperm.xlane v2, v4;
	[tilespmem:s8+$0x3270] =	vst v62  }
0x4b0: {  	v4 =	vperm.xlane v3, v4;
	[tilespmem:s8+$0x32F0] =	vst v5  }
0x4b1: {  	s31 =	sadd.s32 $0x8, s0;
	[tilespmem:s8+$0x3370] =	vst v63  }
0x4b2: {  	s0 =	smov.u32 s31;
	[tilespmem:s8+$0x33F0] =	vst v4  }
0x4b3: {  	s0 =	rddreg [dreg:$0x6];
	s29 =	simm.s32 $0x5  }
0x4b4: {  	[hbm4b:s0+s5] =	stream.linear.scatter [tilespmem:s22], [sflag:$0x4], $0x4000, $0x38;
	[tilespmem:$0xF200] =	vst v63  }
0x4b5: {  	_ =	swait.ge [sflag:s29], $0x4000  }
0x4b6: {  	[sflag:s29] =	ssyncset.done $0x0  }
0x4b7: {  	[sflag:s29] =	ssyncadd.s32 $0xFFFFC000  }
0x4b8: {  	_ =	swait.ge [sflag:s30], $0x4000  }
0x4b9: {  	[sflag:s30] =	ssyncset.done $0x0  }
0x4ba: {  	[sflag:s30] =	ssyncadd.s32 $0xFFFFC000  }
0x4bb: {  	_ =	swait.ge [sflag:s26], $0x4000  }
0x4bc: {  	s2 =	rddreg [dreg:$0x8]  }
0x4bd: {  	s31 =	rddreg [dreg:$0x7];
	s2 =	sadd.s32 $0x1, s2  }
0x4be: {  	p0 =	sne.s32 s2, s31  }
.Ltmp5:
0x4bf: {  	_ = 	snop;
	(pc) =	sbr.rel @p0 .LBB2_1-.Ltmp5, $3  }
0x4c0: {  	_ =	sdelay $0x1  }
0x4c1: {  	[sflag:s26] =	ssyncset.done $0x0  }
0x4c2: {  	[sflag:s26] =	ssyncadd.s32 $0xFFFFC000  }
0x4c3: {  	_ =	sfence.sel $0x180000  }
0x4c4: {  	[bflag:$0x0] =	sbarrier.arrive $0xFFFF  }
0x4c5: {  	_ =	strace $0x90000047  }
0x4c6: {  	s0 =	stileid.u32;
	[bflag:$0x2] =	sbarrier.arrive $0xFFFF  }
0x4c7: {  	p0 =	sne.s32 s0, $0x0;
	s0 =	rddreg [dreg:$0x3]  }
0x4c8: {  	s0 =	sadd.s32 @!p0 $0x100000, s0  }
0x4c9: {  	[sflag:s0] =	ssyncadd.tile.s32 @!p0 $0x1;
	_ =	shalt  }
.Lfunc_end2:
_tile_overlayer_lowered:
.L_overlay_start_2:
0x4ca: {  	(tag) =	ssettag $0x2  }
0x4cb: {  	s0 =	rddreg [dreg:$0x0];
	s2 =	stileid.u32  }
0x4cc: {  	s1 =	rddreg [dreg:$0x1];
	p0 =	sne.s32 s2, $0x0  }
0x4cd: {  	s3 =	rddreg [dreg:$0x2];
	[bflag:$0x3] =	sbarrier.arrive $0xFFFF;
	s2 =	simm.s32 @!p0 $0x1C07  }
0x4ce: {  	[timem:s3], [sflag:s2] =	dma.local @!p0 [hbm:s0], s1  }
0x4cf: {  	s0 =	simm.s32 @!p0 $0x7  }
0x4d0: {  	_ =	swait.ge @!p0 [sflag:s0], s1  }
0x4d1: {  	s1 =	ssub.s32 @!p0 $0x0, s1;
	[sflag:s0] =	ssyncset.done @!p0 $0x0  }
0x4d2: {  	[sflag:s0] =	ssyncadd.s32 @!p0 s1  }
0x4d3: {  	[bflag:$0x3] =	sbarrier.arrive $0xFFFF  }
0x4d4: {  	_ =	shalt  }

</sc_bundles>
